<compile_context>
chip_gen: v7x
topology: tpu7x:2x2x1
jax: 0.10.2.dev20260603
libtpu: 0.0.44.dev20260713+nightly
codegen_flags: <defaults>
</compile_context>

<pallas_src>
import functools

import jax
import jax.numpy as jnp
from jax import lax
from jax.experimental import pallas as pl
from jax.experimental.pallas import tpu as pltpu
from jax.experimental.pallas import tpu_sc as plsc

NUM_USER = 25000
NUM_ITEM = 25000
N_NODES = NUM_USER + NUM_ITEM
N_EDGES = 800000
DIM_FEAT = 128
DIM = 64
HALF = 32

BR = 1000
NB = NUM_USER // BR


def _dense_body(pref_ref, feat_ref, w_ref, b_ref, cw_ref, out_ref):
    g = pl.program_id(0)
    t = lax.dot_general(feat_ref[...], w_ref[...],
                        (((1,), (1,)), ((), ())),
                        preferred_element_type=jnp.float32) + b_ref[...]
    x = jnp.where(g == 0, pref_ref[...], t)
    norm = jnp.sqrt(jnp.sum(x * x, axis=1, keepdims=True))
    x = x / jnp.maximum(norm, 1e-12)
    y = lax.dot_general(x, cw_ref[...], (((1,), (0,)), ((), ())),
                        preferred_element_type=jnp.float32)
    out_ref[0, :, :] = y[:, :HALF]
    out_ref[1, :, :] = y[:, HALF:]


_dense = pl.pallas_call(
    _dense_body,
    grid=(2, NB),
    in_specs=[
        pl.BlockSpec((BR, DIM), lambda g, j: (jnp.where(g == 0, j, 0), 0)),
        pl.BlockSpec((BR, DIM_FEAT), lambda g, j: (jnp.where(g == 0, 0, j), 0)),
        pl.BlockSpec((DIM, DIM_FEAT), lambda g, j: (0, 0)),
        pl.BlockSpec((1, DIM), lambda g, j: (0, 0)),
        pl.BlockSpec((DIM, DIM), lambda g, j: (0, 0)),
    ],
    out_specs=pl.BlockSpec((2, BR, HALF), lambda g, j: (0, g * NB + j, 0)),
    out_shape=jax.ShapeDtypeStruct((2, N_NODES, HALF), jnp.float32),
)

NC = 2
NS = 16
SUB = 64
SUBS = 4
CH = SUBS * SUB
EROWS = N_EDGES // SUB
ERPT = 780
N_CH = ERPT // SUBS
NSLOT = N_CH + 3
EXTRA_BASE = NS * ERPT
RPT = 3136
ACC_ROWS = NS * RPT
DRAIN = 224
NDRAIN = RPT // DRAIN
LAST_R0 = 49952


def _sc_body(xw_hbm, ed_hbm, out_hbm,
             src_v, dst_v, rows_v, acc_sh, gsem, ssem, isem):
    cid = lax.axis_index("c")
    sid = lax.axis_index("s")
    z16 = jnp.zeros((16,), jnp.float32)
    xw_c = xw_hbm.at[cid]

    def _idx_load(c, r, wait):
        base = (sid * ERPT + c * SUBS) * SUB
        for ref, e in ((src_v[r], 0), (dst_v[r], 1)):
            for j in range(SUBS):
                cp = pltpu.make_async_copy(
                    ed_hbm.at[e, pl.ds(base + j * SUB, SUB)],
                    ref.at[j], isem[r])
                cp.wait() if wait else cp.start()

    def _gather(r, wait):
        for j in range(SUBS):
            cp = pltpu.make_async_copy(
                xw_c.at[src_v[r].at[j]],
                rows_v[r].at[pl.ds(j * SUB, SUB)], gsem[r])
            cp.wait() if wait else cp.start()

    def _scatter(r, wait):
        for j in range(SUBS):
            cp = pltpu.make_async_copy(
                rows_v[r].at[pl.ds(j * SUB, SUB)],
                acc_sh.at[dst_v[r].at[j]], ssem[r])
            cp.wait() if wait else cp.start(add=True)

    def _zrow(i, _):
        rows_v[2][i, 0:16] = z16
        rows_v[2][i, 16:32] = z16
        return 0

    lax.fori_loop(0, DRAIN, _zrow, 0)
    abase = sid * RPT

    def _zchunk(wait):
        def body(k, _):
            cp = pltpu.make_async_copy(
                rows_v[2].at[pl.ds(0, DRAIN)],
                acc_sh.at[pl.ds(abase + k * DRAIN, DRAIN)], ssem[2])
            cp.wait() if wait else cp.start()
            return 0
        return body

    lax.fori_loop(0, NDRAIN, _zchunk(False), 0)
    lax.fori_loop(0, NDRAIN, _zchunk(True), 0)
    plsc.subcore_barrier()

    _idx_load(0, 0, wait=False)
    _idx_load(0, 0, wait=True)
    _gather(0, wait=False)

    def _edge_iter(o, _):
        for k in range(3):
            c = 3 * o + k

            @pl.when((c >= 2) & (c <= N_CH + 1))
            def _():
                _scatter((k + 1) % 3, wait=True)

            @pl.when(c + 1 < N_CH)
            def _():
                _idx_load(c + 1, (k + 1) % 3, wait=False)

            @pl.when(c < N_CH)
            def _():
                _gather(k, wait=True)
                _scatter(k, wait=False)

            @pl.when(c + 1 < N_CH)
            def _():
                _idx_load(c + 1, (k + 1) % 3, wait=True)
                _gather((k + 1) % 3, wait=False)
        return 0

    lax.fori_loop(0, NSLOT // 3, _edge_iter, 0)

    def _extra(row):
        for ref, e in ((src_v[0], 0), (dst_v[0], 1)):
            pltpu.sync_copy(ed_hbm.at[e, pl.ds(row * SUB, SUB)], ref.at[0])
        pltpu.make_async_copy(xw_c.at[src_v[0].at[0]],
                              rows_v[0].at[pl.ds(0, SUB)], gsem[0]).start()
        pltpu.make_async_copy(xw_c.at[src_v[0].at[0]],
                              rows_v[0].at[pl.ds(0, SUB)], gsem[0]).wait()
        pltpu.make_async_copy(rows_v[0].at[pl.ds(0, SUB)],
                              acc_sh.at[dst_v[0].at[0]], ssem[0]).start(add=True)
        pltpu.make_async_copy(rows_v[0].at[pl.ds(0, SUB)],
                              acc_sh.at[dst_v[0].at[0]], ssem[0]).wait()

    _extra(EXTRA_BASE + sid)

    @pl.when(sid < EROWS - EXTRA_BASE - NS)
    def _():
        _extra(EXTRA_BASE + NS + sid)

    plsc.subcore_barrier()

    def _d_in(k, r, wait):
        cp = pltpu.make_async_copy(
            acc_sh.at[pl.ds(abase + k * DRAIN, DRAIN)],
            rows_v[r].at[pl.ds(0, DRAIN)], gsem[r])
        cp.wait() if wait else cp.start()

    def _d_out(k, r, wait):
        r0 = abase + k * DRAIN

        @pl.when(r0 <= N_NODES - DRAIN)
        def _():
            cp = pltpu.make_async_copy(
                rows_v[r].at[pl.ds(0, DRAIN)],
                out_hbm.at[pl.ds(r0, DRAIN), pl.ds(cid * HALF, HALF)],
                ssem[r])
            cp.wait() if wait else cp.start()

        @pl.when(r0 == LAST_R0)
        def _():
            cp = pltpu.make_async_copy(
                rows_v[r].at[pl.ds(0, N_NODES - LAST_R0)],
                out_hbm.at[pl.ds(LAST_R0, N_NODES - LAST_R0),
                           pl.ds(cid * HALF, HALF)], ssem[r])
            cp.wait() if wait else cp.start()

    _d_in(0, 0, wait=False)

    def _drain(t, _):
        for k2 in range(2):
            k = 2 * t + k2
            _d_in(k, k2, wait=True)

            @pl.when(k >= 1)
            def _():
                _d_out(k - 1, 1 - k2, wait=True)

            @pl.when(k + 1 < NDRAIN)
            def _():
                _d_in(k + 1, 1 - k2, wait=False)

            def _lr(i, _):
                v0 = rows_v[k2][i, 0:16]
                rows_v[k2][i, 0:16] = jnp.maximum(v0, v0 * 0.01)
                v1 = rows_v[k2][i, 16:32]
                rows_v[k2][i, 16:32] = jnp.maximum(v1, v1 * 0.01)
                return 0

            lax.fori_loop(0, DRAIN, _lr, 0)
            _d_out(k, k2, wait=False)
        return 0

    lax.fori_loop(0, NDRAIN // 2, _drain, 0)
    _d_out(NDRAIN - 1, 1, wait=True)


@functools.cache
def _make_sc_agg():
    mesh = plsc.VectorSubcoreMesh(core_axis_name="c", subcore_axis_name="s",
                                  num_cores=NC, num_subcores=NS)
    return pl.kernel(
        _sc_body,
        out_type=jax.ShapeDtypeStruct((N_NODES, DIM), jnp.float32),
        mesh=mesh,
        scratch_types=[
            [pltpu.VMEM((SUBS, SUB), jnp.int32) for _ in range(3)],
            [pltpu.VMEM((SUBS, SUB), jnp.int32) for _ in range(3)],
            [pltpu.VMEM((CH, HALF), jnp.float32) for _ in range(3)],
            pltpu.VMEM_SHARED((ACC_ROWS, HALF), jnp.float32),
            [pltpu.SemaphoreType.DMA for _ in range(3)],
            [pltpu.SemaphoreType.DMA for _ in range(3)],
            [pltpu.SemaphoreType.DMA for _ in range(3)],
        ],
        compiler_params=pltpu.CompilerParams(use_tc_tiling_on_sc=False),
    )


def kernel(features, edge_index, id_embedding, preference, MLP_W, MLP_b, conv_W):
    del id_embedding
    xw = _dense(preference, features, MLP_W, MLP_b.reshape(1, DIM), conv_W)
    return _make_sc_agg()(xw, edge_index.astype(jnp.int32))

# --- scband reference (transcript-rebuilt; emitter-appended) ---
"""Pipeline reference for scband-gcn-71906342469896 (READ-ONLY COPY).

The authoritative reference and input builder live on the scoring server;
editing this copy changes nothing except your own understanding.
"""

import jax, jax.numpy as jnp
import numpy as np

NUM_USER = 25000
NUM_ITEM = 25000
N_NODES = NUM_USER + NUM_ITEM
N_EDGES = 800000
DIM_FEAT = 128
DIM_LATENT = 64
DIM_ID = 64


def setup_inputs(seed: int = 0) -> dict:
    key = jax.random.key(seed)
    k = jax.random.split(key, 8)
    features = jax.random.normal(k[0], (NUM_ITEM, DIM_FEAT), dtype=jnp.float32)
    edge_index = jax.random.randint(k[1], (2, N_EDGES), 0, N_NODES, dtype=jnp.int64)
    id_embedding = jax.random.normal(k[2], (N_NODES, DIM_ID), dtype=jnp.float32)
    # learned parameters
    preference = jax.random.normal(k[3], (NUM_USER, DIM_LATENT), dtype=jnp.float32) * (2.0 / (NUM_USER + DIM_LATENT)) ** 0.5
    MLP_W = jax.random.normal(k[4], (DIM_LATENT, DIM_FEAT), dtype=jnp.float32) * (1.0 / DIM_FEAT) ** 0.5
    MLP_b = jnp.zeros((DIM_LATENT,), dtype=jnp.float32)
    conv_W = jax.random.normal(k[5], (DIM_LATENT, DIM_LATENT), dtype=jnp.float32) * (2.0 / (2 * DIM_LATENT)) ** 0.5
    return {"features": features, "edge_index": edge_index, "id_embedding": id_embedding,
            "preference": preference, "MLP_W": MLP_W, "MLP_b": MLP_b, "conv_W": conv_W}


def reference(features, edge_index, id_embedding, preference, MLP_W, MLP_b, conv_W):
    # temp_features = self.MLP(self.features)
    temp_features = features @ MLP_W.T + MLP_b
    # x = torch.cat((self.preference, temp_features), dim=0)
    x = jnp.concatenate([preference, temp_features], axis=0)
    # x = F.normalize(x)  (L2 per row, eps=1e-12)
    norm = jnp.maximum(jnp.linalg.norm(x, axis=1, keepdims=True), 1e-12)
    x = x / norm
    # BaseModel conv: x @ W, then scatter-add x_j at dst (aggr='add')
    xw = x @ conv_W
    src = edge_index[0]
    dst = edge_index[1]
    msgs = jnp.take(xw, src, axis=0)
    agg = jax.ops.segment_sum(msgs, dst, num_segments=N_NODES)
    # h = F.leaky_relu(...)
    h = jnp.where(agg > 0, agg, 0.01 * agg)
    return h

if __name__ == "__main__":
    import jax
    _d = setup_inputs()
    print(jax.jit(kernel)(*tuple(_d.values())))

</pallas_src>

<mosaic_0001>
#map = affine_map<(d0, d1) -> (0, 0, 0)>
#map1 = affine_map<(d0, d1) -> (0, 0)>
module attributes {stable_mosaic.version = 14 : i64} {
  func.func @_sc_body(%arg0: i32, %arg1: i32, %arg2: memref<2x50000x32xf32, #tpu.memory_space<hbm>>, %arg3: memref<2x800000xi32, #tpu.memory_space<hbm>>, %arg4: memref<50000x64xf32, #tpu.memory_space<hbm>>, %arg5: memref<4x64xi32, #tpu.memory_space<vmem>>, %arg6: memref<4x64xi32, #tpu.memory_space<vmem>>, %arg7: memref<4x64xi32, #tpu.memory_space<vmem>>, %arg8: memref<4x64xi32, #tpu.memory_space<vmem>>, %arg9: memref<4x64xi32, #tpu.memory_space<vmem>>, %arg10: memref<4x64xi32, #tpu.memory_space<vmem>>, %arg11: memref<256x32xf32, #tpu.memory_space<vmem>>, %arg12: memref<256x32xf32, #tpu.memory_space<vmem>>, %arg13: memref<256x32xf32, #tpu.memory_space<vmem>>, %arg14: memref<50176x32xf32, #tpu.memory_space<vmem_shared>>, %arg15: memref<!tpu.dma_semaphore, #tpu.memory_space<semaphore_mem>>, %arg16: memref<!tpu.dma_semaphore, #tpu.memory_space<semaphore_mem>>, %arg17: memref<!tpu.dma_semaphore, #tpu.memory_space<semaphore_mem>>, %arg18: memref<!tpu.dma_semaphore, #tpu.memory_space<semaphore_mem>>, %arg19: memref<!tpu.dma_semaphore, #tpu.memory_space<semaphore_mem>>, %arg20: memref<!tpu.dma_semaphore, #tpu.memory_space<semaphore_mem>>, %arg21: memref<!tpu.dma_semaphore, #tpu.memory_space<semaphore_mem>>, %arg22: memref<!tpu.dma_semaphore, #tpu.memory_space<semaphore_mem>>, %arg23: memref<!tpu.dma_semaphore, #tpu.memory_space<semaphore_mem>>) attributes {dimension_semantics = [#tpu.dimension_semantics<core_parallel>, #tpu.dimension_semantics<subcore_parallel>], iteration_bounds = array<i64: 2, 16>, scalar_prefetch = 0 : i64, scratch_operands = 19 : i64, tpu.core_type = #tpu.core_type<sc_vector_subcore>, window_params = [{transform_indices = #map}, {transform_indices = #map1}, {transform_indices = #map1}]} {
    %broadcast_in_dim3A = arith.constant 0.000000e+00 : f32
    %broadcast_in_dim3A_0 = vector.broadcast %broadcast_in_dim3A : f32 to vector<16xf32>
    %scan3A = arith.constant 0 : i32
    %scan3A_1 = arith.constant 0 : i32
    %scan3A_2 = arith.constant 224 : i32
    %scan3A_3 = arith.addi %scan3A_1, %scan3A_2 : i32
    %scan3A_4 = arith.constant 1 : i32
    %scan3A_5 = scf.for %scan3A_407 = %scan3A_1 to %scan3A_3 step %scan3A_4 iter_args(%scan3A_408 = %scan3A) -> (i32)  : i32 {
      %swap3A = arith.index_cast %scan3A_407 : i32 to index
      %swap3A_409 = arith.constant 0 : index
      %swap3A_410 = tpu.vector_load %arg13[%swap3A, %swap3A_409] {strides = array<i32>} : memref<256x32xf32, #tpu.memory_space<vmem>>, vector<1x16xf32>,
      %swap3A_411 = vector.shape_cast %swap3A_410 : vector<1x16xf32> to vector<16xf32>
      %swap3A_412 = vector.shape_cast %broadcast_in_dim3A_0 : vector<16xf32> to vector<1x16xf32>
      tpu.vector_store %arg13[%swap3A, %swap3A_409], %swap3A_412 {strides = array<i32>} : memref<256x32xf32, #tpu.memory_space<vmem>>, vector<1x16xf32>,
      %swap3A_413 = arith.index_cast %scan3A_407 : i32 to index
      %swap3A_414 = arith.constant 16 : index
      %swap3A_415 = tpu.vector_load %arg13[%swap3A_413, %swap3A_414] {strides = array<i32>} : memref<256x32xf32, #tpu.memory_space<vmem>>, vector<1x16xf32>,
      %swap3A_416 = vector.shape_cast %swap3A_415 : vector<1x16xf32> to vector<16xf32>
      %swap3A_417 = vector.shape_cast %broadcast_in_dim3A_0 : vector<16xf32> to vector<1x16xf32>
      tpu.vector_store %arg13[%swap3A_413, %swap3A_414], %swap3A_417 {strides = array<i32>} : memref<256x32xf32, #tpu.memory_space<vmem>>, vector<1x16xf32>,
      %scan3A_418 = arith.constant 0 : i32
      scf.yield %scan3A_418 : i32
    }
    %scan3A_6 = arith.constant 224 : i32
    %mul3A = arith.constant 3136 : i32
    %mul3A_7 = arith.muli %arg1, %mul3A : i32
    %scan3A_8 = arith.constant 0 : i32
    %scan3A_9 = arith.constant 0 : i32
    %scan3A_10 = arith.constant 14 : i32
    %scan3A_11 = arith.addi %scan3A_9, %scan3A_10 : i32
    %scan3A_12 = arith.constant 1 : i32
    %scan3A_13 = scf.for %scan3A_407 = %scan3A_9 to %scan3A_11 step %scan3A_12 iter_args(%scan3A_408 = %scan3A_8) -> (i32)  : i32 {
      %mul3A_409 = arith.constant 224 : i32
      %mul3A_410 = arith.muli %scan3A_407, %mul3A_409 : i32
      %add3A_411 = arith.addi %mul3A_7, %mul3A_410 : i32
      %dma_start3A_412 = arith.constant 0 : i32
      %dma_start3A_413 = arith.constant 0 : i32
      %dma_start3A_414 = tpu.memref_slice %arg13[%dma_start3A_412, %dma_start3A_413] : memref<256x32xf32, #tpu.memory_space<vmem>> -> memref<224x32xf32, #tpu.memory_space<vmem>>
      %dma_start3A_415 = arith.constant 0 : i32
      %dma_start3A_416 = tpu.memref_slice %arg14[%add3A_411, %dma_start3A_415] : memref<50176x32xf32, #tpu.memory_space<vmem_shared>> -> memref<224x32xf32, #tpu.memory_space<vmem_shared>>
      %dma_start3A_417 = arith.constant 0 : i32
      %dma_start3A_418 = tpu.memref_slice %arg14[%add3A_411, %dma_start3A_417] : memref<50176x32xf32, #tpu.memory_space<vmem_shared>> -> memref<224x32xf32, #tpu.memory_space<vmem_shared>>
      %dma_start3A_419 = arith.constant 0 : i32
      %dma_start3A_420 = arith.constant 0 : i32
      %dma_start3A_421 = tpu.memref_slice %arg13[%dma_start3A_419, %dma_start3A_420] : memref<256x32xf32, #tpu.memory_space<vmem>> -> memref<224x32xf32, #tpu.memory_space<vmem>>
      tpu.enqueue_dma source(%dma_start3A_421 : memref<224x32xf32, #tpu.memory_space<vmem>>) target(%dma_start3A_418 : memref<224x32xf32, #tpu.memory_space<vmem_shared>>) target_semaphore(%arg20 : memref<!tpu.dma_semaphore, #tpu.memory_space<semaphore_mem>>)
      %scan3A_422 = arith.constant 0 : i32
      scf.yield %scan3A_422 : i32
    }
    %scan3A_14 = arith.constant 14 : i32
    %scan3A_15 = arith.constant 0 : i32
    %scan3A_16 = arith.constant 0 : i32
    %scan3A_17 = arith.constant 14 : i32
    %scan3A_18 = arith.addi %scan3A_16, %scan3A_17 : i32
    %scan3A_19 = arith.constant 1 : i32
    %scan3A_20 = scf.for %scan3A_407 = %scan3A_16 to %scan3A_18 step %scan3A_19 iter_args(%scan3A_408 = %scan3A_15) -> (i32)  : i32 {
      %mul3A_409 = arith.constant 224 : i32
      %mul3A_410 = arith.muli %scan3A_407, %mul3A_409 : i32
      %add3A_411 = arith.addi %mul3A_7, %mul3A_410 : i32
      %dma_wait3A_412 = arith.constant 0 : i32
      %dma_wait3A_413 = arith.constant 0 : i32
      %dma_wait3A_414 = tpu.memref_slice %arg13[%dma_wait3A_412, %dma_wait3A_413] : memref<256x32xf32, #tpu.memory_space<vmem>> -> memref<224x32xf32, #tpu.memory_space<vmem>>
      %dma_wait3A_415 = arith.constant 0 : i32
      %dma_wait3A_416 = tpu.memref_slice %arg14[%add3A_411, %dma_wait3A_415] : memref<50176x32xf32, #tpu.memory_space<vmem_shared>> -> memref<224x32xf32, #tpu.memory_space<vmem_shared>>
      %dma_wait3A_417 = arith.constant 0 : i32
      %dma_wait3A_418 = tpu.memref_slice %arg14[%add3A_411, %dma_wait3A_417] : memref<50176x32xf32, #tpu.memory_space<vmem_shared>> -> memref<224x32xf32, #tpu.memory_space<vmem_shared>>
      %dma_wait3A_419 = arith.constant 0 : i32
      %dma_wait3A_420 = arith.constant 0 : i32
      %dma_wait3A_421 = tpu.memref_slice %arg13[%dma_wait3A_419, %dma_wait3A_420] : memref<256x32xf32, #tpu.memory_space<vmem>> -> memref<224x32xf32, #tpu.memory_space<vmem>>
      tpu.wait_dma2 semaphore(%arg20 : memref<!tpu.dma_semaphore, #tpu.memory_space<semaphore_mem>>) src(%dma_wait3A_421 : memref<224x32xf32, #tpu.memory_space<vmem>>) dst(%dma_wait3A_418 : memref<224x32xf32, #tpu.memory_space<vmem_shared>>)
      %scan3A_422 = arith.constant 0 : i32
      scf.yield %scan3A_422 : i32
    }
    %scan3A_21 = arith.constant 14 : i32
    %barrier3A = arith.constant 0 : index
    tpu.barrier barrier_id(%barrier3A)
    %mul3A_22 = arith.constant 780 : i32
    %mul3A_23 = arith.muli %arg1, %mul3A_22 : i32
    %add3A = arith.constant 0 : i32
    %add3A_24 = arith.addi %mul3A_23, %add3A : i32
    %mul3A_25 = arith.constant 64 : i32
    %mul3A_26 = arith.muli %add3A_24, %mul3A_25 : i32
    %add3A_27 = arith.constant 0 : i32
    %add3A_28 = arith.addi %mul3A_26, %add3A_27 : i32
    %dma_start3A = arith.constant 0 : i32
    %dma_start3A_29 = arith.constant 0 : i32
    %dma_start3A_30 = arith.constant 0 : i32
    %dma_start3A_31 = tpu.memref_slice %arg5[%dma_start3A_29, %dma_start3A_30] : memref<4x64xi32, #tpu.memory_space<vmem>> -> memref<1x64xi32, #tpu.memory_space<vmem>>
    %dma_start3A_32 = tpu.memref_squeeze %dma_start3A_31 : memref<1x64xi32, #tpu.memory_space<vmem>> -> memref<64xi32, #tpu.memory_space<vmem>>
    %dma_start3A_33 = tpu.memref_slice %arg3[%dma_start3A, %add3A_28] : memref<2x800000xi32, #tpu.memory_space<hbm>> -> memref<1x64xi32, #tpu.memory_space<hbm>>
    %dma_start3A_34 = tpu.memref_squeeze %dma_start3A_33 : memref<1x64xi32, #tpu.memory_space<hbm>> -> memref<64xi32, #tpu.memory_space<hbm>>
    %dma_start3A_35 = arith.constant 0 : i32
    %dma_start3A_36 = tpu.memref_slice %arg5[%dma_start3A_29, %dma_start3A_35] : memref<4x64xi32, #tpu.memory_space<vmem>> -> memref<1x64xi32, #tpu.memory_space<vmem>>
    %dma_start3A_37 = tpu.memref_squeeze %dma_start3A_36 : memref<1x64xi32, #tpu.memory_space<vmem>> -> memref<64xi32, #tpu.memory_space<vmem>>
    %dma_start3A_38 = tpu.memref_slice %arg3[%dma_start3A, %add3A_28] : memref<2x800000xi32, #tpu.memory_space<hbm>> -> memref<1x64xi32, #tpu.memory_space<hbm>>
    %dma_start3A_39 = tpu.memref_squeeze %dma_start3A_38 : memref<1x64xi32, #tpu.memory_space<hbm>> -> memref<64xi32, #tpu.memory_space<hbm>>
    tpu.enqueue_dma source(%dma_start3A_39 : memref<64xi32, #tpu.memory_space<hbm>>) target(%dma_start3A_37 : memref<64xi32, #tpu.memory_space<vmem>>) target_semaphore(%arg21 : memref<!tpu.dma_semaphore, #tpu.memory_space<semaphore_mem>>)
    %add3A_40 = arith.constant 64 : i32
    %add3A_41 = arith.addi %mul3A_26, %add3A_40 : i32
    %dma_start3A_42 = arith.constant 0 : i32
    %dma_start3A_43 = arith.constant 1 : i32
    %dma_start3A_44 = arith.constant 0 : i32
    %dma_start3A_45 = tpu.memref_slice %arg5[%dma_start3A_43, %dma_start3A_44] : memref<4x64xi32, #tpu.memory_space<vmem>> -> memref<1x64xi32, #tpu.memory_space<vmem>>
    %dma_start3A_46 = tpu.memref_squeeze %dma_start3A_45 : memref<1x64xi32, #tpu.memory_space<vmem>> -> memref<64xi32, #tpu.memory_space<vmem>>
    %dma_start3A_47 = tpu.memref_slice %arg3[%dma_start3A_42, %add3A_41] : memref<2x800000xi32, #tpu.memory_space<hbm>> -> memref<1x64xi32, #tpu.memory_space<hbm>>
    %dma_start3A_48 = tpu.memref_squeeze %dma_start3A_47 : memref<1x64xi32, #tpu.memory_space<hbm>> -> memref<64xi32, #tpu.memory_space<hbm>>
    %dma_start3A_49 = arith.constant 0 : i32
    %dma_start3A_50 = tpu.memref_slice %arg5[%dma_start3A_43, %dma_start3A_49] : memref<4x64xi32, #tpu.memory_space<vmem>> -> memref<1x64xi32, #tpu.memory_space<vmem>>
    %dma_start3A_51 = tpu.memref_squeeze %dma_start3A_50 : memref<1x64xi32, #tpu.memory_space<vmem>> -> memref<64xi32, #tpu.memory_space<vmem>>
    %dma_start3A_52 = tpu.memref_slice %arg3[%dma_start3A_42, %add3A_41] : memref<2x800000xi32, #tpu.memory_space<hbm>> -> memref<1x64xi32, #tpu.memory_space<hbm>>
    %dma_start3A_53 = tpu.memref_squeeze %dma_start3A_52 : memref<1x64xi32, #tpu.memory_space<hbm>> -> memref<64xi32, #tpu.memory_space<hbm>>
    tpu.enqueue_dma source(%dma_start3A_53 : memref<64xi32, #tpu.memory_space<hbm>>) target(%dma_start3A_51 : memref<64xi32, #tpu.memory_space<vmem>>) target_semaphore(%arg21 : memref<!tpu.dma_semaphore, #tpu.memory_space<semaphore_mem>>)
    %add3A_54 = arith.constant 128 : i32
    %add3A_55 = arith.addi %mul3A_26, %add3A_54 : i32
    %dma_start3A_56 = arith.constant 0 : i32
    %dma_start3A_57 = arith.constant 2 : i32
    %dma_start3A_58 = arith.constant 0 : i32
    %dma_start3A_59 = tpu.memref_slice %arg5[%dma_start3A_57, %dma_start3A_58] : memref<4x64xi32, #tpu.memory_space<vmem>> -> memref<1x64xi32, #tpu.memory_space<vmem>>
    %dma_start3A_60 = tpu.memref_squeeze %dma_start3A_59 : memref<1x64xi32, #tpu.memory_space<vmem>> -> memref<64xi32, #tpu.memory_space<vmem>>
    %dma_start3A_61 = tpu.memref_slice %arg3[%dma_start3A_56, %add3A_55] : memref<2x800000xi32, #tpu.memory_space<hbm>> -> memref<1x64xi32, #tpu.memory_space<hbm>>
    %dma_start3A_62 = tpu.memref_squeeze %dma_start3A_61 : memref<1x64xi32, #tpu.memory_space<hbm>> -> memref<64xi32, #tpu.memory_space<hbm>>
    %dma_start3A_63 = arith.constant 0 : i32
    %dma_start3A_64 = tpu.memref_slice %arg5[%dma_start3A_57, %dma_start3A_63] : memref<4x64xi32, #tpu.memory_space<vmem>> -> memref<1x64xi32, #tpu.memory_space<vmem>>
    %dma_start3A_65 = tpu.memref_squeeze %dma_start3A_64 : memref<1x64xi32, #tpu.memory_space<vmem>> -> memref<64xi32, #tpu.memory_space<vmem>>
    %dma_start3A_66 = tpu.memref_slice %arg3[%dma_start3A_56, %add3A_55] : memref<2x800000xi32, #tpu.memory_space<hbm>> -> memref<1x64xi32, #tpu.memory_space<hbm>>
    %dma_start3A_67 = tpu.memref_squeeze %dma_start3A_66 : memref<1x64xi32, #tpu.memory_space<hbm>> -> memref<64xi32, #tpu.memory_space<hbm>>
    tpu.enqueue_dma source(%dma_start3A_67 : memref<64xi32, #tpu.memory_space<hbm>>) target(%dma_start3A_65 : memref<64xi32, #tpu.memory_space<vmem>>) target_semaphore(%arg21 : memref<!tpu.dma_semaphore, #tpu.memory_space<semaphore_mem>>)
    %add3A_68 = arith.constant 192 : i32
    %add3A_69 = arith.addi %mul3A_26, %add3A_68 : i32
    %dma_start3A_70 = arith.constant 0 : i32
    %dma_start3A_71 = arith.constant 3 : i32
    %dma_start3A_72 = arith.constant 0 : i32
    %dma_start3A_73 = tpu.memref_slice %arg5[%dma_start3A_71, %dma_start3A_72] : memref<4x64xi32, #tpu.memory_space<vmem>> -> memref<1x64xi32, #tpu.memory_space<vmem>>
    %dma_start3A_74 = tpu.memref_squeeze %dma_start3A_73 : memref<1x64xi32, #tpu.memory_space<vmem>> -> memref<64xi32, #tpu.memory_space<vmem>>
    %dma_start3A_75 = tpu.memref_slice %arg3[%dma_start3A_70, %add3A_69] : memref<2x800000xi32, #tpu.memory_space<hbm>> -> memref<1x64xi32, #tpu.memory_space<hbm>>
    %dma_start3A_76 = tpu.memref_squeeze %dma_start3A_75 : memref<1x64xi32, #tpu.memory_space<hbm>> -> memref<64xi32, #tpu.memory_space<hbm>>
    %dma_start3A_77 = arith.constant 0 : i32
    %dma_start3A_78 = tpu.memref_slice %arg5[%dma_start3A_71, %dma_start3A_77] : memref<4x64xi32, #tpu.memory_space<vmem>> -> memref<1x64xi32, #tpu.memory_space<vmem>>
    %dma_start3A_79 = tpu.memref_squeeze %dma_start3A_78 : memref<1x64xi32, #tpu.memory_space<vmem>> -> memref<64xi32, #tpu.memory_space<vmem>>
    %dma_start3A_80 = tpu.memref_slice %arg3[%dma_start3A_70, %add3A_69] : memref<2x800000xi32, #tpu.memory_space<hbm>> -> memref<1x64xi32, #tpu.memory_space<hbm>>
    %dma_start3A_81 = tpu.memref_squeeze %dma_start3A_80 : memref<1x64xi32, #tpu.memory_space<hbm>> -> memref<64xi32, #tpu.memory_space<hbm>>
    tpu.enqueue_dma source(%dma_start3A_81 : memref<64xi32, #tpu.memory_space<hbm>>) target(%dma_start3A_79 : memref<64xi32, #tpu.memory_space<vmem>>) target_semaphore(%arg21 : memref<!tpu.dma_semaphore, #tpu.memory_space<semaphore_mem>>)
    %add3A_82 = arith.constant 0 : i32
    %add3A_83 = arith.addi %mul3A_26, %add3A_82 : i32
    %dma_start3A_84 = arith.constant 1 : i32
    %dma_start3A_85 = arith.constant 0 : i32
    %dma_start3A_86 = arith.constant 0 : i32
    %dma_start3A_87 = tpu.memref_slice %arg8[%dma_start3A_85, %dma_start3A_86] : memref<4x64xi32, #tpu.memory_space<vmem>> -> memref<1x64xi32, #tpu.memory_space<vmem>>
    %dma_start3A_88 = tpu.memref_squeeze %dma_start3A_87 : memref<1x64xi32, #tpu.memory_space<vmem>> -> memref<64xi32, #tpu.memory_space<vmem>>
    %dma_start3A_89 = tpu.memref_slice %arg3[%dma_start3A_84, %add3A_83] : memref<2x800000xi32, #tpu.memory_space<hbm>> -> memref<1x64xi32, #tpu.memory_space<hbm>>
    %dma_start3A_90 = tpu.memref_squeeze %dma_start3A_89 : memref<1x64xi32, #tpu.memory_space<hbm>> -> memref<64xi32, #tpu.memory_space<hbm>>
    %dma_start3A_91 = arith.constant 0 : i32
    %dma_start3A_92 = tpu.memref_slice %arg8[%dma_start3A_85, %dma_start3A_91] : memref<4x64xi32, #tpu.memory_space<vmem>> -> memref<1x64xi32, #tpu.memory_space<vmem>>
    %dma_start3A_93 = tpu.memref_squeeze %dma_start3A_92 : memref<1x64xi32, #tpu.memory_space<vmem>> -> memref<64xi32, #tpu.memory_space<vmem>>
    %dma_start3A_94 = tpu.memref_slice %arg3[%dma_start3A_84, %add3A_83] : memref<2x800000xi32, #tpu.memory_space<hbm>> -> memref<1x64xi32, #tpu.memory_space<hbm>>
    %dma_start3A_95 = tpu.memref_squeeze %dma_start3A_94 : memref<1x64xi32, #tpu.memory_space<hbm>> -> memref<64xi32, #tpu.memory_space<hbm>>
    tpu.enqueue_dma source(%dma_start3A_95 : memref<64xi32, #tpu.memory_space<hbm>>) target(%dma_start3A_93 : memref<64xi32, #tpu.memory_space<vmem>>) target_semaphore(%arg21 : memref<!tpu.dma_semaphore, #tpu.memory_space<semaphore_mem>>)
    %add3A_96 = arith.constant 64 : i32
    %add3A_97 = arith.addi %mul3A_26, %add3A_96 : i32
    %dma_start3A_98 = arith.constant 1 : i32
    %dma_start3A_99 = arith.constant 1 : i32
    %dma_start3A_100 = arith.constant 0 : i32
    %dma_start3A_101 = tpu.memref_slice %arg8[%dma_start3A_99, %dma_start3A_100] : memref<4x64xi32, #tpu.memory_space<vmem>> -> memref<1x64xi32, #tpu.memory_space<vmem>>
    %dma_start3A_102 = tpu.memref_squeeze %dma_start3A_101 : memref<1x64xi32, #tpu.memory_space<vmem>> -> memref<64xi32, #tpu.memory_space<vmem>>
    %dma_start3A_103 = tpu.memref_slice %arg3[%dma_start3A_98, %add3A_97] : memref<2x800000xi32, #tpu.memory_space<hbm>> -> memref<1x64xi32, #tpu.memory_space<hbm>>
    %dma_start3A_104 = tpu.memref_squeeze %dma_start3A_103 : memref<1x64xi32, #tpu.memory_space<hbm>> -> memref<64xi32, #tpu.memory_space<hbm>>
    %dma_start3A_105 = arith.constant 0 : i32
    %dma_start3A_106 = tpu.memref_slice %arg8[%dma_start3A_99, %dma_start3A_105] : memref<4x64xi32, #tpu.memory_space<vmem>> -> memref<1x64xi32, #tpu.memory_space<vmem>>
    %dma_start3A_107 = tpu.memref_squeeze %dma_start3A_106 : memref<1x64xi32, #tpu.memory_space<vmem>> -> memref<64xi32, #tpu.memory_space<vmem>>
    %dma_start3A_108 = tpu.memref_slice %arg3[%dma_start3A_98, %add3A_97] : memref<2x800000xi32, #tpu.memory_space<hbm>> -> memref<1x64xi32, #tpu.memory_space<hbm>>
    %dma_start3A_109 = tpu.memref_squeeze %dma_start3A_108 : memref<1x64xi32, #tpu.memory_space<hbm>> -> memref<64xi32, #tpu.memory_space<hbm>>
    tpu.enqueue_dma source(%dma_start3A_109 : memref<64xi32, #tpu.memory_space<hbm>>) target(%dma_start3A_107 : memref<64xi32, #tpu.memory_space<vmem>>) target_semaphore(%arg21 : memref<!tpu.dma_semaphore, #tpu.memory_space<semaphore_mem>>)
    %add3A_110 = arith.constant 128 : i32
    %add3A_111 = arith.addi %mul3A_26, %add3A_110 : i32
    %dma_start3A_112 = arith.constant 1 : i32
    %dma_start3A_113 = arith.constant 2 : i32
    %dma_start3A_114 = arith.constant 0 : i32
    %dma_start3A_115 = tpu.memref_slice %arg8[%dma_start3A_113, %dma_start3A_114] : memref<4x64xi32, #tpu.memory_space<vmem>> -> memref<1x64xi32, #tpu.memory_space<vmem>>
    %dma_start3A_116 = tpu.memref_squeeze %dma_start3A_115 : memref<1x64xi32, #tpu.memory_space<vmem>> -> memref<64xi32, #tpu.memory_space<vmem>>
    %dma_start3A_117 = tpu.memref_slice %arg3[%dma_start3A_112, %add3A_111] : memref<2x800000xi32, #tpu.memory_space<hbm>> -> memref<1x64xi32, #tpu.memory_space<hbm>>
    %dma_start3A_118 = tpu.memref_squeeze %dma_start3A_117 : memref<1x64xi32, #tpu.memory_space<hbm>> -> memref<64xi32, #tpu.memory_space<hbm>>
    %dma_start3A_119 = arith.constant 0 : i32
    %dma_start3A_120 = tpu.memref_slice %arg8[%dma_start3A_113, %dma_start3A_119] : memref<4x64xi32, #tpu.memory_space<vmem>> -> memref<1x64xi32, #tpu.memory_space<vmem>>
    %dma_start3A_121 = tpu.memref_squeeze %dma_start3A_120 : memref<1x64xi32, #tpu.memory_space<vmem>> -> memref<64xi32, #tpu.memory_space<vmem>>
    %dma_start3A_122 = tpu.memref_slice %arg3[%dma_start3A_112, %add3A_111] : memref<2x800000xi32, #tpu.memory_space<hbm>> -> memref<1x64xi32, #tpu.memory_space<hbm>>
    %dma_start3A_123 = tpu.memref_squeeze %dma_start3A_122 : memref<1x64xi32, #tpu.memory_space<hbm>> -> memref<64xi32, #tpu.memory_space<hbm>>
    tpu.enqueue_dma source(%dma_start3A_123 : memref<64xi32, #tpu.memory_space<hbm>>) target(%dma_start3A_121 : memref<64xi32, #tpu.memory_space<vmem>>) target_semaphore(%arg21 : memref<!tpu.dma_semaphore, #tpu.memory_space<semaphore_mem>>)
    %add3A_124 = arith.constant 192 : i32
    %add3A_125 = arith.addi %mul3A_26, %add3A_124 : i32
    %dma_start3A_126 = arith.constant 1 : i32
    %dma_start3A_127 = arith.constant 3 : i32
    %dma_start3A_128 = arith.constant 0 : i32
    %dma_start3A_129 = tpu.memref_slice %arg8[%dma_start3A_127, %dma_start3A_128] : memref<4x64xi32, #tpu.memory_space<vmem>> -> memref<1x64xi32, #tpu.memory_space<vmem>>
    %dma_start3A_130 = tpu.memref_squeeze %dma_start3A_129 : memref<1x64xi32, #tpu.memory_space<vmem>> -> memref<64xi32, #tpu.memory_space<vmem>>
    %dma_start3A_131 = tpu.memref_slice %arg3[%dma_start3A_126, %add3A_125] : memref<2x800000xi32, #tpu.memory_space<hbm>> -> memref<1x64xi32, #tpu.memory_space<hbm>>
    %dma_start3A_132 = tpu.memref_squeeze %dma_start3A_131 : memref<1x64xi32, #tpu.memory_space<hbm>> -> memref<64xi32, #tpu.memory_space<hbm>>
    %dma_start3A_133 = arith.constant 0 : i32
    %dma_start3A_134 = tpu.memref_slice %arg8[%dma_start3A_127, %dma_start3A_133] : memref<4x64xi32, #tpu.memory_space<vmem>> -> memref<1x64xi32, #tpu.memory_space<vmem>>
    %dma_start3A_135 = tpu.memref_squeeze %dma_start3A_134 : memref<1x64xi32, #tpu.memory_space<vmem>> -> memref<64xi32, #tpu.memory_space<vmem>>
    %dma_start3A_136 = tpu.memref_slice %arg3[%dma_start3A_126, %add3A_125] : memref<2x800000xi32, #tpu.memory_space<hbm>> -> memref<1x64xi32, #tpu.memory_space<hbm>>
    %dma_start3A_137 = tpu.memref_squeeze %dma_start3A_136 : memref<1x64xi32, #tpu.memory_space<hbm>> -> memref<64xi32, #tpu.memory_space<hbm>>
    tpu.enqueue_dma source(%dma_start3A_137 : memref<64xi32, #tpu.memory_space<hbm>>) target(%dma_start3A_135 : memref<64xi32, #tpu.memory_space<vmem>>) target_semaphore(%arg21 : memref<!tpu.dma_semaphore, #tpu.memory_space<semaphore_mem>>)
    %mul3A_138 = arith.constant 780 : i32
    %mul3A_139 = arith.muli %arg1, %mul3A_138 : i32
    %add3A_140 = arith.constant 0 : i32
    %add3A_141 = arith.addi %mul3A_139, %add3A_140 : i32
    %mul3A_142 = arith.constant 64 : i32
    %mul3A_143 = arith.muli %add3A_141, %mul3A_142 : i32
    %add3A_144 = arith.constant 0 : i32
    %add3A_145 = arith.addi %mul3A_143, %add3A_144 : i32
    %dma_wait3A = arith.constant 0 : i32
    %dma_wait3A_146 = arith.constant 0 : i32
    %dma_wait3A_147 = arith.constant 0 : i32
    %dma_wait3A_148 = tpu.memref_slice %arg5[%dma_wait3A_146, %dma_wait3A_147] : memref<4x64xi32, #tpu.memory_space<vmem>> -> memref<1x64xi32, #tpu.memory_space<vmem>>
    %dma_wait3A_149 = tpu.memref_squeeze %dma_wait3A_148 : memref<1x64xi32, #tpu.memory_space<vmem>> -> memref<64xi32, #tpu.memory_space<vmem>>
    %dma_wait3A_150 = tpu.memref_slice %arg3[%dma_wait3A, %add3A_145] : memref<2x800000xi32, #tpu.memory_space<hbm>> -> memref<1x64xi32, #tpu.memory_space<hbm>>
    %dma_wait3A_151 = tpu.memref_squeeze %dma_wait3A_150 : memref<1x64xi32, #tpu.memory_space<hbm>> -> memref<64xi32, #tpu.memory_space<hbm>>
    %dma_wait3A_152 = arith.constant 0 : i32
    %dma_wait3A_153 = tpu.memref_slice %arg5[%dma_wait3A_146, %dma_wait3A_152] : memref<4x64xi32, #tpu.memory_space<vmem>> -> memref<1x64xi32, #tpu.memory_space<vmem>>
    %dma_wait3A_154 = tpu.memref_squeeze %dma_wait3A_153 : memref<1x64xi32, #tpu.memory_space<vmem>> -> memref<64xi32, #tpu.memory_space<vmem>>
    %dma_wait3A_155 = tpu.memref_slice %arg3[%dma_wait3A, %add3A_145] : memref<2x800000xi32, #tpu.memory_space<hbm>> -> memref<1x64xi32, #tpu.memory_space<hbm>>
    %dma_wait3A_156 = tpu.memref_squeeze %dma_wait3A_155 : memref<1x64xi32, #tpu.memory_space<hbm>> -> memref<64xi32, #tpu.memory_space<hbm>>
    tpu.wait_dma2 semaphore(%arg21 : memref<!tpu.dma_semaphore, #tpu.memory_space<semaphore_mem>>) src(%dma_wait3A_156 : memref<64xi32, #tpu.memory_space<hbm>>) dst(%dma_wait3A_154 : memref<64xi32, #tpu.memory_space<vmem>>)
    %add3A_157 = arith.constant 64 : i32
    %add3A_158 = arith.addi %mul3A_143, %add3A_157 : i32
    %dma_wait3A_159 = arith.constant 0 : i32
    %dma_wait3A_160 = arith.constant 1 : i32
    %dma_wait3A_161 = arith.constant 0 : i32
    %dma_wait3A_162 = tpu.memref_slice %arg5[%dma_wait3A_160, %dma_wait3A_161] : memref<4x64xi32, #tpu.memory_space<vmem>> -> memref<1x64xi32, #tpu.memory_space<vmem>>
    %dma_wait3A_163 = tpu.memref_squeeze %dma_wait3A_162 : memref<1x64xi32, #tpu.memory_space<vmem>> -> memref<64xi32, #tpu.memory_space<vmem>>
    %dma_wait3A_164 = tpu.memref_slice %arg3[%dma_wait3A_159, %add3A_158] : memref<2x800000xi32, #tpu.memory_space<hbm>> -> memref<1x64xi32, #tpu.memory_space<hbm>>
    %dma_wait3A_165 = tpu.memref_squeeze %dma_wait3A_164 : memref<1x64xi32, #tpu.memory_space<hbm>> -> memref<64xi32, #tpu.memory_space<hbm>>
    %dma_wait3A_166 = arith.constant 0 : i32
    %dma_wait3A_167 = tpu.memref_slice %arg5[%dma_wait3A_160, %dma_wait3A_166] : memref<4x64xi32, #tpu.memory_space<vmem>> -> memref<1x64xi32, #tpu.memory_space<vmem>>
    %dma_wait3A_168 = tpu.memref_squeeze %dma_wait3A_167 : memref<1x64xi32, #tpu.memory_space<vmem>> -> memref<64xi32, #tpu.memory_space<vmem>>
    %dma_wait3A_169 = tpu.memref_slice %arg3[%dma_wait3A_159, %add3A_158] : memref<2x800000xi32, #tpu.memory_space<hbm>> -> memref<1x64xi32, #tpu.memory_space<hbm>>
    %dma_wait3A_170 = tpu.memref_squeeze %dma_wait3A_169 : memref<1x64xi32, #tpu.memory_space<hbm>> -> memref<64xi32, #tpu.memory_space<hbm>>
    tpu.wait_dma2 semaphore(%arg21 : memref<!tpu.dma_semaphore, #tpu.memory_space<semaphore_mem>>) src(%dma_wait3A_170 : memref<64xi32, #tpu.memory_space<hbm>>) dst(%dma_wait3A_168 : memref<64xi32, #tpu.memory_space<vmem>>)
    %add3A_171 = arith.constant 128 : i32
    %add3A_172 = arith.addi %mul3A_143, %add3A_171 : i32
    %dma_wait3A_173 = arith.constant 0 : i32
    %dma_wait3A_174 = arith.constant 2 : i32
    %dma_wait3A_175 = arith.constant 0 : i32
    %dma_wait3A_176 = tpu.memref_slice %arg5[%dma_wait3A_174, %dma_wait3A_175] : memref<4x64xi32, #tpu.memory_space<vmem>> -> memref<1x64xi32, #tpu.memory_space<vmem>>
    %dma_wait3A_177 = tpu.memref_squeeze %dma_wait3A_176 : memref<1x64xi32, #tpu.memory_space<vmem>> -> memref<64xi32, #tpu.memory_space<vmem>>
    %dma_wait3A_178 = tpu.memref_slice %arg3[%dma_wait3A_173, %add3A_172] : memref<2x800000xi32, #tpu.memory_space<hbm>> -> memref<1x64xi32, #tpu.memory_space<hbm>>
    %dma_wait3A_179 = tpu.memref_squeeze %dma_wait3A_178 : memref<1x64xi32, #tpu.memory_space<hbm>> -> memref<64xi32, #tpu.memory_space<hbm>>
    %dma_wait3A_180 = arith.constant 0 : i32
    %dma_wait3A_181 = tpu.memref_slice %arg5[%dma_wait3A_174, %dma_wait3A_180] : memref<4x64xi32, #tpu.memory_space<vmem>> -> memref<1x64xi32, #tpu.memory_space<vmem>>
    %dma_wait3A_182 = tpu.memref_squeeze %dma_wait3A_181 : memref<1x64xi32, #tpu.memory_space<vmem>> -> memref<64xi32, #tpu.memory_space<vmem>>
    %dma_wait3A_183 = tpu.memref_slice %arg3[%dma_wait3A_173, %add3A_172] : memref<2x800000xi32, #tpu.memory_space<hbm>> -> memref<1x64xi32, #tpu.memory_space<hbm>>
    %dma_wait3A_184 = tpu.memref_squeeze %dma_wait3A_183 : memref<1x64xi32, #tpu.memory_space<hbm>> -> memref<64xi32, #tpu.memory_space<hbm>>
    tpu.wait_dma2 semaphore(%arg21 : memref<!tpu.dma_semaphore, #tpu.memory_space<semaphore_mem>>) src(%dma_wait3A_184 : memref<64xi32, #tpu.memory_space<hbm>>) dst(%dma_wait3A_182 : memref<64xi32, #tpu.memory_space<vmem>>)
    %add3A_185 = arith.constant 192 : i32
    %add3A_186 = arith.addi %mul3A_143, %add3A_185 : i32
    %dma_wait3A_187 = arith.constant 0 : i32
    %dma_wait3A_188 = arith.constant 3 : i32
    %dma_wait3A_189 = arith.constant 0 : i32
    %dma_wait3A_190 = tpu.memref_slice %arg5[%dma_wait3A_188, %dma_wait3A_189] : memref<4x64xi32, #tpu.memory_space<vmem>> -> memref<1x64xi32, #tpu.memory_space<vmem>>
    %dma_wait3A_191 = tpu.memref_squeeze %dma_wait3A_190 : memref<1x64xi32, #tpu.memory_space<vmem>> -> memref<64xi32, #tpu.memory_space<vmem>>
    %dma_wait3A_192 = tpu.memref_slice %arg3[%dma_wait3A_187, %add3A_186] : memref<2x800000xi32, #tpu.memory_space<hbm>> -> memref<1x64xi32, #tpu.memory_space<hbm>>
    %dma_wait3A_193 = tpu.memref_squeeze %dma_wait3A_192 : memref<1x64xi32, #tpu.memory_space<hbm>> -> memref<64xi32, #tpu.memory_space<hbm>>
    %dma_wait3A_194 = arith.constant 0 : i32
    %dma_wait3A_195 = tpu.memref_slice %arg5[%dma_wait3A_188, %dma_wait3A_194] : memref<4x64xi32, #tpu.memory_space<vmem>> -> memref<1x64xi32, #tpu.memory_space<vmem>>
    %dma_wait3A_196 = tpu.memref_squeeze %dma_wait3A_195 : memref<1x64xi32, #tpu.memory_space<vmem>> -> memref<64xi32, #tpu.memory_space<vmem>>
    %dma_wait3A_197 = tpu.memref_slice %arg3[%dma_wait3A_187, %add3A_186] : memref<2x800000xi32, #tpu.memory_space<hbm>> -> memref<1x64xi32, #tpu.memory_space<hbm>>
    %dma_wait3A_198 = tpu.memref_squeeze %dma_wait3A_197 : memref<1x64xi32, #tpu.memory_space<hbm>> -> memref<64xi32, #tpu.memory_space<hbm>>
    tpu.wait_dma2 semaphore(%arg21 : memref<!tpu.dma_semaphore, #tpu.memory_space<semaphore_mem>>) src(%dma_wait3A_198 : memref<64xi32, #tpu.memory_space<hbm>>) dst(%dma_wait3A_196 : memref<64xi32, #tpu.memory_space<vmem>>)
    %add3A_199 = arith.constant 0 : i32
    %add3A_200 = arith.addi %mul3A_143, %add3A_199 : i32
    %dma_wait3A_201 = arith.constant 1 : i32
    %dma_wait3A_202 = arith.constant 0 : i32
    %dma_wait3A_203 = arith.constant 0 : i32
    %dma_wait3A_204 = tpu.memref_slice %arg8[%dma_wait3A_202, %dma_wait3A_203] : memref<4x64xi32, #tpu.memory_space<vmem>> -> memref<1x64xi32, #tpu.memory_space<vmem>>
    %dma_wait3A_205 = tpu.memref_squeeze %dma_wait3A_204 : memref<1x64xi32, #tpu.memory_space<vmem>> -> memref<64xi32, #tpu.memory_space<vmem>>
    %dma_wait3A_206 = tpu.memref_slice %arg3[%dma_wait3A_201, %add3A_200] : memref<2x800000xi32, #tpu.memory_space<hbm>> -> memref<1x64xi32, #tpu.memory_space<hbm>>
    %dma_wait3A_207 = tpu.memref_squeeze %dma_wait3A_206 : memref<1x64xi32, #tpu.memory_space<hbm>> -> memref<64xi32, #tpu.memory_space<hbm>>
    %dma_wait3A_208 = arith.constant 0 : i32
    %dma_wait3A_209 = tpu.memref_slice %arg8[%dma_wait3A_202, %dma_wait3A_208] : memref<4x64xi32, #tpu.memory_space<vmem>> -> memref<1x64xi32, #tpu.memory_space<vmem>>
    %dma_wait3A_210 = tpu.memref_squeeze %dma_wait3A_209 : memref<1x64xi32, #tpu.memory_space<vmem>> -> memref<64xi32, #tpu.memory_space<vmem>>
    %dma_wait3A_211 = tpu.memref_slice %arg3[%dma_wait3A_201, %add3A_200] : memref<2x800000xi32, #tpu.memory_space<hbm>> -> memref<1x64xi32, #tpu.memory_space<hbm>>
    %dma_wait3A_212 = tpu.memref_squeeze %dma_wait3A_211 : memref<1x64xi32, #tpu.memory_space<hbm>> -> memref<64xi32, #tpu.memory_space<hbm>>
    tpu.wait_dma2 semaphore(%arg21 : memref<!tpu.dma_semaphore, #tpu.memory_space<semaphore_mem>>) src(%dma_wait3A_212 : memref<64xi32, #tpu.memory_space<hbm>>) dst(%dma_wait3A_210 : memref<64xi32, #tpu.memory_space<vmem>>)
    %add3A_213 = arith.constant 64 : i32
    %add3A_214 = arith.addi %mul3A_143, %add3A_213 : i32
    %dma_wait3A_215 = arith.constant 1 : i32
    %dma_wait3A_216 = arith.constant 1 : i32
    %dma_wait3A_217 = arith.constant 0 : i32
    %dma_wait3A_218 = tpu.memref_slice %arg8[%dma_wait3A_216, %dma_wait3A_217] : memref<4x64xi32, #tpu.memory_space<vmem>> -> memref<1x64xi32, #tpu.memory_space<vmem>>
    %dma_wait3A_219 = tpu.memref_squeeze %dma_wait3A_218 : memref<1x64xi32, #tpu.memory_space<vmem>> -> memref<64xi32, #tpu.memory_space<vmem>>
    %dma_wait3A_220 = tpu.memref_slice %arg3[%dma_wait3A_215, %add3A_214] : memref<2x800000xi32, #tpu.memory_space<hbm>> -> memref<1x64xi32, #tpu.memory_space<hbm>>
    %dma_wait3A_221 = tpu.memref_squeeze %dma_wait3A_220 : memref<1x64xi32, #tpu.memory_space<hbm>> -> memref<64xi32, #tpu.memory_space<hbm>>
    %dma_wait3A_222 = arith.constant 0 : i32
    %dma_wait3A_223 = tpu.memref_slice %arg8[%dma_wait3A_216, %dma_wait3A_222] : memref<4x64xi32, #tpu.memory_space<vmem>> -> memref<1x64xi32, #tpu.memory_space<vmem>>
    %dma_wait3A_224 = tpu.memref_squeeze %dma_wait3A_223 : memref<1x64xi32, #tpu.memory_space<vmem>> -> memref<64xi32, #tpu.memory_space<vmem>>
    %dma_wait3A_225 = tpu.memref_slice %arg3[%dma_wait3A_215, %add3A_214] : memref<2x800000xi32, #tpu.memory_space<hbm>> -> memref<1x64xi32, #tpu.memory_space<hbm>>
    %dma_wait3A_226 = tpu.memref_squeeze %dma_wait3A_225 : memref<1x64xi32, #tpu.memory_space<hbm>> -> memref<64xi32, #tpu.memory_space<hbm>>
    tpu.wait_dma2 semaphore(%arg21 : memref<!tpu.dma_semaphore, #tpu.memory_space<semaphore_mem>>) src(%dma_wait3A_226 : memref<64xi32, #tpu.memory_space<hbm>>) dst(%dma_wait3A_224 : memref<64xi32, #tpu.memory_space<vmem>>)
    %add3A_227 = arith.constant 128 : i32
    %add3A_228 = arith.addi %mul3A_143, %add3A_227 : i32
    %dma_wait3A_229 = arith.constant 1 : i32
    %dma_wait3A_230 = arith.constant 2 : i32
    %dma_wait3A_231 = arith.constant 0 : i32
    %dma_wait3A_232 = tpu.memref_slice %arg8[%dma_wait3A_230, %dma_wait3A_231] : memref<4x64xi32, #tpu.memory_space<vmem>> -> memref<1x64xi32, #tpu.memory_space<vmem>>
    %dma_wait3A_233 = tpu.memref_squeeze %dma_wait3A_232 : memref<1x64xi32, #tpu.memory_space<vmem>> -> memref<64xi32, #tpu.memory_space<vmem>>
    %dma_wait3A_234 = tpu.memref_slice %arg3[%dma_wait3A_229, %add3A_228] : memref<2x800000xi32, #tpu.memory_space<hbm>> -> memref<1x64xi32, #tpu.memory_space<hbm>>
    %dma_wait3A_235 = tpu.memref_squeeze %dma_wait3A_234 : memref<1x64xi32, #tpu.memory_space<hbm>> -> memref<64xi32, #tpu.memory_space<hbm>>
    %dma_wait3A_236 = arith.constant 0 : i32
    %dma_wait3A_237 = tpu.memref_slice %arg8[%dma_wait3A_230, %dma_wait3A_236] : memref<4x64xi32, #tpu.memory_space<vmem>> -> memref<1x64xi32, #tpu.memory_space<vmem>>
    %dma_wait3A_238 = tpu.memref_squeeze %dma_wait3A_237 : memref<1x64xi32, #tpu.memory_space<vmem>> -> memref<64xi32, #tpu.memory_space<vmem>>
    %dma_wait3A_239 = tpu.memref_slice %arg3[%dma_wait3A_229, %add3A_228] : memref<2x800000xi32, #tpu.memory_space<hbm>> -> memref<1x64xi32, #tpu.memory_space<hbm>>
    %dma_wait3A_240 = tpu.memref_squeeze %dma_wait3A_239 : memref<1x64xi32, #tpu.memory_space<hbm>> -> memref<64xi32, #tpu.memory_space<hbm>>
    tpu.wait_dma2 semaphore(%arg21 : memref<!tpu.dma_semaphore, #tpu.memory_space<semaphore_mem>>) src(%dma_wait3A_240 : memref<64xi32, #tpu.memory_space<hbm>>) dst(%dma_wait3A_238 : memref<64xi32, #tpu.memory_space<vmem>>)
    %add3A_241 = arith.constant 192 : i32
    %add3A_242 = arith.addi %mul3A_143, %add3A_241 : i32
    %dma_wait3A_243 = arith.constant 1 : i32
    %dma_wait3A_244 = arith.constant 3 : i32
    %dma_wait3A_245 = arith.constant 0 : i32
    %dma_wait3A_246 = tpu.memref_slice %arg8[%dma_wait3A_244, %dma_wait3A_245] : memref<4x64xi32, #tpu.memory_space<vmem>> -> memref<1x64xi32, #tpu.memory_space<vmem>>
    %dma_wait3A_247 = tpu.memref_squeeze %dma_wait3A_246 : memref<1x64xi32, #tpu.memory_space<vmem>> -> memref<64xi32, #tpu.memory_space<vmem>>
    %dma_wait3A_248 = tpu.memref_slice %arg3[%dma_wait3A_243, %add3A_242] : memref<2x800000xi32, #tpu.memory_space<hbm>> -> memref<1x64xi32, #tpu.memory_space<hbm>>
    %dma_wait3A_249 = tpu.memref_squeeze %dma_wait3A_248 : memref<1x64xi32, #tpu.memory_space<hbm>> -> memref<64xi32, #tpu.memory_space<hbm>>
    %dma_wait3A_250 = arith.constant 0 : i32
    %dma_wait3A_251 = tpu.memref_slice %arg8[%dma_wait3A_244, %dma_wait3A_250] : memref<4x64xi32, #tpu.memory_space<vmem>> -> memref<1x64xi32, #tpu.memory_space<vmem>>
    %dma_wait3A_252 = tpu.memref_squeeze %dma_wait3A_251 : memref<1x64xi32, #tpu.memory_space<vmem>> -> memref<64xi32, #tpu.memory_space<vmem>>
    %dma_wait3A_253 = tpu.memref_slice %arg3[%dma_wait3A_243, %add3A_242] : memref<2x800000xi32, #tpu.memory_space<hbm>> -> memref<1x64xi32, #tpu.memory_space<hbm>>
    %dma_wait3A_254 = tpu.memref_squeeze %dma_wait3A_253 : memref<1x64xi32, #tpu.memory_space<hbm>> -> memref<64xi32, #tpu.memory_space<hbm>>
    tpu.wait_dma2 semaphore(%arg21 : memref<!tpu.dma_semaphore, #tpu.memory_space<semaphore_mem>>) src(%dma_wait3A_254 : memref<64xi32, #tpu.memory_space<hbm>>) dst(%dma_wait3A_252 : memref<64xi32, #tpu.memory_space<vmem>>)
    %dma_start3A_255 = arith.constant 0 : i32
    %dma_start3A_256 = arith.constant 0 : i32
    %dma_start3A_257 = arith.constant 0 : i32
    %dma_start3A_258 = tpu.memref_slice %arg11[%dma_start3A_256, %dma_start3A_257] : memref<256x32xf32, #tpu.memory_space<vmem>> -> memref<64x32xf32, #tpu.memory_space<vmem>>
    %dma_start3A_259 = arith.constant 0 : i32
    %dma_start3A_260 = tpu.memref_slice %arg5[%dma_start3A_255, %dma_start3A_259] : memref<4x64xi32, #tpu.memory_space<vmem>> -> memref<1x64xi32, #tpu.memory_space<vmem>>
    %dma_start3A_261 = tpu.memref_squeeze %dma_start3A_260 : memref<1x64xi32, #tpu.memory_space<vmem>> -> memref<64xi32, #tpu.memory_space<vmem>>
    %dma_start3A_262 = arith.constant 0 : i32
    %dma_start3A_263 = arith.constant 0 : i32
    %dma_start3A_264 = tpu.memref_slice %arg2[%arg0, %dma_start3A_262, %dma_start3A_263] : memref<2x50000x32xf32, #tpu.memory_space<hbm>> -> memref<1x50000x32xf32, #tpu.memory_space<hbm>>
    %dma_start3A_265 = tpu.memref_squeeze %dma_start3A_264 : memref<1x50000x32xf32, #tpu.memory_space<hbm>> -> memref<50000x32xf32, #tpu.memory_space<hbm>>
    %dma_start3A_266 = arith.constant 0 : i32
    %dma_start3A_267 = arith.constant 0 : i32
    %dma_start3A_268 = tpu.memref_slice %dma_start3A_265[%dma_start3A_266, %dma_start3A_267] : memref<50000x32xf32, #tpu.memory_space<hbm>> -> memref<50000x32xf32, #tpu.memory_space<hbm>>
    tpu.enqueue_indirect_dma source(%dma_start3A_268 : memref<50000x32xf32, #tpu.memory_space<hbm>>) target(%dma_start3A_258 : memref<64x32xf32, #tpu.memory_space<vmem>>) offsets(%dma_start3A_261 : memref<64xi32, #tpu.memory_space<vmem>>) semaphore(%arg15 : memref<!tpu.dma_semaphore, #tpu.memory_space<semaphore_mem>>)
    %dma_start3A_269 = arith.constant 1 : i32
    %dma_start3A_270 = arith.constant 64 : i32
    %dma_start3A_271 = arith.constant 0 : i32
    %dma_start3A_272 = tpu.memref_slice %arg11[%dma_start3A_270, %dma_start3A_271] : memref<256x32xf32, #tpu.memory_space<vmem>> -> memref<64x32xf32, #tpu.memory_space<vmem>>
    %dma_start3A_273 = arith.constant 0 : i32
    %dma_start3A_274 = tpu.memref_slice %arg5[%dma_start3A_269, %dma_start3A_273] : memref<4x64xi32, #tpu.memory_space<vmem>> -> memref<1x64xi32, #tpu.memory_space<vmem>>
    %dma_start3A_275 = tpu.memref_squeeze %dma_start3A_274 : memref<1x64xi32, #tpu.memory_space<vmem>> -> memref<64xi32, #tpu.memory_space<vmem>>
    %dma_start3A_276 = arith.constant 0 : i32
    %dma_start3A_277 = arith.constant 0 : i32
    %dma_start3A_278 = tpu.memref_slice %arg2[%arg0, %dma_start3A_276, %dma_start3A_277] : memref<2x50000x32xf32, #tpu.memory_space<hbm>> -> memref<1x50000x32xf32, #tpu.memory_space<hbm>>
    %dma_start3A_279 = tpu.memref_squeeze %dma_start3A_278 : memref<1x50000x32xf32, #tpu.memory_space<hbm>> -> memref<50000x32xf32, #tpu.memory_space<hbm>>
    %dma_start3A_280 = arith.constant 0 : i32
    %dma_start3A_281 = arith.constant 0 : i32
    %dma_start3A_282 = tpu.memref_slice %dma_start3A_279[%dma_start3A_280, %dma_start3A_281] : memref<50000x32xf32, #tpu.memory_space<hbm>> -> memref<50000x32xf32, #tpu.memory_space<hbm>>
    tpu.enqueue_indirect_dma source(%dma_start3A_282 : memref<50000x32xf32, #tpu.memory_space<hbm>>) target(%dma_start3A_272 : memref<64x32xf32, #tpu.memory_space<vmem>>) offsets(%dma_start3A_275 : memref<64xi32, #tpu.memory_space<vmem>>) semaphore(%arg15 : memref<!tpu.dma_semaphore, #tpu.memory_space<semaphore_mem>>)
    %dma_start3A_283 = arith.constant 2 : i32
    %dma_start3A_284 = arith.constant 128 : i32
    %dma_start3A_285 = arith.constant 0 : i32
    %dma_start3A_286 = tpu.memref_slice %arg11[%dma_start3A_284, %dma_start3A_285] : memref<256x32xf32, #tpu.memory_space<vmem>> -> memref<64x32xf32, #tpu.memory_space<vmem>>
    %dma_start3A_287 = arith.constant 0 : i32
    %dma_start3A_288 = tpu.memref_slice %arg5[%dma_start3A_283, %dma_start3A_287] : memref<4x64xi32, #tpu.memory_space<vmem>> -> memref<1x64xi32, #tpu.memory_space<vmem>>
    %dma_start3A_289 = tpu.memref_squeeze %dma_start3A_288 : memref<1x64xi32, #tpu.memory_space<vmem>> -> memref<64xi32, #tpu.memory_space<vmem>>
    %dma_start3A_290 = arith.constant 0 : i32
    %dma_start3A_291 = arith.constant 0 : i32
    %dma_start3A_292 = tpu.memref_slice %arg2[%arg0, %dma_start3A_290, %dma_start3A_291] : memref<2x50000x32xf32, #tpu.memory_space<hbm>> -> memref<1x50000x32xf32, #tpu.memory_space<hbm>>
    %dma_start3A_293 = tpu.memref_squeeze %dma_start3A_292 : memref<1x50000x32xf32, #tpu.memory_space<hbm>> -> memref<50000x32xf32, #tpu.memory_space<hbm>>
    %dma_start3A_294 = arith.constant 0 : i32
    %dma_start3A_295 = arith.constant 0 : i32
    %dma_start3A_296 = tpu.memref_slice %dma_start3A_293[%dma_start3A_294, %dma_start3A_295] : memref<50000x32xf32, #tpu.memory_space<hbm>> -> memref<50000x32xf32, #tpu.memory_space<hbm>>
    tpu.enqueue_indirect_dma source(%dma_start3A_296 : memref<50000x32xf32, #tpu.memory_space<hbm>>) target(%dma_start3A_286 : memref<64x32xf32, #tpu.memory_space<vmem>>) offsets(%dma_start3A_289 : memref<64xi32, #tpu.memory_space<vmem>>) semaphore(%arg15 : memref<!tpu.dma_semaphore, #tpu.memory_space<semaphore_mem>>)
    %dma_start3A_297 = arith.constant 3 : i32
    %dma_start3A_298 = arith.constant 192 : i32
    %dma_start3A_299 = arith.constant 0 : i32
    %dma_start3A_300 = tpu.memref_slice %arg11[%dma_start3A_298, %dma_start3A_299] : memref<256x32xf32, #tpu.memory_space<vmem>> -> memref<64x32xf32, #tpu.memory_space<vmem>>
    %dma_start3A_301 = arith.constant 0 : i32
    %dma_start3A_302 = tpu.memref_slice %arg5[%dma_start3A_297, %dma_start3A_301] : memref<4x64xi32, #tpu.memory_space<vmem>> -> memref<1x64xi32, #tpu.memory_space<vmem>>
    %dma_start3A_303 = tpu.memref_squeeze %dma_start3A_302 : memref<1x64xi32, #tpu.memory_space<vmem>> -> memref<64xi32, #tpu.memory_space<vmem>>
    %dma_start3A_304 = arith.constant 0 : i32
    %dma_start3A_305 = arith.constant 0 : i32
    %dma_start3A_306 = tpu.memref_slice %arg2[%arg0, %dma_start3A_304, %dma_start3A_305] : memref<2x50000x32xf32, #tpu.memory_space<hbm>> -> memref<1x50000x32xf32, #tpu.memory_space<hbm>>
    %dma_start3A_307 = tpu.memref_squeeze %dma_start3A_306 : memref<1x50000x32xf32, #tpu.memory_space<hbm>> -> memref<50000x32xf32, #tpu.memory_space<hbm>>
    %dma_start3A_308 = arith.constant 0 : i32
    %dma_start3A_309 = arith.constant 0 : i32
    %dma_start3A_310 = tpu.memref_slice %dma_start3A_307[%dma_start3A_308, %dma_start3A_309] : memref<50000x32xf32, #tpu.memory_space<hbm>> -> memref<50000x32xf32, #tpu.memory_space<hbm>>
    tpu.enqueue_indirect_dma source(%dma_start3A_310 : memref<50000x32xf32, #tpu.memory_space<hbm>>) target(%dma_start3A_300 : memref<64x32xf32, #tpu.memory_space<vmem>>) offsets(%dma_start3A_303 : memref<64xi32, #tpu.memory_space<vmem>>) semaphore(%arg15 : memref<!tpu.dma_semaphore, #tpu.memory_space<semaphore_mem>>)
    %scan3A_311 = arith.constant 0 : i32
    %scan3A_312 = arith.constant 0 : i32
    %scan3A_313 = arith.constant 66 : i32
    %scan3A_314 = arith.addi %scan3A_312, %scan3A_313 : i32
    %scan3A_315 = arith.constant 1 : i32
    %scan3A_316 = scf.for %scan3A_407 = %scan3A_312 to %scan3A_314 step %scan3A_315 iter_args(%scan3A_408 = %scan3A_311) -> (i32)  : i32 {
      %mul3A_409 = arith.constant 3 : i32
      %mul3A_410 = arith.muli %mul3A_409, %scan3A_407 : i32
      %add3A_411 = arith.constant 0 : i32
      %add3A_412 = arith.addi %mul3A_410, %add3A_411 : i32
      %ge3A = arith.constant 2 : i32
      %ge3A_413 = arith.cmpi sge, %add3A_412, %ge3A : i32
      %le3A_414 = arith.constant 196 : i32
      %le3A_415 = arith.cmpi sle, %add3A_412, %le3A_414 : i32
      %and3A = arith.andi %ge3A_413, %le3A_415 : i1
      %convert_element_type3A_416 = arith.extui %and3A : i1 to i32
      %cond3A_417 = arith.constant 0 : i32
      %cond3A_418 = arith.cmpi ne, %convert_element_type3A_416, %cond3A_417 : i32
      scf.if %cond3A_418 {
        %dma_wait3A_501 = arith.constant 0 : i32
        %dma_wait3A_502 = arith.constant 0 : i32
        %dma_wait3A_503 = arith.constant 0 : i32
        %dma_wait3A_504 = tpu.memref_slice %arg12[%dma_wait3A_502, %dma_wait3A_503] : memref<256x32xf32, #tpu.memory_space<vmem>> -> memref<64x32xf32, #tpu.memory_space<vmem>>
        %dma_wait3A_505 = arith.constant 0 : i32
        %dma_wait3A_506 = tpu.memref_slice %arg9[%dma_wait3A_501, %dma_wait3A_505] : memref<4x64xi32, #tpu.memory_space<vmem>> -> memref<1x64xi32, #tpu.memory_space<vmem>>
        %dma_wait3A_507 = tpu.memref_squeeze %dma_wait3A_506 : memref<1x64xi32, #tpu.memory_space<vmem>> -> memref<64xi32, #tpu.memory_space<vmem>>
        %dma_wait3A_508 = arith.constant 0 : i32
        %dma_wait3A_509 = arith.constant 0 : i32
        %dma_wait3A_510 = tpu.memref_slice %arg14[%dma_wait3A_508, %dma_wait3A_509] : memref<50176x32xf32, #tpu.memory_space<vmem_shared>> -> memref<50176x32xf32, #tpu.memory_space<vmem_shared>>
        tpu.wait_indirect_dma semaphore(%arg19 : memref<!tpu.dma_semaphore, #tpu.memory_space<semaphore_mem>>) src(%dma_wait3A_504 : memref<64x32xf32, #tpu.memory_space<vmem>>) dst(%dma_wait3A_510 : memref<50176x32xf32, #tpu.memory_space<vmem_shared>>)
        %dma_wait3A_511 = arith.constant 1 : i32
        %dma_wait3A_512 = arith.constant 64 : i32
        %dma_wait3A_513 = arith.constant 0 : i32
        %dma_wait3A_514 = tpu.memref_slice %arg12[%dma_wait3A_512, %dma_wait3A_513] : memref<256x32xf32, #tpu.memory_space<vmem>> -> memref<64x32xf32, #tpu.memory_space<vmem>>
        %dma_wait3A_515 = arith.constant 0 : i32
        %dma_wait3A_516 = tpu.memref_slice %arg9[%dma_wait3A_511, %dma_wait3A_515] : memref<4x64xi32, #tpu.memory_space<vmem>> -> memref<1x64xi32, #tpu.memory_space<vmem>>
        %dma_wait3A_517 = tpu.memref_squeeze %dma_wait3A_516 : memref<1x64xi32, #tpu.memory_space<vmem>> -> memref<64xi32, #tpu.memory_space<vmem>>
        %dma_wait3A_518 = arith.constant 0 : i32
        %dma_wait3A_519 = arith.constant 0 : i32
        %dma_wait3A_520 = tpu.memref_slice %arg14[%dma_wait3A_518, %dma_wait3A_519] : memref<50176x32xf32, #tpu.memory_space<vmem_shared>> -> memref<50176x32xf32, #tpu.memory_space<vmem_shared>>
        tpu.wait_indirect_dma semaphore(%arg19 : memref<!tpu.dma_semaphore, #tpu.memory_space<semaphore_mem>>) src(%dma_wait3A_514 : memref<64x32xf32, #tpu.memory_space<vmem>>) dst(%dma_wait3A_520 : memref<50176x32xf32, #tpu.memory_space<vmem_shared>>)
        %dma_wait3A_521 = arith.constant 2 : i32
        %dma_wait3A_522 = arith.constant 128 : i32
        %dma_wait3A_523 = arith.constant 0 : i32
        %dma_wait3A_524 = tpu.memref_slice %arg12[%dma_wait3A_522, %dma_wait3A_523] : memref<256x32xf32, #tpu.memory_space<vmem>> -> memref<64x32xf32, #tpu.memory_space<vmem>>
        %dma_wait3A_525 = arith.constant 0 : i32
        %dma_wait3A_526 = tpu.memref_slice %arg9[%dma_wait3A_521, %dma_wait3A_525] : memref<4x64xi32, #tpu.memory_space<vmem>> -> memref<1x64xi32, #tpu.memory_space<vmem>>
        %dma_wait3A_527 = tpu.memref_squeeze %dma_wait3A_526 : memref<1x64xi32, #tpu.memory_space<vmem>> -> memref<64xi32, #tpu.memory_space<vmem>>
        %dma_wait3A_528 = arith.constant 0 : i32
        %dma_wait3A_529 = arith.constant 0 : i32
        %dma_wait3A_530 = tpu.memref_slice %arg14[%dma_wait3A_528, %dma_wait3A_529] : memref<50176x32xf32, #tpu.memory_space<vmem_shared>> -> memref<50176x32xf32, #tpu.memory_space<vmem_shared>>
        tpu.wait_indirect_dma semaphore(%arg19 : memref<!tpu.dma_semaphore, #tpu.memory_space<semaphore_mem>>) src(%dma_wait3A_524 : memref<64x32xf32, #tpu.memory_space<vmem>>) dst(%dma_wait3A_530 : memref<50176x32xf32, #tpu.memory_space<vmem_shared>>)
        %dma_wait3A_531 = arith.constant 3 : i32
        %dma_wait3A_532 = arith.constant 192 : i32
        %dma_wait3A_533 = arith.constant 0 : i32
        %dma_wait3A_534 = tpu.memref_slice %arg12[%dma_wait3A_532, %dma_wait3A_533] : memref<256x32xf32, #tpu.memory_space<vmem>> -> memref<64x32xf32, #tpu.memory_space<vmem>>
        %dma_wait3A_535 = arith.constant 0 : i32
        %dma_wait3A_536 = tpu.memref_slice %arg9[%dma_wait3A_531, %dma_wait3A_535] : memref<4x64xi32, #tpu.memory_space<vmem>> -> memref<1x64xi32, #tpu.memory_space<vmem>>
        %dma_wait3A_537 = tpu.memref_squeeze %dma_wait3A_536 : memref<1x64xi32, #tpu.memory_space<vmem>> -> memref<64xi32, #tpu.memory_space<vmem>>
        %dma_wait3A_538 = arith.constant 0 : i32
        %dma_wait3A_539 = arith.constant 0 : i32
        %dma_wait3A_540 = tpu.memref_slice %arg14[%dma_wait3A_538, %dma_wait3A_539] : memref<50176x32xf32, #tpu.memory_space<vmem_shared>> -> memref<50176x32xf32, #tpu.memory_space<vmem_shared>>
        tpu.wait_indirect_dma semaphore(%arg19 : memref<!tpu.dma_semaphore, #tpu.memory_space<semaphore_mem>>) src(%dma_wait3A_534 : memref<64x32xf32, #tpu.memory_space<vmem>>) dst(%dma_wait3A_540 : memref<50176x32xf32, #tpu.memory_space<vmem_shared>>)
      } else {
      }
      %add3A_419 = arith.constant 1 : i32
      %add3A_420 = arith.addi %add3A_412, %add3A_419 : i32
      %lt3A_421 = arith.constant 195 : i32
      %lt3A_422 = arith.cmpi slt, %add3A_420, %lt3A_421 : i32
      %convert_element_type3A_423 = arith.extui %lt3A_422 : i1 to i32
      %cond3A_424 = arith.constant 0 : i32
      %cond3A_425 = arith.cmpi ne, %convert_element_type3A_423, %cond3A_424 : i32
      scf.if %cond3A_425 {
        %add3A_501 = arith.constant 1 : i32
        %add3A_502 = arith.addi %add3A_412, %add3A_501 : i32
        %mul3A_503 = arith.constant 780 : i32
        %mul3A_504 = arith.muli %arg1, %mul3A_503 : i32
        %mul3A_505 = arith.constant 4 : i32
        %mul3A_506 = arith.muli %add3A_502, %mul3A_505 : i32
        %add3A_507 = arith.addi %mul3A_504, %mul3A_506 : i32
        %mul3A_508 = arith.constant 64 : i32
        %mul3A_509 = arith.muli %add3A_507, %mul3A_508 : i32
        %add3A_510 = arith.constant 0 : i32
        %add3A_511 = arith.addi %mul3A_509, %add3A_510 : i32
        %dma_start3A_512 = arith.constant 0 : i32
        %dma_start3A_513 = arith.constant 0 : i32
        %dma_start3A_514 = arith.constant 0 : i32
        %dma_start3A_515 = tpu.memref_slice %arg6[%dma_start3A_513, %dma_start3A_514] : memref<4x64xi32, #tpu.memory_space<vmem>> -> memref<1x64xi32, #tpu.memory_space<vmem>>
        %dma_start3A_516 = tpu.memref_squeeze %dma_start3A_515 : memref<1x64xi32, #tpu.memory_space<vmem>> -> memref<64xi32, #tpu.memory_space<vmem>>
        %dma_start3A_517 = tpu.memref_slice %arg3[%dma_start3A_512, %add3A_511] : memref<2x800000xi32, #tpu.memory_space<hbm>> -> memref<1x64xi32, #tpu.memory_space<hbm>>
        %dma_start3A_518 = tpu.memref_squeeze %dma_start3A_517 : memref<1x64xi32, #tpu.memory_space<hbm>> -> memref<64xi32, #tpu.memory_space<hbm>>
        %dma_start3A_519 = arith.constant 0 : i32
        %dma_start3A_520 = tpu.memref_slice %arg6[%dma_start3A_513, %dma_start3A_519] : memref<4x64xi32, #tpu.memory_space<vmem>> -> memref<1x64xi32, #tpu.memory_space<vmem>>
        %dma_start3A_521 = tpu.memref_squeeze %dma_start3A_520 : memref<1x64xi32, #tpu.memory_space<vmem>> -> memref<64xi32, #tpu.memory_space<vmem>>
        %dma_start3A_522 = tpu.memref_slice %arg3[%dma_start3A_512, %add3A_511] : memref<2x800000xi32, #tpu.memory_space<hbm>> -> memref<1x64xi32, #tpu.memory_space<hbm>>
        %dma_start3A_523 = tpu.memref_squeeze %dma_start3A_522 : memref<1x64xi32, #tpu.memory_space<hbm>> -> memref<64xi32, #tpu.memory_space<hbm>>
        tpu.enqueue_dma source(%dma_start3A_523 : memref<64xi32, #tpu.memory_space<hbm>>) target(%dma_start3A_521 : memref<64xi32, #tpu.memory_space<vmem>>) target_semaphore(%arg22 : memref<!tpu.dma_semaphore, #tpu.memory_space<semaphore_mem>>)
        %add3A_524 = arith.constant 64 : i32
        %add3A_525 = arith.addi %mul3A_509, %add3A_524 : i32
        %dma_start3A_526 = arith.constant 0 : i32
        %dma_start3A_527 = arith.constant 1 : i32
        %dma_start3A_528 = arith.constant 0 : i32
        %dma_start3A_529 = tpu.memref_slice %arg6[%dma_start3A_527, %dma_start3A_528] : memref<4x64xi32, #tpu.memory_space<vmem>> -> memref<1x64xi32, #tpu.memory_space<vmem>>
        %dma_start3A_530 = tpu.memref_squeeze %dma_start3A_529 : memref<1x64xi32, #tpu.memory_space<vmem>> -> memref<64xi32, #tpu.memory_space<vmem>>
        %dma_start3A_531 = tpu.memref_slice %arg3[%dma_start3A_526, %add3A_525] : memref<2x800000xi32, #tpu.memory_space<hbm>> -> memref<1x64xi32, #tpu.memory_space<hbm>>
        %dma_start3A_532 = tpu.memref_squeeze %dma_start3A_531 : memref<1x64xi32, #tpu.memory_space<hbm>> -> memref<64xi32, #tpu.memory_space<hbm>>
        %dma_start3A_533 = arith.constant 0 : i32
        %dma_start3A_534 = tpu.memref_slice %arg6[%dma_start3A_527, %dma_start3A_533] : memref<4x64xi32, #tpu.memory_space<vmem>> -> memref<1x64xi32, #tpu.memory_space<vmem>>
        %dma_start3A_535 = tpu.memref_squeeze %dma_start3A_534 : memref<1x64xi32, #tpu.memory_space<vmem>> -> memref<64xi32, #tpu.memory_space<vmem>>
        %dma_start3A_536 = tpu.memref_slice %arg3[%dma_start3A_526, %add3A_525] : memref<2x800000xi32, #tpu.memory_space<hbm>> -> memref<1x64xi32, #tpu.memory_space<hbm>>
        %dma_start3A_537 = tpu.memref_squeeze %dma_start3A_536 : memref<1x64xi32, #tpu.memory_space<hbm>> -> memref<64xi32, #tpu.memory_space<hbm>>
        tpu.enqueue_dma source(%dma_start3A_537 : memref<64xi32, #tpu.memory_space<hbm>>) target(%dma_start3A_535 : memref<64xi32, #tpu.memory_space<vmem>>) target_semaphore(%arg22 : memref<!tpu.dma_semaphore, #tpu.memory_space<semaphore_mem>>)
        %add3A_538 = arith.constant 128 : i32
        %add3A_539 = arith.addi %mul3A_509, %add3A_538 : i32
        %dma_start3A_540 = arith.constant 0 : i32
        %dma_start3A_541 = arith.constant 2 : i32
        %dma_start3A_542 = arith.constant 0 : i32
        %dma_start3A_543 = tpu.memref_slice %arg6[%dma_start3A_541, %dma_start3A_542] : memref<4x64xi32, #tpu.memory_space<vmem>> -> memref<1x64xi32, #tpu.memory_space<vmem>>
        %dma_start3A_544 = tpu.memref_squeeze %dma_start3A_543 : memref<1x64xi32, #tpu.memory_space<vmem>> -> memref<64xi32, #tpu.memory_space<vmem>>
        %dma_start3A_545 = tpu.memref_slice %arg3[%dma_start3A_540, %add3A_539] : memref<2x800000xi32, #tpu.memory_space<hbm>> -> memref<1x64xi32, #tpu.memory_space<hbm>>
        %dma_start3A_546 = tpu.memref_squeeze %dma_start3A_545 : memref<1x64xi32, #tpu.memory_space<hbm>> -> memref<64xi32, #tpu.memory_space<hbm>>
        %dma_start3A_547 = arith.constant 0 : i32
        %dma_start3A_548 = tpu.memref_slice %arg6[%dma_start3A_541, %dma_start3A_547] : memref<4x64xi32, #tpu.memory_space<vmem>> -> memref<1x64xi32, #tpu.memory_space<vmem>>
        %dma_start3A_549 = tpu.memref_squeeze %dma_start3A_548 : memref<1x64xi32, #tpu.memory_space<vmem>> -> memref<64xi32, #tpu.memory_space<vmem>>
        %dma_start3A_550 = tpu.memref_slice %arg3[%dma_start3A_540, %add3A_539] : memref<2x800000xi32, #tpu.memory_space<hbm>> -> memref<1x64xi32, #tpu.memory_space<hbm>>
        %dma_start3A_551 = tpu.memref_squeeze %dma_start3A_550 : memref<1x64xi32, #tpu.memory_space<hbm>> -> memref<64xi32, #tpu.memory_space<hbm>>
        tpu.enqueue_dma source(%dma_start3A_551 : memref<64xi32, #tpu.memory_space<hbm>>) target(%dma_start3A_549 : memref<64xi32, #tpu.memory_space<vmem>>) target_semaphore(%arg22 : memref<!tpu.dma_semaphore, #tpu.memory_space<semaphore_mem>>)
        %add3A_552 = arith.constant 192 : i32
        %add3A_553 = arith.addi %mul3A_509, %add3A_552 : i32
        %dma_start3A_554 = arith.constant 0 : i32
        %dma_start3A_555 = arith.constant 3 : i32
        %dma_start3A_556 = arith.constant 0 : i32
        %dma_start3A_557 = tpu.memref_slice %arg6[%dma_start3A_555, %dma_start3A_556] : memref<4x64xi32, #tpu.memory_space<vmem>> -> memref<1x64xi32, #tpu.memory_space<vmem>>
        %dma_start3A_558 = tpu.memref_squeeze %dma_start3A_557 : memref<1x64xi32, #tpu.memory_space<vmem>> -> memref<64xi32, #tpu.memory_space<vmem>>
        %dma_start3A_559 = tpu.memref_slice %arg3[%dma_start3A_554, %add3A_553] : memref<2x800000xi32, #tpu.memory_space<hbm>> -> memref<1x64xi32, #tpu.memory_space<hbm>>
        %dma_start3A_560 = tpu.memref_squeeze %dma_start3A_559 : memref<1x64xi32, #tpu.memory_space<hbm>> -> memref<64xi32, #tpu.memory_space<hbm>>
        %dma_start3A_561 = arith.constant 0 : i32
        %dma_start3A_562 = tpu.memref_slice %arg6[%dma_start3A_555, %dma_start3A_561] : memref<4x64xi32, #tpu.memory_space<vmem>> -> memref<1x64xi32, #tpu.memory_space<vmem>>
        %dma_start3A_563 = tpu.memref_squeeze %dma_start3A_562 : memref<1x64xi32, #tpu.memory_space<vmem>> -> memref<64xi32, #tpu.memory_space<vmem>>
        %dma_start3A_564 = tpu.memref_slice %arg3[%dma_start3A_554, %add3A_553] : memref<2x800000xi32, #tpu.memory_space<hbm>> -> memref<1x64xi32, #tpu.memory_space<hbm>>
        %dma_start3A_565 = tpu.memref_squeeze %dma_start3A_564 : memref<1x64xi32, #tpu.memory_space<hbm>> -> memref<64xi32, #tpu.memory_space<hbm>>
        tpu.enqueue_dma source(%dma_start3A_565 : memref<64xi32, #tpu.memory_space<hbm>>) target(%dma_start3A_563 : memref<64xi32, #tpu.memory_space<vmem>>) target_semaphore(%arg22 : memref<!tpu.dma_semaphore, #tpu.memory_space<semaphore_mem>>)
        %add3A_566 = arith.constant 0 : i32
        %add3A_567 = arith.addi %mul3A_509, %add3A_566 : i32
        %dma_start3A_568 = arith.constant 1 : i32
        %dma_start3A_569 = arith.constant 0 : i32
        %dma_start3A_570 = arith.constant 0 : i32
        %dma_start3A_571 = tpu.memref_slice %arg9[%dma_start3A_569, %dma_start3A_570] : memref<4x64xi32, #tpu.memory_space<vmem>> -> memref<1x64xi32, #tpu.memory_space<vmem>>
        %dma_start3A_572 = tpu.memref_squeeze %dma_start3A_571 : memref<1x64xi32, #tpu.memory_space<vmem>> -> memref<64xi32, #tpu.memory_space<vmem>>
        %dma_start3A_573 = tpu.memref_slice %arg3[%dma_start3A_568, %add3A_567] : memref<2x800000xi32, #tpu.memory_space<hbm>> -> memref<1x64xi32, #tpu.memory_space<hbm>>
        %dma_start3A_574 = tpu.memref_squeeze %dma_start3A_573 : memref<1x64xi32, #tpu.memory_space<hbm>> -> memref<64xi32, #tpu.memory_space<hbm>>
        %dma_start3A_575 = arith.constant 0 : i32
        %dma_start3A_576 = tpu.memref_slice %arg9[%dma_start3A_569, %dma_start3A_575] : memref<4x64xi32, #tpu.memory_space<vmem>> -> memref<1x64xi32, #tpu.memory_space<vmem>>
        %dma_start3A_577 = tpu.memref_squeeze %dma_start3A_576 : memref<1x64xi32, #tpu.memory_space<vmem>> -> memref<64xi32, #tpu.memory_space<vmem>>
        %dma_start3A_578 = tpu.memref_slice %arg3[%dma_start3A_568, %add3A_567] : memref<2x800000xi32, #tpu.memory_space<hbm>> -> memref<1x64xi32, #tpu.memory_space<hbm>>
        %dma_start3A_579 = tpu.memref_squeeze %dma_start3A_578 : memref<1x64xi32, #tpu.memory_space<hbm>> -> memref<64xi32, #tpu.memory_space<hbm>>
        tpu.enqueue_dma source(%dma_start3A_579 : memref<64xi32, #tpu.memory_space<hbm>>) target(%dma_start3A_577 : memref<64xi32, #tpu.memory_space<vmem>>) target_semaphore(%arg22 : memref<!tpu.dma_semaphore, #tpu.memory_space<semaphore_mem>>)
        %add3A_580 = arith.constant 64 : i32
        %add3A_581 = arith.addi %mul3A_509, %add3A_580 : i32
        %dma_start3A_582 = arith.constant 1 : i32
        %dma_start3A_583 = arith.constant 1 : i32
        %dma_start3A_584 = arith.constant 0 : i32
        %dma_start3A_585 = tpu.memref_slice %arg9[%dma_start3A_583, %dma_start3A_584] : memref<4x64xi32, #tpu.memory_space<vmem>> -> memref<1x64xi32, #tpu.memory_space<vmem>>
        %dma_start3A_586 = tpu.memref_squeeze %dma_start3A_585 : memref<1x64xi32, #tpu.memory_space<vmem>> -> memref<64xi32, #tpu.memory_space<vmem>>
        %dma_start3A_587 = tpu.memref_slice %arg3[%dma_start3A_582, %add3A_581] : memref<2x800000xi32, #tpu.memory_space<hbm>> -> memref<1x64xi32, #tpu.memory_space<hbm>>
        %dma_start3A_588 = tpu.memref_squeeze %dma_start3A_587 : memref<1x64xi32, #tpu.memory_space<hbm>> -> memref<64xi32, #tpu.memory_space<hbm>>
        %dma_start3A_589 = arith.constant 0 : i32
        %dma_start3A_590 = tpu.memref_slice %arg9[%dma_start3A_583, %dma_start3A_589] : memref<4x64xi32, #tpu.memory_space<vmem>> -> memref<1x64xi32, #tpu.memory_space<vmem>>
        %dma_start3A_591 = tpu.memref_squeeze %dma_start3A_590 : memref<1x64xi32, #tpu.memory_space<vmem>> -> memref<64xi32, #tpu.memory_space<vmem>>
        %dma_start3A_592 = tpu.memref_slice %arg3[%dma_start3A_582, %add3A_581] : memref<2x800000xi32, #tpu.memory_space<hbm>> -> memref<1x64xi32, #tpu.memory_space<hbm>>
        %dma_start3A_593 = tpu.memref_squeeze %dma_start3A_592 : memref<1x64xi32, #tpu.memory_space<hbm>> -> memref<64xi32, #tpu.memory_space<hbm>>
        tpu.enqueue_dma source(%dma_start3A_593 : memref<64xi32, #tpu.memory_space<hbm>>) target(%dma_start3A_591 : memref<64xi32, #tpu.memory_space<vmem>>) target_semaphore(%arg22 : memref<!tpu.dma_semaphore, #tpu.memory_space<semaphore_mem>>)
        %add3A_594 = arith.constant 128 : i32
        %add3A_595 = arith.addi %mul3A_509, %add3A_594 : i32
        %dma_start3A_596 = arith.constant 1 : i32
        %dma_start3A_597 = arith.constant 2 : i32
        %dma_start3A_598 = arith.constant 0 : i32
        %dma_start3A_599 = tpu.memref_slice %arg9[%dma_start3A_597, %dma_start3A_598] : memref<4x64xi32, #tpu.memory_space<vmem>> -> memref<1x64xi32, #tpu.memory_space<vmem>>
        %dma_start3A_600 = tpu.memref_squeeze %dma_start3A_599 : memref<1x64xi32, #tpu.memory_space<vmem>> -> memref<64xi32, #tpu.memory_space<vmem>>
        %dma_start3A_601 = tpu.memref_slice %arg3[%dma_start3A_596, %add3A_595] : memref<2x800000xi32, #tpu.memory_space<hbm>> -> memref<1x64xi32, #tpu.memory_space<hbm>>
        %dma_start3A_602 = tpu.memref_squeeze %dma_start3A_601 : memref<1x64xi32, #tpu.memory_space<hbm>> -> memref<64xi32, #tpu.memory_space<hbm>>
        %dma_start3A_603 = arith.constant 0 : i32
        %dma_start3A_604 = tpu.memref_slice %arg9[%dma_start3A_597, %dma_start3A_603] : memref<4x64xi32, #tpu.memory_space<vmem>> -> memref<1x64xi32, #tpu.memory_space<vmem>>
        %dma_start3A_605 = tpu.memref_squeeze %dma_start3A_604 : memref<1x64xi32, #tpu.memory_space<vmem>> -> memref<64xi32, #tpu.memory_space<vmem>>
        %dma_start3A_606 = tpu.memref_slice %arg3[%dma_start3A_596, %add3A_595] : memref<2x800000xi32, #tpu.memory_space<hbm>> -> memref<1x64xi32, #tpu.memory_space<hbm>>
        %dma_start3A_607 = tpu.memref_squeeze %dma_start3A_606 : memref<1x64xi32, #tpu.memory_space<hbm>> -> memref<64xi32, #tpu.memory_space<hbm>>
        tpu.enqueue_dma source(%dma_start3A_607 : memref<64xi32, #tpu.memory_space<hbm>>) target(%dma_start3A_605 : memref<64xi32, #tpu.memory_space<vmem>>) target_semaphore(%arg22 : memref<!tpu.dma_semaphore, #tpu.memory_space<semaphore_mem>>)
        %add3A_608 = arith.constant 192 : i32
        %add3A_609 = arith.addi %mul3A_509, %add3A_608 : i32
        %dma_start3A_610 = arith.constant 1 : i32
        %dma_start3A_611 = arith.constant 3 : i32
        %dma_start3A_612 = arith.constant 0 : i32
        %dma_start3A_613 = tpu.memref_slice %arg9[%dma_start3A_611, %dma_start3A_612] : memref<4x64xi32, #tpu.memory_space<vmem>> -> memref<1x64xi32, #tpu.memory_space<vmem>>
        %dma_start3A_614 = tpu.memref_squeeze %dma_start3A_613 : memref<1x64xi32, #tpu.memory_space<vmem>> -> memref<64xi32, #tpu.memory_space<vmem>>
        %dma_start3A_615 = tpu.memref_slice %arg3[%dma_start3A_610, %add3A_609] : memref<2x800000xi32, #tpu.memory_space<hbm>> -> memref<1x64xi32, #tpu.memory_space<hbm>>
        %dma_start3A_616 = tpu.memref_squeeze %dma_start3A_615 : memref<1x64xi32, #tpu.memory_space<hbm>> -> memref<64xi32, #tpu.memory_space<hbm>>
        %dma_start3A_617 = arith.constant 0 : i32
        %dma_start3A_618 = tpu.memref_slice %arg9[%dma_start3A_611, %dma_start3A_617] : memref<4x64xi32, #tpu.memory_space<vmem>> -> memref<1x64xi32, #tpu.memory_space<vmem>>
        %dma_start3A_619 = tpu.memref_squeeze %dma_start3A_618 : memref<1x64xi32, #tpu.memory_space<vmem>> -> memref<64xi32, #tpu.memory_space<vmem>>
        %dma_start3A_620 = tpu.memref_slice %arg3[%dma_start3A_610, %add3A_609] : memref<2x800000xi32, #tpu.memory_space<hbm>> -> memref<1x64xi32, #tpu.memory_space<hbm>>
        %dma_start3A_621 = tpu.memref_squeeze %dma_start3A_620 : memref<1x64xi32, #tpu.memory_space<hbm>> -> memref<64xi32, #tpu.memory_space<hbm>>
        tpu.enqueue_dma source(%dma_start3A_621 : memref<64xi32, #tpu.memory_space<hbm>>) target(%dma_start3A_619 : memref<64xi32, #tpu.memory_space<vmem>>) target_semaphore(%arg22 : memref<!tpu.dma_semaphore, #tpu.memory_space<semaphore_mem>>)
      } else {
      }
      %lt3A_426 = arith.constant 195 : i32
      %lt3A_427 = arith.cmpi slt, %add3A_412, %lt3A_426 : i32
      %convert_element_type3A_428 = arith.extui %lt3A_427 : i1 to i32
      %cond3A_429 = arith.constant 0 : i32
      %cond3A_430 = arith.cmpi ne, %convert_element_type3A_428, %cond3A_429 : i32
      scf.if %cond3A_430 {
        %dma_wait3A_501 = arith.constant 0 : i32
        %dma_wait3A_502 = arith.constant 0 : i32
        %dma_wait3A_503 = arith.constant 0 : i32
        %dma_wait3A_504 = tpu.memref_slice %arg11[%dma_wait3A_502, %dma_wait3A_503] : memref<256x32xf32, #tpu.memory_space<vmem>> -> memref<64x32xf32, #tpu.memory_space<vmem>>
        %dma_wait3A_505 = arith.constant 0 : i32
        %dma_wait3A_506 = tpu.memref_slice %arg5[%dma_wait3A_501, %dma_wait3A_505] : memref<4x64xi32, #tpu.memory_space<vmem>> -> memref<1x64xi32, #tpu.memory_space<vmem>>
        %dma_wait3A_507 = tpu.memref_squeeze %dma_wait3A_506 : memref<1x64xi32, #tpu.memory_space<vmem>> -> memref<64xi32, #tpu.memory_space<vmem>>
        %dma_wait3A_508 = arith.constant 0 : i32
        %dma_wait3A_509 = arith.constant 0 : i32
        %dma_wait3A_510 = tpu.memref_slice %arg2[%arg0, %dma_wait3A_508, %dma_wait3A_509] : memref<2x50000x32xf32, #tpu.memory_space<hbm>> -> memref<1x50000x32xf32, #tpu.memory_space<hbm>>
        %dma_wait3A_511 = tpu.memref_squeeze %dma_wait3A_510 : memref<1x50000x32xf32, #tpu.memory_space<hbm>> -> memref<50000x32xf32, #tpu.memory_space<hbm>>
        %dma_wait3A_512 = arith.constant 0 : i32
        %dma_wait3A_513 = arith.constant 0 : i32
        %dma_wait3A_514 = tpu.memref_slice %dma_wait3A_511[%dma_wait3A_512, %dma_wait3A_513] : memref<50000x32xf32, #tpu.memory_space<hbm>> -> memref<50000x32xf32, #tpu.memory_space<hbm>>
        tpu.wait_indirect_dma semaphore(%arg15 : memref<!tpu.dma_semaphore, #tpu.memory_space<semaphore_mem>>) src(%dma_wait3A_514 : memref<50000x32xf32, #tpu.memory_space<hbm>>) dst(%dma_wait3A_504 : memref<64x32xf32, #tpu.memory_space<vmem>>)
        %dma_wait3A_515 = arith.constant 1 : i32
        %dma_wait3A_516 = arith.constant 64 : i32
        %dma_wait3A_517 = arith.constant 0 : i32
        %dma_wait3A_518 = tpu.memref_slice %arg11[%dma_wait3A_516, %dma_wait3A_517] : memref<256x32xf32, #tpu.memory_space<vmem>> -> memref<64x32xf32, #tpu.memory_space<vmem>>
        %dma_wait3A_519 = arith.constant 0 : i32
        %dma_wait3A_520 = tpu.memref_slice %arg5[%dma_wait3A_515, %dma_wait3A_519] : memref<4x64xi32, #tpu.memory_space<vmem>> -> memref<1x64xi32, #tpu.memory_space<vmem>>
        %dma_wait3A_521 = tpu.memref_squeeze %dma_wait3A_520 : memref<1x64xi32, #tpu.memory_space<vmem>> -> memref<64xi32, #tpu.memory_space<vmem>>
        %dma_wait3A_522 = arith.constant 0 : i32
        %dma_wait3A_523 = arith.constant 0 : i32
        %dma_wait3A_524 = tpu.memref_slice %arg2[%arg0, %dma_wait3A_522, %dma_wait3A_523] : memref<2x50000x32xf32, #tpu.memory_space<hbm>> -> memref<1x50000x32xf32, #tpu.memory_space<hbm>>
        %dma_wait3A_525 = tpu.memref_squeeze %dma_wait3A_524 : memref<1x50000x32xf32, #tpu.memory_space<hbm>> -> memref<50000x32xf32, #tpu.memory_space<hbm>>
        %dma_wait3A_526 = arith.constant 0 : i32
        %dma_wait3A_527 = arith.constant 0 : i32
        %dma_wait3A_528 = tpu.memref_slice %dma_wait3A_525[%dma_wait3A_526, %dma_wait3A_527] : memref<50000x32xf32, #tpu.memory_space<hbm>> -> memref<50000x32xf32, #tpu.memory_space<hbm>>
        tpu.wait_indirect_dma semaphore(%arg15 : memref<!tpu.dma_semaphore, #tpu.memory_space<semaphore_mem>>) src(%dma_wait3A_528 : memref<50000x32xf32, #tpu.memory_space<hbm>>) dst(%dma_wait3A_518 : memref<64x32xf32, #tpu.memory_space<vmem>>)
        %dma_wait3A_529 = arith.constant 2 : i32
        %dma_wait3A_530 = arith.constant 128 : i32
        %dma_wait3A_531 = arith.constant 0 : i32
        %dma_wait3A_532 = tpu.memref_slice %arg11[%dma_wait3A_530, %dma_wait3A_531] : memref<256x32xf32, #tpu.memory_space<vmem>> -> memref<64x32xf32, #tpu.memory_space<vmem>>
        %dma_wait3A_533 = arith.constant 0 : i32
        %dma_wait3A_534 = tpu.memref_slice %arg5[%dma_wait3A_529, %dma_wait3A_533] : memref<4x64xi32, #tpu.memory_space<vmem>> -> memref<1x64xi32, #tpu.memory_space<vmem>>
        %dma_wait3A_535 = tpu.memref_squeeze %dma_wait3A_534 : memref<1x64xi32, #tpu.memory_space<vmem>> -> memref<64xi32, #tpu.memory_space<vmem>>
        %dma_wait3A_536 = arith.constant 0 : i32
        %dma_wait3A_537 = arith.constant 0 : i32
        %dma_wait3A_538 = tpu.memref_slice %arg2[%arg0, %dma_wait3A_536, %dma_wait3A_537] : memref<2x50000x32xf32, #tpu.memory_space<hbm>> -> memref<1x50000x32xf32, #tpu.memory_space<hbm>>
        %dma_wait3A_539 = tpu.memref_squeeze %dma_wait3A_538 : memref<1x50000x32xf32, #tpu.memory_space<hbm>> -> memref<50000x32xf32, #tpu.memory_space<hbm>>
        %dma_wait3A_540 = arith.constant 0 : i32
        %dma_wait3A_541 = arith.constant 0 : i32
        %dma_wait3A_542 = tpu.memref_slice %dma_wait3A_539[%dma_wait3A_540, %dma_wait3A_541] : memref<50000x32xf32, #tpu.memory_space<hbm>> -> memref<50000x32xf32, #tpu.memory_space<hbm>>
        tpu.wait_indirect_dma semaphore(%arg15 : memref<!tpu.dma_semaphore, #tpu.memory_space<semaphore_mem>>) src(%dma_wait3A_542 : memref<50000x32xf32, #tpu.memory_space<hbm>>) dst(%dma_wait3A_532 : memref<64x32xf32, #tpu.memory_space<vmem>>)
        %dma_wait3A_543 = arith.constant 3 : i32
        %dma_wait3A_544 = arith.constant 192 : i32
        %dma_wait3A_545 = arith.constant 0 : i32
        %dma_wait3A_546 = tpu.memref_slice %arg11[%dma_wait3A_544, %dma_wait3A_545] : memref<256x32xf32, #tpu.memory_space<vmem>> -> memref<64x32xf32, #tpu.memory_space<vmem>>
        %dma_wait3A_547 = arith.constant 0 : i32
        %dma_wait3A_548 = tpu.memref_slice %arg5[%dma_wait3A_543, %dma_wait3A_547] : memref<4x64xi32, #tpu.memory_space<vmem>> -> memref<1x64xi32, #tpu.memory_space<vmem>>
        %dma_wait3A_549 = tpu.memref_squeeze %dma_wait3A_548 : memref<1x64xi32, #tpu.memory_space<vmem>> -> memref<64xi32, #tpu.memory_space<vmem>>
        %dma_wait3A_550 = arith.constant 0 : i32
        %dma_wait3A_551 = arith.constant 0 : i32
        %dma_wait3A_552 = tpu.memref_slice %arg2[%arg0, %dma_wait3A_550, %dma_wait3A_551] : memref<2x50000x32xf32, #tpu.memory_space<hbm>> -> memref<1x50000x32xf32, #tpu.memory_space<hbm>>
        %dma_wait3A_553 = tpu.memref_squeeze %dma_wait3A_552 : memref<1x50000x32xf32, #tpu.memory_space<hbm>> -> memref<50000x32xf32, #tpu.memory_space<hbm>>
        %dma_wait3A_554 = arith.constant 0 : i32
        %dma_wait3A_555 = arith.constant 0 : i32
        %dma_wait3A_556 = tpu.memref_slice %dma_wait3A_553[%dma_wait3A_554, %dma_wait3A_555] : memref<50000x32xf32, #tpu.memory_space<hbm>> -> memref<50000x32xf32, #tpu.memory_space<hbm>>
        tpu.wait_indirect_dma semaphore(%arg15 : memref<!tpu.dma_semaphore, #tpu.memory_space<semaphore_mem>>) src(%dma_wait3A_556 : memref<50000x32xf32, #tpu.memory_space<hbm>>) dst(%dma_wait3A_546 : memref<64x32xf32, #tpu.memory_space<vmem>>)
        %dma_start3A_557 = arith.constant 0 : i32
        %dma_start3A_558 = arith.constant 0 : i32
        %dma_start3A_559 = arith.constant 0 : i32
        %dma_start3A_560 = tpu.memref_slice %arg11[%dma_start3A_558, %dma_start3A_559] : memref<256x32xf32, #tpu.memory_space<vmem>> -> memref<64x32xf32, #tpu.memory_space<vmem>>
        %dma_start3A_561 = arith.constant 0 : i32
        %dma_start3A_562 = tpu.memref_slice %arg8[%dma_start3A_557, %dma_start3A_561] : memref<4x64xi32, #tpu.memory_space<vmem>> -> memref<1x64xi32, #tpu.memory_space<vmem>>
        %dma_start3A_563 = tpu.memref_squeeze %dma_start3A_562 : memref<1x64xi32, #tpu.memory_space<vmem>> -> memref<64xi32, #tpu.memory_space<vmem>>
        %dma_start3A_564 = arith.constant 0 : i32
        %dma_start3A_565 = arith.constant 0 : i32
        %dma_start3A_566 = tpu.memref_slice %arg14[%dma_start3A_564, %dma_start3A_565] : memref<50176x32xf32, #tpu.memory_space<vmem_shared>> -> memref<50176x32xf32, #tpu.memory_space<vmem_shared>>
        tpu.enqueue_indirect_dma source(%dma_start3A_560 : memref<64x32xf32, #tpu.memory_space<vmem>>) target(%dma_start3A_566 : memref<50176x32xf32, #tpu.memory_space<vmem_shared>>) offsets(%dma_start3A_563 : memref<64xi32, #tpu.memory_space<vmem>>) semaphore(%arg18 : memref<!tpu.dma_semaphore, #tpu.memory_space<semaphore_mem>>) {add = true}
        %dma_start3A_567 = arith.constant 1 : i32
        %dma_start3A_568 = arith.constant 64 : i32
        %dma_start3A_569 = arith.constant 0 : i32
        %dma_start3A_570 = tpu.memref_slice %arg11[%dma_start3A_568, %dma_start3A_569] : memref<256x32xf32, #tpu.memory_space<vmem>> -> memref<64x32xf32, #tpu.memory_space<vmem>>
        %dma_start3A_571 = arith.constant 0 : i32
        %dma_start3A_572 = tpu.memref_slice %arg8[%dma_start3A_567, %dma_start3A_571] : memref<4x64xi32, #tpu.memory_space<vmem>> -> memref<1x64xi32, #tpu.memory_space<vmem>>
        %dma_start3A_573 = tpu.memref_squeeze %dma_start3A_572 : memref<1x64xi32, #tpu.memory_space<vmem>> -> memref<64xi32, #tpu.memory_space<vmem>>
        %dma_start3A_574 = arith.constant 0 : i32
        %dma_start3A_575 = arith.constant 0 : i32
        %dma_start3A_576 = tpu.memref_slice %arg14[%dma_start3A_574, %dma_start3A_575] : memref<50176x32xf32, #tpu.memory_space<vmem_shared>> -> memref<50176x32xf32, #tpu.memory_space<vmem_shared>>
        tpu.enqueue_indirect_dma source(%dma_start3A_570 : memref<64x32xf32, #tpu.memory_space<vmem>>) target(%dma_start3A_576 : memref<50176x32xf32, #tpu.memory_space<vmem_shared>>) offsets(%dma_start3A_573 : memref<64xi32, #tpu.memory_space<vmem>>) semaphore(%arg18 : memref<!tpu.dma_semaphore, #tpu.memory_space<semaphore_mem>>) {add = true}
        %dma_start3A_577 = arith.constant 2 : i32
        %dma_start3A_578 = arith.constant 128 : i32
        %dma_start3A_579 = arith.constant 0 : i32
        %dma_start3A_580 = tpu.memref_slice %arg11[%dma_start3A_578, %dma_start3A_579] : memref<256x32xf32, #tpu.memory_space<vmem>> -> memref<64x32xf32, #tpu.memory_space<vmem>>
        %dma_start3A_581 = arith.constant 0 : i32
        %dma_start3A_582 = tpu.memref_slice %arg8[%dma_start3A_577, %dma_start3A_581] : memref<4x64xi32, #tpu.memory_space<vmem>> -> memref<1x64xi32, #tpu.memory_space<vmem>>
        %dma_start3A_583 = tpu.memref_squeeze %dma_start3A_582 : memref<1x64xi32, #tpu.memory_space<vmem>> -> memref<64xi32, #tpu.memory_space<vmem>>
        %dma_start3A_584 = arith.constant 0 : i32
        %dma_start3A_585 = arith.constant 0 : i32
        %dma_start3A_586 = tpu.memref_slice %arg14[%dma_start3A_584, %dma_start3A_585] : memref<50176x32xf32, #tpu.memory_space<vmem_shared>> -> memref<50176x32xf32, #tpu.memory_space<vmem_shared>>
        tpu.enqueue_indirect_dma source(%dma_start3A_580 : memref<64x32xf32, #tpu.memory_space<vmem>>) target(%dma_start3A_586 : memref<50176x32xf32, #tpu.memory_space<vmem_shared>>) offsets(%dma_start3A_583 : memref<64xi32, #tpu.memory_space<vmem>>) semaphore(%arg18 : memref<!tpu.dma_semaphore, #tpu.memory_space<semaphore_mem>>) {add = true}
        %dma_start3A_587 = arith.constant 3 : i32
        %dma_start3A_588 = arith.constant 192 : i32
        %dma_start3A_589 = arith.constant 0 : i32
        %dma_start3A_590 = tpu.memref_slice %arg11[%dma_start3A_588, %dma_start3A_589] : memref<256x32xf32, #tpu.memory_space<vmem>> -> memref<64x32xf32, #tpu.memory_space<vmem>>
        %dma_start3A_591 = arith.constant 0 : i32
        %dma_start3A_592 = tpu.memref_slice %arg8[%dma_start3A_587, %dma_start3A_591] : memref<4x64xi32, #tpu.memory_space<vmem>> -> memref<1x64xi32, #tpu.memory_space<vmem>>
        %dma_start3A_593 = tpu.memref_squeeze %dma_start3A_592 : memref<1x64xi32, #tpu.memory_space<vmem>> -> memref<64xi32, #tpu.memory_space<vmem>>
        %dma_start3A_594 = arith.constant 0 : i32
        %dma_start3A_595 = arith.constant 0 : i32
        %dma_start3A_596 = tpu.memref_slice %arg14[%dma_start3A_594, %dma_start3A_595] : memref<50176x32xf32, #tpu.memory_space<vmem_shared>> -> memref<50176x32xf32, #tpu.memory_space<vmem_shared>>
        tpu.enqueue_indirect_dma source(%dma_start3A_590 : memref<64x32xf32, #tpu.memory_space<vmem>>) target(%dma_start3A_596 : memref<50176x32xf32, #tpu.memory_space<vmem_shared>>) offsets(%dma_start3A_593 : memref<64xi32, #tpu.memory_space<vmem>>) semaphore(%arg18 : memref<!tpu.dma_semaphore, #tpu.memory_space<semaphore_mem>>) {add = true}
      } else {
      }
      %add3A_431 = arith.constant 1 : i32
      %add3A_432 = arith.addi %add3A_412, %add3A_431 : i32
      %lt3A_433 = arith.constant 195 : i32
      %lt3A_434 = arith.cmpi slt, %add3A_432, %lt3A_433 : i32
      %convert_element_type3A_435 = arith.extui %lt3A_434 : i1 to i32
      %cond3A_436 = arith.constant 0 : i32
      %cond3A_437 = arith.cmpi ne, %convert_element_type3A_435, %cond3A_436 : i32
      scf.if %cond3A_437 {
        %add3A_501 = arith.constant 1 : i32
        %add3A_502 = arith.addi %add3A_412, %add3A_501 : i32
        %mul3A_503 = arith.constant 780 : i32
        %mul3A_504 = arith.muli %arg1, %mul3A_503 : i32
        %mul3A_505 = arith.constant 4 : i32
        %mul3A_506 = arith.muli %add3A_502, %mul3A_505 : i32
        %add3A_507 = arith.addi %mul3A_504, %mul3A_506 : i32
        %mul3A_508 = arith.constant 64 : i32
        %mul3A_509 = arith.muli %add3A_507, %mul3A_508 : i32
        %add3A_510 = arith.constant 0 : i32
        %add3A_511 = arith.addi %mul3A_509, %add3A_510 : i32
        %dma_wait3A_512 = arith.constant 0 : i32
        %dma_wait3A_513 = arith.constant 0 : i32
        %dma_wait3A_514 = arith.constant 0 : i32
        %dma_wait3A_515 = tpu.memref_slice %arg6[%dma_wait3A_513, %dma_wait3A_514] : memref<4x64xi32, #tpu.memory_space<vmem>> -> memref<1x64xi32, #tpu.memory_space<vmem>>
        %dma_wait3A_516 = tpu.memref_squeeze %dma_wait3A_515 : memref<1x64xi32, #tpu.memory_space<vmem>> -> memref<64xi32, #tpu.memory_space<vmem>>
        %dma_wait3A_517 = tpu.memref_slice %arg3[%dma_wait3A_512, %add3A_511] : memref<2x800000xi32, #tpu.memory_space<hbm>> -> memref<1x64xi32, #tpu.memory_space<hbm>>
        %dma_wait3A_518 = tpu.memref_squeeze %dma_wait3A_517 : memref<1x64xi32, #tpu.memory_space<hbm>> -> memref<64xi32, #tpu.memory_space<hbm>>
        %dma_wait3A_519 = arith.constant 0 : i32
        %dma_wait3A_520 = tpu.memref_slice %arg6[%dma_wait3A_513, %dma_wait3A_519] : memref<4x64xi32, #tpu.memory_space<vmem>> -> memref<1x64xi32, #tpu.memory_space<vmem>>
        %dma_wait3A_521 = tpu.memref_squeeze %dma_wait3A_520 : memref<1x64xi32, #tpu.memory_space<vmem>> -> memref<64xi32, #tpu.memory_space<vmem>>
        %dma_wait3A_522 = tpu.memref_slice %arg3[%dma_wait3A_512, %add3A_511] : memref<2x800000xi32, #tpu.memory_space<hbm>> -> memref<1x64xi32, #tpu.memory_space<hbm>>
        %dma_wait3A_523 = tpu.memref_squeeze %dma_wait3A_522 : memref<1x64xi32, #tpu.memory_space<hbm>> -> memref<64xi32, #tpu.memory_space<hbm>>
        tpu.wait_dma2 semaphore(%arg22 : memref<!tpu.dma_semaphore, #tpu.memory_space<semaphore_mem>>) src(%dma_wait3A_523 : memref<64xi32, #tpu.memory_space<hbm>>) dst(%dma_wait3A_521 : memref<64xi32, #tpu.memory_space<vmem>>)
        %add3A_524 = arith.constant 64 : i32
        %add3A_525 = arith.addi %mul3A_509, %add3A_524 : i32
        %dma_wait3A_526 = arith.constant 0 : i32
        %dma_wait3A_527 = arith.constant 1 : i32
        %dma_wait3A_528 = arith.constant 0 : i32
        %dma_wait3A_529 = tpu.memref_slice %arg6[%dma_wait3A_527, %dma_wait3A_528] : memref<4x64xi32, #tpu.memory_space<vmem>> -> memref<1x64xi32, #tpu.memory_space<vmem>>
        %dma_wait3A_530 = tpu.memref_squeeze %dma_wait3A_529 : memref<1x64xi32, #tpu.memory_space<vmem>> -> memref<64xi32, #tpu.memory_space<vmem>>
        %dma_wait3A_531 = tpu.memref_slice %arg3[%dma_wait3A_526, %add3A_525] : memref<2x800000xi32, #tpu.memory_space<hbm>> -> memref<1x64xi32, #tpu.memory_space<hbm>>
        %dma_wait3A_532 = tpu.memref_squeeze %dma_wait3A_531 : memref<1x64xi32, #tpu.memory_space<hbm>> -> memref<64xi32, #tpu.memory_space<hbm>>
        %dma_wait3A_533 = arith.constant 0 : i32
        %dma_wait3A_534 = tpu.memref_slice %arg6[%dma_wait3A_527, %dma_wait3A_533] : memref<4x64xi32, #tpu.memory_space<vmem>> -> memref<1x64xi32, #tpu.memory_space<vmem>>
        %dma_wait3A_535 = tpu.memref_squeeze %dma_wait3A_534 : memref<1x64xi32, #tpu.memory_space<vmem>> -> memref<64xi32, #tpu.memory_space<vmem>>
        %dma_wait3A_536 = tpu.memref_slice %arg3[%dma_wait3A_526, %add3A_525] : memref<2x800000xi32, #tpu.memory_space<hbm>> -> memref<1x64xi32, #tpu.memory_space<hbm>>
        %dma_wait3A_537 = tpu.memref_squeeze %dma_wait3A_536 : memref<1x64xi32, #tpu.memory_space<hbm>> -> memref<64xi32, #tpu.memory_space<hbm>>
        tpu.wait_dma2 semaphore(%arg22 : memref<!tpu.dma_semaphore, #tpu.memory_space<semaphore_mem>>) src(%dma_wait3A_537 : memref<64xi32, #tpu.memory_space<hbm>>) dst(%dma_wait3A_535 : memref<64xi32, #tpu.memory_space<vmem>>)
        %add3A_538 = arith.constant 128 : i32
        %add3A_539 = arith.addi %mul3A_509, %add3A_538 : i32
        %dma_wait3A_540 = arith.constant 0 : i32
        %dma_wait3A_541 = arith.constant 2 : i32
        %dma_wait3A_542 = arith.constant 0 : i32
        %dma_wait3A_543 = tpu.memref_slice %arg6[%dma_wait3A_541, %dma_wait3A_542] : memref<4x64xi32, #tpu.memory_space<vmem>> -> memref<1x64xi32, #tpu.memory_space<vmem>>
        %dma_wait3A_544 = tpu.memref_squeeze %dma_wait3A_543 : memref<1x64xi32, #tpu.memory_space<vmem>> -> memref<64xi32, #tpu.memory_space<vmem>>
        %dma_wait3A_545 = tpu.memref_slice %arg3[%dma_wait3A_540, %add3A_539] : memref<2x800000xi32, #tpu.memory_space<hbm>> -> memref<1x64xi32, #tpu.memory_space<hbm>>
        %dma_wait3A_546 = tpu.memref_squeeze %dma_wait3A_545 : memref<1x64xi32, #tpu.memory_space<hbm>> -> memref<64xi32, #tpu.memory_space<hbm>>
        %dma_wait3A_547 = arith.constant 0 : i32
        %dma_wait3A_548 = tpu.memref_slice %arg6[%dma_wait3A_541, %dma_wait3A_547] : memref<4x64xi32, #tpu.memory_space<vmem>> -> memref<1x64xi32, #tpu.memory_space<vmem>>
        %dma_wait3A_549 = tpu.memref_squeeze %dma_wait3A_548 : memref<1x64xi32, #tpu.memory_space<vmem>> -> memref<64xi32, #tpu.memory_space<vmem>>
        %dma_wait3A_550 = tpu.memref_slice %arg3[%dma_wait3A_540, %add3A_539] : memref<2x800000xi32, #tpu.memory_space<hbm>> -> memref<1x64xi32, #tpu.memory_space<hbm>>
        %dma_wait3A_551 = tpu.memref_squeeze %dma_wait3A_550 : memref<1x64xi32, #tpu.memory_space<hbm>> -> memref<64xi32, #tpu.memory_space<hbm>>
        tpu.wait_dma2 semaphore(%arg22 : memref<!tpu.dma_semaphore, #tpu.memory_space<semaphore_mem>>) src(%dma_wait3A_551 : memref<64xi32, #tpu.memory_space<hbm>>) dst(%dma_wait3A_549 : memref<64xi32, #tpu.memory_space<vmem>>)
        %add3A_552 = arith.constant 192 : i32
        %add3A_553 = arith.addi %mul3A_509, %add3A_552 : i32
        %dma_wait3A_554 = arith.constant 0 : i32
        %dma_wait3A_555 = arith.constant 3 : i32
        %dma_wait3A_556 = arith.constant 0 : i32
        %dma_wait3A_557 = tpu.memref_slice %arg6[%dma_wait3A_555, %dma_wait3A_556] : memref<4x64xi32, #tpu.memory_space<vmem>> -> memref<1x64xi32, #tpu.memory_space<vmem>>
        %dma_wait3A_558 = tpu.memref_squeeze %dma_wait3A_557 : memref<1x64xi32, #tpu.memory_space<vmem>> -> memref<64xi32, #tpu.memory_space<vmem>>
        %dma_wait3A_559 = tpu.memref_slice %arg3[%dma_wait3A_554, %add3A_553] : memref<2x800000xi32, #tpu.memory_space<hbm>> -> memref<1x64xi32, #tpu.memory_space<hbm>>
        %dma_wait3A_560 = tpu.memref_squeeze %dma_wait3A_559 : memref<1x64xi32, #tpu.memory_space<hbm>> -> memref<64xi32, #tpu.memory_space<hbm>>
        %dma_wait3A_561 = arith.constant 0 : i32
        %dma_wait3A_562 = tpu.memref_slice %arg6[%dma_wait3A_555, %dma_wait3A_561] : memref<4x64xi32, #tpu.memory_space<vmem>> -> memref<1x64xi32, #tpu.memory_space<vmem>>
        %dma_wait3A_563 = tpu.memref_squeeze %dma_wait3A_562 : memref<1x64xi32, #tpu.memory_space<vmem>> -> memref<64xi32, #tpu.memory_space<vmem>>
        %dma_wait3A_564 = tpu.memref_slice %arg3[%dma_wait3A_554, %add3A_553] : memref<2x800000xi32, #tpu.memory_space<hbm>> -> memref<1x64xi32, #tpu.memory_space<hbm>>
        %dma_wait3A_565 = tpu.memref_squeeze %dma_wait3A_564 : memref<1x64xi32, #tpu.memory_space<hbm>> -> memref<64xi32, #tpu.memory_space<hbm>>
        tpu.wait_dma2 semaphore(%arg22 : memref<!tpu.dma_semaphore, #tpu.memory_space<semaphore_mem>>) src(%dma_wait3A_565 : memref<64xi32, #tpu.memory_space<hbm>>) dst(%dma_wait3A_563 : memref<64xi32, #tpu.memory_space<vmem>>)
        %add3A_566 = arith.constant 0 : i32
        %add3A_567 = arith.addi %mul3A_509, %add3A_566 : i32
        %dma_wait3A_568 = arith.constant 1 : i32
        %dma_wait3A_569 = arith.constant 0 : i32
        %dma_wait3A_570 = arith.constant 0 : i32
        %dma_wait3A_571 = tpu.memref_slice %arg9[%dma_wait3A_569, %dma_wait3A_570] : memref<4x64xi32, #tpu.memory_space<vmem>> -> memref<1x64xi32, #tpu.memory_space<vmem>>
        %dma_wait3A_572 = tpu.memref_squeeze %dma_wait3A_571 : memref<1x64xi32, #tpu.memory_space<vmem>> -> memref<64xi32, #tpu.memory_space<vmem>>
        %dma_wait3A_573 = tpu.memref_slice %arg3[%dma_wait3A_568, %add3A_567] : memref<2x800000xi32, #tpu.memory_space<hbm>> -> memref<1x64xi32, #tpu.memory_space<hbm>>
        %dma_wait3A_574 = tpu.memref_squeeze %dma_wait3A_573 : memref<1x64xi32, #tpu.memory_space<hbm>> -> memref<64xi32, #tpu.memory_space<hbm>>
        %dma_wait3A_575 = arith.constant 0 : i32
        %dma_wait3A_576 = tpu.memref_slice %arg9[%dma_wait3A_569, %dma_wait3A_575] : memref<4x64xi32, #tpu.memory_space<vmem>> -> memref<1x64xi32, #tpu.memory_space<vmem>>
        %dma_wait3A_577 = tpu.memref_squeeze %dma_wait3A_576 : memref<1x64xi32, #tpu.memory_space<vmem>> -> memref<64xi32, #tpu.memory_space<vmem>>
        %dma_wait3A_578 = tpu.memref_slice %arg3[%dma_wait3A_568, %add3A_567] : memref<2x800000xi32, #tpu.memory_space<hbm>> -> memref<1x64xi32, #tpu.memory_space<hbm>>
        %dma_wait3A_579 = tpu.memref_squeeze %dma_wait3A_578 : memref<1x64xi32, #tpu.memory_space<hbm>> -> memref<64xi32, #tpu.memory_space<hbm>>
        tpu.wait_dma2 semaphore(%arg22 : memref<!tpu.dma_semaphore, #tpu.memory_space<semaphore_mem>>) src(%dma_wait3A_579 : memref<64xi32, #tpu.memory_space<hbm>>) dst(%dma_wait3A_577 : memref<64xi32, #tpu.memory_space<vmem>>)
        %add3A_580 = arith.constant 64 : i32
        %add3A_581 = arith.addi %mul3A_509, %add3A_580 : i32
        %dma_wait3A_582 = arith.constant 1 : i32
        %dma_wait3A_583 = arith.constant 1 : i32
        %dma_wait3A_584 = arith.constant 0 : i32
        %dma_wait3A_585 = tpu.memref_slice %arg9[%dma_wait3A_583, %dma_wait3A_584] : memref<4x64xi32, #tpu.memory_space<vmem>> -> memref<1x64xi32, #tpu.memory_space<vmem>>
        %dma_wait3A_586 = tpu.memref_squeeze %dma_wait3A_585 : memref<1x64xi32, #tpu.memory_space<vmem>> -> memref<64xi32, #tpu.memory_space<vmem>>
        %dma_wait3A_587 = tpu.memref_slice %arg3[%dma_wait3A_582, %add3A_581] : memref<2x800000xi32, #tpu.memory_space<hbm>> -> memref<1x64xi32, #tpu.memory_space<hbm>>
        %dma_wait3A_588 = tpu.memref_squeeze %dma_wait3A_587 : memref<1x64xi32, #tpu.memory_space<hbm>> -> memref<64xi32, #tpu.memory_space<hbm>>
        %dma_wait3A_589 = arith.constant 0 : i32
        %dma_wait3A_590 = tpu.memref_slice %arg9[%dma_wait3A_583, %dma_wait3A_589] : memref<4x64xi32, #tpu.memory_space<vmem>> -> memref<1x64xi32, #tpu.memory_space<vmem>>
        %dma_wait3A_591 = tpu.memref_squeeze %dma_wait3A_590 : memref<1x64xi32, #tpu.memory_space<vmem>> -> memref<64xi32, #tpu.memory_space<vmem>>
        %dma_wait3A_592 = tpu.memref_slice %arg3[%dma_wait3A_582, %add3A_581] : memref<2x800000xi32, #tpu.memory_space<hbm>> -> memref<1x64xi32, #tpu.memory_space<hbm>>
        %dma_wait3A_593 = tpu.memref_squeeze %dma_wait3A_592 : memref<1x64xi32, #tpu.memory_space<hbm>> -> memref<64xi32, #tpu.memory_space<hbm>>
        tpu.wait_dma2 semaphore(%arg22 : memref<!tpu.dma_semaphore, #tpu.memory_space<semaphore_mem>>) src(%dma_wait3A_593 : memref<64xi32, #tpu.memory_space<hbm>>) dst(%dma_wait3A_591 : memref<64xi32, #tpu.memory_space<vmem>>)
        %add3A_594 = arith.constant 128 : i32
        %add3A_595 = arith.addi %mul3A_509, %add3A_594 : i32
        %dma_wait3A_596 = arith.constant 1 : i32
        %dma_wait3A_597 = arith.constant 2 : i32
        %dma_wait3A_598 = arith.constant 0 : i32
        %dma_wait3A_599 = tpu.memref_slice %arg9[%dma_wait3A_597, %dma_wait3A_598] : memref<4x64xi32, #tpu.memory_space<vmem>> -> memref<1x64xi32, #tpu.memory_space<vmem>>
        %dma_wait3A_600 = tpu.memref_squeeze %dma_wait3A_599 : memref<1x64xi32, #tpu.memory_space<vmem>> -> memref<64xi32, #tpu.memory_space<vmem>>
        %dma_wait3A_601 = tpu.memref_slice %arg3[%dma_wait3A_596, %add3A_595] : memref<2x800000xi32, #tpu.memory_space<hbm>> -> memref<1x64xi32, #tpu.memory_space<hbm>>
        %dma_wait3A_602 = tpu.memref_squeeze %dma_wait3A_601 : memref<1x64xi32, #tpu.memory_space<hbm>> -> memref<64xi32, #tpu.memory_space<hbm>>
        %dma_wait3A_603 = arith.constant 0 : i32
        %dma_wait3A_604 = tpu.memref_slice %arg9[%dma_wait3A_597, %dma_wait3A_603] : memref<4x64xi32, #tpu.memory_space<vmem>> -> memref<1x64xi32, #tpu.memory_space<vmem>>
        %dma_wait3A_605 = tpu.memref_squeeze %dma_wait3A_604 : memref<1x64xi32, #tpu.memory_space<vmem>> -> memref<64xi32, #tpu.memory_space<vmem>>
        %dma_wait3A_606 = tpu.memref_slice %arg3[%dma_wait3A_596, %add3A_595] : memref<2x800000xi32, #tpu.memory_space<hbm>> -> memref<1x64xi32, #tpu.memory_space<hbm>>
        %dma_wait3A_607 = tpu.memref_squeeze %dma_wait3A_606 : memref<1x64xi32, #tpu.memory_space<hbm>> -> memref<64xi32, #tpu.memory_space<hbm>>
        tpu.wait_dma2 semaphore(%arg22 : memref<!tpu.dma_semaphore, #tpu.memory_space<semaphore_mem>>) src(%dma_wait3A_607 : memref<64xi32, #tpu.memory_space<hbm>>) dst(%dma_wait3A_605 : memref<64xi32, #tpu.memory_space<vmem>>)
        %add3A_608 = arith.constant 192 : i32
        %add3A_609 = arith.addi %mul3A_509, %add3A_608 : i32
        %dma_wait3A_610 = arith.constant 1 : i32
        %dma_wait3A_611 = arith.constant 3 : i32
        %dma_wait3A_612 = arith.constant 0 : i32
        %dma_wait3A_613 = tpu.memref_slice %arg9[%dma_wait3A_611, %dma_wait3A_612] : memref<4x64xi32, #tpu.memory_space<vmem>> -> memref<1x64xi32, #tpu.memory_space<vmem>>
        %dma_wait3A_614 = tpu.memref_squeeze %dma_wait3A_613 : memref<1x64xi32, #tpu.memory_space<vmem>> -> memref<64xi32, #tpu.memory_space<vmem>>
        %dma_wait3A_615 = tpu.memref_slice %arg3[%dma_wait3A_610, %add3A_609] : memref<2x800000xi32, #tpu.memory_space<hbm>> -> memref<1x64xi32, #tpu.memory_space<hbm>>
        %dma_wait3A_616 = tpu.memref_squeeze %dma_wait3A_615 : memref<1x64xi32, #tpu.memory_space<hbm>> -> memref<64xi32, #tpu.memory_space<hbm>>
        %dma_wait3A_617 = arith.constant 0 : i32
        %dma_wait3A_618 = tpu.memref_slice %arg9[%dma_wait3A_611, %dma_wait3A_617] : memref<4x64xi32, #tpu.memory_space<vmem>> -> memref<1x64xi32, #tpu.memory_space<vmem>>
        %dma_wait3A_619 = tpu.memref_squeeze %dma_wait3A_618 : memref<1x64xi32, #tpu.memory_space<vmem>> -> memref<64xi32, #tpu.memory_space<vmem>>
        %dma_wait3A_620 = tpu.memref_slice %arg3[%dma_wait3A_610, %add3A_609] : memref<2x800000xi32, #tpu.memory_space<hbm>> -> memref<1x64xi32, #tpu.memory_space<hbm>>
        %dma_wait3A_621 = tpu.memref_squeeze %dma_wait3A_620 : memref<1x64xi32, #tpu.memory_space<hbm>> -> memref<64xi32, #tpu.memory_space<hbm>>
        tpu.wait_dma2 semaphore(%arg22 : memref<!tpu.dma_semaphore, #tpu.memory_space<semaphore_mem>>) src(%dma_wait3A_621 : memref<64xi32, #tpu.memory_space<hbm>>) dst(%dma_wait3A_619 : memref<64xi32, #tpu.memory_space<vmem>>)
        %dma_start3A_622 = arith.constant 0 : i32
        %dma_start3A_623 = arith.constant 0 : i32
        %dma_start3A_624 = arith.constant 0 : i32
        %dma_start3A_625 = tpu.memref_slice %arg12[%dma_start3A_623, %dma_start3A_624] : memref<256x32xf32, #tpu.memory_space<vmem>> -> memref<64x32xf32, #tpu.memory_space<vmem>>
        %dma_start3A_626 = arith.constant 0 : i32
        %dma_start3A_627 = tpu.memref_slice %arg6[%dma_start3A_622, %dma_start3A_626] : memref<4x64xi32, #tpu.memory_space<vmem>> -> memref<1x64xi32, #tpu.memory_space<vmem>>
        %dma_start3A_628 = tpu.memref_squeeze %dma_start3A_627 : memref<1x64xi32, #tpu.memory_space<vmem>> -> memref<64xi32, #tpu.memory_space<vmem>>
        %dma_start3A_629 = arith.constant 0 : i32
        %dma_start3A_630 = arith.constant 0 : i32
        %dma_start3A_631 = tpu.memref_slice %arg2[%arg0, %dma_start3A_629, %dma_start3A_630] : memref<2x50000x32xf32, #tpu.memory_space<hbm>> -> memref<1x50000x32xf32, #tpu.memory_space<hbm>>
        %dma_start3A_632 = tpu.memref_squeeze %dma_start3A_631 : memref<1x50000x32xf32, #tpu.memory_space<hbm>> -> memref<50000x32xf32, #tpu.memory_space<hbm>>
        %dma_start3A_633 = arith.constant 0 : i32
        %dma_start3A_634 = arith.constant 0 : i32
        %dma_start3A_635 = tpu.memref_slice %dma_start3A_632[%dma_start3A_633, %dma_start3A_634] : memref<50000x32xf32, #tpu.memory_space<hbm>> -> memref<50000x32xf32, #tpu.memory_space<hbm>>
        tpu.enqueue_indirect_dma source(%dma_start3A_635 : memref<50000x32xf32, #tpu.memory_space<hbm>>) target(%dma_start3A_625 : memref<64x32xf32, #tpu.memory_space<vmem>>) offsets(%dma_start3A_628 : memref<64xi32, #tpu.memory_space<vmem>>) semaphore(%arg16 : memref<!tpu.dma_semaphore, #tpu.memory_space<semaphore_mem>>)
        %dma_start3A_636 = arith.constant 1 : i32
        %dma_start3A_637 = arith.constant 64 : i32
        %dma_start3A_638 = arith.constant 0 : i32
        %dma_start3A_639 = tpu.memref_slice %arg12[%dma_start3A_637, %dma_start3A_638] : memref<256x32xf32, #tpu.memory_space<vmem>> -> memref<64x32xf32, #tpu.memory_space<vmem>>
        %dma_start3A_640 = arith.constant 0 : i32
        %dma_start3A_641 = tpu.memref_slice %arg6[%dma_start3A_636, %dma_start3A_640] : memref<4x64xi32, #tpu.memory_space<vmem>> -> memref<1x64xi32, #tpu.memory_space<vmem>>
        %dma_start3A_642 = tpu.memref_squeeze %dma_start3A_641 : memref<1x64xi32, #tpu.memory_space<vmem>> -> memref<64xi32, #tpu.memory_space<vmem>>
        %dma_start3A_643 = arith.constant 0 : i32
        %dma_start3A_644 = arith.constant 0 : i32
        %dma_start3A_645 = tpu.memref_slice %arg2[%arg0, %dma_start3A_643, %dma_start3A_644] : memref<2x50000x32xf32, #tpu.memory_space<hbm>> -> memref<1x50000x32xf32, #tpu.memory_space<hbm>>
        %dma_start3A_646 = tpu.memref_squeeze %dma_start3A_645 : memref<1x50000x32xf32, #tpu.memory_space<hbm>> -> memref<50000x32xf32, #tpu.memory_space<hbm>>
        %dma_start3A_647 = arith.constant 0 : i32
        %dma_start3A_648 = arith.constant 0 : i32
        %dma_start3A_649 = tpu.memref_slice %dma_start3A_646[%dma_start3A_647, %dma_start3A_648] : memref<50000x32xf32, #tpu.memory_space<hbm>> -> memref<50000x32xf32, #tpu.memory_space<hbm>>
        tpu.enqueue_indirect_dma source(%dma_start3A_649 : memref<50000x32xf32, #tpu.memory_space<hbm>>) target(%dma_start3A_639 : memref<64x32xf32, #tpu.memory_space<vmem>>) offsets(%dma_start3A_642 : memref<64xi32, #tpu.memory_space<vmem>>) semaphore(%arg16 : memref<!tpu.dma_semaphore, #tpu.memory_space<semaphore_mem>>)
        %dma_start3A_650 = arith.constant 2 : i32
        %dma_start3A_651 = arith.constant 128 : i32
        %dma_start3A_652 = arith.constant 0 : i32
        %dma_start3A_653 = tpu.memref_slice %arg12[%dma_start3A_651, %dma_start3A_652] : memref<256x32xf32, #tpu.memory_space<vmem>> -> memref<64x32xf32, #tpu.memory_space<vmem>>
        %dma_start3A_654 = arith.constant 0 : i32
        %dma_start3A_655 = tpu.memref_slice %arg6[%dma_start3A_650, %dma_start3A_654] : memref<4x64xi32, #tpu.memory_space<vmem>> -> memref<1x64xi32, #tpu.memory_space<vmem>>
        %dma_start3A_656 = tpu.memref_squeeze %dma_start3A_655 : memref<1x64xi32, #tpu.memory_space<vmem>> -> memref<64xi32, #tpu.memory_space<vmem>>
        %dma_start3A_657 = arith.constant 0 : i32
        %dma_start3A_658 = arith.constant 0 : i32
        %dma_start3A_659 = tpu.memref_slice %arg2[%arg0, %dma_start3A_657, %dma_start3A_658] : memref<2x50000x32xf32, #tpu.memory_space<hbm>> -> memref<1x50000x32xf32, #tpu.memory_space<hbm>>
        %dma_start3A_660 = tpu.memref_squeeze %dma_start3A_659 : memref<1x50000x32xf32, #tpu.memory_space<hbm>> -> memref<50000x32xf32, #tpu.memory_space<hbm>>
        %dma_start3A_661 = arith.constant 0 : i32
        %dma_start3A_662 = arith.constant 0 : i32
        %dma_start3A_663 = tpu.memref_slice %dma_start3A_660[%dma_start3A_661, %dma_start3A_662] : memref<50000x32xf32, #tpu.memory_space<hbm>> -> memref<50000x32xf32, #tpu.memory_space<hbm>>
        tpu.enqueue_indirect_dma source(%dma_start3A_663 : memref<50000x32xf32, #tpu.memory_space<hbm>>) target(%dma_start3A_653 : memref<64x32xf32, #tpu.memory_space<vmem>>) offsets(%dma_start3A_656 : memref<64xi32, #tpu.memory_space<vmem>>) semaphore(%arg16 : memref<!tpu.dma_semaphore, #tpu.memory_space<semaphore_mem>>)
        %dma_start3A_664 = arith.constant 3 : i32
        %dma_start3A_665 = arith.constant 192 : i32
        %dma_start3A_666 = arith.constant 0 : i32
        %dma_start3A_667 = tpu.memref_slice %arg12[%dma_start3A_665, %dma_start3A_666] : memref<256x32xf32, #tpu.memory_space<vmem>> -> memref<64x32xf32, #tpu.memory_space<vmem>>
        %dma_start3A_668 = arith.constant 0 : i32
        %dma_start3A_669 = tpu.memref_slice %arg6[%dma_start3A_664, %dma_start3A_668] : memref<4x64xi32, #tpu.memory_space<vmem>> -> memref<1x64xi32, #tpu.memory_space<vmem>>
        %dma_start3A_670 = tpu.memref_squeeze %dma_start3A_669 : memref<1x64xi32, #tpu.memory_space<vmem>> -> memref<64xi32, #tpu.memory_space<vmem>>
        %dma_start3A_671 = arith.constant 0 : i32
        %dma_start3A_672 = arith.constant 0 : i32
        %dma_start3A_673 = tpu.memref_slice %arg2[%arg0, %dma_start3A_671, %dma_start3A_672] : memref<2x50000x32xf32, #tpu.memory_space<hbm>> -> memref<1x50000x32xf32, #tpu.memory_space<hbm>>
        %dma_start3A_674 = tpu.memref_squeeze %dma_start3A_673 : memref<1x50000x32xf32, #tpu.memory_space<hbm>> -> memref<50000x32xf32, #tpu.memory_space<hbm>>
        %dma_start3A_675 = arith.constant 0 : i32
        %dma_start3A_676 = arith.constant 0 : i32
        %dma_start3A_677 = tpu.memref_slice %dma_start3A_674[%dma_start3A_675, %dma_start3A_676] : memref<50000x32xf32, #tpu.memory_space<hbm>> -> memref<50000x32xf32, #tpu.memory_space<hbm>>
        tpu.enqueue_indirect_dma source(%dma_start3A_677 : memref<50000x32xf32, #tpu.memory_space<hbm>>) target(%dma_start3A_667 : memref<64x32xf32, #tpu.memory_space<vmem>>) offsets(%dma_start3A_670 : memref<64xi32, #tpu.memory_space<vmem>>) semaphore(%arg16 : memref<!tpu.dma_semaphore, #tpu.memory_space<semaphore_mem>>)
      } else {
      }
      %mul3A_438 = arith.constant 3 : i32
      %mul3A_439 = arith.muli %mul3A_438, %scan3A_407 : i32
      %add3A_440 = arith.constant 1 : i32
      %add3A_441 = arith.addi %mul3A_439, %add3A_440 : i32
      %ge3A_442 = arith.constant 2 : i32
      %ge3A_443 = arith.cmpi sge, %add3A_441, %ge3A_442 : i32
      %le3A_444 = arith.constant 196 : i32
      %le3A_445 = arith.cmpi sle, %add3A_441, %le3A_444 : i32
      %and3A_446 = arith.andi %ge3A_443, %le3A_445 : i1
      %convert_element_type3A_447 = arith.extui %and3A_446 : i1 to i32
      %cond3A_448 = arith.constant 0 : i32
      %cond3A_449 = arith.cmpi ne, %convert_element_type3A_447, %cond3A_448 : i32
      scf.if %cond3A_449 {
        %dma_wait3A_501 = arith.constant 0 : i32
        %dma_wait3A_502 = arith.constant 0 : i32
        %dma_wait3A_503 = arith.constant 0 : i32
        %dma_wait3A_504 = tpu.memref_slice %arg13[%dma_wait3A_502, %dma_wait3A_503] : memref<256x32xf32, #tpu.memory_space<vmem>> -> memref<64x32xf32, #tpu.memory_space<vmem>>
        %dma_wait3A_505 = arith.constant 0 : i32
        %dma_wait3A_506 = tpu.memref_slice %arg10[%dma_wait3A_501, %dma_wait3A_505] : memref<4x64xi32, #tpu.memory_space<vmem>> -> memref<1x64xi32, #tpu.memory_space<vmem>>
        %dma_wait3A_507 = tpu.memref_squeeze %dma_wait3A_506 : memref<1x64xi32, #tpu.memory_space<vmem>> -> memref<64xi32, #tpu.memory_space<vmem>>
        %dma_wait3A_508 = arith.constant 0 : i32
        %dma_wait3A_509 = arith.constant 0 : i32
        %dma_wait3A_510 = tpu.memref_slice %arg14[%dma_wait3A_508, %dma_wait3A_509] : memref<50176x32xf32, #tpu.memory_space<vmem_shared>> -> memref<50176x32xf32, #tpu.memory_space<vmem_shared>>
        tpu.wait_indirect_dma semaphore(%arg20 : memref<!tpu.dma_semaphore, #tpu.memory_space<semaphore_mem>>) src(%dma_wait3A_504 : memref<64x32xf32, #tpu.memory_space<vmem>>) dst(%dma_wait3A_510 : memref<50176x32xf32, #tpu.memory_space<vmem_shared>>)
        %dma_wait3A_511 = arith.constant 1 : i32
        %dma_wait3A_512 = arith.constant 64 : i32
        %dma_wait3A_513 = arith.constant 0 : i32
        %dma_wait3A_514 = tpu.memref_slice %arg13[%dma_wait3A_512, %dma_wait3A_513] : memref<256x32xf32, #tpu.memory_space<vmem>> -> memref<64x32xf32, #tpu.memory_space<vmem>>
        %dma_wait3A_515 = arith.constant 0 : i32
        %dma_wait3A_516 = tpu.memref_slice %arg10[%dma_wait3A_511, %dma_wait3A_515] : memref<4x64xi32, #tpu.memory_space<vmem>> -> memref<1x64xi32, #tpu.memory_space<vmem>>
        %dma_wait3A_517 = tpu.memref_squeeze %dma_wait3A_516 : memref<1x64xi32, #tpu.memory_space<vmem>> -> memref<64xi32, #tpu.memory_space<vmem>>
        %dma_wait3A_518 = arith.constant 0 : i32
        %dma_wait3A_519 = arith.constant 0 : i32
        %dma_wait3A_520 = tpu.memref_slice %arg14[%dma_wait3A_518, %dma_wait3A_519] : memref<50176x32xf32, #tpu.memory_space<vmem_shared>> -> memref<50176x32xf32, #tpu.memory_space<vmem_shared>>
        tpu.wait_indirect_dma semaphore(%arg20 : memref<!tpu.dma_semaphore, #tpu.memory_space<semaphore_mem>>) src(%dma_wait3A_514 : memref<64x32xf32, #tpu.memory_space<vmem>>) dst(%dma_wait3A_520 : memref<50176x32xf32, #tpu.memory_space<vmem_shared>>)
        %dma_wait3A_521 = arith.constant 2 : i32
        %dma_wait3A_522 = arith.constant 128 : i32
        %dma_wait3A_523 = arith.constant 0 : i32
        %dma_wait3A_524 = tpu.memref_slice %arg13[%dma_wait3A_522, %dma_wait3A_523] : memref<256x32xf32, #tpu.memory_space<vmem>> -> memref<64x32xf32, #tpu.memory_space<vmem>>
        %dma_wait3A_525 = arith.constant 0 : i32
        %dma_wait3A_526 = tpu.memref_slice %arg10[%dma_wait3A_521, %dma_wait3A_525] : memref<4x64xi32, #tpu.memory_space<vmem>> -> memref<1x64xi32, #tpu.memory_space<vmem>>
        %dma_wait3A_527 = tpu.memref_squeeze %dma_wait3A_526 : memref<1x64xi32, #tpu.memory_space<vmem>> -> memref<64xi32, #tpu.memory_space<vmem>>
        %dma_wait3A_528 = arith.constant 0 : i32
        %dma_wait3A_529 = arith.constant 0 : i32
        %dma_wait3A_530 = tpu.memref_slice %arg14[%dma_wait3A_528, %dma_wait3A_529] : memref<50176x32xf32, #tpu.memory_space<vmem_shared>> -> memref<50176x32xf32, #tpu.memory_space<vmem_shared>>
        tpu.wait_indirect_dma semaphore(%arg20 : memref<!tpu.dma_semaphore, #tpu.memory_space<semaphore_mem>>) src(%dma_wait3A_524 : memref<64x32xf32, #tpu.memory_space<vmem>>) dst(%dma_wait3A_530 : memref<50176x32xf32, #tpu.memory_space<vmem_shared>>)
        %dma_wait3A_531 = arith.constant 3 : i32
        %dma_wait3A_532 = arith.constant 192 : i32
        %dma_wait3A_533 = arith.constant 0 : i32
        %dma_wait3A_534 = tpu.memref_slice %arg13[%dma_wait3A_532, %dma_wait3A_533] : memref<256x32xf32, #tpu.memory_space<vmem>> -> memref<64x32xf32, #tpu.memory_space<vmem>>
        %dma_wait3A_535 = arith.constant 0 : i32
        %dma_wait3A_536 = tpu.memref_slice %arg10[%dma_wait3A_531, %dma_wait3A_535] : memref<4x64xi32, #tpu.memory_space<vmem>> -> memref<1x64xi32, #tpu.memory_space<vmem>>
        %dma_wait3A_537 = tpu.memref_squeeze %dma_wait3A_536 : memref<1x64xi32, #tpu.memory_space<vmem>> -> memref<64xi32, #tpu.memory_space<vmem>>
        %dma_wait3A_538 = arith.constant 0 : i32
        %dma_wait3A_539 = arith.constant 0 : i32
        %dma_wait3A_540 = tpu.memref_slice %arg14[%dma_wait3A_538, %dma_wait3A_539] : memref<50176x32xf32, #tpu.memory_space<vmem_shared>> -> memref<50176x32xf32, #tpu.memory_space<vmem_shared>>
        tpu.wait_indirect_dma semaphore(%arg20 : memref<!tpu.dma_semaphore, #tpu.memory_space<semaphore_mem>>) src(%dma_wait3A_534 : memref<64x32xf32, #tpu.memory_space<vmem>>) dst(%dma_wait3A_540 : memref<50176x32xf32, #tpu.memory_space<vmem_shared>>)
      } else {
      }
      %add3A_450 = arith.constant 1 : i32
      %add3A_451 = arith.addi %add3A_441, %add3A_450 : i32
      %lt3A_452 = arith.constant 195 : i32
      %lt3A_453 = arith.cmpi slt, %add3A_451, %lt3A_452 : i32
      %convert_element_type3A_454 = arith.extui %lt3A_453 : i1 to i32
      %cond3A_455 = arith.constant 0 : i32
      %cond3A_456 = arith.cmpi ne, %convert_element_type3A_454, %cond3A_455 : i32
      scf.if %cond3A_456 {
        %add3A_501 = arith.constant 1 : i32
        %add3A_502 = arith.addi %add3A_441, %add3A_501 : i32
        %mul3A_503 = arith.constant 780 : i32
        %mul3A_504 = arith.muli %arg1, %mul3A_503 : i32
        %mul3A_505 = arith.constant 4 : i32
        %mul3A_506 = arith.muli %add3A_502, %mul3A_505 : i32
        %add3A_507 = arith.addi %mul3A_504, %mul3A_506 : i32
        %mul3A_508 = arith.constant 64 : i32
        %mul3A_509 = arith.muli %add3A_507, %mul3A_508 : i32
        %add3A_510 = arith.constant 0 : i32
        %add3A_511 = arith.addi %mul3A_509, %add3A_510 : i32
        %dma_start3A_512 = arith.constant 0 : i32
        %dma_start3A_513 = arith.constant 0 : i32
        %dma_start3A_514 = arith.constant 0 : i32
        %dma_start3A_515 = tpu.memref_slice %arg7[%dma_start3A_513, %dma_start3A_514] : memref<4x64xi32, #tpu.memory_space<vmem>> -> memref<1x64xi32, #tpu.memory_space<vmem>>
        %dma_start3A_516 = tpu.memref_squeeze %dma_start3A_515 : memref<1x64xi32, #tpu.memory_space<vmem>> -> memref<64xi32, #tpu.memory_space<vmem>>
        %dma_start3A_517 = tpu.memref_slice %arg3[%dma_start3A_512, %add3A_511] : memref<2x800000xi32, #tpu.memory_space<hbm>> -> memref<1x64xi32, #tpu.memory_space<hbm>>
        %dma_start3A_518 = tpu.memref_squeeze %dma_start3A_517 : memref<1x64xi32, #tpu.memory_space<hbm>> -> memref<64xi32, #tpu.memory_space<hbm>>
        %dma_start3A_519 = arith.constant 0 : i32
        %dma_start3A_520 = tpu.memref_slice %arg7[%dma_start3A_513, %dma_start3A_519] : memref<4x64xi32, #tpu.memory_space<vmem>> -> memref<1x64xi32, #tpu.memory_space<vmem>>
        %dma_start3A_521 = tpu.memref_squeeze %dma_start3A_520 : memref<1x64xi32, #tpu.memory_space<vmem>> -> memref<64xi32, #tpu.memory_space<vmem>>
        %dma_start3A_522 = tpu.memref_slice %arg3[%dma_start3A_512, %add3A_511] : memref<2x800000xi32, #tpu.memory_space<hbm>> -> memref<1x64xi32, #tpu.memory_space<hbm>>
        %dma_start3A_523 = tpu.memref_squeeze %dma_start3A_522 : memref<1x64xi32, #tpu.memory_space<hbm>> -> memref<64xi32, #tpu.memory_space<hbm>>
        tpu.enqueue_dma source(%dma_start3A_523 : memref<64xi32, #tpu.memory_space<hbm>>) target(%dma_start3A_521 : memref<64xi32, #tpu.memory_space<vmem>>) target_semaphore(%arg23 : memref<!tpu.dma_semaphore, #tpu.memory_space<semaphore_mem>>)
        %add3A_524 = arith.constant 64 : i32
        %add3A_525 = arith.addi %mul3A_509, %add3A_524 : i32
        %dma_start3A_526 = arith.constant 0 : i32
        %dma_start3A_527 = arith.constant 1 : i32
        %dma_start3A_528 = arith.constant 0 : i32
        %dma_start3A_529 = tpu.memref_slice %arg7[%dma_start3A_527, %dma_start3A_528] : memref<4x64xi32, #tpu.memory_space<vmem>> -> memref<1x64xi32, #tpu.memory_space<vmem>>
        %dma_start3A_530 = tpu.memref_squeeze %dma_start3A_529 : memref<1x64xi32, #tpu.memory_space<vmem>> -> memref<64xi32, #tpu.memory_space<vmem>>
        %dma_start3A_531 = tpu.memref_slice %arg3[%dma_start3A_526, %add3A_525] : memref<2x800000xi32, #tpu.memory_space<hbm>> -> memref<1x64xi32, #tpu.memory_space<hbm>>
        %dma_start3A_532 = tpu.memref_squeeze %dma_start3A_531 : memref<1x64xi32, #tpu.memory_space<hbm>> -> memref<64xi32, #tpu.memory_space<hbm>>
        %dma_start3A_533 = arith.constant 0 : i32
        %dma_start3A_534 = tpu.memref_slice %arg7[%dma_start3A_527, %dma_start3A_533] : memref<4x64xi32, #tpu.memory_space<vmem>> -> memref<1x64xi32, #tpu.memory_space<vmem>>
        %dma_start3A_535 = tpu.memref_squeeze %dma_start3A_534 : memref<1x64xi32, #tpu.memory_space<vmem>> -> memref<64xi32, #tpu.memory_space<vmem>>
        %dma_start3A_536 = tpu.memref_slice %arg3[%dma_start3A_526, %add3A_525] : memref<2x800000xi32, #tpu.memory_space<hbm>> -> memref<1x64xi32, #tpu.memory_space<hbm>>
        %dma_start3A_537 = tpu.memref_squeeze %dma_start3A_536 : memref<1x64xi32, #tpu.memory_space<hbm>> -> memref<64xi32, #tpu.memory_space<hbm>>
        tpu.enqueue_dma source(%dma_start3A_537 : memref<64xi32, #tpu.memory_space<hbm>>) target(%dma_start3A_535 : memref<64xi32, #tpu.memory_space<vmem>>) target_semaphore(%arg23 : memref<!tpu.dma_semaphore, #tpu.memory_space<semaphore_mem>>)
        %add3A_538 = arith.constant 128 : i32
        %add3A_539 = arith.addi %mul3A_509, %add3A_538 : i32
        %dma_start3A_540 = arith.constant 0 : i32
        %dma_start3A_541 = arith.constant 2 : i32
        %dma_start3A_542 = arith.constant 0 : i32
        %dma_start3A_543 = tpu.memref_slice %arg7[%dma_start3A_541, %dma_start3A_542] : memref<4x64xi32, #tpu.memory_space<vmem>> -> memref<1x64xi32, #tpu.memory_space<vmem>>
        %dma_start3A_544 = tpu.memref_squeeze %dma_start3A_543 : memref<1x64xi32, #tpu.memory_space<vmem>> -> memref<64xi32, #tpu.memory_space<vmem>>
        %dma_start3A_545 = tpu.memref_slice %arg3[%dma_start3A_540, %add3A_539] : memref<2x800000xi32, #tpu.memory_space<hbm>> -> memref<1x64xi32, #tpu.memory_space<hbm>>
        %dma_start3A_546 = tpu.memref_squeeze %dma_start3A_545 : memref<1x64xi32, #tpu.memory_space<hbm>> -> memref<64xi32, #tpu.memory_space<hbm>>
        %dma_start3A_547 = arith.constant 0 : i32
        %dma_start3A_548 = tpu.memref_slice %arg7[%dma_start3A_541, %dma_start3A_547] : memref<4x64xi32, #tpu.memory_space<vmem>> -> memref<1x64xi32, #tpu.memory_space<vmem>>
        %dma_start3A_549 = tpu.memref_squeeze %dma_start3A_548 : memref<1x64xi32, #tpu.memory_space<vmem>> -> memref<64xi32, #tpu.memory_space<vmem>>
        %dma_start3A_550 = tpu.memref_slice %arg3[%dma_start3A_540, %add3A_539] : memref<2x800000xi32, #tpu.memory_space<hbm>> -> memref<1x64xi32, #tpu.memory_space<hbm>>
        %dma_start3A_551 = tpu.memref_squeeze %dma_start3A_550 : memref<1x64xi32, #tpu.memory_space<hbm>> -> memref<64xi32, #tpu.memory_space<hbm>>
        tpu.enqueue_dma source(%dma_start3A_551 : memref<64xi32, #tpu.memory_space<hbm>>) target(%dma_start3A_549 : memref<64xi32, #tpu.memory_space<vmem>>) target_semaphore(%arg23 : memref<!tpu.dma_semaphore, #tpu.memory_space<semaphore_mem>>)
        %add3A_552 = arith.constant 192 : i32
        %add3A_553 = arith.addi %mul3A_509, %add3A_552 : i32
        %dma_start3A_554 = arith.constant 0 : i32
        %dma_start3A_555 = arith.constant 3 : i32
        %dma_start3A_556 = arith.constant 0 : i32
        %dma_start3A_557 = tpu.memref_slice %arg7[%dma_start3A_555, %dma_start3A_556] : memref<4x64xi32, #tpu.memory_space<vmem>> -> memref<1x64xi32, #tpu.memory_space<vmem>>
        %dma_start3A_558 = tpu.memref_squeeze %dma_start3A_557 : memref<1x64xi32, #tpu.memory_space<vmem>> -> memref<64xi32, #tpu.memory_space<vmem>>
        %dma_start3A_559 = tpu.memref_slice %arg3[%dma_start3A_554, %add3A_553] : memref<2x800000xi32, #tpu.memory_space<hbm>> -> memref<1x64xi32, #tpu.memory_space<hbm>>
        %dma_start3A_560 = tpu.memref_squeeze %dma_start3A_559 : memref<1x64xi32, #tpu.memory_space<hbm>> -> memref<64xi32, #tpu.memory_space<hbm>>
        %dma_start3A_561 = arith.constant 0 : i32
        %dma_start3A_562 = tpu.memref_slice %arg7[%dma_start3A_555, %dma_start3A_561] : memref<4x64xi32, #tpu.memory_space<vmem>> -> memref<1x64xi32, #tpu.memory_space<vmem>>
        %dma_start3A_563 = tpu.memref_squeeze %dma_start3A_562 : memref<1x64xi32, #tpu.memory_space<vmem>> -> memref<64xi32, #tpu.memory_space<vmem>>
        %dma_start3A_564 = tpu.memref_slice %arg3[%dma_start3A_554, %add3A_553] : memref<2x800000xi32, #tpu.memory_space<hbm>> -> memref<1x64xi32, #tpu.memory_space<hbm>>
        %dma_start3A_565 = tpu.memref_squeeze %dma_start3A_564 : memref<1x64xi32, #tpu.memory_space<hbm>> -> memref<64xi32, #tpu.memory_space<hbm>>
        tpu.enqueue_dma source(%dma_start3A_565 : memref<64xi32, #tpu.memory_space<hbm>>) target(%dma_start3A_563 : memref<64xi32, #tpu.memory_space<vmem>>) target_semaphore(%arg23 : memref<!tpu.dma_semaphore, #tpu.memory_space<semaphore_mem>>)
        %add3A_566 = arith.constant 0 : i32
        %add3A_567 = arith.addi %mul3A_509, %add3A_566 : i32
        %dma_start3A_568 = arith.constant 1 : i32
        %dma_start3A_569 = arith.constant 0 : i32
        %dma_start3A_570 = arith.constant 0 : i32
        %dma_start3A_571 = tpu.memref_slice %arg10[%dma_start3A_569, %dma_start3A_570] : memref<4x64xi32, #tpu.memory_space<vmem>> -> memref<1x64xi32, #tpu.memory_space<vmem>>
        %dma_start3A_572 = tpu.memref_squeeze %dma_start3A_571 : memref<1x64xi32, #tpu.memory_space<vmem>> -> memref<64xi32, #tpu.memory_space<vmem>>
        %dma_start3A_573 = tpu.memref_slice %arg3[%dma_start3A_568, %add3A_567] : memref<2x800000xi32, #tpu.memory_space<hbm>> -> memref<1x64xi32, #tpu.memory_space<hbm>>
        %dma_start3A_574 = tpu.memref_squeeze %dma_start3A_573 : memref<1x64xi32, #tpu.memory_space<hbm>> -> memref<64xi32, #tpu.memory_space<hbm>>
        %dma_start3A_575 = arith.constant 0 : i32
        %dma_start3A_576 = tpu.memref_slice %arg10[%dma_start3A_569, %dma_start3A_575] : memref<4x64xi32, #tpu.memory_space<vmem>> -> memref<1x64xi32, #tpu.memory_space<vmem>>
        %dma_start3A_577 = tpu.memref_squeeze %dma_start3A_576 : memref<1x64xi32, #tpu.memory_space<vmem>> -> memref<64xi32, #tpu.memory_space<vmem>>
        %dma_start3A_578 = tpu.memref_slice %arg3[%dma_start3A_568, %add3A_567] : memref<2x800000xi32, #tpu.memory_space<hbm>> -> memref<1x64xi32, #tpu.memory_space<hbm>>
        %dma_start3A_579 = tpu.memref_squeeze %dma_start3A_578 : memref<1x64xi32, #tpu.memory_space<hbm>> -> memref<64xi32, #tpu.memory_space<hbm>>
        tpu.enqueue_dma source(%dma_start3A_579 : memref<64xi32, #tpu.memory_space<hbm>>) target(%dma_start3A_577 : memref<64xi32, #tpu.memory_space<vmem>>) target_semaphore(%arg23 : memref<!tpu.dma_semaphore, #tpu.memory_space<semaphore_mem>>)
        %add3A_580 = arith.constant 64 : i32
        %add3A_581 = arith.addi %mul3A_509, %add3A_580 : i32
        %dma_start3A_582 = arith.constant 1 : i32
        %dma_start3A_583 = arith.constant 1 : i32
        %dma_start3A_584 = arith.constant 0 : i32
        %dma_start3A_585 = tpu.memref_slice %arg10[%dma_start3A_583, %dma_start3A_584] : memref<4x64xi32, #tpu.memory_space<vmem>> -> memref<1x64xi32, #tpu.memory_space<vmem>>
        %dma_start3A_586 = tpu.memref_squeeze %dma_start3A_585 : memref<1x64xi32, #tpu.memory_space<vmem>> -> memref<64xi32, #tpu.memory_space<vmem>>
        %dma_start3A_587 = tpu.memref_slice %arg3[%dma_start3A_582, %add3A_581] : memref<2x800000xi32, #tpu.memory_space<hbm>> -> memref<1x64xi32, #tpu.memory_space<hbm>>
        %dma_start3A_588 = tpu.memref_squeeze %dma_start3A_587 : memref<1x64xi32, #tpu.memory_space<hbm>> -> memref<64xi32, #tpu.memory_space<hbm>>
        %dma_start3A_589 = arith.constant 0 : i32
        %dma_start3A_590 = tpu.memref_slice %arg10[%dma_start3A_583, %dma_start3A_589] : memref<4x64xi32, #tpu.memory_space<vmem>> -> memref<1x64xi32, #tpu.memory_space<vmem>>
        %dma_start3A_591 = tpu.memref_squeeze %dma_start3A_590 : memref<1x64xi32, #tpu.memory_space<vmem>> -> memref<64xi32, #tpu.memory_space<vmem>>
        %dma_start3A_592 = tpu.memref_slice %arg3[%dma_start3A_582, %add3A_581] : memref<2x800000xi32, #tpu.memory_space<hbm>> -> memref<1x64xi32, #tpu.memory_space<hbm>>
        %dma_start3A_593 = tpu.memref_squeeze %dma_start3A_592 : memref<1x64xi32, #tpu.memory_space<hbm>> -> memref<64xi32, #tpu.memory_space<hbm>>
        tpu.enqueue_dma source(%dma_start3A_593 : memref<64xi32, #tpu.memory_space<hbm>>) target(%dma_start3A_591 : memref<64xi32, #tpu.memory_space<vmem>>) target_semaphore(%arg23 : memref<!tpu.dma_semaphore, #tpu.memory_space<semaphore_mem>>)
        %add3A_594 = arith.constant 128 : i32
        %add3A_595 = arith.addi %mul3A_509, %add3A_594 : i32
        %dma_start3A_596 = arith.constant 1 : i32
        %dma_start3A_597 = arith.constant 2 : i32
        %dma_start3A_598 = arith.constant 0 : i32
        %dma_start3A_599 = tpu.memref_slice %arg10[%dma_start3A_597, %dma_start3A_598] : memref<4x64xi32, #tpu.memory_space<vmem>> -> memref<1x64xi32, #tpu.memory_space<vmem>>
        %dma_start3A_600 = tpu.memref_squeeze %dma_start3A_599 : memref<1x64xi32, #tpu.memory_space<vmem>> -> memref<64xi32, #tpu.memory_space<vmem>>
        %dma_start3A_601 = tpu.memref_slice %arg3[%dma_start3A_596, %add3A_595] : memref<2x800000xi32, #tpu.memory_space<hbm>> -> memref<1x64xi32, #tpu.memory_space<hbm>>
        %dma_start3A_602 = tpu.memref_squeeze %dma_start3A_601 : memref<1x64xi32, #tpu.memory_space<hbm>> -> memref<64xi32, #tpu.memory_space<hbm>>
        %dma_start3A_603 = arith.constant 0 : i32
        %dma_start3A_604 = tpu.memref_slice %arg10[%dma_start3A_597, %dma_start3A_603] : memref<4x64xi32, #tpu.memory_space<vmem>> -> memref<1x64xi32, #tpu.memory_space<vmem>>
        %dma_start3A_605 = tpu.memref_squeeze %dma_start3A_604 : memref<1x64xi32, #tpu.memory_space<vmem>> -> memref<64xi32, #tpu.memory_space<vmem>>
        %dma_start3A_606 = tpu.memref_slice %arg3[%dma_start3A_596, %add3A_595] : memref<2x800000xi32, #tpu.memory_space<hbm>> -> memref<1x64xi32, #tpu.memory_space<hbm>>
        %dma_start3A_607 = tpu.memref_squeeze %dma_start3A_606 : memref<1x64xi32, #tpu.memory_space<hbm>> -> memref<64xi32, #tpu.memory_space<hbm>>
        tpu.enqueue_dma source(%dma_start3A_607 : memref<64xi32, #tpu.memory_space<hbm>>) target(%dma_start3A_605 : memref<64xi32, #tpu.memory_space<vmem>>) target_semaphore(%arg23 : memref<!tpu.dma_semaphore, #tpu.memory_space<semaphore_mem>>)
        %add3A_608 = arith.constant 192 : i32
        %add3A_609 = arith.addi %mul3A_509, %add3A_608 : i32
        %dma_start3A_610 = arith.constant 1 : i32
        %dma_start3A_611 = arith.constant 3 : i32
        %dma_start3A_612 = arith.constant 0 : i32
        %dma_start3A_613 = tpu.memref_slice %arg10[%dma_start3A_611, %dma_start3A_612] : memref<4x64xi32, #tpu.memory_space<vmem>> -> memref<1x64xi32, #tpu.memory_space<vmem>>
        %dma_start3A_614 = tpu.memref_squeeze %dma_start3A_613 : memref<1x64xi32, #tpu.memory_space<vmem>> -> memref<64xi32, #tpu.memory_space<vmem>>
        %dma_start3A_615 = tpu.memref_slice %arg3[%dma_start3A_610, %add3A_609] : memref<2x800000xi32, #tpu.memory_space<hbm>> -> memref<1x64xi32, #tpu.memory_space<hbm>>
        %dma_start3A_616 = tpu.memref_squeeze %dma_start3A_615 : memref<1x64xi32, #tpu.memory_space<hbm>> -> memref<64xi32, #tpu.memory_space<hbm>>
        %dma_start3A_617 = arith.constant 0 : i32
        %dma_start3A_618 = tpu.memref_slice %arg10[%dma_start3A_611, %dma_start3A_617] : memref<4x64xi32, #tpu.memory_space<vmem>> -> memref<1x64xi32, #tpu.memory_space<vmem>>
        %dma_start3A_619 = tpu.memref_squeeze %dma_start3A_618 : memref<1x64xi32, #tpu.memory_space<vmem>> -> memref<64xi32, #tpu.memory_space<vmem>>
        %dma_start3A_620 = tpu.memref_slice %arg3[%dma_start3A_610, %add3A_609] : memref<2x800000xi32, #tpu.memory_space<hbm>> -> memref<1x64xi32, #tpu.memory_space<hbm>>
        %dma_start3A_621 = tpu.memref_squeeze %dma_start3A_620 : memref<1x64xi32, #tpu.memory_space<hbm>> -> memref<64xi32, #tpu.memory_space<hbm>>
        tpu.enqueue_dma source(%dma_start3A_621 : memref<64xi32, #tpu.memory_space<hbm>>) target(%dma_start3A_619 : memref<64xi32, #tpu.memory_space<vmem>>) target_semaphore(%arg23 : memref<!tpu.dma_semaphore, #tpu.memory_space<semaphore_mem>>)
      } else {
      }
      %lt3A_457 = arith.constant 195 : i32
      %lt3A_458 = arith.cmpi slt, %add3A_441, %lt3A_457 : i32
      %convert_element_type3A_459 = arith.extui %lt3A_458 : i1 to i32
      %cond3A_460 = arith.constant 0 : i32
      %cond3A_461 = arith.cmpi ne, %convert_element_type3A_459, %cond3A_460 : i32
      scf.if %cond3A_461 {
        %dma_wait3A_501 = arith.constant 0 : i32
        %dma_wait3A_502 = arith.constant 0 : i32
        %dma_wait3A_503 = arith.constant 0 : i32
        %dma_wait3A_504 = tpu.memref_slice %arg12[%dma_wait3A_502, %dma_wait3A_503] : memref<256x32xf32, #tpu.memory_space<vmem>> -> memref<64x32xf32, #tpu.memory_space<vmem>>
        %dma_wait3A_505 = arith.constant 0 : i32
        %dma_wait3A_506 = tpu.memref_slice %arg6[%dma_wait3A_501, %dma_wait3A_505] : memref<4x64xi32, #tpu.memory_space<vmem>> -> memref<1x64xi32, #tpu.memory_space<vmem>>
        %dma_wait3A_507 = tpu.memref_squeeze %dma_wait3A_506 : memref<1x64xi32, #tpu.memory_space<vmem>> -> memref<64xi32, #tpu.memory_space<vmem>>
        %dma_wait3A_508 = arith.constant 0 : i32
        %dma_wait3A_509 = arith.constant 0 : i32
        %dma_wait3A_510 = tpu.memref_slice %arg2[%arg0, %dma_wait3A_508, %dma_wait3A_509] : memref<2x50000x32xf32, #tpu.memory_space<hbm>> -> memref<1x50000x32xf32, #tpu.memory_space<hbm>>
        %dma_wait3A_511 = tpu.memref_squeeze %dma_wait3A_510 : memref<1x50000x32xf32, #tpu.memory_space<hbm>> -> memref<50000x32xf32, #tpu.memory_space<hbm>>
        %dma_wait3A_512 = arith.constant 0 : i32
        %dma_wait3A_513 = arith.constant 0 : i32
        %dma_wait3A_514 = tpu.memref_slice %dma_wait3A_511[%dma_wait3A_512, %dma_wait3A_513] : memref<50000x32xf32, #tpu.memory_space<hbm>> -> memref<50000x32xf32, #tpu.memory_space<hbm>>
        tpu.wait_indirect_dma semaphore(%arg16 : memref<!tpu.dma_semaphore, #tpu.memory_space<semaphore_mem>>) src(%dma_wait3A_514 : memref<50000x32xf32, #tpu.memory_space<hbm>>) dst(%dma_wait3A_504 : memref<64x32xf32, #tpu.memory_space<vmem>>)
        %dma_wait3A_515 = arith.constant 1 : i32
        %dma_wait3A_516 = arith.constant 64 : i32
        %dma_wait3A_517 = arith.constant 0 : i32
        %dma_wait3A_518 = tpu.memref_slice %arg12[%dma_wait3A_516, %dma_wait3A_517] : memref<256x32xf32, #tpu.memory_space<vmem>> -> memref<64x32xf32, #tpu.memory_space<vmem>>
        %dma_wait3A_519 = arith.constant 0 : i32
        %dma_wait3A_520 = tpu.memref_slice %arg6[%dma_wait3A_515, %dma_wait3A_519] : memref<4x64xi32, #tpu.memory_space<vmem>> -> memref<1x64xi32, #tpu.memory_space<vmem>>
        %dma_wait3A_521 = tpu.memref_squeeze %dma_wait3A_520 : memref<1x64xi32, #tpu.memory_space<vmem>> -> memref<64xi32, #tpu.memory_space<vmem>>
        %dma_wait3A_522 = arith.constant 0 : i32
        %dma_wait3A_523 = arith.constant 0 : i32
        %dma_wait3A_524 = tpu.memref_slice %arg2[%arg0, %dma_wait3A_522, %dma_wait3A_523] : memref<2x50000x32xf32, #tpu.memory_space<hbm>> -> memref<1x50000x32xf32, #tpu.memory_space<hbm>>
        %dma_wait3A_525 = tpu.memref_squeeze %dma_wait3A_524 : memref<1x50000x32xf32, #tpu.memory_space<hbm>> -> memref<50000x32xf32, #tpu.memory_space<hbm>>
        %dma_wait3A_526 = arith.constant 0 : i32
        %dma_wait3A_527 = arith.constant 0 : i32
        %dma_wait3A_528 = tpu.memref_slice %dma_wait3A_525[%dma_wait3A_526, %dma_wait3A_527] : memref<50000x32xf32, #tpu.memory_space<hbm>> -> memref<50000x32xf32, #tpu.memory_space<hbm>>
        tpu.wait_indirect_dma semaphore(%arg16 : memref<!tpu.dma_semaphore, #tpu.memory_space<semaphore_mem>>) src(%dma_wait3A_528 : memref<50000x32xf32, #tpu.memory_space<hbm>>) dst(%dma_wait3A_518 : memref<64x32xf32, #tpu.memory_space<vmem>>)
        %dma_wait3A_529 = arith.constant 2 : i32
        %dma_wait3A_530 = arith.constant 128 : i32
        %dma_wait3A_531 = arith.constant 0 : i32
        %dma_wait3A_532 = tpu.memref_slice %arg12[%dma_wait3A_530, %dma_wait3A_531] : memref<256x32xf32, #tpu.memory_space<vmem>> -> memref<64x32xf32, #tpu.memory_space<vmem>>
        %dma_wait3A_533 = arith.constant 0 : i32
        %dma_wait3A_534 = tpu.memref_slice %arg6[%dma_wait3A_529, %dma_wait3A_533] : memref<4x64xi32, #tpu.memory_space<vmem>> -> memref<1x64xi32, #tpu.memory_space<vmem>>
        %dma_wait3A_535 = tpu.memref_squeeze %dma_wait3A_534 : memref<1x64xi32, #tpu.memory_space<vmem>> -> memref<64xi32, #tpu.memory_space<vmem>>
        %dma_wait3A_536 = arith.constant 0 : i32
        %dma_wait3A_537 = arith.constant 0 : i32
        %dma_wait3A_538 = tpu.memref_slice %arg2[%arg0, %dma_wait3A_536, %dma_wait3A_537] : memref<2x50000x32xf32, #tpu.memory_space<hbm>> -> memref<1x50000x32xf32, #tpu.memory_space<hbm>>
        %dma_wait3A_539 = tpu.memref_squeeze %dma_wait3A_538 : memref<1x50000x32xf32, #tpu.memory_space<hbm>> -> memref<50000x32xf32, #tpu.memory_space<hbm>>
        %dma_wait3A_540 = arith.constant 0 : i32
        %dma_wait3A_541 = arith.constant 0 : i32
        %dma_wait3A_542 = tpu.memref_slice %dma_wait3A_539[%dma_wait3A_540, %dma_wait3A_541] : memref<50000x32xf32, #tpu.memory_space<hbm>> -> memref<50000x32xf32, #tpu.memory_space<hbm>>
        tpu.wait_indirect_dma semaphore(%arg16 : memref<!tpu.dma_semaphore, #tpu.memory_space<semaphore_mem>>) src(%dma_wait3A_542 : memref<50000x32xf32, #tpu.memory_space<hbm>>) dst(%dma_wait3A_532 : memref<64x32xf32, #tpu.memory_space<vmem>>)
        %dma_wait3A_543 = arith.constant 3 : i32
        %dma_wait3A_544 = arith.constant 192 : i32
        %dma_wait3A_545 = arith.constant 0 : i32
        %dma_wait3A_546 = tpu.memref_slice %arg12[%dma_wait3A_544, %dma_wait3A_545] : memref<256x32xf32, #tpu.memory_space<vmem>> -> memref<64x32xf32, #tpu.memory_space<vmem>>
        %dma_wait3A_547 = arith.constant 0 : i32
        %dma_wait3A_548 = tpu.memref_slice %arg6[%dma_wait3A_543, %dma_wait3A_547] : memref<4x64xi32, #tpu.memory_space<vmem>> -> memref<1x64xi32, #tpu.memory_space<vmem>>
        %dma_wait3A_549 = tpu.memref_squeeze %dma_wait3A_548 : memref<1x64xi32, #tpu.memory_space<vmem>> -> memref<64xi32, #tpu.memory_space<vmem>>
        %dma_wait3A_550 = arith.constant 0 : i32
        %dma_wait3A_551 = arith.constant 0 : i32
        %dma_wait3A_552 = tpu.memref_slice %arg2[%arg0, %dma_wait3A_550, %dma_wait3A_551] : memref<2x50000x32xf32, #tpu.memory_space<hbm>> -> memref<1x50000x32xf32, #tpu.memory_space<hbm>>
        %dma_wait3A_553 = tpu.memref_squeeze %dma_wait3A_552 : memref<1x50000x32xf32, #tpu.memory_space<hbm>> -> memref<50000x32xf32, #tpu.memory_space<hbm>>
        %dma_wait3A_554 = arith.constant 0 : i32
        %dma_wait3A_555 = arith.constant 0 : i32
        %dma_wait3A_556 = tpu.memref_slice %dma_wait3A_553[%dma_wait3A_554, %dma_wait3A_555] : memref<50000x32xf32, #tpu.memory_space<hbm>> -> memref<50000x32xf32, #tpu.memory_space<hbm>>
        tpu.wait_indirect_dma semaphore(%arg16 : memref<!tpu.dma_semaphore, #tpu.memory_space<semaphore_mem>>) src(%dma_wait3A_556 : memref<50000x32xf32, #tpu.memory_space<hbm>>) dst(%dma_wait3A_546 : memref<64x32xf32, #tpu.memory_space<vmem>>)
        %dma_start3A_557 = arith.constant 0 : i32
        %dma_start3A_558 = arith.constant 0 : i32
        %dma_start3A_559 = arith.constant 0 : i32
        %dma_start3A_560 = tpu.memref_slice %arg12[%dma_start3A_558, %dma_start3A_559] : memref<256x32xf32, #tpu.memory_space<vmem>> -> memref<64x32xf32, #tpu.memory_space<vmem>>
        %dma_start3A_561 = arith.constant 0 : i32
        %dma_start3A_562 = tpu.memref_slice %arg9[%dma_start3A_557, %dma_start3A_561] : memref<4x64xi32, #tpu.memory_space<vmem>> -> memref<1x64xi32, #tpu.memory_space<vmem>>
        %dma_start3A_563 = tpu.memref_squeeze %dma_start3A_562 : memref<1x64xi32, #tpu.memory_space<vmem>> -> memref<64xi32, #tpu.memory_space<vmem>>
        %dma_start3A_564 = arith.constant 0 : i32
        %dma_start3A_565 = arith.constant 0 : i32
        %dma_start3A_566 = tpu.memref_slice %arg14[%dma_start3A_564, %dma_start3A_565] : memref<50176x32xf32, #tpu.memory_space<vmem_shared>> -> memref<50176x32xf32, #tpu.memory_space<vmem_shared>>
        tpu.enqueue_indirect_dma source(%dma_start3A_560 : memref<64x32xf32, #tpu.memory_space<vmem>>) target(%dma_start3A_566 : memref<50176x32xf32, #tpu.memory_space<vmem_shared>>) offsets(%dma_start3A_563 : memref<64xi32, #tpu.memory_space<vmem>>) semaphore(%arg19 : memref<!tpu.dma_semaphore, #tpu.memory_space<semaphore_mem>>) {add = true}
        %dma_start3A_567 = arith.constant 1 : i32
        %dma_start3A_568 = arith.constant 64 : i32
        %dma_start3A_569 = arith.constant 0 : i32
        %dma_start3A_570 = tpu.memref_slice %arg12[%dma_start3A_568, %dma_start3A_569] : memref<256x32xf32, #tpu.memory_space<vmem>> -> memref<64x32xf32, #tpu.memory_space<vmem>>
        %dma_start3A_571 = arith.constant 0 : i32
        %dma_start3A_572 = tpu.memref_slice %arg9[%dma_start3A_567, %dma_start3A_571] : memref<4x64xi32, #tpu.memory_space<vmem>> -> memref<1x64xi32, #tpu.memory_space<vmem>>
        %dma_start3A_573 = tpu.memref_squeeze %dma_start3A_572 : memref<1x64xi32, #tpu.memory_space<vmem>> -> memref<64xi32, #tpu.memory_space<vmem>>
        %dma_start3A_574 = arith.constant 0 : i32
        %dma_start3A_575 = arith.constant 0 : i32
        %dma_start3A_576 = tpu.memref_slice %arg14[%dma_start3A_574, %dma_start3A_575] : memref<50176x32xf32, #tpu.memory_space<vmem_shared>> -> memref<50176x32xf32, #tpu.memory_space<vmem_shared>>
        tpu.enqueue_indirect_dma source(%dma_start3A_570 : memref<64x32xf32, #tpu.memory_space<vmem>>) target(%dma_start3A_576 : memref<50176x32xf32, #tpu.memory_space<vmem_shared>>) offsets(%dma_start3A_573 : memref<64xi32, #tpu.memory_space<vmem>>) semaphore(%arg19 : memref<!tpu.dma_semaphore, #tpu.memory_space<semaphore_mem>>) {add = true}
        %dma_start3A_577 = arith.constant 2 : i32
        %dma_start3A_578 = arith.constant 128 : i32
        %dma_start3A_579 = arith.constant 0 : i32
        %dma_start3A_580 = tpu.memref_slice %arg12[%dma_start3A_578, %dma_start3A_579] : memref<256x32xf32, #tpu.memory_space<vmem>> -> memref<64x32xf32, #tpu.memory_space<vmem>>
        %dma_start3A_581 = arith.constant 0 : i32
        %dma_start3A_582 = tpu.memref_slice %arg9[%dma_start3A_577, %dma_start3A_581] : memref<4x64xi32, #tpu.memory_space<vmem>> -> memref<1x64xi32, #tpu.memory_space<vmem>>
        %dma_start3A_583 = tpu.memref_squeeze %dma_start3A_582 : memref<1x64xi32, #tpu.memory_space<vmem>> -> memref<64xi32, #tpu.memory_space<vmem>>
        %dma_start3A_584 = arith.constant 0 : i32
        %dma_start3A_585 = arith.constant 0 : i32
        %dma_start3A_586 = tpu.memref_slice %arg14[%dma_start3A_584, %dma_start3A_585] : memref<50176x32xf32, #tpu.memory_space<vmem_shared>> -> memref<50176x32xf32, #tpu.memory_space<vmem_shared>>
        tpu.enqueue_indirect_dma source(%dma_start3A_580 : memref<64x32xf32, #tpu.memory_space<vmem>>) target(%dma_start3A_586 : memref<50176x32xf32, #tpu.memory_space<vmem_shared>>) offsets(%dma_start3A_583 : memref<64xi32, #tpu.memory_space<vmem>>) semaphore(%arg19 : memref<!tpu.dma_semaphore, #tpu.memory_space<semaphore_mem>>) {add = true}
        %dma_start3A_587 = arith.constant 3 : i32
        %dma_start3A_588 = arith.constant 192 : i32
        %dma_start3A_589 = arith.constant 0 : i32
        %dma_start3A_590 = tpu.memref_slice %arg12[%dma_start3A_588, %dma_start3A_589] : memref<256x32xf32, #tpu.memory_space<vmem>> -> memref<64x32xf32, #tpu.memory_space<vmem>>
        %dma_start3A_591 = arith.constant 0 : i32
        %dma_start3A_592 = tpu.memref_slice %arg9[%dma_start3A_587, %dma_start3A_591] : memref<4x64xi32, #tpu.memory_space<vmem>> -> memref<1x64xi32, #tpu.memory_space<vmem>>
        %dma_start3A_593 = tpu.memref_squeeze %dma_start3A_592 : memref<1x64xi32, #tpu.memory_space<vmem>> -> memref<64xi32, #tpu.memory_space<vmem>>
        %dma_start3A_594 = arith.constant 0 : i32
        %dma_start3A_595 = arith.constant 0 : i32
        %dma_start3A_596 = tpu.memref_slice %arg14[%dma_start3A_594, %dma_start3A_595] : memref<50176x32xf32, #tpu.memory_space<vmem_shared>> -> memref<50176x32xf32, #tpu.memory_space<vmem_shared>>
        tpu.enqueue_indirect_dma source(%dma_start3A_590 : memref<64x32xf32, #tpu.memory_space<vmem>>) target(%dma_start3A_596 : memref<50176x32xf32, #tpu.memory_space<vmem_shared>>) offsets(%dma_start3A_593 : memref<64xi32, #tpu.memory_space<vmem>>) semaphore(%arg19 : memref<!tpu.dma_semaphore, #tpu.memory_space<semaphore_mem>>) {add = true}
      } else {
      }
      %add3A_462 = arith.constant 1 : i32
      %add3A_463 = arith.addi %add3A_441, %add3A_462 : i32
      %lt3A_464 = arith.constant 195 : i32
      %lt3A_465 = arith.cmpi slt, %add3A_463, %lt3A_464 : i32
      %convert_element_type3A_466 = arith.extui %lt3A_465 : i1 to i32
      %cond3A_467 = arith.constant 0 : i32
      %cond3A_468 = arith.cmpi ne, %convert_element_type3A_466, %cond3A_467 : i32
      scf.if %cond3A_468 {
        %add3A_501 = arith.constant 1 : i32
        %add3A_502 = arith.addi %add3A_441, %add3A_501 : i32
        %mul3A_503 = arith.constant 780 : i32
        %mul3A_504 = arith.muli %arg1, %mul3A_503 : i32
        %mul3A_505 = arith.constant 4 : i32
        %mul3A_506 = arith.muli %add3A_502, %mul3A_505 : i32
        %add3A_507 = arith.addi %mul3A_504, %mul3A_506 : i32
        %mul3A_508 = arith.constant 64 : i32
        %mul3A_509 = arith.muli %add3A_507, %mul3A_508 : i32
        %add3A_510 = arith.constant 0 : i32
        %add3A_511 = arith.addi %mul3A_509, %add3A_510 : i32
        %dma_wait3A_512 = arith.constant 0 : i32
        %dma_wait3A_513 = arith.constant 0 : i32
        %dma_wait3A_514 = arith.constant 0 : i32
        %dma_wait3A_515 = tpu.memref_slice %arg7[%dma_wait3A_513, %dma_wait3A_514] : memref<4x64xi32, #tpu.memory_space<vmem>> -> memref<1x64xi32, #tpu.memory_space<vmem>>
        %dma_wait3A_516 = tpu.memref_squeeze %dma_wait3A_515 : memref<1x64xi32, #tpu.memory_space<vmem>> -> memref<64xi32, #tpu.memory_space<vmem>>
        %dma_wait3A_517 = tpu.memref_slice %arg3[%dma_wait3A_512, %add3A_511] : memref<2x800000xi32, #tpu.memory_space<hbm>> -> memref<1x64xi32, #tpu.memory_space<hbm>>
        %dma_wait3A_518 = tpu.memref_squeeze %dma_wait3A_517 : memref<1x64xi32, #tpu.memory_space<hbm>> -> memref<64xi32, #tpu.memory_space<hbm>>
        %dma_wait3A_519 = arith.constant 0 : i32
        %dma_wait3A_520 = tpu.memref_slice %arg7[%dma_wait3A_513, %dma_wait3A_519] : memref<4x64xi32, #tpu.memory_space<vmem>> -> memref<1x64xi32, #tpu.memory_space<vmem>>
        %dma_wait3A_521 = tpu.memref_squeeze %dma_wait3A_520 : memref<1x64xi32, #tpu.memory_space<vmem>> -> memref<64xi32, #tpu.memory_space<vmem>>
        %dma_wait3A_522 = tpu.memref_slice %arg3[%dma_wait3A_512, %add3A_511] : memref<2x800000xi32, #tpu.memory_space<hbm>> -> memref<1x64xi32, #tpu.memory_space<hbm>>
        %dma_wait3A_523 = tpu.memref_squeeze %dma_wait3A_522 : memref<1x64xi32, #tpu.memory_space<hbm>> -> memref<64xi32, #tpu.memory_space<hbm>>
        tpu.wait_dma2 semaphore(%arg23 : memref<!tpu.dma_semaphore, #tpu.memory_space<semaphore_mem>>) src(%dma_wait3A_523 : memref<64xi32, #tpu.memory_space<hbm>>) dst(%dma_wait3A_521 : memref<64xi32, #tpu.memory_space<vmem>>)
        %add3A_524 = arith.constant 64 : i32
        %add3A_525 = arith.addi %mul3A_509, %add3A_524 : i32
        %dma_wait3A_526 = arith.constant 0 : i32
        %dma_wait3A_527 = arith.constant 1 : i32
        %dma_wait3A_528 = arith.constant 0 : i32
        %dma_wait3A_529 = tpu.memref_slice %arg7[%dma_wait3A_527, %dma_wait3A_528] : memref<4x64xi32, #tpu.memory_space<vmem>> -> memref<1x64xi32, #tpu.memory_space<vmem>>
        %dma_wait3A_530 = tpu.memref_squeeze %dma_wait3A_529 : memref<1x64xi32, #tpu.memory_space<vmem>> -> memref<64xi32, #tpu.memory_space<vmem>>
        %dma_wait3A_531 = tpu.memref_slice %arg3[%dma_wait3A_526, %add3A_525] : memref<2x800000xi32, #tpu.memory_space<hbm>> -> memref<1x64xi32, #tpu.memory_space<hbm>>
        %dma_wait3A_532 = tpu.memref_squeeze %dma_wait3A_531 : memref<1x64xi32, #tpu.memory_space<hbm>> -> memref<64xi32, #tpu.memory_space<hbm>>
        %dma_wait3A_533 = arith.constant 0 : i32
        %dma_wait3A_534 = tpu.memref_slice %arg7[%dma_wait3A_527, %dma_wait3A_533] : memref<4x64xi32, #tpu.memory_space<vmem>> -> memref<1x64xi32, #tpu.memory_space<vmem>>
        %dma_wait3A_535 = tpu.memref_squeeze %dma_wait3A_534 : memref<1x64xi32, #tpu.memory_space<vmem>> -> memref<64xi32, #tpu.memory_space<vmem>>
        %dma_wait3A_536 = tpu.memref_slice %arg3[%dma_wait3A_526, %add3A_525] : memref<2x800000xi32, #tpu.memory_space<hbm>> -> memref<1x64xi32, #tpu.memory_space<hbm>>
        %dma_wait3A_537 = tpu.memref_squeeze %dma_wait3A_536 : memref<1x64xi32, #tpu.memory_space<hbm>> -> memref<64xi32, #tpu.memory_space<hbm>>
        tpu.wait_dma2 semaphore(%arg23 : memref<!tpu.dma_semaphore, #tpu.memory_space<semaphore_mem>>) src(%dma_wait3A_537 : memref<64xi32, #tpu.memory_space<hbm>>) dst(%dma_wait3A_535 : memref<64xi32, #tpu.memory_space<vmem>>)
        %add3A_538 = arith.constant 128 : i32
        %add3A_539 = arith.addi %mul3A_509, %add3A_538 : i32
        %dma_wait3A_540 = arith.constant 0 : i32
        %dma_wait3A_541 = arith.constant 2 : i32
        %dma_wait3A_542 = arith.constant 0 : i32
        %dma_wait3A_543 = tpu.memref_slice %arg7[%dma_wait3A_541, %dma_wait3A_542] : memref<4x64xi32, #tpu.memory_space<vmem>> -> memref<1x64xi32, #tpu.memory_space<vmem>>
        %dma_wait3A_544 = tpu.memref_squeeze %dma_wait3A_543 : memref<1x64xi32, #tpu.memory_space<vmem>> -> memref<64xi32, #tpu.memory_space<vmem>>
        %dma_wait3A_545 = tpu.memref_slice %arg3[%dma_wait3A_540, %add3A_539] : memref<2x800000xi32, #tpu.memory_space<hbm>> -> memref<1x64xi32, #tpu.memory_space<hbm>>
        %dma_wait3A_546 = tpu.memref_squeeze %dma_wait3A_545 : memref<1x64xi32, #tpu.memory_space<hbm>> -> memref<64xi32, #tpu.memory_space<hbm>>
        %dma_wait3A_547 = arith.constant 0 : i32
        %dma_wait3A_548 = tpu.memref_slice %arg7[%dma_wait3A_541, %dma_wait3A_547] : memref<4x64xi32, #tpu.memory_space<vmem>> -> memref<1x64xi32, #tpu.memory_space<vmem>>
        %dma_wait3A_549 = tpu.memref_squeeze %dma_wait3A_548 : memref<1x64xi32, #tpu.memory_space<vmem>> -> memref<64xi32, #tpu.memory_space<vmem>>
        %dma_wait3A_550 = tpu.memref_slice %arg3[%dma_wait3A_540, %add3A_539] : memref<2x800000xi32, #tpu.memory_space<hbm>> -> memref<1x64xi32, #tpu.memory_space<hbm>>
        %dma_wait3A_551 = tpu.memref_squeeze %dma_wait3A_550 : memref<1x64xi32, #tpu.memory_space<hbm>> -> memref<64xi32, #tpu.memory_space<hbm>>
        tpu.wait_dma2 semaphore(%arg23 : memref<!tpu.dma_semaphore, #tpu.memory_space<semaphore_mem>>) src(%dma_wait3A_551 : memref<64xi32, #tpu.memory_space<hbm>>) dst(%dma_wait3A_549 : memref<64xi32, #tpu.memory_space<vmem>>)
        %add3A_552 = arith.constant 192 : i32
        %add3A_553 = arith.addi %mul3A_509, %add3A_552 : i32
        %dma_wait3A_554 = arith.constant 0 : i32
        %dma_wait3A_555 = arith.constant 3 : i32
        %dma_wait3A_556 = arith.constant 0 : i32
        %dma_wait3A_557 = tpu.memref_slice %arg7[%dma_wait3A_555, %dma_wait3A_556] : memref<4x64xi32, #tpu.memory_space<vmem>> -> memref<1x64xi32, #tpu.memory_space<vmem>>
        %dma_wait3A_558 = tpu.memref_squeeze %dma_wait3A_557 : memref<1x64xi32, #tpu.memory_space<vmem>> -> memref<64xi32, #tpu.memory_space<vmem>>
        %dma_wait3A_559 = tpu.memref_slice %arg3[%dma_wait3A_554, %add3A_553] : memref<2x800000xi32, #tpu.memory_space<hbm>> -> memref<1x64xi32, #tpu.memory_space<hbm>>
        %dma_wait3A_560 = tpu.memref_squeeze %dma_wait3A_559 : memref<1x64xi32, #tpu.memory_space<hbm>> -> memref<64xi32, #tpu.memory_space<hbm>>
        %dma_wait3A_561 = arith.constant 0 : i32
        %dma_wait3A_562 = tpu.memref_slice %arg7[%dma_wait3A_555, %dma_wait3A_561] : memref<4x64xi32, #tpu.memory_space<vmem>> -> memref<1x64xi32, #tpu.memory_space<vmem>>
        %dma_wait3A_563 = tpu.memref_squeeze %dma_wait3A_562 : memref<1x64xi32, #tpu.memory_space<vmem>> -> memref<64xi32, #tpu.memory_space<vmem>>
        %dma_wait3A_564 = tpu.memref_slice %arg3[%dma_wait3A_554, %add3A_553] : memref<2x800000xi32, #tpu.memory_space<hbm>> -> memref<1x64xi32, #tpu.memory_space<hbm>>
        %dma_wait3A_565 = tpu.memref_squeeze %dma_wait3A_564 : memref<1x64xi32, #tpu.memory_space<hbm>> -> memref<64xi32, #tpu.memory_space<hbm>>
        tpu.wait_dma2 semaphore(%arg23 : memref<!tpu.dma_semaphore, #tpu.memory_space<semaphore_mem>>) src(%dma_wait3A_565 : memref<64xi32, #tpu.memory_space<hbm>>) dst(%dma_wait3A_563 : memref<64xi32, #tpu.memory_space<vmem>>)
        %add3A_566 = arith.constant 0 : i32
        %add3A_567 = arith.addi %mul3A_509, %add3A_566 : i32
        %dma_wait3A_568 = arith.constant 1 : i32
        %dma_wait3A_569 = arith.constant 0 : i32
        %dma_wait3A_570 = arith.constant 0 : i32
        %dma_wait3A_571 = tpu.memref_slice %arg10[%dma_wait3A_569, %dma_wait3A_570] : memref<4x64xi32, #tpu.memory_space<vmem>> -> memref<1x64xi32, #tpu.memory_space<vmem>>
        %dma_wait3A_572 = tpu.memref_squeeze %dma_wait3A_571 : memref<1x64xi32, #tpu.memory_space<vmem>> -> memref<64xi32, #tpu.memory_space<vmem>>
        %dma_wait3A_573 = tpu.memref_slice %arg3[%dma_wait3A_568, %add3A_567] : memref<2x800000xi32, #tpu.memory_space<hbm>> -> memref<1x64xi32, #tpu.memory_space<hbm>>
        %dma_wait3A_574 = tpu.memref_squeeze %dma_wait3A_573 : memref<1x64xi32, #tpu.memory_space<hbm>> -> memref<64xi32, #tpu.memory_space<hbm>>
        %dma_wait3A_575 = arith.constant 0 : i32
        %dma_wait3A_576 = tpu.memref_slice %arg10[%dma_wait3A_569, %dma_wait3A_575] : memref<4x64xi32, #tpu.memory_space<vmem>> -> memref<1x64xi32, #tpu.memory_space<vmem>>
        %dma_wait3A_577 = tpu.memref_squeeze %dma_wait3A_576 : memref<1x64xi32, #tpu.memory_space<vmem>> -> memref<64xi32, #tpu.memory_space<vmem>>
        %dma_wait3A_578 = tpu.memref_slice %arg3[%dma_wait3A_568, %add3A_567] : memref<2x800000xi32, #tpu.memory_space<hbm>> -> memref<1x64xi32, #tpu.memory_space<hbm>>
        %dma_wait3A_579 = tpu.memref_squeeze %dma_wait3A_578 : memref<1x64xi32, #tpu.memory_space<hbm>> -> memref<64xi32, #tpu.memory_space<hbm>>
        tpu.wait_dma2 semaphore(%arg23 : memref<!tpu.dma_semaphore, #tpu.memory_space<semaphore_mem>>) src(%dma_wait3A_579 : memref<64xi32, #tpu.memory_space<hbm>>) dst(%dma_wait3A_577 : memref<64xi32, #tpu.memory_space<vmem>>)
        %add3A_580 = arith.constant 64 : i32
        %add3A_581 = arith.addi %mul3A_509, %add3A_580 : i32
        %dma_wait3A_582 = arith.constant 1 : i32
        %dma_wait3A_583 = arith.constant 1 : i32
        %dma_wait3A_584 = arith.constant 0 : i32
        %dma_wait3A_585 = tpu.memref_slice %arg10[%dma_wait3A_583, %dma_wait3A_584] : memref<4x64xi32, #tpu.memory_space<vmem>> -> memref<1x64xi32, #tpu.memory_space<vmem>>
        %dma_wait3A_586 = tpu.memref_squeeze %dma_wait3A_585 : memref<1x64xi32, #tpu.memory_space<vmem>> -> memref<64xi32, #tpu.memory_space<vmem>>
        %dma_wait3A_587 = tpu.memref_slice %arg3[%dma_wait3A_582, %add3A_581] : memref<2x800000xi32, #tpu.memory_space<hbm>> -> memref<1x64xi32, #tpu.memory_space<hbm>>
        %dma_wait3A_588 = tpu.memref_squeeze %dma_wait3A_587 : memref<1x64xi32, #tpu.memory_space<hbm>> -> memref<64xi32, #tpu.memory_space<hbm>>
        %dma_wait3A_589 = arith.constant 0 : i32
        %dma_wait3A_590 = tpu.memref_slice %arg10[%dma_wait3A_583, %dma_wait3A_589] : memref<4x64xi32, #tpu.memory_space<vmem>> -> memref<1x64xi32, #tpu.memory_space<vmem>>
        %dma_wait3A_591 = tpu.memref_squeeze %dma_wait3A_590 : memref<1x64xi32, #tpu.memory_space<vmem>> -> memref<64xi32, #tpu.memory_space<vmem>>
        %dma_wait3A_592 = tpu.memref_slice %arg3[%dma_wait3A_582, %add3A_581] : memref<2x800000xi32, #tpu.memory_space<hbm>> -> memref<1x64xi32, #tpu.memory_space<hbm>>
        %dma_wait3A_593 = tpu.memref_squeeze %dma_wait3A_592 : memref<1x64xi32, #tpu.memory_space<hbm>> -> memref<64xi32, #tpu.memory_space<hbm>>
        tpu.wait_dma2 semaphore(%arg23 : memref<!tpu.dma_semaphore, #tpu.memory_space<semaphore_mem>>) src(%dma_wait3A_593 : memref<64xi32, #tpu.memory_space<hbm>>) dst(%dma_wait3A_591 : memref<64xi32, #tpu.memory_space<vmem>>)
        %add3A_594 = arith.constant 128 : i32
        %add3A_595 = arith.addi %mul3A_509, %add3A_594 : i32
        %dma_wait3A_596 = arith.constant 1 : i32
        %dma_wait3A_597 = arith.constant 2 : i32
        %dma_wait3A_598 = arith.constant 0 : i32
        %dma_wait3A_599 = tpu.memref_slice %arg10[%dma_wait3A_597, %dma_wait3A_598] : memref<4x64xi32, #tpu.memory_space<vmem>> -> memref<1x64xi32, #tpu.memory_space<vmem>>
        %dma_wait3A_600 = tpu.memref_squeeze %dma_wait3A_599 : memref<1x64xi32, #tpu.memory_space<vmem>> -> memref<64xi32, #tpu.memory_space<vmem>>
        %dma_wait3A_601 = tpu.memref_slice %arg3[%dma_wait3A_596, %add3A_595] : memref<2x800000xi32, #tpu.memory_space<hbm>> -> memref<1x64xi32, #tpu.memory_space<hbm>>
        %dma_wait3A_602 = tpu.memref_squeeze %dma_wait3A_601 : memref<1x64xi32, #tpu.memory_space<hbm>> -> memref<64xi32, #tpu.memory_space<hbm>>
        %dma_wait3A_603 = arith.constant 0 : i32
        %dma_wait3A_604 = tpu.memref_slice %arg10[%dma_wait3A_597, %dma_wait3A_603] : memref<4x64xi32, #tpu.memory_space<vmem>> -> memref<1x64xi32, #tpu.memory_space<vmem>>
        %dma_wait3A_605 = tpu.memref_squeeze %dma_wait3A_604 : memref<1x64xi32, #tpu.memory_space<vmem>> -> memref<64xi32, #tpu.memory_space<vmem>>
        %dma_wait3A_606 = tpu.memref_slice %arg3[%dma_wait3A_596, %add3A_595] : memref<2x800000xi32, #tpu.memory_space<hbm>> -> memref<1x64xi32, #tpu.memory_space<hbm>>
        %dma_wait3A_607 = tpu.memref_squeeze %dma_wait3A_606 : memref<1x64xi32, #tpu.memory_space<hbm>> -> memref<64xi32, #tpu.memory_space<hbm>>
        tpu.wait_dma2 semaphore(%arg23 : memref<!tpu.dma_semaphore, #tpu.memory_space<semaphore_mem>>) src(%dma_wait3A_607 : memref<64xi32, #tpu.memory_space<hbm>>) dst(%dma_wait3A_605 : memref<64xi32, #tpu.memory_space<vmem>>)
        %add3A_608 = arith.constant 192 : i32
        %add3A_609 = arith.addi %mul3A_509, %add3A_608 : i32
        %dma_wait3A_610 = arith.constant 1 : i32
        %dma_wait3A_611 = arith.constant 3 : i32
        %dma_wait3A_612 = arith.constant 0 : i32
        %dma_wait3A_613 = tpu.memref_slice %arg10[%dma_wait3A_611, %dma_wait3A_612] : memref<4x64xi32, #tpu.memory_space<vmem>> -> memref<1x64xi32, #tpu.memory_space<vmem>>
        %dma_wait3A_614 = tpu.memref_squeeze %dma_wait3A_613 : memref<1x64xi32, #tpu.memory_space<vmem>> -> memref<64xi32, #tpu.memory_space<vmem>>
        %dma_wait3A_615 = tpu.memref_slice %arg3[%dma_wait3A_610, %add3A_609] : memref<2x800000xi32, #tpu.memory_space<hbm>> -> memref<1x64xi32, #tpu.memory_space<hbm>>
        %dma_wait3A_616 = tpu.memref_squeeze %dma_wait3A_615 : memref<1x64xi32, #tpu.memory_space<hbm>> -> memref<64xi32, #tpu.memory_space<hbm>>
        %dma_wait3A_617 = arith.constant 0 : i32
        %dma_wait3A_618 = tpu.memref_slice %arg10[%dma_wait3A_611, %dma_wait3A_617] : memref<4x64xi32, #tpu.memory_space<vmem>> -> memref<1x64xi32, #tpu.memory_space<vmem>>
        %dma_wait3A_619 = tpu.memref_squeeze %dma_wait3A_618 : memref<1x64xi32, #tpu.memory_space<vmem>> -> memref<64xi32, #tpu.memory_space<vmem>>
        %dma_wait3A_620 = tpu.memref_slice %arg3[%dma_wait3A_610, %add3A_609] : memref<2x800000xi32, #tpu.memory_space<hbm>> -> memref<1x64xi32, #tpu.memory_space<hbm>>
        %dma_wait3A_621 = tpu.memref_squeeze %dma_wait3A_620 : memref<1x64xi32, #tpu.memory_space<hbm>> -> memref<64xi32, #tpu.memory_space<hbm>>
        tpu.wait_dma2 semaphore(%arg23 : memref<!tpu.dma_semaphore, #tpu.memory_space<semaphore_mem>>) src(%dma_wait3A_621 : memref<64xi32, #tpu.memory_space<hbm>>) dst(%dma_wait3A_619 : memref<64xi32, #tpu.memory_space<vmem>>)
        %dma_start3A_622 = arith.constant 0 : i32
        %dma_start3A_623 = arith.constant 0 : i32
        %dma_start3A_624 = arith.constant 0 : i32
        %dma_start3A_625 = tpu.memref_slice %arg13[%dma_start3A_623, %dma_start3A_624] : memref<256x32xf32, #tpu.memory_space<vmem>> -> memref<64x32xf32, #tpu.memory_space<vmem>>
        %dma_start3A_626 = arith.constant 0 : i32
        %dma_start3A_627 = tpu.memref_slice %arg7[%dma_start3A_622, %dma_start3A_626] : memref<4x64xi32, #tpu.memory_space<vmem>> -> memref<1x64xi32, #tpu.memory_space<vmem>>
        %dma_start3A_628 = tpu.memref_squeeze %dma_start3A_627 : memref<1x64xi32, #tpu.memory_space<vmem>> -> memref<64xi32, #tpu.memory_space<vmem>>
        %dma_start3A_629 = arith.constant 0 : i32
        %dma_start3A_630 = arith.constant 0 : i32
        %dma_start3A_631 = tpu.memref_slice %arg2[%arg0, %dma_start3A_629, %dma_start3A_630] : memref<2x50000x32xf32, #tpu.memory_space<hbm>> -> memref<1x50000x32xf32, #tpu.memory_space<hbm>>
        %dma_start3A_632 = tpu.memref_squeeze %dma_start3A_631 : memref<1x50000x32xf32, #tpu.memory_space<hbm>> -> memref<50000x32xf32, #tpu.memory_space<hbm>>
        %dma_start3A_633 = arith.constant 0 : i32
        %dma_start3A_634 = arith.constant 0 : i32
        %dma_start3A_635 = tpu.memref_slice %dma_start3A_632[%dma_start3A_633, %dma_start3A_634] : memref<50000x32xf32, #tpu.memory_space<hbm>> -> memref<50000x32xf32, #tpu.memory_space<hbm>>
        tpu.enqueue_indirect_dma source(%dma_start3A_635 : memref<50000x32xf32, #tpu.memory_space<hbm>>) target(%dma_start3A_625 : memref<64x32xf32, #tpu.memory_space<vmem>>) offsets(%dma_start3A_628 : memref<64xi32, #tpu.memory_space<vmem>>) semaphore(%arg17 : memref<!tpu.dma_semaphore, #tpu.memory_space<semaphore_mem>>)
        %dma_start3A_636 = arith.constant 1 : i32
        %dma_start3A_637 = arith.constant 64 : i32
        %dma_start3A_638 = arith.constant 0 : i32
        %dma_start3A_639 = tpu.memref_slice %arg13[%dma_start3A_637, %dma_start3A_638] : memref<256x32xf32, #tpu.memory_space<vmem>> -> memref<64x32xf32, #tpu.memory_space<vmem>>
        %dma_start3A_640 = arith.constant 0 : i32
        %dma_start3A_641 = tpu.memref_slice %arg7[%dma_start3A_636, %dma_start3A_640] : memref<4x64xi32, #tpu.memory_space<vmem>> -> memref<1x64xi32, #tpu.memory_space<vmem>>
        %dma_start3A_642 = tpu.memref_squeeze %dma_start3A_641 : memref<1x64xi32, #tpu.memory_space<vmem>> -> memref<64xi32, #tpu.memory_space<vmem>>
        %dma_start3A_643 = arith.constant 0 : i32
        %dma_start3A_644 = arith.constant 0 : i32
        %dma_start3A_645 = tpu.memref_slice %arg2[%arg0, %dma_start3A_643, %dma_start3A_644] : memref<2x50000x32xf32, #tpu.memory_space<hbm>> -> memref<1x50000x32xf32, #tpu.memory_space<hbm>>
        %dma_start3A_646 = tpu.memref_squeeze %dma_start3A_645 : memref<1x50000x32xf32, #tpu.memory_space<hbm>> -> memref<50000x32xf32, #tpu.memory_space<hbm>>
        %dma_start3A_647 = arith.constant 0 : i32
        %dma_start3A_648 = arith.constant 0 : i32
        %dma_start3A_649 = tpu.memref_slice %dma_start3A_646[%dma_start3A_647, %dma_start3A_648] : memref<50000x32xf32, #tpu.memory_space<hbm>> -> memref<50000x32xf32, #tpu.memory_space<hbm>>
        tpu.enqueue_indirect_dma source(%dma_start3A_649 : memref<50000x32xf32, #tpu.memory_space<hbm>>) target(%dma_start3A_639 : memref<64x32xf32, #tpu.memory_space<vmem>>) offsets(%dma_start3A_642 : memref<64xi32, #tpu.memory_space<vmem>>) semaphore(%arg17 : memref<!tpu.dma_semaphore, #tpu.memory_space<semaphore_mem>>)
        %dma_start3A_650 = arith.constant 2 : i32
        %dma_start3A_651 = arith.constant 128 : i32
        %dma_start3A_652 = arith.constant 0 : i32
        %dma_start3A_653 = tpu.memref_slice %arg13[%dma_start3A_651, %dma_start3A_652] : memref<256x32xf32, #tpu.memory_space<vmem>> -> memref<64x32xf32, #tpu.memory_space<vmem>>
        %dma_start3A_654 = arith.constant 0 : i32
        %dma_start3A_655 = tpu.memref_slice %arg7[%dma_start3A_650, %dma_start3A_654] : memref<4x64xi32, #tpu.memory_space<vmem>> -> memref<1x64xi32, #tpu.memory_space<vmem>>
        %dma_start3A_656 = tpu.memref_squeeze %dma_start3A_655 : memref<1x64xi32, #tpu.memory_space<vmem>> -> memref<64xi32, #tpu.memory_space<vmem>>
        %dma_start3A_657 = arith.constant 0 : i32
        %dma_start3A_658 = arith.constant 0 : i32
        %dma_start3A_659 = tpu.memref_slice %arg2[%arg0, %dma_start3A_657, %dma_start3A_658] : memref<2x50000x32xf32, #tpu.memory_space<hbm>> -> memref<1x50000x32xf32, #tpu.memory_space<hbm>>
        %dma_start3A_660 = tpu.memref_squeeze %dma_start3A_659 : memref<1x50000x32xf32, #tpu.memory_space<hbm>> -> memref<50000x32xf32, #tpu.memory_space<hbm>>
        %dma_start3A_661 = arith.constant 0 : i32
        %dma_start3A_662 = arith.constant 0 : i32
        %dma_start3A_663 = tpu.memref_slice %dma_start3A_660[%dma_start3A_661, %dma_start3A_662] : memref<50000x32xf32, #tpu.memory_space<hbm>> -> memref<50000x32xf32, #tpu.memory_space<hbm>>
        tpu.enqueue_indirect_dma source(%dma_start3A_663 : memref<50000x32xf32, #tpu.memory_space<hbm>>) target(%dma_start3A_653 : memref<64x32xf32, #tpu.memory_space<vmem>>) offsets(%dma_start3A_656 : memref<64xi32, #tpu.memory_space<vmem>>) semaphore(%arg17 : memref<!tpu.dma_semaphore, #tpu.memory_space<semaphore_mem>>)
        %dma_start3A_664 = arith.constant 3 : i32
        %dma_start3A_665 = arith.constant 192 : i32
        %dma_start3A_666 = arith.constant 0 : i32
        %dma_start3A_667 = tpu.memref_slice %arg13[%dma_start3A_665, %dma_start3A_666] : memref<256x32xf32, #tpu.memory_space<vmem>> -> memref<64x32xf32, #tpu.memory_space<vmem>>
        %dma_start3A_668 = arith.constant 0 : i32
        %dma_start3A_669 = tpu.memref_slice %arg7[%dma_start3A_664, %dma_start3A_668] : memref<4x64xi32, #tpu.memory_space<vmem>> -> memref<1x64xi32, #tpu.memory_space<vmem>>
        %dma_start3A_670 = tpu.memref_squeeze %dma_start3A_669 : memref<1x64xi32, #tpu.memory_space<vmem>> -> memref<64xi32, #tpu.memory_space<vmem>>
        %dma_start3A_671 = arith.constant 0 : i32
        %dma_start3A_672 = arith.constant 0 : i32
        %dma_start3A_673 = tpu.memref_slice %arg2[%arg0, %dma_start3A_671, %dma_start3A_672] : memref<2x50000x32xf32, #tpu.memory_space<hbm>> -> memref<1x50000x32xf32, #tpu.memory_space<hbm>>
        %dma_start3A_674 = tpu.memref_squeeze %dma_start3A_673 : memref<1x50000x32xf32, #tpu.memory_space<hbm>> -> memref<50000x32xf32, #tpu.memory_space<hbm>>
        %dma_start3A_675 = arith.constant 0 : i32
        %dma_start3A_676 = arith.constant 0 : i32
        %dma_start3A_677 = tpu.memref_slice %dma_start3A_674[%dma_start3A_675, %dma_start3A_676] : memref<50000x32xf32, #tpu.memory_space<hbm>> -> memref<50000x32xf32, #tpu.memory_space<hbm>>
        tpu.enqueue_indirect_dma source(%dma_start3A_677 : memref<50000x32xf32, #tpu.memory_space<hbm>>) target(%dma_start3A_667 : memref<64x32xf32, #tpu.memory_space<vmem>>) offsets(%dma_start3A_670 : memref<64xi32, #tpu.memory_space<vmem>>) semaphore(%arg17 : memref<!tpu.dma_semaphore, #tpu.memory_space<semaphore_mem>>)
      } else {
      }
      %mul3A_469 = arith.constant 3 : i32
      %mul3A_470 = arith.muli %mul3A_469, %scan3A_407 : i32
      %add3A_471 = arith.constant 2 : i32
      %add3A_472 = arith.addi %mul3A_470, %add3A_471 : i32
      %ge3A_473 = arith.constant 2 : i32
      %ge3A_474 = arith.cmpi sge, %add3A_472, %ge3A_473 : i32
      %le3A_475 = arith.constant 196 : i32
      %le3A_476 = arith.cmpi sle, %add3A_472, %le3A_475 : i32
      %and3A_477 = arith.andi %ge3A_474, %le3A_476 : i1
      %convert_element_type3A_478 = arith.extui %and3A_477 : i1 to i32
      %cond3A_479 = arith.constant 0 : i32
      %cond3A_480 = arith.cmpi ne, %convert_element_type3A_478, %cond3A_479 : i32
      scf.if %cond3A_480 {
        %dma_wait3A_501 = arith.constant 0 : i32
        %dma_wait3A_502 = arith.constant 0 : i32
        %dma_wait3A_503 = arith.constant 0 : i32
        %dma_wait3A_504 = tpu.memref_slice %arg11[%dma_wait3A_502, %dma_wait3A_503] : memref<256x32xf32, #tpu.memory_space<vmem>> -> memref<64x32xf32, #tpu.memory_space<vmem>>
        %dma_wait3A_505 = arith.constant 0 : i32
        %dma_wait3A_506 = tpu.memref_slice %arg8[%dma_wait3A_501, %dma_wait3A_505] : memref<4x64xi32, #tpu.memory_space<vmem>> -> memref<1x64xi32, #tpu.memory_space<vmem>>
        %dma_wait3A_507 = tpu.memref_squeeze %dma_wait3A_506 : memref<1x64xi32, #tpu.memory_space<vmem>> -> memref<64xi32, #tpu.memory_space<vmem>>
        %dma_wait3A_508 = arith.constant 0 : i32
        %dma_wait3A_509 = arith.constant 0 : i32
        %dma_wait3A_510 = tpu.memref_slice %arg14[%dma_wait3A_508, %dma_wait3A_509] : memref<50176x32xf32, #tpu.memory_space<vmem_shared>> -> memref<50176x32xf32, #tpu.memory_space<vmem_shared>>
        tpu.wait_indirect_dma semaphore(%arg18 : memref<!tpu.dma_semaphore, #tpu.memory_space<semaphore_mem>>) src(%dma_wait3A_504 : memref<64x32xf32, #tpu.memory_space<vmem>>) dst(%dma_wait3A_510 : memref<50176x32xf32, #tpu.memory_space<vmem_shared>>)
        %dma_wait3A_511 = arith.constant 1 : i32
        %dma_wait3A_512 = arith.constant 64 : i32
        %dma_wait3A_513 = arith.constant 0 : i32
        %dma_wait3A_514 = tpu.memref_slice %arg11[%dma_wait3A_512, %dma_wait3A_513] : memref<256x32xf32, #tpu.memory_space<vmem>> -> memref<64x32xf32, #tpu.memory_space<vmem>>
        %dma_wait3A_515 = arith.constant 0 : i32
        %dma_wait3A_516 = tpu.memref_slice %arg8[%dma_wait3A_511, %dma_wait3A_515] : memref<4x64xi32, #tpu.memory_space<vmem>> -> memref<1x64xi32, #tpu.memory_space<vmem>>
        %dma_wait3A_517 = tpu.memref_squeeze %dma_wait3A_516 : memref<1x64xi32, #tpu.memory_space<vmem>> -> memref<64xi32, #tpu.memory_space<vmem>>
        %dma_wait3A_518 = arith.constant 0 : i32
        %dma_wait3A_519 = arith.constant 0 : i32
        %dma_wait3A_520 = tpu.memref_slice %arg14[%dma_wait3A_518, %dma_wait3A_519] : memref<50176x32xf32, #tpu.memory_space<vmem_shared>> -> memref<50176x32xf32, #tpu.memory_space<vmem_shared>>
        tpu.wait_indirect_dma semaphore(%arg18 : memref<!tpu.dma_semaphore, #tpu.memory_space<semaphore_mem>>) src(%dma_wait3A_514 : memref<64x32xf32, #tpu.memory_space<vmem>>) dst(%dma_wait3A_520 : memref<50176x32xf32, #tpu.memory_space<vmem_shared>>)
        %dma_wait3A_521 = arith.constant 2 : i32
        %dma_wait3A_522 = arith.constant 128 : i32
        %dma_wait3A_523 = arith.constant 0 : i32
        %dma_wait3A_524 = tpu.memref_slice %arg11[%dma_wait3A_522, %dma_wait3A_523] : memref<256x32xf32, #tpu.memory_space<vmem>> -> memref<64x32xf32, #tpu.memory_space<vmem>>
        %dma_wait3A_525 = arith.constant 0 : i32
        %dma_wait3A_526 = tpu.memref_slice %arg8[%dma_wait3A_521, %dma_wait3A_525] : memref<4x64xi32, #tpu.memory_space<vmem>> -> memref<1x64xi32, #tpu.memory_space<vmem>>
        %dma_wait3A_527 = tpu.memref_squeeze %dma_wait3A_526 : memref<1x64xi32, #tpu.memory_space<vmem>> -> memref<64xi32, #tpu.memory_space<vmem>>
        %dma_wait3A_528 = arith.constant 0 : i32
        %dma_wait3A_529 = arith.constant 0 : i32
        %dma_wait3A_530 = tpu.memref_slice %arg14[%dma_wait3A_528, %dma_wait3A_529] : memref<50176x32xf32, #tpu.memory_space<vmem_shared>> -> memref<50176x32xf32, #tpu.memory_space<vmem_shared>>
        tpu.wait_indirect_dma semaphore(%arg18 : memref<!tpu.dma_semaphore, #tpu.memory_space<semaphore_mem>>) src(%dma_wait3A_524 : memref<64x32xf32, #tpu.memory_space<vmem>>) dst(%dma_wait3A_530 : memref<50176x32xf32, #tpu.memory_space<vmem_shared>>)
        %dma_wait3A_531 = arith.constant 3 : i32
        %dma_wait3A_532 = arith.constant 192 : i32
        %dma_wait3A_533 = arith.constant 0 : i32
        %dma_wait3A_534 = tpu.memref_slice %arg11[%dma_wait3A_532, %dma_wait3A_533] : memref<256x32xf32, #tpu.memory_space<vmem>> -> memref<64x32xf32, #tpu.memory_space<vmem>>
        %dma_wait3A_535 = arith.constant 0 : i32
        %dma_wait3A_536 = tpu.memref_slice %arg8[%dma_wait3A_531, %dma_wait3A_535] : memref<4x64xi32, #tpu.memory_space<vmem>> -> memref<1x64xi32, #tpu.memory_space<vmem>>
        %dma_wait3A_537 = tpu.memref_squeeze %dma_wait3A_536 : memref<1x64xi32, #tpu.memory_space<vmem>> -> memref<64xi32, #tpu.memory_space<vmem>>
        %dma_wait3A_538 = arith.constant 0 : i32
        %dma_wait3A_539 = arith.constant 0 : i32
        %dma_wait3A_540 = tpu.memref_slice %arg14[%dma_wait3A_538, %dma_wait3A_539] : memref<50176x32xf32, #tpu.memory_space<vmem_shared>> -> memref<50176x32xf32, #tpu.memory_space<vmem_shared>>
        tpu.wait_indirect_dma semaphore(%arg18 : memref<!tpu.dma_semaphore, #tpu.memory_space<semaphore_mem>>) src(%dma_wait3A_534 : memref<64x32xf32, #tpu.memory_space<vmem>>) dst(%dma_wait3A_540 : memref<50176x32xf32, #tpu.memory_space<vmem_shared>>)
      } else {
      }
      %add3A_481 = arith.constant 1 : i32
      %add3A_482 = arith.addi %add3A_472, %add3A_481 : i32
      %lt3A_483 = arith.constant 195 : i32
      %lt3A_484 = arith.cmpi slt, %add3A_482, %lt3A_483 : i32
      %convert_element_type3A_485 = arith.extui %lt3A_484 : i1 to i32
      %cond3A_486 = arith.constant 0 : i32
      %cond3A_487 = arith.cmpi ne, %convert_element_type3A_485, %cond3A_486 : i32
      scf.if %cond3A_487 {
        %add3A_501 = arith.constant 1 : i32
        %add3A_502 = arith.addi %add3A_472, %add3A_501 : i32
        %mul3A_503 = arith.constant 780 : i32
        %mul3A_504 = arith.muli %arg1, %mul3A_503 : i32
        %mul3A_505 = arith.constant 4 : i32
        %mul3A_506 = arith.muli %add3A_502, %mul3A_505 : i32
        %add3A_507 = arith.addi %mul3A_504, %mul3A_506 : i32
        %mul3A_508 = arith.constant 64 : i32
        %mul3A_509 = arith.muli %add3A_507, %mul3A_508 : i32
        %add3A_510 = arith.constant 0 : i32
        %add3A_511 = arith.addi %mul3A_509, %add3A_510 : i32
        %dma_start3A_512 = arith.constant 0 : i32
        %dma_start3A_513 = arith.constant 0 : i32
        %dma_start3A_514 = arith.constant 0 : i32
        %dma_start3A_515 = tpu.memref_slice %arg5[%dma_start3A_513, %dma_start3A_514] : memref<4x64xi32, #tpu.memory_space<vmem>> -> memref<1x64xi32, #tpu.memory_space<vmem>>
        %dma_start3A_516 = tpu.memref_squeeze %dma_start3A_515 : memref<1x64xi32, #tpu.memory_space<vmem>> -> memref<64xi32, #tpu.memory_space<vmem>>
        %dma_start3A_517 = tpu.memref_slice %arg3[%dma_start3A_512, %add3A_511] : memref<2x800000xi32, #tpu.memory_space<hbm>> -> memref<1x64xi32, #tpu.memory_space<hbm>>
        %dma_start3A_518 = tpu.memref_squeeze %dma_start3A_517 : memref<1x64xi32, #tpu.memory_space<hbm>> -> memref<64xi32, #tpu.memory_space<hbm>>
        %dma_start3A_519 = arith.constant 0 : i32
        %dma_start3A_520 = tpu.memref_slice %arg5[%dma_start3A_513, %dma_start3A_519] : memref<4x64xi32, #tpu.memory_space<vmem>> -> memref<1x64xi32, #tpu.memory_space<vmem>>
        %dma_start3A_521 = tpu.memref_squeeze %dma_start3A_520 : memref<1x64xi32, #tpu.memory_space<vmem>> -> memref<64xi32, #tpu.memory_space<vmem>>
        %dma_start3A_522 = tpu.memref_slice %arg3[%dma_start3A_512, %add3A_511] : memref<2x800000xi32, #tpu.memory_space<hbm>> -> memref<1x64xi32, #tpu.memory_space<hbm>>
        %dma_start3A_523 = tpu.memref_squeeze %dma_start3A_522 : memref<1x64xi32, #tpu.memory_space<hbm>> -> memref<64xi32, #tpu.memory_space<hbm>>
        tpu.enqueue_dma source(%dma_start3A_523 : memref<64xi32, #tpu.memory_space<hbm>>) target(%dma_start3A_521 : memref<64xi32, #tpu.memory_space<vmem>>) target_semaphore(%arg21 : memref<!tpu.dma_semaphore, #tpu.memory_space<semaphore_mem>>)
        %add3A_524 = arith.constant 64 : i32
        %add3A_525 = arith.addi %mul3A_509, %add3A_524 : i32
        %dma_start3A_526 = arith.constant 0 : i32
        %dma_start3A_527 = arith.constant 1 : i32
        %dma_start3A_528 = arith.constant 0 : i32
        %dma_start3A_529 = tpu.memref_slice %arg5[%dma_start3A_527, %dma_start3A_528] : memref<4x64xi32, #tpu.memory_space<vmem>> -> memref<1x64xi32, #tpu.memory_space<vmem>>
        %dma_start3A_530 = tpu.memref_squeeze %dma_start3A_529 : memref<1x64xi32, #tpu.memory_space<vmem>> -> memref<64xi32, #tpu.memory_space<vmem>>
        %dma_start3A_531 = tpu.memref_slice %arg3[%dma_start3A_526, %add3A_525] : memref<2x800000xi32, #tpu.memory_space<hbm>> -> memref<1x64xi32, #tpu.memory_space<hbm>>
        %dma_start3A_532 = tpu.memref_squeeze %dma_start3A_531 : memref<1x64xi32, #tpu.memory_space<hbm>> -> memref<64xi32, #tpu.memory_space<hbm>>
        %dma_start3A_533 = arith.constant 0 : i32
        %dma_start3A_534 = tpu.memref_slice %arg5[%dma_start3A_527, %dma_start3A_533] : memref<4x64xi32, #tpu.memory_space<vmem>> -> memref<1x64xi32, #tpu.memory_space<vmem>>
        %dma_start3A_535 = tpu.memref_squeeze %dma_start3A_534 : memref<1x64xi32, #tpu.memory_space<vmem>> -> memref<64xi32, #tpu.memory_space<vmem>>
        %dma_start3A_536 = tpu.memref_slice %arg3[%dma_start3A_526, %add3A_525] : memref<2x800000xi32, #tpu.memory_space<hbm>> -> memref<1x64xi32, #tpu.memory_space<hbm>>
        %dma_start3A_537 = tpu.memref_squeeze %dma_start3A_536 : memref<1x64xi32, #tpu.memory_space<hbm>> -> memref<64xi32, #tpu.memory_space<hbm>>
        tpu.enqueue_dma source(%dma_start3A_537 : memref<64xi32, #tpu.memory_space<hbm>>) target(%dma_start3A_535 : memref<64xi32, #tpu.memory_space<vmem>>) target_semaphore(%arg21 : memref<!tpu.dma_semaphore, #tpu.memory_space<semaphore_mem>>)
        %add3A_538 = arith.constant 128 : i32
        %add3A_539 = arith.addi %mul3A_509, %add3A_538 : i32
        %dma_start3A_540 = arith.constant 0 : i32
        %dma_start3A_541 = arith.constant 2 : i32
        %dma_start3A_542 = arith.constant 0 : i32
        %dma_start3A_543 = tpu.memref_slice %arg5[%dma_start3A_541, %dma_start3A_542] : memref<4x64xi32, #tpu.memory_space<vmem>> -> memref<1x64xi32, #tpu.memory_space<vmem>>
        %dma_start3A_544 = tpu.memref_squeeze %dma_start3A_543 : memref<1x64xi32, #tpu.memory_space<vmem>> -> memref<64xi32, #tpu.memory_space<vmem>>
        %dma_start3A_545 = tpu.memref_slice %arg3[%dma_start3A_540, %add3A_539] : memref<2x800000xi32, #tpu.memory_space<hbm>> -> memref<1x64xi32, #tpu.memory_space<hbm>>
        %dma_start3A_546 = tpu.memref_squeeze %dma_start3A_545 : memref<1x64xi32, #tpu.memory_space<hbm>> -> memref<64xi32, #tpu.memory_space<hbm>>
        %dma_start3A_547 = arith.constant 0 : i32
        %dma_start3A_548 = tpu.memref_slice %arg5[%dma_start3A_541, %dma_start3A_547] : memref<4x64xi32, #tpu.memory_space<vmem>> -> memref<1x64xi32, #tpu.memory_space<vmem>>
        %dma_start3A_549 = tpu.memref_squeeze %dma_start3A_548 : memref<1x64xi32, #tpu.memory_space<vmem>> -> memref<64xi32, #tpu.memory_space<vmem>>
        %dma_start3A_550 = tpu.memref_slice %arg3[%dma_start3A_540, %add3A_539] : memref<2x800000xi32, #tpu.memory_space<hbm>> -> memref<1x64xi32, #tpu.memory_space<hbm>>
        %dma_start3A_551 = tpu.memref_squeeze %dma_start3A_550 : memref<1x64xi32, #tpu.memory_space<hbm>> -> memref<64xi32, #tpu.memory_space<hbm>>
        tpu.enqueue_dma source(%dma_start3A_551 : memref<64xi32, #tpu.memory_space<hbm>>) target(%dma_start3A_549 : memref<64xi32, #tpu.memory_space<vmem>>) target_semaphore(%arg21 : memref<!tpu.dma_semaphore, #tpu.memory_space<semaphore_mem>>)
        %add3A_552 = arith.constant 192 : i32
        %add3A_553 = arith.addi %mul3A_509, %add3A_552 : i32
        %dma_start3A_554 = arith.constant 0 : i32
        %dma_start3A_555 = arith.constant 3 : i32
        %dma_start3A_556 = arith.constant 0 : i32
        %dma_start3A_557 = tpu.memref_slice %arg5[%dma_start3A_555, %dma_start3A_556] : memref<4x64xi32, #tpu.memory_space<vmem>> -> memref<1x64xi32, #tpu.memory_space<vmem>>
        %dma_start3A_558 = tpu.memref_squeeze %dma_start3A_557 : memref<1x64xi32, #tpu.memory_space<vmem>> -> memref<64xi32, #tpu.memory_space<vmem>>
        %dma_start3A_559 = tpu.memref_slice %arg3[%dma_start3A_554, %add3A_553] : memref<2x800000xi32, #tpu.memory_space<hbm>> -> memref<1x64xi32, #tpu.memory_space<hbm>>
        %dma_start3A_560 = tpu.memref_squeeze %dma_start3A_559 : memref<1x64xi32, #tpu.memory_space<hbm>> -> memref<64xi32, #tpu.memory_space<hbm>>
        %dma_start3A_561 = arith.constant 0 : i32
        %dma_start3A_562 = tpu.memref_slice %arg5[%dma_start3A_555, %dma_start3A_561] : memref<4x64xi32, #tpu.memory_space<vmem>> -> memref<1x64xi32, #tpu.memory_space<vmem>>
        %dma_start3A_563 = tpu.memref_squeeze %dma_start3A_562 : memref<1x64xi32, #tpu.memory_space<vmem>> -> memref<64xi32, #tpu.memory_space<vmem>>
        %dma_start3A_564 = tpu.memref_slice %arg3[%dma_start3A_554, %add3A_553] : memref<2x800000xi32, #tpu.memory_space<hbm>> -> memref<1x64xi32, #tpu.memory_space<hbm>>
        %dma_start3A_565 = tpu.memref_squeeze %dma_start3A_564 : memref<1x64xi32, #tpu.memory_space<hbm>> -> memref<64xi32, #tpu.memory_space<hbm>>
        tpu.enqueue_dma source(%dma_start3A_565 : memref<64xi32, #tpu.memory_space<hbm>>) target(%dma_start3A_563 : memref<64xi32, #tpu.memory_space<vmem>>) target_semaphore(%arg21 : memref<!tpu.dma_semaphore, #tpu.memory_space<semaphore_mem>>)
        %add3A_566 = arith.constant 0 : i32
        %add3A_567 = arith.addi %mul3A_509, %add3A_566 : i32
        %dma_start3A_568 = arith.constant 1 : i32
        %dma_start3A_569 = arith.constant 0 : i32
        %dma_start3A_570 = arith.constant 0 : i32
        %dma_start3A_571 = tpu.memref_slice %arg8[%dma_start3A_569, %dma_start3A_570] : memref<4x64xi32, #tpu.memory_space<vmem>> -> memref<1x64xi32, #tpu.memory_space<vmem>>
        %dma_start3A_572 = tpu.memref_squeeze %dma_start3A_571 : memref<1x64xi32, #tpu.memory_space<vmem>> -> memref<64xi32, #tpu.memory_space<vmem>>
        %dma_start3A_573 = tpu.memref_slice %arg3[%dma_start3A_568, %add3A_567] : memref<2x800000xi32, #tpu.memory_space<hbm>> -> memref<1x64xi32, #tpu.memory_space<hbm>>
        %dma_start3A_574 = tpu.memref_squeeze %dma_start3A_573 : memref<1x64xi32, #tpu.memory_space<hbm>> -> memref<64xi32, #tpu.memory_space<hbm>>
        %dma_start3A_575 = arith.constant 0 : i32
        %dma_start3A_576 = tpu.memref_slice %arg8[%dma_start3A_569, %dma_start3A_575] : memref<4x64xi32, #tpu.memory_space<vmem>> -> memref<1x64xi32, #tpu.memory_space<vmem>>
        %dma_start3A_577 = tpu.memref_squeeze %dma_start3A_576 : memref<1x64xi32, #tpu.memory_space<vmem>> -> memref<64xi32, #tpu.memory_space<vmem>>
        %dma_start3A_578 = tpu.memref_slice %arg3[%dma_start3A_568, %add3A_567] : memref<2x800000xi32, #tpu.memory_space<hbm>> -> memref<1x64xi32, #tpu.memory_space<hbm>>
        %dma_start3A_579 = tpu.memref_squeeze %dma_start3A_578 : memref<1x64xi32, #tpu.memory_space<hbm>> -> memref<64xi32, #tpu.memory_space<hbm>>
        tpu.enqueue_dma source(%dma_start3A_579 : memref<64xi32, #tpu.memory_space<hbm>>) target(%dma_start3A_577 : memref<64xi32, #tpu.memory_space<vmem>>) target_semaphore(%arg21 : memref<!tpu.dma_semaphore, #tpu.memory_space<semaphore_mem>>)
        %add3A_580 = arith.constant 64 : i32
        %add3A_581 = arith.addi %mul3A_509, %add3A_580 : i32
        %dma_start3A_582 = arith.constant 1 : i32
        %dma_start3A_583 = arith.constant 1 : i32
        %dma_start3A_584 = arith.constant 0 : i32
        %dma_start3A_585 = tpu.memref_slice %arg8[%dma_start3A_583, %dma_start3A_584] : memref<4x64xi32, #tpu.memory_space<vmem>> -> memref<1x64xi32, #tpu.memory_space<vmem>>
        %dma_start3A_586 = tpu.memref_squeeze %dma_start3A_585 : memref<1x64xi32, #tpu.memory_space<vmem>> -> memref<64xi32, #tpu.memory_space<vmem>>
        %dma_start3A_587 = tpu.memref_slice %arg3[%dma_start3A_582, %add3A_581] : memref<2x800000xi32, #tpu.memory_space<hbm>> -> memref<1x64xi32, #tpu.memory_space<hbm>>
        %dma_start3A_588 = tpu.memref_squeeze %dma_start3A_587 : memref<1x64xi32, #tpu.memory_space<hbm>> -> memref<64xi32, #tpu.memory_space<hbm>>
        %dma_start3A_589 = arith.constant 0 : i32
        %dma_start3A_590 = tpu.memref_slice %arg8[%dma_start3A_583, %dma_start3A_589] : memref<4x64xi32, #tpu.memory_space<vmem>> -> memref<1x64xi32, #tpu.memory_space<vmem>>
        %dma_start3A_591 = tpu.memref_squeeze %dma_start3A_590 : memref<1x64xi32, #tpu.memory_space<vmem>> -> memref<64xi32, #tpu.memory_space<vmem>>
        %dma_start3A_592 = tpu.memref_slice %arg3[%dma_start3A_582, %add3A_581] : memref<2x800000xi32, #tpu.memory_space<hbm>> -> memref<1x64xi32, #tpu.memory_space<hbm>>
        %dma_start3A_593 = tpu.memref_squeeze %dma_start3A_592 : memref<1x64xi32, #tpu.memory_space<hbm>> -> memref<64xi32, #tpu.memory_space<hbm>>
        tpu.enqueue_dma source(%dma_start3A_593 : memref<64xi32, #tpu.memory_space<hbm>>) target(%dma_start3A_591 : memref<64xi32, #tpu.memory_space<vmem>>) target_semaphore(%arg21 : memref<!tpu.dma_semaphore, #tpu.memory_space<semaphore_mem>>)
        %add3A_594 = arith.constant 128 : i32
        %add3A_595 = arith.addi %mul3A_509, %add3A_594 : i32
        %dma_start3A_596 = arith.constant 1 : i32
        %dma_start3A_597 = arith.constant 2 : i32
        %dma_start3A_598 = arith.constant 0 : i32
        %dma_start3A_599 = tpu.memref_slice %arg8[%dma_start3A_597, %dma_start3A_598] : memref<4x64xi32, #tpu.memory_space<vmem>> -> memref<1x64xi32, #tpu.memory_space<vmem>>
        %dma_start3A_600 = tpu.memref_squeeze %dma_start3A_599 : memref<1x64xi32, #tpu.memory_space<vmem>> -> memref<64xi32, #tpu.memory_space<vmem>>
        %dma_start3A_601 = tpu.memref_slice %arg3[%dma_start3A_596, %add3A_595] : memref<2x800000xi32, #tpu.memory_space<hbm>> -> memref<1x64xi32, #tpu.memory_space<hbm>>
        %dma_start3A_602 = tpu.memref_squeeze %dma_start3A_601 : memref<1x64xi32, #tpu.memory_space<hbm>> -> memref<64xi32, #tpu.memory_space<hbm>>
        %dma_start3A_603 = arith.constant 0 : i32
        %dma_start3A_604 = tpu.memref_slice %arg8[%dma_start3A_597, %dma_start3A_603] : memref<4x64xi32, #tpu.memory_space<vmem>> -> memref<1x64xi32, #tpu.memory_space<vmem>>
        %dma_start3A_605 = tpu.memref_squeeze %dma_start3A_604 : memref<1x64xi32, #tpu.memory_space<vmem>> -> memref<64xi32, #tpu.memory_space<vmem>>
        %dma_start3A_606 = tpu.memref_slice %arg3[%dma_start3A_596, %add3A_595] : memref<2x800000xi32, #tpu.memory_space<hbm>> -> memref<1x64xi32, #tpu.memory_space<hbm>>
        %dma_start3A_607 = tpu.memref_squeeze %dma_start3A_606 : memref<1x64xi32, #tpu.memory_space<hbm>> -> memref<64xi32, #tpu.memory_space<hbm>>
        tpu.enqueue_dma source(%dma_start3A_607 : memref<64xi32, #tpu.memory_space<hbm>>) target(%dma_start3A_605 : memref<64xi32, #tpu.memory_space<vmem>>) target_semaphore(%arg21 : memref<!tpu.dma_semaphore, #tpu.memory_space<semaphore_mem>>)
        %add3A_608 = arith.constant 192 : i32
        %add3A_609 = arith.addi %mul3A_509, %add3A_608 : i32
        %dma_start3A_610 = arith.constant 1 : i32
        %dma_start3A_611 = arith.constant 3 : i32
        %dma_start3A_612 = arith.constant 0 : i32
        %dma_start3A_613 = tpu.memref_slice %arg8[%dma_start3A_611, %dma_start3A_612] : memref<4x64xi32, #tpu.memory_space<vmem>> -> memref<1x64xi32, #tpu.memory_space<vmem>>
        %dma_start3A_614 = tpu.memref_squeeze %dma_start3A_613 : memref<1x64xi32, #tpu.memory_space<vmem>> -> memref<64xi32, #tpu.memory_space<vmem>>
        %dma_start3A_615 = tpu.memref_slice %arg3[%dma_start3A_610, %add3A_609] : memref<2x800000xi32, #tpu.memory_space<hbm>> -> memref<1x64xi32, #tpu.memory_space<hbm>>
        %dma_start3A_616 = tpu.memref_squeeze %dma_start3A_615 : memref<1x64xi32, #tpu.memory_space<hbm>> -> memref<64xi32, #tpu.memory_space<hbm>>
        %dma_start3A_617 = arith.constant 0 : i32
        %dma_start3A_618 = tpu.memref_slice %arg8[%dma_start3A_611, %dma_start3A_617] : memref<4x64xi32, #tpu.memory_space<vmem>> -> memref<1x64xi32, #tpu.memory_space<vmem>>
        %dma_start3A_619 = tpu.memref_squeeze %dma_start3A_618 : memref<1x64xi32, #tpu.memory_space<vmem>> -> memref<64xi32, #tpu.memory_space<vmem>>
        %dma_start3A_620 = tpu.memref_slice %arg3[%dma_start3A_610, %add3A_609] : memref<2x800000xi32, #tpu.memory_space<hbm>> -> memref<1x64xi32, #tpu.memory_space<hbm>>
        %dma_start3A_621 = tpu.memref_squeeze %dma_start3A_620 : memref<1x64xi32, #tpu.memory_space<hbm>> -> memref<64xi32, #tpu.memory_space<hbm>>
        tpu.enqueue_dma source(%dma_start3A_621 : memref<64xi32, #tpu.memory_space<hbm>>) target(%dma_start3A_619 : memref<64xi32, #tpu.memory_space<vmem>>) target_semaphore(%arg21 : memref<!tpu.dma_semaphore, #tpu.memory_space<semaphore_mem>>)
      } else {
      }
      %lt3A_488 = arith.constant 195 : i32
      %lt3A_489 = arith.cmpi slt, %add3A_472, %lt3A_488 : i32
      %convert_element_type3A_490 = arith.extui %lt3A_489 : i1 to i32
      %cond3A_491 = arith.constant 0 : i32
      %cond3A_492 = arith.cmpi ne, %convert_element_type3A_490, %cond3A_491 : i32
      scf.if %cond3A_492 {
        %dma_wait3A_501 = arith.constant 0 : i32
        %dma_wait3A_502 = arith.constant 0 : i32
        %dma_wait3A_503 = arith.constant 0 : i32
        %dma_wait3A_504 = tpu.memref_slice %arg13[%dma_wait3A_502, %dma_wait3A_503] : memref<256x32xf32, #tpu.memory_space<vmem>> -> memref<64x32xf32, #tpu.memory_space<vmem>>
        %dma_wait3A_505 = arith.constant 0 : i32
        %dma_wait3A_506 = tpu.memref_slice %arg7[%dma_wait3A_501, %dma_wait3A_505] : memref<4x64xi32, #tpu.memory_space<vmem>> -> memref<1x64xi32, #tpu.memory_space<vmem>>
        %dma_wait3A_507 = tpu.memref_squeeze %dma_wait3A_506 : memref<1x64xi32, #tpu.memory_space<vmem>> -> memref<64xi32, #tpu.memory_space<vmem>>
        %dma_wait3A_508 = arith.constant 0 : i32
        %dma_wait3A_509 = arith.constant 0 : i32
        %dma_wait3A_510 = tpu.memref_slice %arg2[%arg0, %dma_wait3A_508, %dma_wait3A_509] : memref<2x50000x32xf32, #tpu.memory_space<hbm>> -> memref<1x50000x32xf32, #tpu.memory_space<hbm>>
        %dma_wait3A_511 = tpu.memref_squeeze %dma_wait3A_510 : memref<1x50000x32xf32, #tpu.memory_space<hbm>> -> memref<50000x32xf32, #tpu.memory_space<hbm>>
        %dma_wait3A_512 = arith.constant 0 : i32
        %dma_wait3A_513 = arith.constant 0 : i32
        %dma_wait3A_514 = tpu.memref_slice %dma_wait3A_511[%dma_wait3A_512, %dma_wait3A_513] : memref<50000x32xf32, #tpu.memory_space<hbm>> -> memref<50000x32xf32, #tpu.memory_space<hbm>>
        tpu.wait_indirect_dma semaphore(%arg17 : memref<!tpu.dma_semaphore, #tpu.memory_space<semaphore_mem>>) src(%dma_wait3A_514 : memref<50000x32xf32, #tpu.memory_space<hbm>>) dst(%dma_wait3A_504 : memref<64x32xf32, #tpu.memory_space<vmem>>)
        %dma_wait3A_515 = arith.constant 1 : i32
        %dma_wait3A_516 = arith.constant 64 : i32
        %dma_wait3A_517 = arith.constant 0 : i32
        %dma_wait3A_518 = tpu.memref_slice %arg13[%dma_wait3A_516, %dma_wait3A_517] : memref<256x32xf32, #tpu.memory_space<vmem>> -> memref<64x32xf32, #tpu.memory_space<vmem>>
        %dma_wait3A_519 = arith.constant 0 : i32
        %dma_wait3A_520 = tpu.memref_slice %arg7[%dma_wait3A_515, %dma_wait3A_519] : memref<4x64xi32, #tpu.memory_space<vmem>> -> memref<1x64xi32, #tpu.memory_space<vmem>>
        %dma_wait3A_521 = tpu.memref_squeeze %dma_wait3A_520 : memref<1x64xi32, #tpu.memory_space<vmem>> -> memref<64xi32, #tpu.memory_space<vmem>>
        %dma_wait3A_522 = arith.constant 0 : i32
        %dma_wait3A_523 = arith.constant 0 : i32
        %dma_wait3A_524 = tpu.memref_slice %arg2[%arg0, %dma_wait3A_522, %dma_wait3A_523] : memref<2x50000x32xf32, #tpu.memory_space<hbm>> -> memref<1x50000x32xf32, #tpu.memory_space<hbm>>
        %dma_wait3A_525 = tpu.memref_squeeze %dma_wait3A_524 : memref<1x50000x32xf32, #tpu.memory_space<hbm>> -> memref<50000x32xf32, #tpu.memory_space<hbm>>
        %dma_wait3A_526 = arith.constant 0 : i32
        %dma_wait3A_527 = arith.constant 0 : i32
        %dma_wait3A_528 = tpu.memref_slice %dma_wait3A_525[%dma_wait3A_526, %dma_wait3A_527] : memref<50000x32xf32, #tpu.memory_space<hbm>> -> memref<50000x32xf32, #tpu.memory_space<hbm>>
        tpu.wait_indirect_dma semaphore(%arg17 : memref<!tpu.dma_semaphore, #tpu.memory_space<semaphore_mem>>) src(%dma_wait3A_528 : memref<50000x32xf32, #tpu.memory_space<hbm>>) dst(%dma_wait3A_518 : memref<64x32xf32, #tpu.memory_space<vmem>>)
        %dma_wait3A_529 = arith.constant 2 : i32
        %dma_wait3A_530 = arith.constant 128 : i32
        %dma_wait3A_531 = arith.constant 0 : i32
        %dma_wait3A_532 = tpu.memref_slice %arg13[%dma_wait3A_530, %dma_wait3A_531] : memref<256x32xf32, #tpu.memory_space<vmem>> -> memref<64x32xf32, #tpu.memory_space<vmem>>
        %dma_wait3A_533 = arith.constant 0 : i32
        %dma_wait3A_534 = tpu.memref_slice %arg7[%dma_wait3A_529, %dma_wait3A_533] : memref<4x64xi32, #tpu.memory_space<vmem>> -> memref<1x64xi32, #tpu.memory_space<vmem>>
        %dma_wait3A_535 = tpu.memref_squeeze %dma_wait3A_534 : memref<1x64xi32, #tpu.memory_space<vmem>> -> memref<64xi32, #tpu.memory_space<vmem>>
        %dma_wait3A_536 = arith.constant 0 : i32
        %dma_wait3A_537 = arith.constant 0 : i32
        %dma_wait3A_538 = tpu.memref_slice %arg2[%arg0, %dma_wait3A_536, %dma_wait3A_537] : memref<2x50000x32xf32, #tpu.memory_space<hbm>> -> memref<1x50000x32xf32, #tpu.memory_space<hbm>>
        %dma_wait3A_539 = tpu.memref_squeeze %dma_wait3A_538 : memref<1x50000x32xf32, #tpu.memory_space<hbm>> -> memref<50000x32xf32, #tpu.memory_space<hbm>>
        %dma_wait3A_540 = arith.constant 0 : i32
        %dma_wait3A_541 = arith.constant 0 : i32
        %dma_wait3A_542 = tpu.memref_slice %dma_wait3A_539[%dma_wait3A_540, %dma_wait3A_541] : memref<50000x32xf32, #tpu.memory_space<hbm>> -> memref<50000x32xf32, #tpu.memory_space<hbm>>
        tpu.wait_indirect_dma semaphore(%arg17 : memref<!tpu.dma_semaphore, #tpu.memory_space<semaphore_mem>>) src(%dma_wait3A_542 : memref<50000x32xf32, #tpu.memory_space<hbm>>) dst(%dma_wait3A_532 : memref<64x32xf32, #tpu.memory_space<vmem>>)
        %dma_wait3A_543 = arith.constant 3 : i32
        %dma_wait3A_544 = arith.constant 192 : i32
        %dma_wait3A_545 = arith.constant 0 : i32
        %dma_wait3A_546 = tpu.memref_slice %arg13[%dma_wait3A_544, %dma_wait3A_545] : memref<256x32xf32, #tpu.memory_space<vmem>> -> memref<64x32xf32, #tpu.memory_space<vmem>>
        %dma_wait3A_547 = arith.constant 0 : i32
        %dma_wait3A_548 = tpu.memref_slice %arg7[%dma_wait3A_543, %dma_wait3A_547] : memref<4x64xi32, #tpu.memory_space<vmem>> -> memref<1x64xi32, #tpu.memory_space<vmem>>
        %dma_wait3A_549 = tpu.memref_squeeze %dma_wait3A_548 : memref<1x64xi32, #tpu.memory_space<vmem>> -> memref<64xi32, #tpu.memory_space<vmem>>
        %dma_wait3A_550 = arith.constant 0 : i32
        %dma_wait3A_551 = arith.constant 0 : i32
        %dma_wait3A_552 = tpu.memref_slice %arg2[%arg0, %dma_wait3A_550, %dma_wait3A_551] : memref<2x50000x32xf32, #tpu.memory_space<hbm>> -> memref<1x50000x32xf32, #tpu.memory_space<hbm>>
        %dma_wait3A_553 = tpu.memref_squeeze %dma_wait3A_552 : memref<1x50000x32xf32, #tpu.memory_space<hbm>> -> memref<50000x32xf32, #tpu.memory_space<hbm>>
        %dma_wait3A_554 = arith.constant 0 : i32
        %dma_wait3A_555 = arith.constant 0 : i32
        %dma_wait3A_556 = tpu.memref_slice %dma_wait3A_553[%dma_wait3A_554, %dma_wait3A_555] : memref<50000x32xf32, #tpu.memory_space<hbm>> -> memref<50000x32xf32, #tpu.memory_space<hbm>>
        tpu.wait_indirect_dma semaphore(%arg17 : memref<!tpu.dma_semaphore, #tpu.memory_space<semaphore_mem>>) src(%dma_wait3A_556 : memref<50000x32xf32, #tpu.memory_space<hbm>>) dst(%dma_wait3A_546 : memref<64x32xf32, #tpu.memory_space<vmem>>)
        %dma_start3A_557 = arith.constant 0 : i32
        %dma_start3A_558 = arith.constant 0 : i32
        %dma_start3A_559 = arith.constant 0 : i32
        %dma_start3A_560 = tpu.memref_slice %arg13[%dma_start3A_558, %dma_start3A_559] : memref<256x32xf32, #tpu.memory_space<vmem>> -> memref<64x32xf32, #tpu.memory_space<vmem>>
        %dma_start3A_561 = arith.constant 0 : i32
        %dma_start3A_562 = tpu.memref_slice %arg10[%dma_start3A_557, %dma_start3A_561] : memref<4x64xi32, #tpu.memory_space<vmem>> -> memref<1x64xi32, #tpu.memory_space<vmem>>
        %dma_start3A_563 = tpu.memref_squeeze %dma_start3A_562 : memref<1x64xi32, #tpu.memory_space<vmem>> -> memref<64xi32, #tpu.memory_space<vmem>>
        %dma_start3A_564 = arith.constant 0 : i32
        %dma_start3A_565 = arith.constant 0 : i32
        %dma_start3A_566 = tpu.memref_slice %arg14[%dma_start3A_564, %dma_start3A_565] : memref<50176x32xf32, #tpu.memory_space<vmem_shared>> -> memref<50176x32xf32, #tpu.memory_space<vmem_shared>>
        tpu.enqueue_indirect_dma source(%dma_start3A_560 : memref<64x32xf32, #tpu.memory_space<vmem>>) target(%dma_start3A_566 : memref<50176x32xf32, #tpu.memory_space<vmem_shared>>) offsets(%dma_start3A_563 : memref<64xi32, #tpu.memory_space<vmem>>) semaphore(%arg20 : memref<!tpu.dma_semaphore, #tpu.memory_space<semaphore_mem>>) {add = true}
        %dma_start3A_567 = arith.constant 1 : i32
        %dma_start3A_568 = arith.constant 64 : i32
        %dma_start3A_569 = arith.constant 0 : i32
        %dma_start3A_570 = tpu.memref_slice %arg13[%dma_start3A_568, %dma_start3A_569] : memref<256x32xf32, #tpu.memory_space<vmem>> -> memref<64x32xf32, #tpu.memory_space<vmem>>
        %dma_start3A_571 = arith.constant 0 : i32
        %dma_start3A_572 = tpu.memref_slice %arg10[%dma_start3A_567, %dma_start3A_571] : memref<4x64xi32, #tpu.memory_space<vmem>> -> memref<1x64xi32, #tpu.memory_space<vmem>>
        %dma_start3A_573 = tpu.memref_squeeze %dma_start3A_572 : memref<1x64xi32, #tpu.memory_space<vmem>> -> memref<64xi32, #tpu.memory_space<vmem>>
        %dma_start3A_574 = arith.constant 0 : i32
        %dma_start3A_575 = arith.constant 0 : i32
        %dma_start3A_576 = tpu.memref_slice %arg14[%dma_start3A_574, %dma_start3A_575] : memref<50176x32xf32, #tpu.memory_space<vmem_shared>> -> memref<50176x32xf32, #tpu.memory_space<vmem_shared>>
        tpu.enqueue_indirect_dma source(%dma_start3A_570 : memref<64x32xf32, #tpu.memory_space<vmem>>) target(%dma_start3A_576 : memref<50176x32xf32, #tpu.memory_space<vmem_shared>>) offsets(%dma_start3A_573 : memref<64xi32, #tpu.memory_space<vmem>>) semaphore(%arg20 : memref<!tpu.dma_semaphore, #tpu.memory_space<semaphore_mem>>) {add = true}
        %dma_start3A_577 = arith.constant 2 : i32
        %dma_start3A_578 = arith.constant 128 : i32
        %dma_start3A_579 = arith.constant 0 : i32
        %dma_start3A_580 = tpu.memref_slice %arg13[%dma_start3A_578, %dma_start3A_579] : memref<256x32xf32, #tpu.memory_space<vmem>> -> memref<64x32xf32, #tpu.memory_space<vmem>>
        %dma_start3A_581 = arith.constant 0 : i32
        %dma_start3A_582 = tpu.memref_slice %arg10[%dma_start3A_577, %dma_start3A_581] : memref<4x64xi32, #tpu.memory_space<vmem>> -> memref<1x64xi32, #tpu.memory_space<vmem>>
        %dma_start3A_583 = tpu.memref_squeeze %dma_start3A_582 : memref<1x64xi32, #tpu.memory_space<vmem>> -> memref<64xi32, #tpu.memory_space<vmem>>
        %dma_start3A_584 = arith.constant 0 : i32
        %dma_start3A_585 = arith.constant 0 : i32
        %dma_start3A_586 = tpu.memref_slice %arg14[%dma_start3A_584, %dma_start3A_585] : memref<50176x32xf32, #tpu.memory_space<vmem_shared>> -> memref<50176x32xf32, #tpu.memory_space<vmem_shared>>
        tpu.enqueue_indirect_dma source(%dma_start3A_580 : memref<64x32xf32, #tpu.memory_space<vmem>>) target(%dma_start3A_586 : memref<50176x32xf32, #tpu.memory_space<vmem_shared>>) offsets(%dma_start3A_583 : memref<64xi32, #tpu.memory_space<vmem>>) semaphore(%arg20 : memref<!tpu.dma_semaphore, #tpu.memory_space<semaphore_mem>>) {add = true}
        %dma_start3A_587 = arith.constant 3 : i32
        %dma_start3A_588 = arith.constant 192 : i32
        %dma_start3A_589 = arith.constant 0 : i32
        %dma_start3A_590 = tpu.memref_slice %arg13[%dma_start3A_588, %dma_start3A_589] : memref<256x32xf32, #tpu.memory_space<vmem>> -> memref<64x32xf32, #tpu.memory_space<vmem>>
        %dma_start3A_591 = arith.constant 0 : i32
        %dma_start3A_592 = tpu.memref_slice %arg10[%dma_start3A_587, %dma_start3A_591] : memref<4x64xi32, #tpu.memory_space<vmem>> -> memref<1x64xi32, #tpu.memory_space<vmem>>
        %dma_start3A_593 = tpu.memref_squeeze %dma_start3A_592 : memref<1x64xi32, #tpu.memory_space<vmem>> -> memref<64xi32, #tpu.memory_space<vmem>>
        %dma_start3A_594 = arith.constant 0 : i32
        %dma_start3A_595 = arith.constant 0 : i32
        %dma_start3A_596 = tpu.memref_slice %arg14[%dma_start3A_594, %dma_start3A_595] : memref<50176x32xf32, #tpu.memory_space<vmem_shared>> -> memref<50176x32xf32, #tpu.memory_space<vmem_shared>>
        tpu.enqueue_indirect_dma source(%dma_start3A_590 : memref<64x32xf32, #tpu.memory_space<vmem>>) target(%dma_start3A_596 : memref<50176x32xf32, #tpu.memory_space<vmem_shared>>) offsets(%dma_start3A_593 : memref<64xi32, #tpu.memory_space<vmem>>) semaphore(%arg20 : memref<!tpu.dma_semaphore, #tpu.memory_space<semaphore_mem>>) {add = true}
      } else {
      }
      %add3A_493 = arith.constant 1 : i32
      %add3A_494 = arith.addi %add3A_472, %add3A_493 : i32
      %lt3A_495 = arith.constant 195 : i32
      %lt3A_496 = arith.cmpi slt, %add3A_494, %lt3A_495 : i32
      %convert_element_type3A_497 = arith.extui %lt3A_496 : i1 to i32
      %cond3A_498 = arith.constant 0 : i32
      %cond3A_499 = arith.cmpi ne, %convert_element_type3A_497, %cond3A_498 : i32
      scf.if %cond3A_499 {
        %add3A_501 = arith.constant 1 : i32
        %add3A_502 = arith.addi %add3A_472, %add3A_501 : i32
        %mul3A_503 = arith.constant 780 : i32
        %mul3A_504 = arith.muli %arg1, %mul3A_503 : i32
        %mul3A_505 = arith.constant 4 : i32
        %mul3A_506 = arith.muli %add3A_502, %mul3A_505 : i32
        %add3A_507 = arith.addi %mul3A_504, %mul3A_506 : i32
        %mul3A_508 = arith.constant 64 : i32
        %mul3A_509 = arith.muli %add3A_507, %mul3A_508 : i32
        %add3A_510 = arith.constant 0 : i32
        %add3A_511 = arith.addi %mul3A_509, %add3A_510 : i32
        %dma_wait3A_512 = arith.constant 0 : i32
        %dma_wait3A_513 = arith.constant 0 : i32
        %dma_wait3A_514 = arith.constant 0 : i32
        %dma_wait3A_515 = tpu.memref_slice %arg5[%dma_wait3A_513, %dma_wait3A_514] : memref<4x64xi32, #tpu.memory_space<vmem>> -> memref<1x64xi32, #tpu.memory_space<vmem>>
        %dma_wait3A_516 = tpu.memref_squeeze %dma_wait3A_515 : memref<1x64xi32, #tpu.memory_space<vmem>> -> memref<64xi32, #tpu.memory_space<vmem>>
        %dma_wait3A_517 = tpu.memref_slice %arg3[%dma_wait3A_512, %add3A_511] : memref<2x800000xi32, #tpu.memory_space<hbm>> -> memref<1x64xi32, #tpu.memory_space<hbm>>
        %dma_wait3A_518 = tpu.memref_squeeze %dma_wait3A_517 : memref<1x64xi32, #tpu.memory_space<hbm>> -> memref<64xi32, #tpu.memory_space<hbm>>
        %dma_wait3A_519 = arith.constant 0 : i32
        %dma_wait3A_520 = tpu.memref_slice %arg5[%dma_wait3A_513, %dma_wait3A_519] : memref<4x64xi32, #tpu.memory_space<vmem>> -> memref<1x64xi32, #tpu.memory_space<vmem>>
        %dma_wait3A_521 = tpu.memref_squeeze %dma_wait3A_520 : memref<1x64xi32, #tpu.memory_space<vmem>> -> memref<64xi32, #tpu.memory_space<vmem>>
        %dma_wait3A_522 = tpu.memref_slice %arg3[%dma_wait3A_512, %add3A_511] : memref<2x800000xi32, #tpu.memory_space<hbm>> -> memref<1x64xi32, #tpu.memory_space<hbm>>
        %dma_wait3A_523 = tpu.memref_squeeze %dma_wait3A_522 : memref<1x64xi32, #tpu.memory_space<hbm>> -> memref<64xi32, #tpu.memory_space<hbm>>
        tpu.wait_dma2 semaphore(%arg21 : memref<!tpu.dma_semaphore, #tpu.memory_space<semaphore_mem>>) src(%dma_wait3A_523 : memref<64xi32, #tpu.memory_space<hbm>>) dst(%dma_wait3A_521 : memref<64xi32, #tpu.memory_space<vmem>>)
        %add3A_524 = arith.constant 64 : i32
        %add3A_525 = arith.addi %mul3A_509, %add3A_524 : i32
        %dma_wait3A_526 = arith.constant 0 : i32
        %dma_wait3A_527 = arith.constant 1 : i32
        %dma_wait3A_528 = arith.constant 0 : i32
        %dma_wait3A_529 = tpu.memref_slice %arg5[%dma_wait3A_527, %dma_wait3A_528] : memref<4x64xi32, #tpu.memory_space<vmem>> -> memref<1x64xi32, #tpu.memory_space<vmem>>
        %dma_wait3A_530 = tpu.memref_squeeze %dma_wait3A_529 : memref<1x64xi32, #tpu.memory_space<vmem>> -> memref<64xi32, #tpu.memory_space<vmem>>
        %dma_wait3A_531 = tpu.memref_slice %arg3[%dma_wait3A_526, %add3A_525] : memref<2x800000xi32, #tpu.memory_space<hbm>> -> memref<1x64xi32, #tpu.memory_space<hbm>>
        %dma_wait3A_532 = tpu.memref_squeeze %dma_wait3A_531 : memref<1x64xi32, #tpu.memory_space<hbm>> -> memref<64xi32, #tpu.memory_space<hbm>>
        %dma_wait3A_533 = arith.constant 0 : i32
        %dma_wait3A_534 = tpu.memref_slice %arg5[%dma_wait3A_527, %dma_wait3A_533] : memref<4x64xi32, #tpu.memory_space<vmem>> -> memref<1x64xi32, #tpu.memory_space<vmem>>
        %dma_wait3A_535 = tpu.memref_squeeze %dma_wait3A_534 : memref<1x64xi32, #tpu.memory_space<vmem>> -> memref<64xi32, #tpu.memory_space<vmem>>
        %dma_wait3A_536 = tpu.memref_slice %arg3[%dma_wait3A_526, %add3A_525] : memref<2x800000xi32, #tpu.memory_space<hbm>> -> memref<1x64xi32, #tpu.memory_space<hbm>>
        %dma_wait3A_537 = tpu.memref_squeeze %dma_wait3A_536 : memref<1x64xi32, #tpu.memory_space<hbm>> -> memref<64xi32, #tpu.memory_space<hbm>>
        tpu.wait_dma2 semaphore(%arg21 : memref<!tpu.dma_semaphore, #tpu.memory_space<semaphore_mem>>) src(%dma_wait3A_537 : memref<64xi32, #tpu.memory_space<hbm>>) dst(%dma_wait3A_535 : memref<64xi32, #tpu.memory_space<vmem>>)
        %add3A_538 = arith.constant 128 : i32
        %add3A_539 = arith.addi %mul3A_509, %add3A_538 : i32
        %dma_wait3A_540 = arith.constant 0 : i32
        %dma_wait3A_541 = arith.constant 2 : i32
        %dma_wait3A_542 = arith.constant 0 : i32
        %dma_wait3A_543 = tpu.memref_slice %arg5[%dma_wait3A_541, %dma_wait3A_542] : memref<4x64xi32, #tpu.memory_space<vmem>> -> memref<1x64xi32, #tpu.memory_space<vmem>>
        %dma_wait3A_544 = tpu.memref_squeeze %dma_wait3A_543 : memref<1x64xi32, #tpu.memory_space<vmem>> -> memref<64xi32, #tpu.memory_space<vmem>>
        %dma_wait3A_545 = tpu.memref_slice %arg3[%dma_wait3A_540, %add3A_539] : memref<2x800000xi32, #tpu.memory_space<hbm>> -> memref<1x64xi32, #tpu.memory_space<hbm>>
        %dma_wait3A_546 = tpu.memref_squeeze %dma_wait3A_545 : memref<1x64xi32, #tpu.memory_space<hbm>> -> memref<64xi32, #tpu.memory_space<hbm>>
        %dma_wait3A_547 = arith.constant 0 : i32
        %dma_wait3A_548 = tpu.memref_slice %arg5[%dma_wait3A_541, %dma_wait3A_547] : memref<4x64xi32, #tpu.memory_space<vmem>> -> memref<1x64xi32, #tpu.memory_space<vmem>>
        %dma_wait3A_549 = tpu.memref_squeeze %dma_wait3A_548 : memref<1x64xi32, #tpu.memory_space<vmem>> -> memref<64xi32, #tpu.memory_space<vmem>>
        %dma_wait3A_550 = tpu.memref_slice %arg3[%dma_wait3A_540, %add3A_539] : memref<2x800000xi32, #tpu.memory_space<hbm>> -> memref<1x64xi32, #tpu.memory_space<hbm>>
        %dma_wait3A_551 = tpu.memref_squeeze %dma_wait3A_550 : memref<1x64xi32, #tpu.memory_space<hbm>> -> memref<64xi32, #tpu.memory_space<hbm>>
        tpu.wait_dma2 semaphore(%arg21 : memref<!tpu.dma_semaphore, #tpu.memory_space<semaphore_mem>>) src(%dma_wait3A_551 : memref<64xi32, #tpu.memory_space<hbm>>) dst(%dma_wait3A_549 : memref<64xi32, #tpu.memory_space<vmem>>)
        %add3A_552 = arith.constant 192 : i32
        %add3A_553 = arith.addi %mul3A_509, %add3A_552 : i32
        %dma_wait3A_554 = arith.constant 0 : i32
        %dma_wait3A_555 = arith.constant 3 : i32
        %dma_wait3A_556 = arith.constant 0 : i32
        %dma_wait3A_557 = tpu.memref_slice %arg5[%dma_wait3A_555, %dma_wait3A_556] : memref<4x64xi32, #tpu.memory_space<vmem>> -> memref<1x64xi32, #tpu.memory_space<vmem>>
        %dma_wait3A_558 = tpu.memref_squeeze %dma_wait3A_557 : memref<1x64xi32, #tpu.memory_space<vmem>> -> memref<64xi32, #tpu.memory_space<vmem>>
        %dma_wait3A_559 = tpu.memref_slice %arg3[%dma_wait3A_554, %add3A_553] : memref<2x800000xi32, #tpu.memory_space<hbm>> -> memref<1x64xi32, #tpu.memory_space<hbm>>
        %dma_wait3A_560 = tpu.memref_squeeze %dma_wait3A_559 : memref<1x64xi32, #tpu.memory_space<hbm>> -> memref<64xi32, #tpu.memory_space<hbm>>
        %dma_wait3A_561 = arith.constant 0 : i32
        %dma_wait3A_562 = tpu.memref_slice %arg5[%dma_wait3A_555, %dma_wait3A_561] : memref<4x64xi32, #tpu.memory_space<vmem>> -> memref<1x64xi32, #tpu.memory_space<vmem>>
        %dma_wait3A_563 = tpu.memref_squeeze %dma_wait3A_562 : memref<1x64xi32, #tpu.memory_space<vmem>> -> memref<64xi32, #tpu.memory_space<vmem>>
        %dma_wait3A_564 = tpu.memref_slice %arg3[%dma_wait3A_554, %add3A_553] : memref<2x800000xi32, #tpu.memory_space<hbm>> -> memref<1x64xi32, #tpu.memory_space<hbm>>
        %dma_wait3A_565 = tpu.memref_squeeze %dma_wait3A_564 : memref<1x64xi32, #tpu.memory_space<hbm>> -> memref<64xi32, #tpu.memory_space<hbm>>
        tpu.wait_dma2 semaphore(%arg21 : memref<!tpu.dma_semaphore, #tpu.memory_space<semaphore_mem>>) src(%dma_wait3A_565 : memref<64xi32, #tpu.memory_space<hbm>>) dst(%dma_wait3A_563 : memref<64xi32, #tpu.memory_space<vmem>>)
        %add3A_566 = arith.constant 0 : i32
        %add3A_567 = arith.addi %mul3A_509, %add3A_566 : i32
        %dma_wait3A_568 = arith.constant 1 : i32
        %dma_wait3A_569 = arith.constant 0 : i32
        %dma_wait3A_570 = arith.constant 0 : i32
        %dma_wait3A_571 = tpu.memref_slice %arg8[%dma_wait3A_569, %dma_wait3A_570] : memref<4x64xi32, #tpu.memory_space<vmem>> -> memref<1x64xi32, #tpu.memory_space<vmem>>
        %dma_wait3A_572 = tpu.memref_squeeze %dma_wait3A_571 : memref<1x64xi32, #tpu.memory_space<vmem>> -> memref<64xi32, #tpu.memory_space<vmem>>
        %dma_wait3A_573 = tpu.memref_slice %arg3[%dma_wait3A_568, %add3A_567] : memref<2x800000xi32, #tpu.memory_space<hbm>> -> memref<1x64xi32, #tpu.memory_space<hbm>>
        %dma_wait3A_574 = tpu.memref_squeeze %dma_wait3A_573 : memref<1x64xi32, #tpu.memory_space<hbm>> -> memref<64xi32, #tpu.memory_space<hbm>>
        %dma_wait3A_575 = arith.constant 0 : i32
        %dma_wait3A_576 = tpu.memref_slice %arg8[%dma_wait3A_569, %dma_wait3A_575] : memref<4x64xi32, #tpu.memory_space<vmem>> -> memref<1x64xi32, #tpu.memory_space<vmem>>
        %dma_wait3A_577 = tpu.memref_squeeze %dma_wait3A_576 : memref<1x64xi32, #tpu.memory_space<vmem>> -> memref<64xi32, #tpu.memory_space<vmem>>
        %dma_wait3A_578 = tpu.memref_slice %arg3[%dma_wait3A_568, %add3A_567] : memref<2x800000xi32, #tpu.memory_space<hbm>> -> memref<1x64xi32, #tpu.memory_space<hbm>>
        %dma_wait3A_579 = tpu.memref_squeeze %dma_wait3A_578 : memref<1x64xi32, #tpu.memory_space<hbm>> -> memref<64xi32, #tpu.memory_space<hbm>>
        tpu.wait_dma2 semaphore(%arg21 : memref<!tpu.dma_semaphore, #tpu.memory_space<semaphore_mem>>) src(%dma_wait3A_579 : memref<64xi32, #tpu.memory_space<hbm>>) dst(%dma_wait3A_577 : memref<64xi32, #tpu.memory_space<vmem>>)
        %add3A_580 = arith.constant 64 : i32
        %add3A_581 = arith.addi %mul3A_509, %add3A_580 : i32
        %dma_wait3A_582 = arith.constant 1 : i32
        %dma_wait3A_583 = arith.constant 1 : i32
        %dma_wait3A_584 = arith.constant 0 : i32
        %dma_wait3A_585 = tpu.memref_slice %arg8[%dma_wait3A_583, %dma_wait3A_584] : memref<4x64xi32, #tpu.memory_space<vmem>> -> memref<1x64xi32, #tpu.memory_space<vmem>>
        %dma_wait3A_586 = tpu.memref_squeeze %dma_wait3A_585 : memref<1x64xi32, #tpu.memory_space<vmem>> -> memref<64xi32, #tpu.memory_space<vmem>>
        %dma_wait3A_587 = tpu.memref_slice %arg3[%dma_wait3A_582, %add3A_581] : memref<2x800000xi32, #tpu.memory_space<hbm>> -> memref<1x64xi32, #tpu.memory_space<hbm>>
        %dma_wait3A_588 = tpu.memref_squeeze %dma_wait3A_587 : memref<1x64xi32, #tpu.memory_space<hbm>> -> memref<64xi32, #tpu.memory_space<hbm>>
        %dma_wait3A_589 = arith.constant 0 : i32
        %dma_wait3A_590 = tpu.memref_slice %arg8[%dma_wait3A_583, %dma_wait3A_589] : memref<4x64xi32, #tpu.memory_space<vmem>> -> memref<1x64xi32, #tpu.memory_space<vmem>>
        %dma_wait3A_591 = tpu.memref_squeeze %dma_wait3A_590 : memref<1x64xi32, #tpu.memory_space<vmem>> -> memref<64xi32, #tpu.memory_space<vmem>>
        %dma_wait3A_592 = tpu.memref_slice %arg3[%dma_wait3A_582, %add3A_581] : memref<2x800000xi32, #tpu.memory_space<hbm>> -> memref<1x64xi32, #tpu.memory_space<hbm>>
        %dma_wait3A_593 = tpu.memref_squeeze %dma_wait3A_592 : memref<1x64xi32, #tpu.memory_space<hbm>> -> memref<64xi32, #tpu.memory_space<hbm>>
        tpu.wait_dma2 semaphore(%arg21 : memref<!tpu.dma_semaphore, #tpu.memory_space<semaphore_mem>>) src(%dma_wait3A_593 : memref<64xi32, #tpu.memory_space<hbm>>) dst(%dma_wait3A_591 : memref<64xi32, #tpu.memory_space<vmem>>)
        %add3A_594 = arith.constant 128 : i32
        %add3A_595 = arith.addi %mul3A_509, %add3A_594 : i32
        %dma_wait3A_596 = arith.constant 1 : i32
        %dma_wait3A_597 = arith.constant 2 : i32
        %dma_wait3A_598 = arith.constant 0 : i32
        %dma_wait3A_599 = tpu.memref_slice %arg8[%dma_wait3A_597, %dma_wait3A_598] : memref<4x64xi32, #tpu.memory_space<vmem>> -> memref<1x64xi32, #tpu.memory_space<vmem>>
        %dma_wait3A_600 = tpu.memref_squeeze %dma_wait3A_599 : memref<1x64xi32, #tpu.memory_space<vmem>> -> memref<64xi32, #tpu.memory_space<vmem>>
        %dma_wait3A_601 = tpu.memref_slice %arg3[%dma_wait3A_596, %add3A_595] : memref<2x800000xi32, #tpu.memory_space<hbm>> -> memref<1x64xi32, #tpu.memory_space<hbm>>
        %dma_wait3A_602 = tpu.memref_squeeze %dma_wait3A_601 : memref<1x64xi32, #tpu.memory_space<hbm>> -> memref<64xi32, #tpu.memory_space<hbm>>
        %dma_wait3A_603 = arith.constant 0 : i32
        %dma_wait3A_604 = tpu.memref_slice %arg8[%dma_wait3A_597, %dma_wait3A_603] : memref<4x64xi32, #tpu.memory_space<vmem>> -> memref<1x64xi32, #tpu.memory_space<vmem>>
        %dma_wait3A_605 = tpu.memref_squeeze %dma_wait3A_604 : memref<1x64xi32, #tpu.memory_space<vmem>> -> memref<64xi32, #tpu.memory_space<vmem>>
        %dma_wait3A_606 = tpu.memref_slice %arg3[%dma_wait3A_596, %add3A_595] : memref<2x800000xi32, #tpu.memory_space<hbm>> -> memref<1x64xi32, #tpu.memory_space<hbm>>
        %dma_wait3A_607 = tpu.memref_squeeze %dma_wait3A_606 : memref<1x64xi32, #tpu.memory_space<hbm>> -> memref<64xi32, #tpu.memory_space<hbm>>
        tpu.wait_dma2 semaphore(%arg21 : memref<!tpu.dma_semaphore, #tpu.memory_space<semaphore_mem>>) src(%dma_wait3A_607 : memref<64xi32, #tpu.memory_space<hbm>>) dst(%dma_wait3A_605 : memref<64xi32, #tpu.memory_space<vmem>>)
        %add3A_608 = arith.constant 192 : i32
        %add3A_609 = arith.addi %mul3A_509, %add3A_608 : i32
        %dma_wait3A_610 = arith.constant 1 : i32
        %dma_wait3A_611 = arith.constant 3 : i32
        %dma_wait3A_612 = arith.constant 0 : i32
        %dma_wait3A_613 = tpu.memref_slice %arg8[%dma_wait3A_611, %dma_wait3A_612] : memref<4x64xi32, #tpu.memory_space<vmem>> -> memref<1x64xi32, #tpu.memory_space<vmem>>
        %dma_wait3A_614 = tpu.memref_squeeze %dma_wait3A_613 : memref<1x64xi32, #tpu.memory_space<vmem>> -> memref<64xi32, #tpu.memory_space<vmem>>
        %dma_wait3A_615 = tpu.memref_slice %arg3[%dma_wait3A_610, %add3A_609] : memref<2x800000xi32, #tpu.memory_space<hbm>> -> memref<1x64xi32, #tpu.memory_space<hbm>>
        %dma_wait3A_616 = tpu.memref_squeeze %dma_wait3A_615 : memref<1x64xi32, #tpu.memory_space<hbm>> -> memref<64xi32, #tpu.memory_space<hbm>>
        %dma_wait3A_617 = arith.constant 0 : i32
        %dma_wait3A_618 = tpu.memref_slice %arg8[%dma_wait3A_611, %dma_wait3A_617] : memref<4x64xi32, #tpu.memory_space<vmem>> -> memref<1x64xi32, #tpu.memory_space<vmem>>
        %dma_wait3A_619 = tpu.memref_squeeze %dma_wait3A_618 : memref<1x64xi32, #tpu.memory_space<vmem>> -> memref<64xi32, #tpu.memory_space<vmem>>
        %dma_wait3A_620 = tpu.memref_slice %arg3[%dma_wait3A_610, %add3A_609] : memref<2x800000xi32, #tpu.memory_space<hbm>> -> memref<1x64xi32, #tpu.memory_space<hbm>>
        %dma_wait3A_621 = tpu.memref_squeeze %dma_wait3A_620 : memref<1x64xi32, #tpu.memory_space<hbm>> -> memref<64xi32, #tpu.memory_space<hbm>>
        tpu.wait_dma2 semaphore(%arg21 : memref<!tpu.dma_semaphore, #tpu.memory_space<semaphore_mem>>) src(%dma_wait3A_621 : memref<64xi32, #tpu.memory_space<hbm>>) dst(%dma_wait3A_619 : memref<64xi32, #tpu.memory_space<vmem>>)
        %dma_start3A_622 = arith.constant 0 : i32
        %dma_start3A_623 = arith.constant 0 : i32
        %dma_start3A_624 = arith.constant 0 : i32
        %dma_start3A_625 = tpu.memref_slice %arg11[%dma_start3A_623, %dma_start3A_624] : memref<256x32xf32, #tpu.memory_space<vmem>> -> memref<64x32xf32, #tpu.memory_space<vmem>>
        %dma_start3A_626 = arith.constant 0 : i32
        %dma_start3A_627 = tpu.memref_slice %arg5[%dma_start3A_622, %dma_start3A_626] : memref<4x64xi32, #tpu.memory_space<vmem>> -> memref<1x64xi32, #tpu.memory_space<vmem>>
        %dma_start3A_628 = tpu.memref_squeeze %dma_start3A_627 : memref<1x64xi32, #tpu.memory_space<vmem>> -> memref<64xi32, #tpu.memory_space<vmem>>
        %dma_start3A_629 = arith.constant 0 : i32
        %dma_start3A_630 = arith.constant 0 : i32
        %dma_start3A_631 = tpu.memref_slice %arg2[%arg0, %dma_start3A_629, %dma_start3A_630] : memref<2x50000x32xf32, #tpu.memory_space<hbm>> -> memref<1x50000x32xf32, #tpu.memory_space<hbm>>
        %dma_start3A_632 = tpu.memref_squeeze %dma_start3A_631 : memref<1x50000x32xf32, #tpu.memory_space<hbm>> -> memref<50000x32xf32, #tpu.memory_space<hbm>>
        %dma_start3A_633 = arith.constant 0 : i32
        %dma_start3A_634 = arith.constant 0 : i32
        %dma_start3A_635 = tpu.memref_slice %dma_start3A_632[%dma_start3A_633, %dma_start3A_634] : memref<50000x32xf32, #tpu.memory_space<hbm>> -> memref<50000x32xf32, #tpu.memory_space<hbm>>
        tpu.enqueue_indirect_dma source(%dma_start3A_635 : memref<50000x32xf32, #tpu.memory_space<hbm>>) target(%dma_start3A_625 : memref<64x32xf32, #tpu.memory_space<vmem>>) offsets(%dma_start3A_628 : memref<64xi32, #tpu.memory_space<vmem>>) semaphore(%arg15 : memref<!tpu.dma_semaphore, #tpu.memory_space<semaphore_mem>>)
        %dma_start3A_636 = arith.constant 1 : i32
        %dma_start3A_637 = arith.constant 64 : i32
        %dma_start3A_638 = arith.constant 0 : i32
        %dma_start3A_639 = tpu.memref_slice %arg11[%dma_start3A_637, %dma_start3A_638] : memref<256x32xf32, #tpu.memory_space<vmem>> -> memref<64x32xf32, #tpu.memory_space<vmem>>
        %dma_start3A_640 = arith.constant 0 : i32
        %dma_start3A_641 = tpu.memref_slice %arg5[%dma_start3A_636, %dma_start3A_640] : memref<4x64xi32, #tpu.memory_space<vmem>> -> memref<1x64xi32, #tpu.memory_space<vmem>>
        %dma_start3A_642 = tpu.memref_squeeze %dma_start3A_641 : memref<1x64xi32, #tpu.memory_space<vmem>> -> memref<64xi32, #tpu.memory_space<vmem>>
        %dma_start3A_643 = arith.constant 0 : i32
        %dma_start3A_644 = arith.constant 0 : i32
        %dma_start3A_645 = tpu.memref_slice %arg2[%arg0, %dma_start3A_643, %dma_start3A_644] : memref<2x50000x32xf32, #tpu.memory_space<hbm>> -> memref<1x50000x32xf32, #tpu.memory_space<hbm>>
        %dma_start3A_646 = tpu.memref_squeeze %dma_start3A_645 : memref<1x50000x32xf32, #tpu.memory_space<hbm>> -> memref<50000x32xf32, #tpu.memory_space<hbm>>
        %dma_start3A_647 = arith.constant 0 : i32
        %dma_start3A_648 = arith.constant 0 : i32
        %dma_start3A_649 = tpu.memref_slice %dma_start3A_646[%dma_start3A_647, %dma_start3A_648] : memref<50000x32xf32, #tpu.memory_space<hbm>> -> memref<50000x32xf32, #tpu.memory_space<hbm>>
        tpu.enqueue_indirect_dma source(%dma_start3A_649 : memref<50000x32xf32, #tpu.memory_space<hbm>>) target(%dma_start3A_639 : memref<64x32xf32, #tpu.memory_space<vmem>>) offsets(%dma_start3A_642 : memref<64xi32, #tpu.memory_space<vmem>>) semaphore(%arg15 : memref<!tpu.dma_semaphore, #tpu.memory_space<semaphore_mem>>)
        %dma_start3A_650 = arith.constant 2 : i32
        %dma_start3A_651 = arith.constant 128 : i32
        %dma_start3A_652 = arith.constant 0 : i32
        %dma_start3A_653 = tpu.memref_slice %arg11[%dma_start3A_651, %dma_start3A_652] : memref<256x32xf32, #tpu.memory_space<vmem>> -> memref<64x32xf32, #tpu.memory_space<vmem>>
        %dma_start3A_654 = arith.constant 0 : i32
        %dma_start3A_655 = tpu.memref_slice %arg5[%dma_start3A_650, %dma_start3A_654] : memref<4x64xi32, #tpu.memory_space<vmem>> -> memref<1x64xi32, #tpu.memory_space<vmem>>
        %dma_start3A_656 = tpu.memref_squeeze %dma_start3A_655 : memref<1x64xi32, #tpu.memory_space<vmem>> -> memref<64xi32, #tpu.memory_space<vmem>>
        %dma_start3A_657 = arith.constant 0 : i32
        %dma_start3A_658 = arith.constant 0 : i32
        %dma_start3A_659 = tpu.memref_slice %arg2[%arg0, %dma_start3A_657, %dma_start3A_658] : memref<2x50000x32xf32, #tpu.memory_space<hbm>> -> memref<1x50000x32xf32, #tpu.memory_space<hbm>>
        %dma_start3A_660 = tpu.memref_squeeze %dma_start3A_659 : memref<1x50000x32xf32, #tpu.memory_space<hbm>> -> memref<50000x32xf32, #tpu.memory_space<hbm>>
        %dma_start3A_661 = arith.constant 0 : i32
        %dma_start3A_662 = arith.constant 0 : i32
        %dma_start3A_663 = tpu.memref_slice %dma_start3A_660[%dma_start3A_661, %dma_start3A_662] : memref<50000x32xf32, #tpu.memory_space<hbm>> -> memref<50000x32xf32, #tpu.memory_space<hbm>>
        tpu.enqueue_indirect_dma source(%dma_start3A_663 : memref<50000x32xf32, #tpu.memory_space<hbm>>) target(%dma_start3A_653 : memref<64x32xf32, #tpu.memory_space<vmem>>) offsets(%dma_start3A_656 : memref<64xi32, #tpu.memory_space<vmem>>) semaphore(%arg15 : memref<!tpu.dma_semaphore, #tpu.memory_space<semaphore_mem>>)
        %dma_start3A_664 = arith.constant 3 : i32
        %dma_start3A_665 = arith.constant 192 : i32
        %dma_start3A_666 = arith.constant 0 : i32
        %dma_start3A_667 = tpu.memref_slice %arg11[%dma_start3A_665, %dma_start3A_666] : memref<256x32xf32, #tpu.memory_space<vmem>> -> memref<64x32xf32, #tpu.memory_space<vmem>>
        %dma_start3A_668 = arith.constant 0 : i32
        %dma_start3A_669 = tpu.memref_slice %arg5[%dma_start3A_664, %dma_start3A_668] : memref<4x64xi32, #tpu.memory_space<vmem>> -> memref<1x64xi32, #tpu.memory_space<vmem>>
        %dma_start3A_670 = tpu.memref_squeeze %dma_start3A_669 : memref<1x64xi32, #tpu.memory_space<vmem>> -> memref<64xi32, #tpu.memory_space<vmem>>
        %dma_start3A_671 = arith.constant 0 : i32
        %dma_start3A_672 = arith.constant 0 : i32
        %dma_start3A_673 = tpu.memref_slice %arg2[%arg0, %dma_start3A_671, %dma_start3A_672] : memref<2x50000x32xf32, #tpu.memory_space<hbm>> -> memref<1x50000x32xf32, #tpu.memory_space<hbm>>
        %dma_start3A_674 = tpu.memref_squeeze %dma_start3A_673 : memref<1x50000x32xf32, #tpu.memory_space<hbm>> -> memref<50000x32xf32, #tpu.memory_space<hbm>>
        %dma_start3A_675 = arith.constant 0 : i32
        %dma_start3A_676 = arith.constant 0 : i32
        %dma_start3A_677 = tpu.memref_slice %dma_start3A_674[%dma_start3A_675, %dma_start3A_676] : memref<50000x32xf32, #tpu.memory_space<hbm>> -> memref<50000x32xf32, #tpu.memory_space<hbm>>
        tpu.enqueue_indirect_dma source(%dma_start3A_677 : memref<50000x32xf32, #tpu.memory_space<hbm>>) target(%dma_start3A_667 : memref<64x32xf32, #tpu.memory_space<vmem>>) offsets(%dma_start3A_670 : memref<64xi32, #tpu.memory_space<vmem>>) semaphore(%arg15 : memref<!tpu.dma_semaphore, #tpu.memory_space<semaphore_mem>>)
      } else {
      }
      %scan3A_500 = arith.constant 0 : i32
      scf.yield %scan3A_500 : i32
    }
    %scan3A_317 = arith.constant 66 : i32
    %add3A_318 = arith.constant 12480 : i32
    %add3A_319 = arith.addi %add3A_318, %arg1 : i32
    %mul3A_320 = arith.constant 64 : i32
    %mul3A_321 = arith.muli %add3A_319, %mul3A_320 : i32
    %run_scoped3A = arith.constant 0 : i32
    %run_scoped3A_322 = arith.constant 0 : i32
    "tpu.region"() ({
      %run_scoped3A_407 = tpu.sem_alloc : memref<!tpu.dma_semaphore, #tpu.memory_space<semaphore_mem>>
      %dma_start3A_408 = arith.constant 0 : i32
      %dma_start3A_409 = tpu.memref_slice %arg5[%run_scoped3A_322, %dma_start3A_408] : memref<4x64xi32, #tpu.memory_space<vmem>> -> memref<1x64xi32, #tpu.memory_space<vmem>>
      %dma_start3A_410 = tpu.memref_squeeze %dma_start3A_409 : memref<1x64xi32, #tpu.memory_space<vmem>> -> memref<64xi32, #tpu.memory_space<vmem>>
      %dma_start3A_411 = tpu.memref_slice %arg3[%run_scoped3A, %mul3A_321] : memref<2x800000xi32, #tpu.memory_space<hbm>> -> memref<1x64xi32, #tpu.memory_space<hbm>>
      %dma_start3A_412 = tpu.memref_squeeze %dma_start3A_411 : memref<1x64xi32, #tpu.memory_space<hbm>> -> memref<64xi32, #tpu.memory_space<hbm>>
      %dma_start3A_413 = arith.constant 0 : i32
      %dma_start3A_414 = tpu.memref_slice %arg5[%run_scoped3A_322, %dma_start3A_413] : memref<4x64xi32, #tpu.memory_space<vmem>> -> memref<1x64xi32, #tpu.memory_space<vmem>>
      %dma_start3A_415 = tpu.memref_squeeze %dma_start3A_414 : memref<1x64xi32, #tpu.memory_space<vmem>> -> memref<64xi32, #tpu.memory_space<vmem>>
      %dma_start3A_416 = tpu.memref_slice %arg3[%run_scoped3A, %mul3A_321] : memref<2x800000xi32, #tpu.memory_space<hbm>> -> memref<1x64xi32, #tpu.memory_space<hbm>>
      %dma_start3A_417 = tpu.memref_squeeze %dma_start3A_416 : memref<1x64xi32, #tpu.memory_space<hbm>> -> memref<64xi32, #tpu.memory_space<hbm>>
      tpu.enqueue_dma source(%dma_start3A_417 : memref<64xi32, #tpu.memory_space<hbm>>) target(%dma_start3A_415 : memref<64xi32, #tpu.memory_space<vmem>>) target_semaphore(%run_scoped3A_407 : memref<!tpu.dma_semaphore, #tpu.memory_space<semaphore_mem>>)
      %dma_wait3A_418 = arith.constant 0 : i32
      %dma_wait3A_419 = tpu.memref_slice %arg5[%run_scoped3A_322, %dma_wait3A_418] : memref<4x64xi32, #tpu.memory_space<vmem>> -> memref<1x64xi32, #tpu.memory_space<vmem>>
      %dma_wait3A_420 = tpu.memref_squeeze %dma_wait3A_419 : memref<1x64xi32, #tpu.memory_space<vmem>> -> memref<64xi32, #tpu.memory_space<vmem>>
      %dma_wait3A_421 = tpu.memref_slice %arg3[%run_scoped3A, %mul3A_321] : memref<2x800000xi32, #tpu.memory_space<hbm>> -> memref<1x64xi32, #tpu.memory_space<hbm>>
      %dma_wait3A_422 = tpu.memref_squeeze %dma_wait3A_421 : memref<1x64xi32, #tpu.memory_space<hbm>> -> memref<64xi32, #tpu.memory_space<hbm>>
      %dma_wait3A_423 = arith.constant 0 : i32
      %dma_wait3A_424 = tpu.memref_slice %arg5[%run_scoped3A_322, %dma_wait3A_423] : memref<4x64xi32, #tpu.memory_space<vmem>> -> memref<1x64xi32, #tpu.memory_space<vmem>>
      %dma_wait3A_425 = tpu.memref_squeeze %dma_wait3A_424 : memref<1x64xi32, #tpu.memory_space<vmem>> -> memref<64xi32, #tpu.memory_space<vmem>>
      %dma_wait3A_426 = tpu.memref_slice %arg3[%run_scoped3A, %mul3A_321] : memref<2x800000xi32, #tpu.memory_space<hbm>> -> memref<1x64xi32, #tpu.memory_space<hbm>>
      %dma_wait3A_427 = tpu.memref_squeeze %dma_wait3A_426 : memref<1x64xi32, #tpu.memory_space<hbm>> -> memref<64xi32, #tpu.memory_space<hbm>>
      tpu.wait_dma2 semaphore(%run_scoped3A_407 : memref<!tpu.dma_semaphore, #tpu.memory_space<semaphore_mem>>) src(%dma_wait3A_427 : memref<64xi32, #tpu.memory_space<hbm>>) dst(%dma_wait3A_425 : memref<64xi32, #tpu.memory_space<vmem>>)
      tpu.yield
    }) : () -> ()
    %mul3A_323 = arith.constant 64 : i32
    %mul3A_324 = arith.muli %add3A_319, %mul3A_323 : i32
    %run_scoped3A_325 = arith.constant 1 : i32
    %run_scoped3A_326 = arith.constant 0 : i32
    "tpu.region"() ({
      %run_scoped3A_407 = tpu.sem_alloc : memref<!tpu.dma_semaphore, #tpu.memory_space<semaphore_mem>>
      %dma_start3A_408 = arith.constant 0 : i32
      %dma_start3A_409 = tpu.memref_slice %arg8[%run_scoped3A_326, %dma_start3A_408] : memref<4x64xi32, #tpu.memory_space<vmem>> -> memref<1x64xi32, #tpu.memory_space<vmem>>
      %dma_start3A_410 = tpu.memref_squeeze %dma_start3A_409 : memref<1x64xi32, #tpu.memory_space<vmem>> -> memref<64xi32, #tpu.memory_space<vmem>>
      %dma_start3A_411 = tpu.memref_slice %arg3[%run_scoped3A_325, %mul3A_324] : memref<2x800000xi32, #tpu.memory_space<hbm>> -> memref<1x64xi32, #tpu.memory_space<hbm>>
      %dma_start3A_412 = tpu.memref_squeeze %dma_start3A_411 : memref<1x64xi32, #tpu.memory_space<hbm>> -> memref<64xi32, #tpu.memory_space<hbm>>
      %dma_start3A_413 = arith.constant 0 : i32
      %dma_start3A_414 = tpu.memref_slice %arg8[%run_scoped3A_326, %dma_start3A_413] : memref<4x64xi32, #tpu.memory_space<vmem>> -> memref<1x64xi32, #tpu.memory_space<vmem>>
      %dma_start3A_415 = tpu.memref_squeeze %dma_start3A_414 : memref<1x64xi32, #tpu.memory_space<vmem>> -> memref<64xi32, #tpu.memory_space<vmem>>
      %dma_start3A_416 = tpu.memref_slice %arg3[%run_scoped3A_325, %mul3A_324] : memref<2x800000xi32, #tpu.memory_space<hbm>> -> memref<1x64xi32, #tpu.memory_space<hbm>>
      %dma_start3A_417 = tpu.memref_squeeze %dma_start3A_416 : memref<1x64xi32, #tpu.memory_space<hbm>> -> memref<64xi32, #tpu.memory_space<hbm>>
      tpu.enqueue_dma source(%dma_start3A_417 : memref<64xi32, #tpu.memory_space<hbm>>) target(%dma_start3A_415 : memref<64xi32, #tpu.memory_space<vmem>>) target_semaphore(%run_scoped3A_407 : memref<!tpu.dma_semaphore, #tpu.memory_space<semaphore_mem>>)
      %dma_wait3A_418 = arith.constant 0 : i32
      %dma_wait3A_419 = tpu.memref_slice %arg8[%run_scoped3A_326, %dma_wait3A_418] : memref<4x64xi32, #tpu.memory_space<vmem>> -> memref<1x64xi32, #tpu.memory_space<vmem>>
      %dma_wait3A_420 = tpu.memref_squeeze %dma_wait3A_419 : memref<1x64xi32, #tpu.memory_space<vmem>> -> memref<64xi32, #tpu.memory_space<vmem>>
      %dma_wait3A_421 = tpu.memref_slice %arg3[%run_scoped3A_325, %mul3A_324] : memref<2x800000xi32, #tpu.memory_space<hbm>> -> memref<1x64xi32, #tpu.memory_space<hbm>>
      %dma_wait3A_422 = tpu.memref_squeeze %dma_wait3A_421 : memref<1x64xi32, #tpu.memory_space<hbm>> -> memref<64xi32, #tpu.memory_space<hbm>>
      %dma_wait3A_423 = arith.constant 0 : i32
      %dma_wait3A_424 = tpu.memref_slice %arg8[%run_scoped3A_326, %dma_wait3A_423] : memref<4x64xi32, #tpu.memory_space<vmem>> -> memref<1x64xi32, #tpu.memory_space<vmem>>
      %dma_wait3A_425 = tpu.memref_squeeze %dma_wait3A_424 : memref<1x64xi32, #tpu.memory_space<vmem>> -> memref<64xi32, #tpu.memory_space<vmem>>
      %dma_wait3A_426 = tpu.memref_slice %arg3[%run_scoped3A_325, %mul3A_324] : memref<2x800000xi32, #tpu.memory_space<hbm>> -> memref<1x64xi32, #tpu.memory_space<hbm>>
      %dma_wait3A_427 = tpu.memref_squeeze %dma_wait3A_426 : memref<1x64xi32, #tpu.memory_space<hbm>> -> memref<64xi32, #tpu.memory_space<hbm>>
      tpu.wait_dma2 semaphore(%run_scoped3A_407 : memref<!tpu.dma_semaphore, #tpu.memory_space<semaphore_mem>>) src(%dma_wait3A_427 : memref<64xi32, #tpu.memory_space<hbm>>) dst(%dma_wait3A_425 : memref<64xi32, #tpu.memory_space<vmem>>)
      tpu.yield
    }) : () -> ()
    %dma_start3A_327 = arith.constant 0 : i32
    %dma_start3A_328 = arith.constant 0 : i32
    %dma_start3A_329 = arith.constant 0 : i32
    %dma_start3A_330 = tpu.memref_slice %arg11[%dma_start3A_328, %dma_start3A_329] : memref<256x32xf32, #tpu.memory_space<vmem>> -> memref<64x32xf32, #tpu.memory_space<vmem>>
    %dma_start3A_331 = arith.constant 0 : i32
    %dma_start3A_332 = tpu.memref_slice %arg5[%dma_start3A_327, %dma_start3A_331] : memref<4x64xi32, #tpu.memory_space<vmem>> -> memref<1x64xi32, #tpu.memory_space<vmem>>
    %dma_start3A_333 = tpu.memref_squeeze %dma_start3A_332 : memref<1x64xi32, #tpu.memory_space<vmem>> -> memref<64xi32, #tpu.memory_space<vmem>>
    %dma_start3A_334 = arith.constant 0 : i32
    %dma_start3A_335 = arith.constant 0 : i32
    %dma_start3A_336 = tpu.memref_slice %arg2[%arg0, %dma_start3A_334, %dma_start3A_335] : memref<2x50000x32xf32, #tpu.memory_space<hbm>> -> memref<1x50000x32xf32, #tpu.memory_space<hbm>>
    %dma_start3A_337 = tpu.memref_squeeze %dma_start3A_336 : memref<1x50000x32xf32, #tpu.memory_space<hbm>> -> memref<50000x32xf32, #tpu.memory_space<hbm>>
    %dma_start3A_338 = arith.constant 0 : i32
    %dma_start3A_339 = arith.constant 0 : i32
    %dma_start3A_340 = tpu.memref_slice %dma_start3A_337[%dma_start3A_338, %dma_start3A_339] : memref<50000x32xf32, #tpu.memory_space<hbm>> -> memref<50000x32xf32, #tpu.memory_space<hbm>>
    tpu.enqueue_indirect_dma source(%dma_start3A_340 : memref<50000x32xf32, #tpu.memory_space<hbm>>) target(%dma_start3A_330 : memref<64x32xf32, #tpu.memory_space<vmem>>) offsets(%dma_start3A_333 : memref<64xi32, #tpu.memory_space<vmem>>) semaphore(%arg15 : memref<!tpu.dma_semaphore, #tpu.memory_space<semaphore_mem>>)
    %dma_wait3A_341 = arith.constant 0 : i32
    %dma_wait3A_342 = arith.constant 0 : i32
    %dma_wait3A_343 = arith.constant 0 : i32
    %dma_wait3A_344 = tpu.memref_slice %arg11[%dma_wait3A_342, %dma_wait3A_343] : memref<256x32xf32, #tpu.memory_space<vmem>> -> memref<64x32xf32, #tpu.memory_space<vmem>>
    %dma_wait3A_345 = arith.constant 0 : i32
    %dma_wait3A_346 = tpu.memref_slice %arg5[%dma_wait3A_341, %dma_wait3A_345] : memref<4x64xi32, #tpu.memory_space<vmem>> -> memref<1x64xi32, #tpu.memory_space<vmem>>
    %dma_wait3A_347 = tpu.memref_squeeze %dma_wait3A_346 : memref<1x64xi32, #tpu.memory_space<vmem>> -> memref<64xi32, #tpu.memory_space<vmem>>
    %dma_wait3A_348 = arith.constant 0 : i32
    %dma_wait3A_349 = arith.constant 0 : i32
    %dma_wait3A_350 = tpu.memref_slice %arg2[%arg0, %dma_wait3A_348, %dma_wait3A_349] : memref<2x50000x32xf32, #tpu.memory_space<hbm>> -> memref<1x50000x32xf32, #tpu.memory_space<hbm>>
    %dma_wait3A_351 = tpu.memref_squeeze %dma_wait3A_350 : memref<1x50000x32xf32, #tpu.memory_space<hbm>> -> memref<50000x32xf32, #tpu.memory_space<hbm>>
    %dma_wait3A_352 = arith.constant 0 : i32
    %dma_wait3A_353 = arith.constant 0 : i32
    %dma_wait3A_354 = tpu.memref_slice %dma_wait3A_351[%dma_wait3A_352, %dma_wait3A_353] : memref<50000x32xf32, #tpu.memory_space<hbm>> -> memref<50000x32xf32, #tpu.memory_space<hbm>>
    tpu.wait_indirect_dma semaphore(%arg15 : memref<!tpu.dma_semaphore, #tpu.memory_space<semaphore_mem>>) src(%dma_wait3A_354 : memref<50000x32xf32, #tpu.memory_space<hbm>>) dst(%dma_wait3A_344 : memref<64x32xf32, #tpu.memory_space<vmem>>)
    %dma_start3A_355 = arith.constant 0 : i32
    %dma_start3A_356 = arith.constant 0 : i32
    %dma_start3A_357 = arith.constant 0 : i32
    %dma_start3A_358 = tpu.memref_slice %arg11[%dma_start3A_356, %dma_start3A_357] : memref<256x32xf32, #tpu.memory_space<vmem>> -> memref<64x32xf32, #tpu.memory_space<vmem>>
    %dma_start3A_359 = arith.constant 0 : i32
    %dma_start3A_360 = tpu.memref_slice %arg8[%dma_start3A_355, %dma_start3A_359] : memref<4x64xi32, #tpu.memory_space<vmem>> -> memref<1x64xi32, #tpu.memory_space<vmem>>
    %dma_start3A_361 = tpu.memref_squeeze %dma_start3A_360 : memref<1x64xi32, #tpu.memory_space<vmem>> -> memref<64xi32, #tpu.memory_space<vmem>>
    %dma_start3A_362 = arith.constant 0 : i32
    %dma_start3A_363 = arith.constant 0 : i32
    %dma_start3A_364 = tpu.memref_slice %arg14[%dma_start3A_362, %dma_start3A_363] : memref<50176x32xf32, #tpu.memory_space<vmem_shared>> -> memref<50176x32xf32, #tpu.memory_space<vmem_shared>>
    tpu.enqueue_indirect_dma source(%dma_start3A_358 : memref<64x32xf32, #tpu.memory_space<vmem>>) target(%dma_start3A_364 : memref<50176x32xf32, #tpu.memory_space<vmem_shared>>) offsets(%dma_start3A_361 : memref<64xi32, #tpu.memory_space<vmem>>) semaphore(%arg18 : memref<!tpu.dma_semaphore, #tpu.memory_space<semaphore_mem>>) {add = true}
    %dma_wait3A_365 = arith.constant 0 : i32
    %dma_wait3A_366 = arith.constant 0 : i32
    %dma_wait3A_367 = arith.constant 0 : i32
    %dma_wait3A_368 = tpu.memref_slice %arg11[%dma_wait3A_366, %dma_wait3A_367] : memref<256x32xf32, #tpu.memory_space<vmem>> -> memref<64x32xf32, #tpu.memory_space<vmem>>
    %dma_wait3A_369 = arith.constant 0 : i32
    %dma_wait3A_370 = tpu.memref_slice %arg8[%dma_wait3A_365, %dma_wait3A_369] : memref<4x64xi32, #tpu.memory_space<vmem>> -> memref<1x64xi32, #tpu.memory_space<vmem>>
    %dma_wait3A_371 = tpu.memref_squeeze %dma_wait3A_370 : memref<1x64xi32, #tpu.memory_space<vmem>> -> memref<64xi32, #tpu.memory_space<vmem>>
    %dma_wait3A_372 = arith.constant 0 : i32
    %dma_wait3A_373 = arith.constant 0 : i32
    %dma_wait3A_374 = tpu.memref_slice %arg14[%dma_wait3A_372, %dma_wait3A_373] : memref<50176x32xf32, #tpu.memory_space<vmem_shared>> -> memref<50176x32xf32, #tpu.memory_space<vmem_shared>>
    tpu.wait_indirect_dma semaphore(%arg18 : memref<!tpu.dma_semaphore, #tpu.memory_space<semaphore_mem>>) src(%dma_wait3A_368 : memref<64x32xf32, #tpu.memory_space<vmem>>) dst(%dma_wait3A_374 : memref<50176x32xf32, #tpu.memory_space<vmem_shared>>)
    %lt3A = arith.constant 4 : i32
    %lt3A_375 = arith.cmpi slt, %arg1, %lt3A : i32
    %convert_element_type3A = arith.extui %lt3A_375 : i1 to i32
    %cond3A = arith.constant 0 : i32
    %cond3A_376 = arith.cmpi ne, %convert_element_type3A, %cond3A : i32
    scf.if %cond3A_376 {
      %add3A_407 = arith.constant 12496 : i32
      %add3A_408 = arith.addi %add3A_407, %arg1 : i32
      %mul3A_409 = arith.constant 64 : i32
      %mul3A_410 = arith.muli %add3A_408, %mul3A_409 : i32
      %run_scoped3A_411 = arith.constant 0 : i32
      %run_scoped3A_412 = arith.constant 0 : i32
      "tpu.region"() ({
        %run_scoped3A_465 = tpu.sem_alloc : memref<!tpu.dma_semaphore, #tpu.memory_space<semaphore_mem>>
        %dma_start3A_466 = arith.constant 0 : i32
        %dma_start3A_467 = tpu.memref_slice %arg5[%run_scoped3A_412, %dma_start3A_466] : memref<4x64xi32, #tpu.memory_space<vmem>> -> memref<1x64xi32, #tpu.memory_space<vmem>>
        %dma_start3A_468 = tpu.memref_squeeze %dma_start3A_467 : memref<1x64xi32, #tpu.memory_space<vmem>> -> memref<64xi32, #tpu.memory_space<vmem>>
        %dma_start3A_469 = tpu.memref_slice %arg3[%run_scoped3A_411, %mul3A_410] : memref<2x800000xi32, #tpu.memory_space<hbm>> -> memref<1x64xi32, #tpu.memory_space<hbm>>
        %dma_start3A_470 = tpu.memref_squeeze %dma_start3A_469 : memref<1x64xi32, #tpu.memory_space<hbm>> -> memref<64xi32, #tpu.memory_space<hbm>>
        %dma_start3A_471 = arith.constant 0 : i32
        %dma_start3A_472 = tpu.memref_slice %arg5[%run_scoped3A_412, %dma_start3A_471] : memref<4x64xi32, #tpu.memory_space<vmem>> -> memref<1x64xi32, #tpu.memory_space<vmem>>
        %dma_start3A_473 = tpu.memref_squeeze %dma_start3A_472 : memref<1x64xi32, #tpu.memory_space<vmem>> -> memref<64xi32, #tpu.memory_space<vmem>>
        %dma_start3A_474 = tpu.memref_slice %arg3[%run_scoped3A_411, %mul3A_410] : memref<2x800000xi32, #tpu.memory_space<hbm>> -> memref<1x64xi32, #tpu.memory_space<hbm>>
        %dma_start3A_475 = tpu.memref_squeeze %dma_start3A_474 : memref<1x64xi32, #tpu.memory_space<hbm>> -> memref<64xi32, #tpu.memory_space<hbm>>
        tpu.enqueue_dma source(%dma_start3A_475 : memref<64xi32, #tpu.memory_space<hbm>>) target(%dma_start3A_473 : memref<64xi32, #tpu.memory_space<vmem>>) target_semaphore(%run_scoped3A_465 : memref<!tpu.dma_semaphore, #tpu.memory_space<semaphore_mem>>)
        %dma_wait3A_476 = arith.constant 0 : i32
        %dma_wait3A_477 = tpu.memref_slice %arg5[%run_scoped3A_412, %dma_wait3A_476] : memref<4x64xi32, #tpu.memory_space<vmem>> -> memref<1x64xi32, #tpu.memory_space<vmem>>
        %dma_wait3A_478 = tpu.memref_squeeze %dma_wait3A_477 : memref<1x64xi32, #tpu.memory_space<vmem>> -> memref<64xi32, #tpu.memory_space<vmem>>
        %dma_wait3A_479 = tpu.memref_slice %arg3[%run_scoped3A_411, %mul3A_410] : memref<2x800000xi32, #tpu.memory_space<hbm>> -> memref<1x64xi32, #tpu.memory_space<hbm>>
        %dma_wait3A_480 = tpu.memref_squeeze %dma_wait3A_479 : memref<1x64xi32, #tpu.memory_space<hbm>> -> memref<64xi32, #tpu.memory_space<hbm>>
        %dma_wait3A_481 = arith.constant 0 : i32
        %dma_wait3A_482 = tpu.memref_slice %arg5[%run_scoped3A_412, %dma_wait3A_481] : memref<4x64xi32, #tpu.memory_space<vmem>> -> memref<1x64xi32, #tpu.memory_space<vmem>>
        %dma_wait3A_483 = tpu.memref_squeeze %dma_wait3A_482 : memref<1x64xi32, #tpu.memory_space<vmem>> -> memref<64xi32, #tpu.memory_space<vmem>>
        %dma_wait3A_484 = tpu.memref_slice %arg3[%run_scoped3A_411, %mul3A_410] : memref<2x800000xi32, #tpu.memory_space<hbm>> -> memref<1x64xi32, #tpu.memory_space<hbm>>
        %dma_wait3A_485 = tpu.memref_squeeze %dma_wait3A_484 : memref<1x64xi32, #tpu.memory_space<hbm>> -> memref<64xi32, #tpu.memory_space<hbm>>
        tpu.wait_dma2 semaphore(%run_scoped3A_465 : memref<!tpu.dma_semaphore, #tpu.memory_space<semaphore_mem>>) src(%dma_wait3A_485 : memref<64xi32, #tpu.memory_space<hbm>>) dst(%dma_wait3A_483 : memref<64xi32, #tpu.memory_space<vmem>>)
        tpu.yield
      }) : () -> ()
      %mul3A_413 = arith.constant 64 : i32
      %mul3A_414 = arith.muli %add3A_408, %mul3A_413 : i32
      %run_scoped3A_415 = arith.constant 1 : i32
      %run_scoped3A_416 = arith.constant 0 : i32
      "tpu.region"() ({
        %run_scoped3A_465 = tpu.sem_alloc : memref<!tpu.dma_semaphore, #tpu.memory_space<semaphore_mem>>
        %dma_start3A_466 = arith.constant 0 : i32
        %dma_start3A_467 = tpu.memref_slice %arg8[%run_scoped3A_416, %dma_start3A_466] : memref<4x64xi32, #tpu.memory_space<vmem>> -> memref<1x64xi32, #tpu.memory_space<vmem>>
        %dma_start3A_468 = tpu.memref_squeeze %dma_start3A_467 : memref<1x64xi32, #tpu.memory_space<vmem>> -> memref<64xi32, #tpu.memory_space<vmem>>
        %dma_start3A_469 = tpu.memref_slice %arg3[%run_scoped3A_415, %mul3A_414] : memref<2x800000xi32, #tpu.memory_space<hbm>> -> memref<1x64xi32, #tpu.memory_space<hbm>>
        %dma_start3A_470 = tpu.memref_squeeze %dma_start3A_469 : memref<1x64xi32, #tpu.memory_space<hbm>> -> memref<64xi32, #tpu.memory_space<hbm>>
        %dma_start3A_471 = arith.constant 0 : i32
        %dma_start3A_472 = tpu.memref_slice %arg8[%run_scoped3A_416, %dma_start3A_471] : memref<4x64xi32, #tpu.memory_space<vmem>> -> memref<1x64xi32, #tpu.memory_space<vmem>>
        %dma_start3A_473 = tpu.memref_squeeze %dma_start3A_472 : memref<1x64xi32, #tpu.memory_space<vmem>> -> memref<64xi32, #tpu.memory_space<vmem>>
        %dma_start3A_474 = tpu.memref_slice %arg3[%run_scoped3A_415, %mul3A_414] : memref<2x800000xi32, #tpu.memory_space<hbm>> -> memref<1x64xi32, #tpu.memory_space<hbm>>
        %dma_start3A_475 = tpu.memref_squeeze %dma_start3A_474 : memref<1x64xi32, #tpu.memory_space<hbm>> -> memref<64xi32, #tpu.memory_space<hbm>>
        tpu.enqueue_dma source(%dma_start3A_475 : memref<64xi32, #tpu.memory_space<hbm>>) target(%dma_start3A_473 : memref<64xi32, #tpu.memory_space<vmem>>) target_semaphore(%run_scoped3A_465 : memref<!tpu.dma_semaphore, #tpu.memory_space<semaphore_mem>>)
        %dma_wait3A_476 = arith.constant 0 : i32
        %dma_wait3A_477 = tpu.memref_slice %arg8[%run_scoped3A_416, %dma_wait3A_476] : memref<4x64xi32, #tpu.memory_space<vmem>> -> memref<1x64xi32, #tpu.memory_space<vmem>>
        %dma_wait3A_478 = tpu.memref_squeeze %dma_wait3A_477 : memref<1x64xi32, #tpu.memory_space<vmem>> -> memref<64xi32, #tpu.memory_space<vmem>>
        %dma_wait3A_479 = tpu.memref_slice %arg3[%run_scoped3A_415, %mul3A_414] : memref<2x800000xi32, #tpu.memory_space<hbm>> -> memref<1x64xi32, #tpu.memory_space<hbm>>
        %dma_wait3A_480 = tpu.memref_squeeze %dma_wait3A_479 : memref<1x64xi32, #tpu.memory_space<hbm>> -> memref<64xi32, #tpu.memory_space<hbm>>
        %dma_wait3A_481 = arith.constant 0 : i32
        %dma_wait3A_482 = tpu.memref_slice %arg8[%run_scoped3A_416, %dma_wait3A_481] : memref<4x64xi32, #tpu.memory_space<vmem>> -> memref<1x64xi32, #tpu.memory_space<vmem>>
        %dma_wait3A_483 = tpu.memref_squeeze %dma_wait3A_482 : memref<1x64xi32, #tpu.memory_space<vmem>> -> memref<64xi32, #tpu.memory_space<vmem>>
        %dma_wait3A_484 = tpu.memref_slice %arg3[%run_scoped3A_415, %mul3A_414] : memref<2x800000xi32, #tpu.memory_space<hbm>> -> memref<1x64xi32, #tpu.memory_space<hbm>>
        %dma_wait3A_485 = tpu.memref_squeeze %dma_wait3A_484 : memref<1x64xi32, #tpu.memory_space<hbm>> -> memref<64xi32, #tpu.memory_space<hbm>>
        tpu.wait_dma2 semaphore(%run_scoped3A_465 : memref<!tpu.dma_semaphore, #tpu.memory_space<semaphore_mem>>) src(%dma_wait3A_485 : memref<64xi32, #tpu.memory_space<hbm>>) dst(%dma_wait3A_483 : memref<64xi32, #tpu.memory_space<vmem>>)
        tpu.yield
      }) : () -> ()
      %dma_start3A_417 = arith.constant 0 : i32
      %dma_start3A_418 = arith.constant 0 : i32
      %dma_start3A_419 = arith.constant 0 : i32
      %dma_start3A_420 = tpu.memref_slice %arg11[%dma_start3A_418, %dma_start3A_419] : memref<256x32xf32, #tpu.memory_space<vmem>> -> memref<64x32xf32, #tpu.memory_space<vmem>>
      %dma_start3A_421 = arith.constant 0 : i32
      %dma_start3A_422 = tpu.memref_slice %arg5[%dma_start3A_417, %dma_start3A_421] : memref<4x64xi32, #tpu.memory_space<vmem>> -> memref<1x64xi32, #tpu.memory_space<vmem>>
      %dma_start3A_423 = tpu.memref_squeeze %dma_start3A_422 : memref<1x64xi32, #tpu.memory_space<vmem>> -> memref<64xi32, #tpu.memory_space<vmem>>
      %dma_start3A_424 = arith.constant 0 : i32
      %dma_start3A_425 = arith.constant 0 : i32
      %dma_start3A_426 = tpu.memref_slice %arg2[%arg0, %dma_start3A_424, %dma_start3A_425] : memref<2x50000x32xf32, #tpu.memory_space<hbm>> -> memref<1x50000x32xf32, #tpu.memory_space<hbm>>
      %dma_start3A_427 = tpu.memref_squeeze %dma_start3A_426 : memref<1x50000x32xf32, #tpu.memory_space<hbm>> -> memref<50000x32xf32, #tpu.memory_space<hbm>>
      %dma_start3A_428 = arith.constant 0 : i32
      %dma_start3A_429 = arith.constant 0 : i32
      %dma_start3A_430 = tpu.memref_slice %dma_start3A_427[%dma_start3A_428, %dma_start3A_429] : memref<50000x32xf32, #tpu.memory_space<hbm>> -> memref<50000x32xf32, #tpu.memory_space<hbm>>
      tpu.enqueue_indirect_dma source(%dma_start3A_430 : memref<50000x32xf32, #tpu.memory_space<hbm>>) target(%dma_start3A_420 : memref<64x32xf32, #tpu.memory_space<vmem>>) offsets(%dma_start3A_423 : memref<64xi32, #tpu.memory_space<vmem>>) semaphore(%arg15 : memref<!tpu.dma_semaphore, #tpu.memory_space<semaphore_mem>>)
      %dma_wait3A_431 = arith.constant 0 : i32
      %dma_wait3A_432 = arith.constant 0 : i32
      %dma_wait3A_433 = arith.constant 0 : i32
      %dma_wait3A_434 = tpu.memref_slice %arg11[%dma_wait3A_432, %dma_wait3A_433] : memref<256x32xf32, #tpu.memory_space<vmem>> -> memref<64x32xf32, #tpu.memory_space<vmem>>
      %dma_wait3A_435 = arith.constant 0 : i32
      %dma_wait3A_436 = tpu.memref_slice %arg5[%dma_wait3A_431, %dma_wait3A_435] : memref<4x64xi32, #tpu.memory_space<vmem>> -> memref<1x64xi32, #tpu.memory_space<vmem>>
      %dma_wait3A_437 = tpu.memref_squeeze %dma_wait3A_436 : memref<1x64xi32, #tpu.memory_space<vmem>> -> memref<64xi32, #tpu.memory_space<vmem>>
      %dma_wait3A_438 = arith.constant 0 : i32
      %dma_wait3A_439 = arith.constant 0 : i32
      %dma_wait3A_440 = tpu.memref_slice %arg2[%arg0, %dma_wait3A_438, %dma_wait3A_439] : memref<2x50000x32xf32, #tpu.memory_space<hbm>> -> memref<1x50000x32xf32, #tpu.memory_space<hbm>>
      %dma_wait3A_441 = tpu.memref_squeeze %dma_wait3A_440 : memref<1x50000x32xf32, #tpu.memory_space<hbm>> -> memref<50000x32xf32, #tpu.memory_space<hbm>>
      %dma_wait3A_442 = arith.constant 0 : i32
      %dma_wait3A_443 = arith.constant 0 : i32
      %dma_wait3A_444 = tpu.memref_slice %dma_wait3A_441[%dma_wait3A_442, %dma_wait3A_443] : memref<50000x32xf32, #tpu.memory_space<hbm>> -> memref<50000x32xf32, #tpu.memory_space<hbm>>
      tpu.wait_indirect_dma semaphore(%arg15 : memref<!tpu.dma_semaphore, #tpu.memory_space<semaphore_mem>>) src(%dma_wait3A_444 : memref<50000x32xf32, #tpu.memory_space<hbm>>) dst(%dma_wait3A_434 : memref<64x32xf32, #tpu.memory_space<vmem>>)
      %dma_start3A_445 = arith.constant 0 : i32
      %dma_start3A_446 = arith.constant 0 : i32
      %dma_start3A_447 = arith.constant 0 : i32
      %dma_start3A_448 = tpu.memref_slice %arg11[%dma_start3A_446, %dma_start3A_447] : memref<256x32xf32, #tpu.memory_space<vmem>> -> memref<64x32xf32, #tpu.memory_space<vmem>>
      %dma_start3A_449 = arith.constant 0 : i32
      %dma_start3A_450 = tpu.memref_slice %arg8[%dma_start3A_445, %dma_start3A_449] : memref<4x64xi32, #tpu.memory_space<vmem>> -> memref<1x64xi32, #tpu.memory_space<vmem>>
      %dma_start3A_451 = tpu.memref_squeeze %dma_start3A_450 : memref<1x64xi32, #tpu.memory_space<vmem>> -> memref<64xi32, #tpu.memory_space<vmem>>
      %dma_start3A_452 = arith.constant 0 : i32
      %dma_start3A_453 = arith.constant 0 : i32
      %dma_start3A_454 = tpu.memref_slice %arg14[%dma_start3A_452, %dma_start3A_453] : memref<50176x32xf32, #tpu.memory_space<vmem_shared>> -> memref<50176x32xf32, #tpu.memory_space<vmem_shared>>
      tpu.enqueue_indirect_dma source(%dma_start3A_448 : memref<64x32xf32, #tpu.memory_space<vmem>>) target(%dma_start3A_454 : memref<50176x32xf32, #tpu.memory_space<vmem_shared>>) offsets(%dma_start3A_451 : memref<64xi32, #tpu.memory_space<vmem>>) semaphore(%arg18 : memref<!tpu.dma_semaphore, #tpu.memory_space<semaphore_mem>>) {add = true}
      %dma_wait3A_455 = arith.constant 0 : i32
      %dma_wait3A_456 = arith.constant 0 : i32
      %dma_wait3A_457 = arith.constant 0 : i32
      %dma_wait3A_458 = tpu.memref_slice %arg11[%dma_wait3A_456, %dma_wait3A_457] : memref<256x32xf32, #tpu.memory_space<vmem>> -> memref<64x32xf32, #tpu.memory_space<vmem>>
      %dma_wait3A_459 = arith.constant 0 : i32
      %dma_wait3A_460 = tpu.memref_slice %arg8[%dma_wait3A_455, %dma_wait3A_459] : memref<4x64xi32, #tpu.memory_space<vmem>> -> memref<1x64xi32, #tpu.memory_space<vmem>>
      %dma_wait3A_461 = tpu.memref_squeeze %dma_wait3A_460 : memref<1x64xi32, #tpu.memory_space<vmem>> -> memref<64xi32, #tpu.memory_space<vmem>>
      %dma_wait3A_462 = arith.constant 0 : i32
      %dma_wait3A_463 = arith.constant 0 : i32
      %dma_wait3A_464 = tpu.memref_slice %arg14[%dma_wait3A_462, %dma_wait3A_463] : memref<50176x32xf32, #tpu.memory_space<vmem_shared>> -> memref<50176x32xf32, #tpu.memory_space<vmem_shared>>
      tpu.wait_indirect_dma semaphore(%arg18 : memref<!tpu.dma_semaphore, #tpu.memory_space<semaphore_mem>>) src(%dma_wait3A_458 : memref<64x32xf32, #tpu.memory_space<vmem>>) dst(%dma_wait3A_464 : memref<50176x32xf32, #tpu.memory_space<vmem_shared>>)
    } else {
    }
    %barrier3A_377 = arith.constant 0 : index
    tpu.barrier barrier_id(%barrier3A_377)
    %add3A_378 = arith.constant 0 : i32
    %add3A_379 = arith.addi %mul3A_7, %add3A_378 : i32
    %dma_start3A_380 = arith.constant 0 : i32
    %dma_start3A_381 = arith.constant 0 : i32
    %dma_start3A_382 = tpu.memref_slice %arg11[%dma_start3A_380, %dma_start3A_381] : memref<256x32xf32, #tpu.memory_space<vmem>> -> memref<224x32xf32, #tpu.memory_space<vmem>>
    %dma_start3A_383 = arith.constant 0 : i32
    %dma_start3A_384 = tpu.memref_slice %arg14[%add3A_379, %dma_start3A_383] : memref<50176x32xf32, #tpu.memory_space<vmem_shared>> -> memref<224x32xf32, #tpu.memory_space<vmem_shared>>
    %dma_start3A_385 = arith.constant 0 : i32
    %dma_start3A_386 = arith.constant 0 : i32
    %dma_start3A_387 = tpu.memref_slice %arg11[%dma_start3A_385, %dma_start3A_386] : memref<256x32xf32, #tpu.memory_space<vmem>> -> memref<224x32xf32, #tpu.memory_space<vmem>>
    %dma_start3A_388 = arith.constant 0 : i32
    %dma_start3A_389 = tpu.memref_slice %arg14[%add3A_379, %dma_start3A_388] : memref<50176x32xf32, #tpu.memory_space<vmem_shared>> -> memref<224x32xf32, #tpu.memory_space<vmem_shared>>
    tpu.enqueue_dma source(%dma_start3A_389 : memref<224x32xf32, #tpu.memory_space<vmem_shared>>) target(%dma_start3A_387 : memref<224x32xf32, #tpu.memory_space<vmem>>) target_semaphore(%arg15 : memref<!tpu.dma_semaphore, #tpu.memory_space<semaphore_mem>>)
    %scan3A_390 = arith.constant 0 : i32
    %scan3A_391 = arith.constant 0 : i32
    %scan3A_392 = arith.constant 7 : i32
    %scan3A_393 = arith.addi %scan3A_391, %scan3A_392 : i32
    %scan3A_394 = arith.constant 1 : i32
    %scan3A_395 = scf.for %scan3A_407 = %scan3A_391 to %scan3A_393 step %scan3A_394 iter_args(%scan3A_408 = %scan3A_390) -> (i32)  : i32 {
      %mul3A_409 = arith.constant 2 : i32
      %mul3A_410 = arith.muli %mul3A_409, %scan3A_407 : i32
      %add3A_411 = arith.constant 0 : i32
      %add3A_412 = arith.addi %mul3A_410, %add3A_411 : i32
      %mul3A_413 = arith.constant 224 : i32
      %mul3A_414 = arith.muli %add3A_412, %mul3A_413 : i32
      %add3A_415 = arith.addi %mul3A_7, %mul3A_414 : i32
      %dma_wait3A_416 = arith.constant 0 : i32
      %dma_wait3A_417 = arith.constant 0 : i32
      %dma_wait3A_418 = tpu.memref_slice %arg11[%dma_wait3A_416, %dma_wait3A_417] : memref<256x32xf32, #tpu.memory_space<vmem>> -> memref<224x32xf32, #tpu.memory_space<vmem>>
      %dma_wait3A_419 = arith.constant 0 : i32
      %dma_wait3A_420 = tpu.memref_slice %arg14[%add3A_415, %dma_wait3A_419] : memref<50176x32xf32, #tpu.memory_space<vmem_shared>> -> memref<224x32xf32, #tpu.memory_space<vmem_shared>>
      %dma_wait3A_421 = arith.constant 0 : i32
      %dma_wait3A_422 = arith.constant 0 : i32
      %dma_wait3A_423 = tpu.memref_slice %arg11[%dma_wait3A_421, %dma_wait3A_422] : memref<256x32xf32, #tpu.memory_space<vmem>> -> memref<224x32xf32, #tpu.memory_space<vmem>>
      %dma_wait3A_424 = arith.constant 0 : i32
      %dma_wait3A_425 = tpu.memref_slice %arg14[%add3A_415, %dma_wait3A_424] : memref<50176x32xf32, #tpu.memory_space<vmem_shared>> -> memref<224x32xf32, #tpu.memory_space<vmem_shared>>
      tpu.wait_dma2 semaphore(%arg15 : memref<!tpu.dma_semaphore, #tpu.memory_space<semaphore_mem>>) src(%dma_wait3A_425 : memref<224x32xf32, #tpu.memory_space<vmem_shared>>) dst(%dma_wait3A_423 : memref<224x32xf32, #tpu.memory_space<vmem>>)
      %ge3A = arith.constant 1 : i32
      %ge3A_426 = arith.cmpi sge, %add3A_412, %ge3A : i32
      %convert_element_type3A_427 = arith.extui %ge3A_426 : i1 to i32
      %cond3A_428 = arith.constant 0 : i32
      %cond3A_429 = arith.cmpi ne, %convert_element_type3A_427, %cond3A_428 : i32
      scf.if %cond3A_429 {
        %sub3A = arith.constant 1 : i32
        %sub3A_507 = arith.subi %add3A_412, %sub3A : i32
        %mul3A_508 = arith.constant 224 : i32
        %mul3A_509 = arith.muli %sub3A_507, %mul3A_508 : i32
        %add3A_510 = arith.addi %mul3A_7, %mul3A_509 : i32
        %le3A_511 = arith.constant 49776 : i32
        %le3A_512 = arith.cmpi sle, %add3A_510, %le3A_511 : i32
        %convert_element_type3A_513 = arith.extui %le3A_512 : i1 to i32
        %cond3A_514 = arith.constant 0 : i32
        %cond3A_515 = arith.cmpi ne, %convert_element_type3A_513, %cond3A_514 : i32
        scf.if %cond3A_515 {
          %mul3A_521 = arith.constant 32 : i32
          %mul3A_522 = arith.muli %arg0, %mul3A_521 : i32
          %dma_wait3A_523 = arith.constant 0 : i32
          %dma_wait3A_524 = arith.constant 0 : i32
          %dma_wait3A_525 = tpu.memref_slice %arg12[%dma_wait3A_523, %dma_wait3A_524] : memref<256x32xf32, #tpu.memory_space<vmem>> -> memref<224x32xf32, #tpu.memory_space<vmem>>
          %dma_wait3A_526 = tpu.memref_slice %arg4[%add3A_510, %mul3A_522] : memref<50000x64xf32, #tpu.memory_space<hbm>> -> memref<224x32xf32, #tpu.memory_space<hbm>>
          %dma_wait3A_527 = tpu.memref_slice %arg4[%add3A_510, %mul3A_522] : memref<50000x64xf32, #tpu.memory_space<hbm>> -> memref<224x32xf32, #tpu.memory_space<hbm>>
          %dma_wait3A_528 = arith.constant 0 : i32
          %dma_wait3A_529 = arith.constant 0 : i32
          %dma_wait3A_530 = tpu.memref_slice %arg12[%dma_wait3A_528, %dma_wait3A_529] : memref<256x32xf32, #tpu.memory_space<vmem>> -> memref<224x32xf32, #tpu.memory_space<vmem>>
          tpu.wait_dma2 semaphore(%arg19 : memref<!tpu.dma_semaphore, #tpu.memory_space<semaphore_mem>>) src(%dma_wait3A_530 : memref<224x32xf32, #tpu.memory_space<vmem>>) dst(%dma_wait3A_527 : memref<224x32xf32, #tpu.memory_space<hbm>>)
        } else {
        }
        %eq3A_516 = arith.constant 49952 : i32
        %eq3A_517 = arith.cmpi eq, %add3A_510, %eq3A_516 : i32
        %convert_element_type3A_518 = arith.extui %eq3A_517 : i1 to i32
        %cond3A_519 = arith.constant 0 : i32
        %cond3A_520 = arith.cmpi ne, %convert_element_type3A_518, %cond3A_519 : i32
        scf.if %cond3A_520 {
          %mul3A_521 = arith.constant 32 : i32
          %mul3A_522 = arith.muli %arg0, %mul3A_521 : i32
          %dma_wait3A_523 = arith.constant 0 : i32
          %dma_wait3A_524 = arith.constant 0 : i32
          %dma_wait3A_525 = tpu.memref_slice %arg12[%dma_wait3A_523, %dma_wait3A_524] : memref<256x32xf32, #tpu.memory_space<vmem>> -> memref<48x32xf32, #tpu.memory_space<vmem>>
          %dma_wait3A_526 = arith.constant 49952 : i32
          %dma_wait3A_527 = tpu.memref_slice %arg4[%dma_wait3A_526, %mul3A_522] : memref<50000x64xf32, #tpu.memory_space<hbm>> -> memref<48x32xf32, #tpu.memory_space<hbm>>
          %dma_wait3A_528 = arith.constant 49952 : i32
          %dma_wait3A_529 = tpu.memref_slice %arg4[%dma_wait3A_528, %mul3A_522] : memref<50000x64xf32, #tpu.memory_space<hbm>> -> memref<48x32xf32, #tpu.memory_space<hbm>>
          %dma_wait3A_530 = arith.constant 0 : i32
          %dma_wait3A_531 = arith.constant 0 : i32
          %dma_wait3A_532 = tpu.memref_slice %arg12[%dma_wait3A_530, %dma_wait3A_531] : memref<256x32xf32, #tpu.memory_space<vmem>> -> memref<48x32xf32, #tpu.memory_space<vmem>>
          tpu.wait_dma2 semaphore(%arg19 : memref<!tpu.dma_semaphore, #tpu.memory_space<semaphore_mem>>) src(%dma_wait3A_532 : memref<48x32xf32, #tpu.memory_space<vmem>>) dst(%dma_wait3A_529 : memref<48x32xf32, #tpu.memory_space<hbm>>)
        } else {
        }
      } else {
      }
      %add3A_430 = arith.constant 1 : i32
      %add3A_431 = arith.addi %add3A_412, %add3A_430 : i32
      %lt3A_432 = arith.constant 14 : i32
      %lt3A_433 = arith.cmpi slt, %add3A_431, %lt3A_432 : i32
      %convert_element_type3A_434 = arith.extui %lt3A_433 : i1 to i32
      %cond3A_435 = arith.constant 0 : i32
      %cond3A_436 = arith.cmpi ne, %convert_element_type3A_434, %cond3A_435 : i32
      scf.if %cond3A_436 {
        %add3A_507 = arith.constant 1 : i32
        %add3A_508 = arith.addi %add3A_412, %add3A_507 : i32
        %mul3A_509 = arith.constant 224 : i32
        %mul3A_510 = arith.muli %add3A_508, %mul3A_509 : i32
        %add3A_511 = arith.addi %mul3A_7, %mul3A_510 : i32
        %dma_start3A_512 = arith.constant 0 : i32
        %dma_start3A_513 = arith.constant 0 : i32
        %dma_start3A_514 = tpu.memref_slice %arg12[%dma_start3A_512, %dma_start3A_513] : memref<256x32xf32, #tpu.memory_space<vmem>> -> memref<224x32xf32, #tpu.memory_space<vmem>>
        %dma_start3A_515 = arith.constant 0 : i32
        %dma_start3A_516 = tpu.memref_slice %arg14[%add3A_511, %dma_start3A_515] : memref<50176x32xf32, #tpu.memory_space<vmem_shared>> -> memref<224x32xf32, #tpu.memory_space<vmem_shared>>
        %dma_start3A_517 = arith.constant 0 : i32
        %dma_start3A_518 = arith.constant 0 : i32
        %dma_start3A_519 = tpu.memref_slice %arg12[%dma_start3A_517, %dma_start3A_518] : memref<256x32xf32, #tpu.memory_space<vmem>> -> memref<224x32xf32, #tpu.memory_space<vmem>>
        %dma_start3A_520 = arith.constant 0 : i32
        %dma_start3A_521 = tpu.memref_slice %arg14[%add3A_511, %dma_start3A_520] : memref<50176x32xf32, #tpu.memory_space<vmem_shared>> -> memref<224x32xf32, #tpu.memory_space<vmem_shared>>
        tpu.enqueue_dma source(%dma_start3A_521 : memref<224x32xf32, #tpu.memory_space<vmem_shared>>) target(%dma_start3A_519 : memref<224x32xf32, #tpu.memory_space<vmem>>) target_semaphore(%arg16 : memref<!tpu.dma_semaphore, #tpu.memory_space<semaphore_mem>>)
      } else {
      }
      %scan3A_437 = arith.constant 0 : i32
      %scan3A_438 = arith.constant 0 : i32
      %scan3A_439 = arith.constant 224 : i32
      %scan3A_440 = arith.addi %scan3A_438, %scan3A_439 : i32
      %scan3A_441 = arith.constant 1 : i32
      %scan3A_442 = scf.for %scan3A_507 = %scan3A_438 to %scan3A_440 step %scan3A_441 iter_args(%scan3A_508 = %scan3A_437) -> (i32)  : i32 {
        %get3A = arith.index_cast %scan3A_507 : i32 to index
        %get3A_509 = arith.constant 0 : index
        %get3A_510 = tpu.vector_load %arg11[%get3A, %get3A_509] {strides = array<i32>} : memref<256x32xf32, #tpu.memory_space<vmem>>, vector<1x16xf32>,
        %get3A_511 = vector.shape_cast %get3A_510 : vector<1x16xf32> to vector<16xf32>
        %mul3A_512 = arith.constant 0.00999999977 : f32
        %mul3A_513 = vector.broadcast %mul3A_512 : f32 to vector<16xf32>
        %mul3A_514 = arith.mulf %get3A_511, %mul3A_513 : vector<16xf32>
        %max3A = arith.maximumf %get3A_511, %mul3A_514 : vector<16xf32>
        %swap3A = arith.index_cast %scan3A_507 : i32 to index
        %swap3A_515 = arith.constant 0 : index
        %swap3A_516 = tpu.vector_load %arg11[%swap3A, %swap3A_515] {strides = array<i32>} : memref<256x32xf32, #tpu.memory_space<vmem>>, vector<1x16xf32>,
        %swap3A_517 = vector.shape_cast %swap3A_516 : vector<1x16xf32> to vector<16xf32>
        %swap3A_518 = vector.shape_cast %max3A : vector<16xf32> to vector<1x16xf32>
        tpu.vector_store %arg11[%swap3A, %swap3A_515], %swap3A_518 {strides = array<i32>} : memref<256x32xf32, #tpu.memory_space<vmem>>, vector<1x16xf32>,
        %get3A_519 = arith.index_cast %scan3A_507 : i32 to index
        %get3A_520 = arith.constant 16 : index
        %get3A_521 = tpu.vector_load %arg11[%get3A_519, %get3A_520] {strides = array<i32>} : memref<256x32xf32, #tpu.memory_space<vmem>>, vector<1x16xf32>,
        %get3A_522 = vector.shape_cast %get3A_521 : vector<1x16xf32> to vector<16xf32>
        %mul3A_523 = arith.constant 0.00999999977 : f32
        %mul3A_524 = vector.broadcast %mul3A_523 : f32 to vector<16xf32>
        %mul3A_525 = arith.mulf %get3A_522, %mul3A_524 : vector<16xf32>
        %max3A_526 = arith.maximumf %get3A_522, %mul3A_525 : vector<16xf32>
        %swap3A_527 = arith.index_cast %scan3A_507 : i32 to index
        %swap3A_528 = arith.constant 16 : index
        %swap3A_529 = tpu.vector_load %arg11[%swap3A_527, %swap3A_528] {strides = array<i32>} : memref<256x32xf32, #tpu.memory_space<vmem>>, vector<1x16xf32>,
        %swap3A_530 = vector.shape_cast %swap3A_529 : vector<1x16xf32> to vector<16xf32>
        %swap3A_531 = vector.shape_cast %max3A_526 : vector<16xf32> to vector<1x16xf32>
        tpu.vector_store %arg11[%swap3A_527, %swap3A_528], %swap3A_531 {strides = array<i32>} : memref<256x32xf32, #tpu.memory_space<vmem>>, vector<1x16xf32>,
        %scan3A_532 = arith.constant 0 : i32
        scf.yield %scan3A_532 : i32
      }
      %scan3A_443 = arith.constant 224 : i32
      %mul3A_444 = arith.constant 224 : i32
      %mul3A_445 = arith.muli %add3A_412, %mul3A_444 : i32
      %add3A_446 = arith.addi %mul3A_7, %mul3A_445 : i32
      %le3A_447 = arith.constant 49776 : i32
      %le3A_448 = arith.cmpi sle, %add3A_446, %le3A_447 : i32
      %convert_element_type3A_449 = arith.extui %le3A_448 : i1 to i32
      %cond3A_450 = arith.constant 0 : i32
      %cond3A_451 = arith.cmpi ne, %convert_element_type3A_449, %cond3A_450 : i32
      scf.if %cond3A_451 {
        %mul3A_507 = arith.constant 32 : i32
        %mul3A_508 = arith.muli %arg0, %mul3A_507 : i32
        %dma_start3A_509 = arith.constant 0 : i32
        %dma_start3A_510 = arith.constant 0 : i32
        %dma_start3A_511 = tpu.memref_slice %arg11[%dma_start3A_509, %dma_start3A_510] : memref<256x32xf32, #tpu.memory_space<vmem>> -> memref<224x32xf32, #tpu.memory_space<vmem>>
        %dma_start3A_512 = tpu.memref_slice %arg4[%add3A_446, %mul3A_508] : memref<50000x64xf32, #tpu.memory_space<hbm>> -> memref<224x32xf32, #tpu.memory_space<hbm>>
        %dma_start3A_513 = tpu.memref_slice %arg4[%add3A_446, %mul3A_508] : memref<50000x64xf32, #tpu.memory_space<hbm>> -> memref<224x32xf32, #tpu.memory_space<hbm>>
        %dma_start3A_514 = arith.constant 0 : i32
        %dma_start3A_515 = arith.constant 0 : i32
        %dma_start3A_516 = tpu.memref_slice %arg11[%dma_start3A_514, %dma_start3A_515] : memref<256x32xf32, #tpu.memory_space<vmem>> -> memref<224x32xf32, #tpu.memory_space<vmem>>
        tpu.enqueue_dma source(%dma_start3A_516 : memref<224x32xf32, #tpu.memory_space<vmem>>) target(%dma_start3A_513 : memref<224x32xf32, #tpu.memory_space<hbm>>) target_semaphore(%arg18 : memref<!tpu.dma_semaphore, #tpu.memory_space<semaphore_mem>>)
      } else {
      }
      %eq3A_452 = arith.constant 49952 : i32
      %eq3A_453 = arith.cmpi eq, %add3A_446, %eq3A_452 : i32
      %convert_element_type3A_454 = arith.extui %eq3A_453 : i1 to i32
      %cond3A_455 = arith.constant 0 : i32
      %cond3A_456 = arith.cmpi ne, %convert_element_type3A_454, %cond3A_455 : i32
      scf.if %cond3A_456 {
        %mul3A_507 = arith.constant 32 : i32
        %mul3A_508 = arith.muli %arg0, %mul3A_507 : i32
        %dma_start3A_509 = arith.constant 0 : i32
        %dma_start3A_510 = arith.constant 0 : i32
        %dma_start3A_511 = tpu.memref_slice %arg11[%dma_start3A_509, %dma_start3A_510] : memref<256x32xf32, #tpu.memory_space<vmem>> -> memref<48x32xf32, #tpu.memory_space<vmem>>
        %dma_start3A_512 = arith.constant 49952 : i32
        %dma_start3A_513 = tpu.memref_slice %arg4[%dma_start3A_512, %mul3A_508] : memref<50000x64xf32, #tpu.memory_space<hbm>> -> memref<48x32xf32, #tpu.memory_space<hbm>>
        %dma_start3A_514 = arith.constant 49952 : i32
        %dma_start3A_515 = tpu.memref_slice %arg4[%dma_start3A_514, %mul3A_508] : memref<50000x64xf32, #tpu.memory_space<hbm>> -> memref<48x32xf32, #tpu.memory_space<hbm>>
        %dma_start3A_516 = arith.constant 0 : i32
        %dma_start3A_517 = arith.constant 0 : i32
        %dma_start3A_518 = tpu.memref_slice %arg11[%dma_start3A_516, %dma_start3A_517] : memref<256x32xf32, #tpu.memory_space<vmem>> -> memref<48x32xf32, #tpu.memory_space<vmem>>
        tpu.enqueue_dma source(%dma_start3A_518 : memref<48x32xf32, #tpu.memory_space<vmem>>) target(%dma_start3A_515 : memref<48x32xf32, #tpu.memory_space<hbm>>) target_semaphore(%arg18 : memref<!tpu.dma_semaphore, #tpu.memory_space<semaphore_mem>>)
      } else {
      }
      %mul3A_457 = arith.constant 2 : i32
      %mul3A_458 = arith.muli %mul3A_457, %scan3A_407 : i32
      %add3A_459 = arith.constant 1 : i32
      %add3A_460 = arith.addi %mul3A_458, %add3A_459 : i32
      %mul3A_461 = arith.constant 224 : i32
      %mul3A_462 = arith.muli %add3A_460, %mul3A_461 : i32
      %add3A_463 = arith.addi %mul3A_7, %mul3A_462 : i32
      %dma_wait3A_464 = arith.constant 0 : i32
      %dma_wait3A_465 = arith.constant 0 : i32
      %dma_wait3A_466 = tpu.memref_slice %arg12[%dma_wait3A_464, %dma_wait3A_465] : memref<256x32xf32, #tpu.memory_space<vmem>> -> memref<224x32xf32, #tpu.memory_space<vmem>>
      %dma_wait3A_467 = arith.constant 0 : i32
      %dma_wait3A_468 = tpu.memref_slice %arg14[%add3A_463, %dma_wait3A_467] : memref<50176x32xf32, #tpu.memory_space<vmem_shared>> -> memref<224x32xf32, #tpu.memory_space<vmem_shared>>
      %dma_wait3A_469 = arith.constant 0 : i32
      %dma_wait3A_470 = arith.constant 0 : i32
      %dma_wait3A_471 = tpu.memref_slice %arg12[%dma_wait3A_469, %dma_wait3A_470] : memref<256x32xf32, #tpu.memory_space<vmem>> -> memref<224x32xf32, #tpu.memory_space<vmem>>
      %dma_wait3A_472 = arith.constant 0 : i32
      %dma_wait3A_473 = tpu.memref_slice %arg14[%add3A_463, %dma_wait3A_472] : memref<50176x32xf32, #tpu.memory_space<vmem_shared>> -> memref<224x32xf32, #tpu.memory_space<vmem_shared>>
      tpu.wait_dma2 semaphore(%arg16 : memref<!tpu.dma_semaphore, #tpu.memory_space<semaphore_mem>>) src(%dma_wait3A_473 : memref<224x32xf32, #tpu.memory_space<vmem_shared>>) dst(%dma_wait3A_471 : memref<224x32xf32, #tpu.memory_space<vmem>>)
      %ge3A_474 = arith.constant 1 : i32
      %ge3A_475 = arith.cmpi sge, %add3A_460, %ge3A_474 : i32
      %convert_element_type3A_476 = arith.extui %ge3A_475 : i1 to i32
      %cond3A_477 = arith.constant 0 : i32
      %cond3A_478 = arith.cmpi ne, %convert_element_type3A_476, %cond3A_477 : i32
      scf.if %cond3A_478 {
        %sub3A = arith.constant 1 : i32
        %sub3A_507 = arith.subi %add3A_460, %sub3A : i32
        %mul3A_508 = arith.constant 224 : i32
        %mul3A_509 = arith.muli %sub3A_507, %mul3A_508 : i32
        %add3A_510 = arith.addi %mul3A_7, %mul3A_509 : i32
        %le3A_511 = arith.constant 49776 : i32
        %le3A_512 = arith.cmpi sle, %add3A_510, %le3A_511 : i32
        %convert_element_type3A_513 = arith.extui %le3A_512 : i1 to i32
        %cond3A_514 = arith.constant 0 : i32
        %cond3A_515 = arith.cmpi ne, %convert_element_type3A_513, %cond3A_514 : i32
        scf.if %cond3A_515 {
          %mul3A_521 = arith.constant 32 : i32
          %mul3A_522 = arith.muli %arg0, %mul3A_521 : i32
          %dma_wait3A_523 = arith.constant 0 : i32
          %dma_wait3A_524 = arith.constant 0 : i32
          %dma_wait3A_525 = tpu.memref_slice %arg11[%dma_wait3A_523, %dma_wait3A_524] : memref<256x32xf32, #tpu.memory_space<vmem>> -> memref<224x32xf32, #tpu.memory_space<vmem>>
          %dma_wait3A_526 = tpu.memref_slice %arg4[%add3A_510, %mul3A_522] : memref<50000x64xf32, #tpu.memory_space<hbm>> -> memref<224x32xf32, #tpu.memory_space<hbm>>
          %dma_wait3A_527 = tpu.memref_slice %arg4[%add3A_510, %mul3A_522] : memref<50000x64xf32, #tpu.memory_space<hbm>> -> memref<224x32xf32, #tpu.memory_space<hbm>>
          %dma_wait3A_528 = arith.constant 0 : i32
          %dma_wait3A_529 = arith.constant 0 : i32
          %dma_wait3A_530 = tpu.memref_slice %arg11[%dma_wait3A_528, %dma_wait3A_529] : memref<256x32xf32, #tpu.memory_space<vmem>> -> memref<224x32xf32, #tpu.memory_space<vmem>>
          tpu.wait_dma2 semaphore(%arg18 : memref<!tpu.dma_semaphore, #tpu.memory_space<semaphore_mem>>) src(%dma_wait3A_530 : memref<224x32xf32, #tpu.memory_space<vmem>>) dst(%dma_wait3A_527 : memref<224x32xf32, #tpu.memory_space<hbm>>)
        } else {
        }
        %eq3A_516 = arith.constant 49952 : i32
        %eq3A_517 = arith.cmpi eq, %add3A_510, %eq3A_516 : i32
        %convert_element_type3A_518 = arith.extui %eq3A_517 : i1 to i32
        %cond3A_519 = arith.constant 0 : i32
        %cond3A_520 = arith.cmpi ne, %convert_element_type3A_518, %cond3A_519 : i32
        scf.if %cond3A_520 {
          %mul3A_521 = arith.constant 32 : i32
          %mul3A_522 = arith.muli %arg0, %mul3A_521 : i32
          %dma_wait3A_523 = arith.constant 0 : i32
          %dma_wait3A_524 = arith.constant 0 : i32
          %dma_wait3A_525 = tpu.memref_slice %arg11[%dma_wait3A_523, %dma_wait3A_524] : memref<256x32xf32, #tpu.memory_space<vmem>> -> memref<48x32xf32, #tpu.memory_space<vmem>>
          %dma_wait3A_526 = arith.constant 49952 : i32
          %dma_wait3A_527 = tpu.memref_slice %arg4[%dma_wait3A_526, %mul3A_522] : memref<50000x64xf32, #tpu.memory_space<hbm>> -> memref<48x32xf32, #tpu.memory_space<hbm>>
          %dma_wait3A_528 = arith.constant 49952 : i32
          %dma_wait3A_529 = tpu.memref_slice %arg4[%dma_wait3A_528, %mul3A_522] : memref<50000x64xf32, #tpu.memory_space<hbm>> -> memref<48x32xf32, #tpu.memory_space<hbm>>
          %dma_wait3A_530 = arith.constant 0 : i32
          %dma_wait3A_531 = arith.constant 0 : i32
          %dma_wait3A_532 = tpu.memref_slice %arg11[%dma_wait3A_530, %dma_wait3A_531] : memref<256x32xf32, #tpu.memory_space<vmem>> -> memref<48x32xf32, #tpu.memory_space<vmem>>
          tpu.wait_dma2 semaphore(%arg18 : memref<!tpu.dma_semaphore, #tpu.memory_space<semaphore_mem>>) src(%dma_wait3A_532 : memref<48x32xf32, #tpu.memory_space<vmem>>) dst(%dma_wait3A_529 : memref<48x32xf32, #tpu.memory_space<hbm>>)
        } else {
        }
      } else {
      }
      %add3A_479 = arith.constant 1 : i32
      %add3A_480 = arith.addi %add3A_460, %add3A_479 : i32
      %lt3A_481 = arith.constant 14 : i32
      %lt3A_482 = arith.cmpi slt, %add3A_480, %lt3A_481 : i32
      %convert_element_type3A_483 = arith.extui %lt3A_482 : i1 to i32
      %cond3A_484 = arith.constant 0 : i32
      %cond3A_485 = arith.cmpi ne, %convert_element_type3A_483, %cond3A_484 : i32
      scf.if %cond3A_485 {
        %add3A_507 = arith.constant 1 : i32
        %add3A_508 = arith.addi %add3A_460, %add3A_507 : i32
        %mul3A_509 = arith.constant 224 : i32
        %mul3A_510 = arith.muli %add3A_508, %mul3A_509 : i32
        %add3A_511 = arith.addi %mul3A_7, %mul3A_510 : i32
        %dma_start3A_512 = arith.constant 0 : i32
        %dma_start3A_513 = arith.constant 0 : i32
        %dma_start3A_514 = tpu.memref_slice %arg11[%dma_start3A_512, %dma_start3A_513] : memref<256x32xf32, #tpu.memory_space<vmem>> -> memref<224x32xf32, #tpu.memory_space<vmem>>
        %dma_start3A_515 = arith.constant 0 : i32
        %dma_start3A_516 = tpu.memref_slice %arg14[%add3A_511, %dma_start3A_515] : memref<50176x32xf32, #tpu.memory_space<vmem_shared>> -> memref<224x32xf32, #tpu.memory_space<vmem_shared>>
        %dma_start3A_517 = arith.constant 0 : i32
        %dma_start3A_518 = arith.constant 0 : i32
        %dma_start3A_519 = tpu.memref_slice %arg11[%dma_start3A_517, %dma_start3A_518] : memref<256x32xf32, #tpu.memory_space<vmem>> -> memref<224x32xf32, #tpu.memory_space<vmem>>
        %dma_start3A_520 = arith.constant 0 : i32
        %dma_start3A_521 = tpu.memref_slice %arg14[%add3A_511, %dma_start3A_520] : memref<50176x32xf32, #tpu.memory_space<vmem_shared>> -> memref<224x32xf32, #tpu.memory_space<vmem_shared>>
        tpu.enqueue_dma source(%dma_start3A_521 : memref<224x32xf32, #tpu.memory_space<vmem_shared>>) target(%dma_start3A_519 : memref<224x32xf32, #tpu.memory_space<vmem>>) target_semaphore(%arg15 : memref<!tpu.dma_semaphore, #tpu.memory_space<semaphore_mem>>)
      } else {
      }
      %scan3A_486 = arith.constant 0 : i32
      %scan3A_487 = arith.constant 0 : i32
      %scan3A_488 = arith.constant 224 : i32
      %scan3A_489 = arith.addi %scan3A_487, %scan3A_488 : i32
      %scan3A_490 = arith.constant 1 : i32
      %scan3A_491 = scf.for %scan3A_507 = %scan3A_487 to %scan3A_489 step %scan3A_490 iter_args(%scan3A_508 = %scan3A_486) -> (i32)  : i32 {
        %get3A = arith.index_cast %scan3A_507 : i32 to index
        %get3A_509 = arith.constant 0 : index
        %get3A_510 = tpu.vector_load %arg12[%get3A, %get3A_509] {strides = array<i32>} : memref<256x32xf32, #tpu.memory_space<vmem>>, vector<1x16xf32>,
        %get3A_511 = vector.shape_cast %get3A_510 : vector<1x16xf32> to vector<16xf32>
        %mul3A_512 = arith.constant 0.00999999977 : f32
        %mul3A_513 = vector.broadcast %mul3A_512 : f32 to vector<16xf32>
        %mul3A_514 = arith.mulf %get3A_511, %mul3A_513 : vector<16xf32>
        %max3A = arith.maximumf %get3A_511, %mul3A_514 : vector<16xf32>
        %swap3A = arith.index_cast %scan3A_507 : i32 to index
        %swap3A_515 = arith.constant 0 : index
        %swap3A_516 = tpu.vector_load %arg12[%swap3A, %swap3A_515] {strides = array<i32>} : memref<256x32xf32, #tpu.memory_space<vmem>>, vector<1x16xf32>,
        %swap3A_517 = vector.shape_cast %swap3A_516 : vector<1x16xf32> to vector<16xf32>
        %swap3A_518 = vector.shape_cast %max3A : vector<16xf32> to vector<1x16xf32>
        tpu.vector_store %arg12[%swap3A, %swap3A_515], %swap3A_518 {strides = array<i32>} : memref<256x32xf32, #tpu.memory_space<vmem>>, vector<1x16xf32>,
        %get3A_519 = arith.index_cast %scan3A_507 : i32 to index
        %get3A_520 = arith.constant 16 : index
        %get3A_521 = tpu.vector_load %arg12[%get3A_519, %get3A_520] {strides = array<i32>} : memref<256x32xf32, #tpu.memory_space<vmem>>, vector<1x16xf32>,
        %get3A_522 = vector.shape_cast %get3A_521 : vector<1x16xf32> to vector<16xf32>
        %mul3A_523 = arith.constant 0.00999999977 : f32
        %mul3A_524 = vector.broadcast %mul3A_523 : f32 to vector<16xf32>
        %mul3A_525 = arith.mulf %get3A_522, %mul3A_524 : vector<16xf32>
        %max3A_526 = arith.maximumf %get3A_522, %mul3A_525 : vector<16xf32>
        %swap3A_527 = arith.index_cast %scan3A_507 : i32 to index
        %swap3A_528 = arith.constant 16 : index
        %swap3A_529 = tpu.vector_load %arg12[%swap3A_527, %swap3A_528] {strides = array<i32>} : memref<256x32xf32, #tpu.memory_space<vmem>>, vector<1x16xf32>,
        %swap3A_530 = vector.shape_cast %swap3A_529 : vector<1x16xf32> to vector<16xf32>
        %swap3A_531 = vector.shape_cast %max3A_526 : vector<16xf32> to vector<1x16xf32>
        tpu.vector_store %arg12[%swap3A_527, %swap3A_528], %swap3A_531 {strides = array<i32>} : memref<256x32xf32, #tpu.memory_space<vmem>>, vector<1x16xf32>,
        %scan3A_532 = arith.constant 0 : i32
        scf.yield %scan3A_532 : i32
      }
      %scan3A_492 = arith.constant 224 : i32
      %mul3A_493 = arith.constant 224 : i32
      %mul3A_494 = arith.muli %add3A_460, %mul3A_493 : i32
      %add3A_495 = arith.addi %mul3A_7, %mul3A_494 : i32
      %le3A_496 = arith.constant 49776 : i32
      %le3A_497 = arith.cmpi sle, %add3A_495, %le3A_496 : i32
      %convert_element_type3A_498 = arith.extui %le3A_497 : i1 to i32
      %cond3A_499 = arith.constant 0 : i32
      %cond3A_500 = arith.cmpi ne, %convert_element_type3A_498, %cond3A_499 : i32
      scf.if %cond3A_500 {
        %mul3A_507 = arith.constant 32 : i32
        %mul3A_508 = arith.muli %arg0, %mul3A_507 : i32
        %dma_start3A_509 = arith.constant 0 : i32
        %dma_start3A_510 = arith.constant 0 : i32
        %dma_start3A_511 = tpu.memref_slice %arg12[%dma_start3A_509, %dma_start3A_510] : memref<256x32xf32, #tpu.memory_space<vmem>> -> memref<224x32xf32, #tpu.memory_space<vmem>>
        %dma_start3A_512 = tpu.memref_slice %arg4[%add3A_495, %mul3A_508] : memref<50000x64xf32, #tpu.memory_space<hbm>> -> memref<224x32xf32, #tpu.memory_space<hbm>>
        %dma_start3A_513 = tpu.memref_slice %arg4[%add3A_495, %mul3A_508] : memref<50000x64xf32, #tpu.memory_space<hbm>> -> memref<224x32xf32, #tpu.memory_space<hbm>>
        %dma_start3A_514 = arith.constant 0 : i32
        %dma_start3A_515 = arith.constant 0 : i32
        %dma_start3A_516 = tpu.memref_slice %arg12[%dma_start3A_514, %dma_start3A_515] : memref<256x32xf32, #tpu.memory_space<vmem>> -> memref<224x32xf32, #tpu.memory_space<vmem>>
        tpu.enqueue_dma source(%dma_start3A_516 : memref<224x32xf32, #tpu.memory_space<vmem>>) target(%dma_start3A_513 : memref<224x32xf32, #tpu.memory_space<hbm>>) target_semaphore(%arg19 : memref<!tpu.dma_semaphore, #tpu.memory_space<semaphore_mem>>)
      } else {
      }
      %eq3A_501 = arith.constant 49952 : i32
      %eq3A_502 = arith.cmpi eq, %add3A_495, %eq3A_501 : i32
      %convert_element_type3A_503 = arith.extui %eq3A_502 : i1 to i32
      %cond3A_504 = arith.constant 0 : i32
      %cond3A_505 = arith.cmpi ne, %convert_element_type3A_503, %cond3A_504 : i32
      scf.if %cond3A_505 {
        %mul3A_507 = arith.constant 32 : i32
        %mul3A_508 = arith.muli %arg0, %mul3A_507 : i32
        %dma_start3A_509 = arith.constant 0 : i32
        %dma_start3A_510 = arith.constant 0 : i32
        %dma_start3A_511 = tpu.memref_slice %arg12[%dma_start3A_509, %dma_start3A_510] : memref<256x32xf32, #tpu.memory_space<vmem>> -> memref<48x32xf32, #tpu.memory_space<vmem>>
        %dma_start3A_512 = arith.constant 49952 : i32
        %dma_start3A_513 = tpu.memref_slice %arg4[%dma_start3A_512, %mul3A_508] : memref<50000x64xf32, #tpu.memory_space<hbm>> -> memref<48x32xf32, #tpu.memory_space<hbm>>
        %dma_start3A_514 = arith.constant 49952 : i32
        %dma_start3A_515 = tpu.memref_slice %arg4[%dma_start3A_514, %mul3A_508] : memref<50000x64xf32, #tpu.memory_space<hbm>> -> memref<48x32xf32, #tpu.memory_space<hbm>>
        %dma_start3A_516 = arith.constant 0 : i32
        %dma_start3A_517 = arith.constant 0 : i32
        %dma_start3A_518 = tpu.memref_slice %arg12[%dma_start3A_516, %dma_start3A_517] : memref<256x32xf32, #tpu.memory_space<vmem>> -> memref<48x32xf32, #tpu.memory_space<vmem>>
        tpu.enqueue_dma source(%dma_start3A_518 : memref<48x32xf32, #tpu.memory_space<vmem>>) target(%dma_start3A_515 : memref<48x32xf32, #tpu.memory_space<hbm>>) target_semaphore(%arg19 : memref<!tpu.dma_semaphore, #tpu.memory_space<semaphore_mem>>)
      } else {
      }
      %scan3A_506 = arith.constant 0 : i32
      scf.yield %scan3A_506 : i32
    }
    %scan3A_396 = arith.constant 7 : i32
    %add3A_397 = arith.constant 2912 : i32
    %add3A_398 = arith.addi %mul3A_7, %add3A_397 : i32
    %le3A = arith.constant 49776 : i32
    %le3A_399 = arith.cmpi sle, %add3A_398, %le3A : i32
    %convert_element_type3A_400 = arith.extui %le3A_399 : i1 to i32
    %cond3A_401 = arith.constant 0 : i32
    %cond3A_402 = arith.cmpi ne, %convert_element_type3A_400, %cond3A_401 : i32
    scf.if %cond3A_402 {
      %mul3A_407 = arith.constant 32 : i32
      %mul3A_408 = arith.muli %arg0, %mul3A_407 : i32
      %dma_wait3A_409 = arith.constant 0 : i32
      %dma_wait3A_410 = arith.constant 0 : i32
      %dma_wait3A_411 = tpu.memref_slice %arg12[%dma_wait3A_409, %dma_wait3A_410] : memref<256x32xf32, #tpu.memory_space<vmem>> -> memref<224x32xf32, #tpu.memory_space<vmem>>
      %dma_wait3A_412 = tpu.memref_slice %arg4[%add3A_398, %mul3A_408] : memref<50000x64xf32, #tpu.memory_space<hbm>> -> memref<224x32xf32, #tpu.memory_space<hbm>>
      %dma_wait3A_413 = tpu.memref_slice %arg4[%add3A_398, %mul3A_408] : memref<50000x64xf32, #tpu.memory_space<hbm>> -> memref<224x32xf32, #tpu.memory_space<hbm>>
      %dma_wait3A_414 = arith.constant 0 : i32
      %dma_wait3A_415 = arith.constant 0 : i32
      %dma_wait3A_416 = tpu.memref_slice %arg12[%dma_wait3A_414, %dma_wait3A_415] : memref<256x32xf32, #tpu.memory_space<vmem>> -> memref<224x32xf32, #tpu.memory_space<vmem>>
      tpu.wait_dma2 semaphore(%arg19 : memref<!tpu.dma_semaphore, #tpu.memory_space<semaphore_mem>>) src(%dma_wait3A_416 : memref<224x32xf32, #tpu.memory_space<vmem>>) dst(%dma_wait3A_413 : memref<224x32xf32, #tpu.memory_space<hbm>>)
    } else {
    }
    %eq3A = arith.constant 49952 : i32
    %eq3A_403 = arith.cmpi eq, %add3A_398, %eq3A : i32
    %convert_element_type3A_404 = arith.extui %eq3A_403 : i1 to i32
    %cond3A_405 = arith.constant 0 : i32
    %cond3A_406 = arith.cmpi ne, %convert_element_type3A_404, %cond3A_405 : i32
    scf.if %cond3A_406 {
      %mul3A_407 = arith.constant 32 : i32
      %mul3A_408 = arith.muli %arg0, %mul3A_407 : i32
      %dma_wait3A_409 = arith.constant 0 : i32
      %dma_wait3A_410 = arith.constant 0 : i32
      %dma_wait3A_411 = tpu.memref_slice %arg12[%dma_wait3A_409, %dma_wait3A_410] : memref<256x32xf32, #tpu.memory_space<vmem>> -> memref<48x32xf32, #tpu.memory_space<vmem>>
      %dma_wait3A_412 = arith.constant 49952 : i32
      %dma_wait3A_413 = tpu.memref_slice %arg4[%dma_wait3A_412, %mul3A_408] : memref<50000x64xf32, #tpu.memory_space<hbm>> -> memref<48x32xf32, #tpu.memory_space<hbm>>
      %dma_wait3A_414 = arith.constant 49952 : i32
      %dma_wait3A_415 = tpu.memref_slice %arg4[%dma_wait3A_414, %mul3A_408] : memref<50000x64xf32, #tpu.memory_space<hbm>> -> memref<48x32xf32, #tpu.memory_space<hbm>>
      %dma_wait3A_416 = arith.constant 0 : i32
      %dma_wait3A_417 = arith.constant 0 : i32
      %dma_wait3A_418 = tpu.memref_slice %arg12[%dma_wait3A_416, %dma_wait3A_417] : memref<256x32xf32, #tpu.memory_space<vmem>> -> memref<48x32xf32, #tpu.memory_space<vmem>>
      tpu.wait_dma2 semaphore(%arg19 : memref<!tpu.dma_semaphore, #tpu.memory_space<semaphore_mem>>) src(%dma_wait3A_418 : memref<48x32xf32, #tpu.memory_space<vmem>>) dst(%dma_wait3A_415 : memref<48x32xf32, #tpu.memory_space<hbm>>)
    } else {
    }
    return
  }
}

module attributes {stable_mosaic.version = 14 : i64} {
  func.func @_dense_body(%arg0: i32, %arg1: i32, %arg2: memref<1000x64xf32, #tpu.memory_space<vmem>>, %arg3: memref<1000x128xf32, #tpu.memory_space<vmem>>, %arg4: memref<64x128xf32, #tpu.memory_space<vmem>>, %arg5: memref<1x64xf32, #tpu.memory_space<vmem>>, %arg6: memref<64x64xf32, #tpu.memory_space<vmem>>, %arg7: memref<2x1000x32xf32, #tpu.memory_space<vmem>>) attributes {dimension_semantics = [#tpu.dimension_semantics<arbitrary>, #tpu.dimension_semantics<arbitrary>], iteration_bounds = array<i64: 2, 25>, scalar_prefetch = 0 : i64, scratch_operands = 0 : i64, tpu.core_type = #tpu.core_type<tc>, window_params = [{transform_indices = @transform_0, window_bounds = array<i64: 1000, 64>}, {transform_indices = @transform_1, window_bounds = array<i64: 1000, 128>}, {pipeline_mode = #tpu.pipeline_mode<synchronous>, transform_indices = @transform_2, window_bounds = array<i64: 64, 128>}, {pipeline_mode = #tpu.pipeline_mode<synchronous>, transform_indices = @transform_3, window_bounds = array<i64: 1, 64>}, {pipeline_mode = #tpu.pipeline_mode<synchronous>, transform_indices = @transform_4, window_bounds = array<i64: 64, 64>}, {transform_indices = @transform_5, window_bounds = array<i64: 2, 1000, 32>}]} {
    %get3A = arith.constant 0 : index
    %get3A_0 = arith.constant 0 : index
    %get3A_1 = vector.load %arg3[%get3A, %get3A_0] : memref<1000x128xf32, #tpu.memory_space<vmem>>, vector<1000x128xf32>
    %get3A_2 = arith.constant 0 : index
    %get3A_3 = arith.constant 0 : index
    %get3A_4 = vector.load %arg4[%get3A_2, %get3A_3] : memref<64x128xf32, #tpu.memory_space<vmem>>, vector<64x128xf32>
    %dot_general3A = arith.constant dense<0.000000e+00> : vector<1000x64xf32>
    %dot_general3A_5 = tpu.matmul %get3A_1, %get3A_4, %dot_general3A {dimension_numbers = #tpu.dot_dimension_numbers<[1], [1], [0], [0], [0, 0, 1, 0], [], []>, transpose_lhs_hint = false} : vector<1000x128xf32>, vector<64x128xf32>, vector<1000x64xf32> -> vector<1000x64xf32>
    %get3A_6 = arith.constant 0 : index
    %get3A_7 = arith.constant 0 : index
    %get3A_8 = vector.load %arg5[%get3A_6, %get3A_7] : memref<1x64xf32, #tpu.memory_space<vmem>>, vector<1x64xf32>
    %add3A = vector.broadcast %get3A_8 : vector<1x64xf32> to vector<1000x64xf32>
    %add3A_9 = arith.addf %dot_general3A_5, %add3A : vector<1000x64xf32>
    %eq3A = arith.constant 0 : i32
    %eq3A_10 = arith.cmpi eq, %arg0, %eq3A : i32
    %get3A_11 = arith.constant 0 : index
    %get3A_12 = arith.constant 0 : index
    %get3A_13 = vector.load %arg2[%get3A_11, %get3A_12] : memref<1000x64xf32, #tpu.memory_space<vmem>>, vector<1000x64xf32>
    %select_n3A = arith.select %eq3A_10, %get3A_13, %add3A_9 : vector<1000x64xf32>
    %mul3A = arith.mulf %select_n3A, %select_n3A : vector<1000x64xf32>
    %reduce_sum3A = arith.constant dense<0.000000e+00> : vector<1000xf32>
    %reduce_sum3A_14 = vector.multi_reduction <add>, %mul3A, %reduce_sum3A [1] : vector<1000x64xf32> to vector<1000xf32>
    %broadcast_in_dim3A = vector.shape_cast %reduce_sum3A_14 : vector<1000xf32> to vector<1000x1xf32>
    %sqrt3A = math.sqrt %broadcast_in_dim3A : vector<1000x1xf32>
    %max3A = arith.constant 9.99999996E-13 : f32
    %max3A_15 = vector.broadcast %max3A : f32 to vector<1000x1xf32>
    %max3A_16 = arith.maximumf %sqrt3A, %max3A_15 : vector<1000x1xf32>
    %div3A = vector.broadcast %max3A_16 : vector<1000x1xf32> to vector<1000x64xf32>
    %div3A_17 = arith.divf %select_n3A, %div3A : vector<1000x64xf32>
    %get3A_18 = arith.constant 0 : index
    %get3A_19 = arith.constant 0 : index
    %get3A_20 = vector.load %arg6[%get3A_18, %get3A_19] : memref<64x64xf32, #tpu.memory_space<vmem>>, vector<64x64xf32>
    %dot_general3A_21 = arith.constant dense<0.000000e+00> : vector<1000x64xf32>
    %dot_general3A_22 = tpu.matmul %div3A_17, %get3A_20, %dot_general3A_21 {dimension_numbers = #tpu.dot_dimension_numbers<[1], [0], [0], [1], [0, 0, 1, 1], [], []>, transpose_lhs_hint = false} : vector<1000x64xf32>, vector<64x64xf32>, vector<1000x64xf32> -> vector<1000x64xf32>
    %slice3A = vector.extract_strided_slice %dot_general3A_22 {offsets = [0, 0], sizes = [1000, 32], strides = [1, 1]} : vector<1000x64xf32> to vector<1000x32xf32>
    %swap3A = arith.constant 0 : index
    %swap3A_23 = arith.constant 0 : index
    %swap3A_24 = arith.constant 0 : index
    %swap3A_25 = vector.load %arg7[%swap3A, %swap3A_23, %swap3A_24] : memref<2x1000x32xf32, #tpu.memory_space<vmem>>, vector<1x1000x32xf32>
    %swap3A_26 = vector.shape_cast %swap3A_25 : vector<1x1000x32xf32> to vector<1000x32xf32>
    %swap3A_27 = vector.shape_cast %slice3A : vector<1000x32xf32> to vector<1x1000x32xf32>
    tpu.vector_store %arg7[%swap3A, %swap3A_23, %swap3A_24], %swap3A_27 {strides = array<i32>} : memref<2x1000x32xf32, #tpu.memory_space<vmem>>, vector<1x1000x32xf32>,
    %slice3A_28 = vector.extract_strided_slice %dot_general3A_22 {offsets = [0, 32], sizes = [1000, 32], strides = [1, 1]} : vector<1000x64xf32> to vector<1000x32xf32>
    %swap3A_29 = arith.constant 1 : index
    %swap3A_30 = arith.constant 0 : index
    %swap3A_31 = arith.constant 0 : index
    %swap3A_32 = vector.load %arg7[%swap3A_29, %swap3A_30, %swap3A_31] : memref<2x1000x32xf32, #tpu.memory_space<vmem>>, vector<1x1000x32xf32>
    %swap3A_33 = vector.shape_cast %swap3A_32 : vector<1x1000x32xf32> to vector<1000x32xf32>
    %swap3A_34 = vector.shape_cast %slice3A_28 : vector<1000x32xf32> to vector<1x1000x32xf32>
    tpu.vector_store %arg7[%swap3A_29, %swap3A_30, %swap3A_31], %swap3A_34 {strides = array<i32>} : memref<2x1000x32xf32, #tpu.memory_space<vmem>>, vector<1x1000x32xf32>,
    return
  }
  func.func @transform_0(%arg0: i32, %arg1: i32) -> (i32, i32) {
    %eq3A = arith.constant 0 : i32
    %eq3A_0 = arith.cmpi eq, %arg0, %eq3A : i32
    %jit3A = arith.constant 0 : i32
    %select_n3A = arith.select %eq3A_0, %arg1, %jit3A : i32
    %c0_i32 = arith.constant 0 : i32
    %c0_i32_1 = arith.constant 0 : i32
    return %select_n3A, %c0_i32 : i32, i32
  }
  func.func @transform_1(%arg0: i32, %arg1: i32) -> (i32, i32) {
    %eq3A = arith.constant 0 : i32
    %eq3A_0 = arith.cmpi eq, %arg0, %eq3A : i32
    %jit3A = arith.constant 0 : i32
    %select_n3A = arith.select %eq3A_0, %jit3A, %arg1 : i32
    %c0_i32 = arith.constant 0 : i32
    %c0_i32_1 = arith.constant 0 : i32
    return %select_n3A, %c0_i32 : i32, i32
  }
  func.func @transform_2(%arg0: i32, %arg1: i32) -> (i32, i32) {
    %c0_i32 = arith.constant 0 : i32
    %c0_i32_0 = arith.constant 0 : i32
    %c0_i32_1 = arith.constant 0 : i32
    return %c0_i32, %c0_i32_0 : i32, i32
  }
  func.func @transform_3(%arg0: i32, %arg1: i32) -> (i32, i32) {
    %c0_i32 = arith.constant 0 : i32
    %c0_i32_0 = arith.constant 0 : i32
    %c0_i32_1 = arith.constant 0 : i32
    return %c0_i32, %c0_i32_0 : i32, i32
  }
  func.func @transform_4(%arg0: i32, %arg1: i32) -> (i32, i32) {
    %c0_i32 = arith.constant 0 : i32
    %c0_i32_0 = arith.constant 0 : i32
    %c0_i32_1 = arith.constant 0 : i32
    return %c0_i32, %c0_i32_0 : i32, i32
  }
  func.func @transform_5(%arg0: i32, %arg1: i32) -> (i32, i32, i32) {
    %mul3A = arith.constant 25 : i32
    %mul3A_0 = arith.muli %arg0, %mul3A : i32
    %add3A = arith.addi %mul3A_0, %arg1 : i32
    %c0_i32 = arith.constant 0 : i32
    %c0_i32_1 = arith.constant 0 : i32
    %c0_i32_2 = arith.constant 0 : i32
    return %c0_i32, %add3A, %c0_i32_1 : i32, i32, i32
  }
}

</mosaic_0001>

<sc_bundles>
// kernel: kernel.4.cloned.1.call-start
scs
__scs_entry_jumppad:
0x0: {  	(pc) =	sbr.rel $0x88, $3  }
0x1: {  	(tag) =	ssettag $0x0;
	lr =	simm.s32 $0x1  }
0x2: {  	[smem:$0x3F9B] =	sst lr;
	_ =	strace $0xD0000000  }
0x3: {  	_ = 	snop  }
0x4: {  	_ = 	snop  }
0x5: {  	_ = 	snop  }
0x6: {  	_ = 	snop  }
0x7: {  	_ = 	snop  }
__scs_overlays_trampoline_lowered:
0x8: {  	[smem:$0x3FAA] =	sst s0  }
0x9: {  	[smem:$0x3FAB] =	sst s1  }
0xa: {  	[smem:$0x3FAC] =	sst s2  }
0xb: {  	[smem:$0x3FAD] =	sst s3  }
0xc: {  	[smem:$0x3FAE] =	sst s4  }
0xd: {  	[smem:$0x3FAF] =	sst s5  }
0xe: {  	[smem:$0x3FB0] =	sst s6  }
0xf: {  	[smem:$0x3FB1] =	sst s7  }
0x10: {  	[smem:$0x3FB2] =	sst s8  }
0x11: {  	[smem:$0x3FB3] =	sst s9;
	s0 =	simm.s32 @!p0 $0x0  }
0x12: {  	s1 =	sld [smem:$0x3F99];
	s0 =	simm.s32 @p0 $0x1  }
0x13: {  	[smem:$0x3FB4] =	sst s0;
	s0 =	simm.s32 @!p1 $0x0  }
0x14: {  	s2 =	sld [smem:$0x3F98];
	s0 =	simm.s32 @p1 $0x1  }
0x15: {  	[smem:$0x3FB5] =	sst s0;
	s0 =	simm.s32 @!p2 $0x0  }
0x16: {  	s3 =	sld [smem:$0x3FDB];
	s0 =	simm.s32 @p2 $0x1  }
0x17: {  	s4 =	simm.s32 $0x1BF5;
	[smem:$0x3FB7] =	sst s0  }
0x18: {  	s0 =	sld [smem:$0x3F9A];
	_ =	swait.ge [sflag:s4], $0x0  }
0x19: {  	s7 =	sld [smem:$0x3F9B]  }
0x1a: {  	s8 =	sadd.s32 $0xFFFFE003, lr  }
0x1b: {  	s9 =	sadd.s32 $0xFFFFFEF7, lr;
	s5 =	simm.s32 $0xFFFFFFFF;
	p2 =	slt.u32 s8, $0xFFFFF086  }
0x1c: {  	p1 =	slt.u32 s9, $0xF7A;
	s5 =	simm.s32 @!p2 $0x0  }
0x1d: {  	s5 =	simm.s32 @p1 $0x1;
	p0 =	seq.s32 s7, s2  }
0x1e: {  	s7 =	smul.u32 @!p0 $0xF7A, s2;
	p2 =	seq.s32 @!p0 s5, $0x0  }
0x1f: {  	s9 =	smul.u32 $0xF7A, s1;
	s8 =	simm.s32 @!p0 $0x1BF5;
	p2 =	por !p2, p0  }
0x20: {  	[sflag:s8] =	ssyncset.s32 @!p0 $0xFFFFF086;
	s6 =	sadd.s32 @!p0 s3, s7;
	s7 =	simm.s32 @!p0 $0x108  }
0x21: {  	s3 =	sadd.s32 s3, s9;
	s6 =	sadd.s32 @!p0 $0x88, s6;
	s7 =	simm.s32 @p2 $0x1082  }
0x22: {  	[simem:s7], [sflag:s8] =	dma.local @!p0 [hbm:s6], $0xF7A  }
0x23: {  	s9 =	sor.u32 $0xD0000000, s2;
	s6 =	simm.s32 $0x108;
	_ =	swait.ge @!p0 [sflag:s8], $0x0  }
0x24: {  	s3 =	sadd.s32 $0x88, s3;
	s6 =	simm.s32 @!p1 $0x1082;
	[sflag:s4] =	ssyncset.s32 $0xFFFFF086  }
0x25: {  	[simem:s6], [sflag:s4] =	dma.local [hbm:s3], $0xF7A  }
0x26: {  	[smem:$0x3F9B] =	sst s1;
	(tag) =	ssettag s2;
	_ =	strace s9  }
0x27: {  	s1 =	sld [smem:$0x3FAB]  }
0x28: {  	s2 =	sld [smem:$0x3FAC]  }
0x29: {  	s4 =	sld [smem:$0x3FAE]  }
0x2a: {  	p0 =	seq.s32 s5, $0x0;
	s5 =	sld [smem:$0x3FAF]  }
0x2b: {  	s6 =	sld [smem:$0x3FB0]  }
0x2c: {  	s7 =	sld [smem:$0x3FB1]  }
0x2d: {  	s3 =	simm.s32 $0x108;
	s8 =	sld [smem:$0x3FB2]  }
0x2e: {  	s3 =	simm.s32 @!p0 $0x1082;
	s9 =	sld [smem:$0x3FB3]  }
0x2f: {  	lr =	sadd.s32 s0, s3;
	s0 =	sld [smem:$0x3FAA]  }
0x30: {  	s3 =	sld [smem:$0x3FAD]  }
0x31: {  	[smem:$0x3FB6] =	sst s10  }
0x32: {  	s10 =	sld [smem:$0x3FB4];
	_ =	sdelay $0x3  }
0x33: {  	p0 =	seq.s32 s10, $0x1;
	s10 =	sld [smem:$0x3FB6];
	_ =	sdelay $0x3  }
0x34: {  	[smem:$0x3FB6] =	sst s10  }
0x35: {  	s10 =	sld [smem:$0x3FB5];
	_ =	sdelay $0x3  }
0x36: {  	p1 =	seq.s32 s10, $0x1;
	s10 =	sld [smem:$0x3FB6];
	_ =	sdelay $0x3  }
0x37: {  	[smem:$0x3FB6] =	sst s10  }
0x38: {  	s10 =	sld [smem:$0x3FB7]  }
0x39: {  	_ = 	snop;
	(pc) =	sbr.ind lr, $3  }
0x3a: {  	_ = 	snop  }
0x3b: {  	_ = 	snop  }
0x3c: {  	p2 =	seq.s32 s10, $0x1;
	s10 =	sld [smem:$0x3FB6]  }
0x3d: {  	_ =	shalt  }
0x3e: {  	_ =	shalt  }
0x3f: {  	_ =	shalt  }
0x40: {  	_ =	shalt  }
0x41: {  	_ =	shalt  }
0x42: {  	_ =	shalt  }
0x43: {  	_ =	shalt  }
0x44: {  	_ =	shalt  }
0x45: {  	_ =	shalt  }
0x46: {  	_ =	shalt  }
0x47: {  	_ =	shalt  }
0x48: {  	_ =	shalt  }
0x49: {  	_ =	shalt  }
0x4a: {  	_ =	shalt  }
0x4b: {  	_ =	shalt  }
0x4c: {  	_ =	shalt  }
0x4d: {  	_ =	shalt  }
0x4e: {  	_ =	shalt  }
0x4f: {  	_ =	shalt  }
0x50: {  	_ =	shalt  }
0x51: {  	_ =	shalt  }
0x52: {  	_ =	shalt  }
0x53: {  	_ =	shalt  }
0x54: {  	_ =	shalt  }
0x55: {  	_ =	shalt  }
0x56: {  	_ =	shalt  }
0x57: {  	_ =	shalt  }
0x58: {  	_ =	shalt  }
0x59: {  	_ =	shalt  }
0x5a: {  	_ =	shalt  }
0x5b: {  	_ =	shalt  }
0x5c: {  	_ =	shalt  }
0x5d: {  	_ =	shalt  }
0x5e: {  	_ =	shalt  }
0x5f: {  	_ =	shalt  }
0x60: {  	_ =	shalt  }
0x61: {  	_ =	shalt  }
0x62: {  	_ =	shalt  }
0x63: {  	_ =	shalt  }
0x64: {  	_ =	shalt  }
0x65: {  	_ =	shalt  }
0x66: {  	_ =	shalt  }
0x67: {  	_ =	shalt  }
0x68: {  	_ =	shalt  }
0x69: {  	_ =	shalt  }
0x6a: {  	_ =	shalt  }
0x6b: {  	_ =	shalt  }
0x6c: {  	_ =	shalt  }
0x6d: {  	_ =	shalt  }
0x6e: {  	_ =	shalt  }
0x6f: {  	_ =	shalt  }
0x70: {  	_ =	shalt  }
0x71: {  	_ =	shalt  }
0x72: {  	_ =	shalt  }
0x73: {  	_ =	shalt  }
0x74: {  	_ =	shalt  }
0x75: {  	_ =	shalt  }
0x76: {  	_ =	shalt  }
0x77: {  	_ =	shalt  }
0x78: {  	_ =	shalt  }
0x79: {  	_ =	shalt  }
0x7a: {  	_ =	shalt  }
0x7b: {  	_ =	shalt  }
0x7c: {  	_ =	shalt  }
0x7d: {  	_ =	shalt  }
0x7e: {  	_ =	shalt  }
0x7f: {  	_ =	shalt  }
0x80: {  	_ =	shalt  }
0x81: {  	_ =	shalt  }
0x82: {  	_ =	shalt  }
0x83: {  	_ =	shalt  }
0x84: {  	_ =	shalt  }
0x85: {  	_ =	shalt  }
0x86: {  	_ =	shalt  }
0x87: {  	_ =	shalt  }
.Lfunc_end0:
.L_simem_size_0:
called_computation_lowered:
.L_overlay_start_0:
0x88: {  	s2 =	sld [smem:$0x3FD9]  }
0x89: {  	s3 =	sld [smem:$0x3FFE];
	_ =	sdelay $0x1  }
0x8a: {  	s1 =	srdreg.scid  }
0x8b: {  	s0 =	sand.u32 $0x1, s1  }
0x8c: {  	s17 =	sshll.u32 s0, $0xA;
	s2 =	sadd.s32 s3, s2  }
0x8d: {  	s2 =	sadd.s32 s2, s17  }
0x8e: {  	[smem:$0x3FC2] =	sst s2  }
0x8f: {  	_ = 	snop  }
0x90: {  	s2 =	sld [smem:$0x3FD0];
	(tm) =	ssettm $0x1  }
0x91: {  	s18 =	sld [smem:$0x3FFB];
	_ =	sdelay $0x3  }
0x92: {  	_ =	strace s18  }
0x93: {  	s3 =	sld [smem:$0x3FFC];
	_ =	sdelay $0x3  }
0x94: {  	_ =	strace s3  }
0x95: {  	s3 =	sld [smem:$0x3FFD];
	_ =	sdelay $0x3  }
0x96: {  	_ =	strace s3  }
0x97: {  	_ =	strace $0x8FFFFFFF  }
0x98: {  	s19 =	sld [smem:$0x3FDB];
	_ =	sdelay $0x1  }
0x99: {  	s4 =	simm.s32 $_scs_section_size  }
0x9a: {  	s5 =	simm.s32 $_size__tile_overlayer_lowered;
	s6 =	simm.s32 $_tile_overlayer_lowered  }
0x9b: {  	s22 =	simm.s32 $0x1BFF;
	s21 =	sshll.u32 s6, $0x1;
	s3 =	sadd.s32 s4, s19  }
0x9c: {  	s7 =	simm.s32 $0x0;
	s20 =	sshll.u32 s5, $0x1;
	s5 =	sadd.s32 s21, s3  }
0x9d: {  	[timem:s7], [sflag:s22] =	dma.local [hbm:s5], s20  }
0x9e: {  	_ =	swait.ge [sflag:s22], s20  }
0x9f: {  	s4 =	ssub.s32 $0x0, s20;
	[sflag:s22] =	ssyncset.done $0x0  }
0xa0: {  	[sflag:s22] =	ssyncadd.s32 s4;
	_ =	sdelay $0x1  }
0xa1: {  	s23 =	simm.s32 $0x1B8B  }
0xa2: {  	_ =	swait.ge [sflag:s23], $0x1  }
0xa3: {  	[sflag:s23] =	ssyncset.done $0x0  }
0xa4: {  	s25 =	simm.s32 $0x1B8E;
	s24 =	sld [smem:$0x3FFE];
	[sflag:s23] =	ssyncadd.s32 $0xFFFFFFFF  }
0xa5: {  	s26 =	simm.s32 $execute0_lowered;
	[smem:$0x3FD2] =	sst s25  }
0xa6: {  	s5 =	sshll.u32 s26, $0x1;
	_ =	strace $0x80000046;
	[dreg:$0x1] =	wrdreg $0xFFFFFFFF  }
0xa7: {  	s28 =	simm.s32 $_size_execute0_lowered;
	s3 =	sadd.s32 s3, s5;
	[dreg:$0x0] =	wrdreg $0x0  }
0xa8: {  	s5 =	sshll.u32 s28, $0x1;
	[dreg:$0x2] =	wrdreg s3  }
0xa9: {  	[dreg:$0x3] =	wrdreg s5  }
0xaa: {  	[dreg:$0x4] =	wrdreg $0xC0  }
0xab: {  	_ =	task [dreg:s7], $0x5FFFF  }
0xac: {  	[dreg:$0x1] =	wrdreg $0xFFFFFFFF  }
0xad: {  	[dreg:$0x0] =	wrdreg $0x60  }
0xae: {  	[dreg:$0x2] =	wrdreg s2  }
0xaf: {  	[dreg:$0x3] =	wrdreg s24  }
0xb0: {  	[dreg:$0x4] =	wrdreg $0x66000  }
0xb1: {  	[dreg:$0x5] =	wrdreg $0x9  }
0xb2: {  	_ =	task.clear_ibuf [dreg:s7], $0x6FFFF;
	_ =	strace $0x90000046  }
0xb3: {  	s29 =	simm.s32 $0x9;
	_ =	strace $0x80000048  }
0xb4: {  	_ =	swait.ge [sflag:s29], $0x1  }
0xb5: {  	[sflag:s29] =	ssyncadd.s32 $0xFFFFFFFF  }
0xb6: {  	_ =	strace $0x90000048  }
0xb7: {  	_ =	sfence  }
0xb8: {  	s30 =	sld [smem:$0x0];
	_ =	sdelay $0x2  }
0xb9: {  	s31 =	sshll.u32 s1, $0xD;
	s1 =	sshrl.u32 s1, $0x2  }
0xba: {  	s3 =	sand.u32 $0x4000, s31;
	s1 =	sadd.s32 s1, s30  }
0xbb: {  	s0 =	sor.u32 s3, s0;
	s1 =	sshll.u32 s1, $0x11  }
0xbc: {  	s0 =	sor.u32 s1, s0  }
0xbd: {  	s0 =	sadd.s32 $0x8F2B, s0  }
0xbe: {  	[sflag:s0] =	ssyncadd.remote.s32 $0x1  }
0xbf: {  	_ =	sfence.sel $0xFFFF  }
0xc0: {  	[dreg:$0x0] =	wrdreg $0xFFFFFFFF;
	(pc) =	sbr.abs _section_cstart, $3  }
0xc1: {  	[dreg:$0x1] =	wrdreg $0xFFFFFFFF  }
0xc2: {  	_ =	task.clear_ibuf [dreg:s7], $0x2FFFF;
	_ =	strace $0x9FFFFFFF  }
0xc3: {  	(tm) =	ssettm $0x7FFFFFFF  }
tec
execute0_lowered:
.L_overlay_start_1:
0x0: {  	(tag) =	ssettag $0x1  }
0x1: {  	s0 =	rddreg [dreg:$0x0]  }
0x2: {  	s1 =	rddreg [dreg:$0x1]  }
0x3: {  	s2 =	rddreg [dreg:$0x2]  }
0x4: {  	s3 =	simm.s32 $0x0;
	s4 =	srdreg.scid;
	s10 =	stileid.u32  }
0x5: {  	[smem:$0x7FF] =	sst s3;
	s6 =	sadd.s32 $0x1200, s1;
	s21 =	sshll.u32 s10, $0x3  }
0x6: {  	s4 =	sand.u32 $0x1, s4;
	s5 =	smul.u32 $0xC300, s10;
	s23 =	sadd.s32 s21, s6  }
0x7: {  	_ =	strace $0x80000047;
	s8 =	sshll.u32 s4, $0x2;
	s24 =	sadd.s32 $0x18600, s23  }
0x8: {  	s5 =	sshrl.u32 s5, $0x3;
	s25 =	sadd.s32 $0x30CA0, s23;
	[dreg:$0xb] =	wrdreg s24  }
0x9: {  	s1 =	sadd.s32 s8, s1;
	s8 =	sadd.s32 $0x18680, s23;
	[dreg:$0xc] =	wrdreg s25  }
0xa: {  	s11 =	sadd.s32 s6, s5;
	[dreg:$0xd] =	wrdreg s8  }
0xb: {  	s16 =	sadd.s32 $0x8, s11;
	[dreg:$0x4] =	wrdreg s11  }
0xc: {  	s28 =	simm.s32 $0x1;
	s17 =	sadd.s32 $0x10, s11;
	[dreg:$0x5] =	wrdreg s16  }
0xd: {  	s7 =	ssub.s32 $0x2, s4;
	s18 =	sadd.s32 $0x18, s11;
	[dreg:$0x6] =	wrdreg s17  }
0xe: {  	s4 =	smul.u32 $0x30D40, s4;
	s19 =	sadd.s32 $0x186A0, s11;
	[dreg:$0x7] =	wrdreg s18  }
0xf: {  	s9 =	sshrl.u32 s7, $0x1;
	s20 =	sadd.s32 $0x186A8, s11;
	[dreg:$0x8] =	wrdreg s19  }
0x10: {  	s7 =	ssub.s32 s7, s9;
	s12 =	sadd.s32 $0x186B0, s11;
	[dreg:$0x9] =	wrdreg s20  }
0x11: {  	s5 =	smul.u32 $0xC40, s10;
	s9 =	sadd.s32 $0x186B8, s11;
	[dreg:$0xa] =	wrdreg s12  }
0x12: {  	s29 =	simm.s32 $0x4;
	s22 =	smul.u32 $0x62000, s10;
	[dreg:$0x13] =	wrdreg s9  }
0x13: {  	s12 =	sadd.s32 s0, s4;
	s0 =	sadd.s32 $0x30D20, s23;
	[dreg:$0x1f] =	wrdreg s5  }
0x14: {  	s26 =	sshrl.u32 s22, $0x2;
	s4 =	smax.u32 s7, $0x1;
	[dreg:$0xe] =	wrdreg s0  }
0x15: {  	s31 =	smul.u32 $0x1860, s10;
	s16 =	sadd.s32 s26, s2;
	[dreg:$0x10] =	wrdreg s4  }
0x16: {  	p0 =	sgt.u32 s10, $0x3;
	s13 =	sadd.s32 $0xE0, s5;
	[dreg:$0xf] =	wrdreg s16  }
0x17: {  	p1 =	seq.s32 s10, $0xF;
	s10 =	sadd.s32 $0x5400, s16;
	[smem:$0x7FD] =	sst s13  }
0x18: {  	s30 =	simm.s32 $0x4600;
	s11 =	sadd.s32 $0x7000, s16;
	[dreg:$0x14] =	wrdreg s10  }
0x19: {  	s21 =	sadd.s32 $0x93900, s1;
	s14 =	sadd.s32 $0x8C00, s16;
	[dreg:$0x15] =	wrdreg s11  }
0x1a: {  	s19 =	sadd.s32 $0x32000, s1;
	s15 =	sadd.s32 $0xA800, s16;
	[dreg:$0x16] =	wrdreg s14  }
0x1b: {  	s20 =	sadd.s32 $0x1C0, s5;
	s17 =	sadd.s32 $0xC400, s16;
	[dreg:$0x17] =	wrdreg s15  }
0x1c: {  	s23 =	sadd.s32 s31, s6;
	s18 =	sadd.s32 $0xE000, s16;
	[dreg:$0x18] =	wrdreg s17  }
0x1d: {  	s6 =	simm.s32 $0x0;
	s22 =	sadd.s32 $0xFC00, s16;
	[dreg:$0x19] =	wrdreg s18  }
0x1e: {  	s7 =	sshll.u32 s13, $0x5;
	s24 =	sadd.s32 $0x11800, s16;
	[dreg:$0x1a] =	wrdreg s22  }
0x1f: {  	s8 =	sshll.u32 s20, $0x5;
	s25 =	sadd.s32 $0x13400, s16;
	[dreg:$0x1b] =	wrdreg s24  }
0x20: {  	s26 =	sadd.s32 $0x15000, s16;
	s31 =	sadd.s32 $0x16C00, s16;
	[dreg:$0x1c] =	wrdreg s25  }
0x21: {  	s1 =	sadd.s32 s7, s2;
	s0 =	sadd.s32 s8, s2;
	[dreg:$0x1d] =	wrdreg s26  }
0x22: {  	[dreg:$0x1e] =	wrdreg s31;
	s14 =	simm.s32 $0x40;
	s10 =	simm.s32 $0x300  }
0x23: {  	s17 =	simm.s32 $0x600;
	s11 =	simm.s32 $0x2600;
	s26 =	simm.s32 $0x9  }
0x24: {  	s24 =	simm.s32 $0x3;
	s25 =	simm.s32 $0x580;
	[dreg:$0x11] =	wrdreg s1  }
0x25: {  	v0 =	vimm.f32 $0.0e+00;
	s18 =	simm.s32 $0x5E00;
	[dreg:$0x12] =	wrdreg s0;
	s0 =	simm.s32 $0x2  }
.LBB2_1:
0x26: {  	[smem:$0x7FC] =	sst s6;
	s1 =	simm.s32 $0x80;
	s6 =	simm.s32 $0x0  }
.LBB2_2:
0x27: {  	p2 =	sne.s32 s1, $0x6F80;
	[tilespmem:s6+$0x4600] =	vst v0;
	s7 =	smov.u32 s1;
	s1 =	sadd.s32 $0x80, s1  }
.Ltmp0:
0x28: {  	[tilespmem:s6+$0x4610] =	vst v0;
	(pc) =	sbr.rel @p2 .LBB2_2-.Ltmp0, $2  }
0x29: {  	_ =	sdelay $0x2  }
0x2a: {  	s6 =	sshra.s32 s7, $0x2  }
0x2b: {  	[tilespmem:s6+$0x4600] =	vst v0  }
0x2c: {  	[tilespmem:s6+$0x4610] =	vst v0;
	s4 =	simm.s32 $0x4600  }
0x2d: {  	[spmem:s16] =	stream.linear.scatter [tilespmem:s4], [sflag:$0x6], $0x1C00, $0x38;
	[tilespmem:$0x1EE00] =	vst v63  }
0x2e: {  	s1 =	rddreg [dreg:$0x11]  }
0x2f: {  	[spmem:s1] =	stream.linear.scatter [tilespmem:s4], [sflag:$0x6], $0x1C00, $0x38;
	[tilespmem:$0x1EE00] =	vst v63  }
0x30: {  	s6 =	rddreg [dreg:$0x12]  }
0x31: {  	[spmem:s6] =	stream.linear.scatter [tilespmem:s4], [sflag:$0x6], $0x1C00, $0x38;
	[tilespmem:$0x1EE00] =	vst v63  }
0x32: {  	s7 =	rddreg [dreg:$0x14]  }
0x33: {  	[spmem:s7] =	stream.linear.scatter [tilespmem:s4], [sflag:$0x6], $0x1C00, $0x38;
	[tilespmem:$0x1EE00] =	vst v63  }
0x34: {  	s8 =	rddreg [dreg:$0x15]  }
0x35: {  	[spmem:s8] =	stream.linear.scatter [tilespmem:s4], [sflag:$0x6], $0x1C00, $0x38;
	[tilespmem:$0x1EE00] =	vst v63  }
0x36: {  	s9 =	rddreg [dreg:$0x16]  }
0x37: {  	[spmem:s9] =	stream.linear.scatter [tilespmem:s4], [sflag:$0x6], $0x1C00, $0x38;
	[tilespmem:$0x1EE00] =	vst v63  }
0x38: {  	s13 =	rddreg [dreg:$0x17]  }
0x39: {  	[spmem:s13] =	stream.linear.scatter [tilespmem:s4], [sflag:$0x6], $0x1C00, $0x38;
	[tilespmem:$0x1EE00] =	vst v63  }
0x3a: {  	s15 =	rddreg [dreg:$0x18]  }
0x3b: {  	[spmem:s15] =	stream.linear.scatter [tilespmem:s4], [sflag:$0x6], $0x1C00, $0x38;
	[tilespmem:$0x1EE00] =	vst v63  }
0x3c: {  	s16 =	rddreg [dreg:$0x19]  }
0x3d: {  	[spmem:s16] =	stream.linear.scatter [tilespmem:s4], [sflag:$0x6], $0x1C00, $0x38;
	[tilespmem:$0x1EE00] =	vst v63  }
0x3e: {  	s22 =	rddreg [dreg:$0x1a]  }
0x3f: {  	[spmem:s22] =	stream.linear.scatter [tilespmem:s4], [sflag:$0x6], $0x1C00, $0x38;
	[tilespmem:$0x1EE00] =	vst v63  }
0x40: {  	s31 =	rddreg [dreg:$0x1b]  }
0x41: {  	[spmem:s31] =	stream.linear.scatter [tilespmem:s4], [sflag:$0x6], $0x1C00, $0x38;
	[tilespmem:$0x1EE00] =	vst v63  }
0x42: {  	s5 =	rddreg [dreg:$0x1c]  }
0x43: {  	[spmem:s5] =	stream.linear.scatter [tilespmem:s4], [sflag:$0x6], $0x1C00, $0x38;
	[tilespmem:$0x1EE00] =	vst v63  }
0x44: {  	s6 =	rddreg [dreg:$0x1d]  }
0x45: {  	[spmem:s6] =	stream.linear.scatter [tilespmem:s4], [sflag:$0x6], $0x1C00, $0x38;
	[tilespmem:$0x1EE00] =	vst v63  }
0x46: {  	s7 =	rddreg [dreg:$0x1e];
	s8 =	simm.s32 $0x6  }
0x47: {  	[spmem:s7] =	stream.linear.scatter [tilespmem:s4], [sflag:$0x6], $0x1C00, $0x38;
	[tilespmem:$0x1EE00] =	vst v63  }
0x48: {  	_ =	swait.ge [sflag:s8], $0x1C00  }
0x49: {  	[sflag:s8] =	ssyncset.done $0x0  }
0x4a: {  	[sflag:s8] =	ssyncadd.s32 $0xFFFFE400  }
0x4b: {  	_ =	swait.ge [sflag:s8], $0x1C00  }
0x4c: {  	[sflag:s8] =	ssyncset.done $0x0  }
0x4d: {  	[sflag:s8] =	ssyncadd.s32 $0xFFFFE400  }
0x4e: {  	_ =	swait.ge [sflag:s8], $0x1C00  }
0x4f: {  	[sflag:s8] =	ssyncset.done $0x0  }
0x50: {  	[sflag:s8] =	ssyncadd.s32 $0xFFFFE400  }
0x51: {  	_ =	swait.ge [sflag:s8], $0x1C00  }
0x52: {  	[sflag:s8] =	ssyncset.done $0x0  }
0x53: {  	[sflag:s8] =	ssyncadd.s32 $0xFFFFE400  }
0x54: {  	_ =	swait.ge [sflag:s8], $0x1C00  }
0x55: {  	[sflag:s8] =	ssyncset.done $0x0  }
0x56: {  	[sflag:s8] =	ssyncadd.s32 $0xFFFFE400  }
0x57: {  	_ =	swait.ge [sflag:s8], $0x1C00  }
0x58: {  	[sflag:s8] =	ssyncset.done $0x0  }
0x59: {  	[sflag:s8] =	ssyncadd.s32 $0xFFFFE400  }
0x5a: {  	_ =	swait.ge [sflag:s8], $0x1C00  }
0x5b: {  	[sflag:s8] =	ssyncset.done $0x0  }
0x5c: {  	[sflag:s8] =	ssyncadd.s32 $0xFFFFE400  }
0x5d: {  	_ =	swait.ge [sflag:s8], $0x1C00  }
0x5e: {  	[sflag:s8] =	ssyncset.done $0x0  }
0x5f: {  	[sflag:s8] =	ssyncadd.s32 $0xFFFFE400  }
0x60: {  	_ =	swait.ge [sflag:s8], $0x1C00  }
0x61: {  	[sflag:s8] =	ssyncset.done $0x0  }
0x62: {  	[sflag:s8] =	ssyncadd.s32 $0xFFFFE400  }
0x63: {  	_ =	swait.ge [sflag:s8], $0x1C00  }
0x64: {  	[sflag:s8] =	ssyncset.done $0x0  }
0x65: {  	[sflag:s8] =	ssyncadd.s32 $0xFFFFE400  }
0x66: {  	_ =	swait.ge [sflag:s8], $0x1C00  }
0x67: {  	[sflag:s8] =	ssyncset.done $0x0  }
0x68: {  	[sflag:s8] =	ssyncadd.s32 $0xFFFFE400  }
0x69: {  	_ =	swait.ge [sflag:s8], $0x1C00  }
0x6a: {  	[sflag:s8] =	ssyncset.done $0x0  }
0x6b: {  	[sflag:s8] =	ssyncadd.s32 $0xFFFFE400  }
0x6c: {  	_ =	swait.ge [sflag:s8], $0x1C00  }
0x6d: {  	[sflag:s8] =	ssyncset.done $0x0  }
0x6e: {  	[sflag:s8] =	ssyncadd.s32 $0xFFFFE400  }
0x6f: {  	_ =	swait.ge [sflag:s8], $0x1C00  }
0x70: {  	[sflag:s8] =	ssyncset.done $0x0  }
0x71: {  	[sflag:s8] =	ssyncadd.s32 $0xFFFFE400  }
0x72: {  	[bflag:$0x0] =	sbarrier.arrive $0xFFFF  }
0x73: {  	s15 =	simm.s32 $0x0;
	s9 =	rddreg [dreg:$0x4]  }
0x74: {  	[tilespmem:s15], [sflag:$0x7] =	stream.linear.gather [hbm4b:s9+s15], $0x40, $0x38;
	[tilespmem:$0x1EE00] =	vst v63  }
0x75: {  	s13 =	rddreg [dreg:$0x5]  }
0x76: {  	[tilespmem:s14], [sflag:$0x7] =	stream.linear.gather [hbm4b:s13+s15], $0x40, $0x38;
	[tilespmem:$0x1EE00] =	vst v63  }
0x77: {  	s4 =	simm.s32 $0x80;
	s16 =	rddreg [dreg:$0x6]  }
0x78: {  	[tilespmem:s4], [sflag:$0x7] =	stream.linear.gather [hbm4b:s16+s15], $0x40, $0x38;
	[tilespmem:$0x1EE00] =	vst v63  }
0x79: {  	s6 =	simm.s32 $0xC0;
	s22 =	rddreg [dreg:$0x7]  }
0x7a: {  	[tilespmem:s6], [sflag:$0x7] =	stream.linear.gather [hbm4b:s22+s15], $0x40, $0x38;
	[tilespmem:$0x1EE00] =	vst v63  }
0x7b: {  	s31 =	rddreg [dreg:$0x8]  }
0x7c: {  	[tilespmem:s10], [sflag:$0x7] =	stream.linear.gather [hbm4b:s31+s15], $0x40, $0x38;
	[tilespmem:$0x1EE00] =	vst v63  }
0x7d: {  	s7 =	simm.s32 $0x340;
	s5 =	rddreg [dreg:$0x9]  }
0x7e: {  	[tilespmem:s7], [sflag:$0x7] =	stream.linear.gather [hbm4b:s5+s15], $0x40, $0x38;
	[tilespmem:$0x1EE00] =	vst v63  }
0x7f: {  	s8 =	rddreg [dreg:$0xa];
	s9 =	simm.s32 $0x380  }
0x80: {  	[tilespmem:s9], [sflag:$0x7] =	stream.linear.gather [hbm4b:s8+s15], $0x40, $0x38;
	[tilespmem:$0x1EE00] =	vst v63  }
0x81: {  	s13 =	simm.s32 $0x3C0;
	s16 =	simm.s32 $0x7;
	s10 =	rddreg [dreg:$0x13]  }
0x82: {  	[tilespmem:s13], [sflag:$0x7] =	stream.linear.gather [hbm4b:s10+s15], $0x40, $0x38;
	[tilespmem:$0x1EE00] =	vst v63  }
0x83: {  	_ =	swait.ge [sflag:s16], $0x40  }
0x84: {  	[sflag:s16] =	ssyncset.done $0x0  }
0x85: {  	[sflag:s16] =	ssyncadd.s32 $0xFFFFFFC0  }
0x86: {  	_ =	swait.ge [sflag:s16], $0x40  }
0x87: {  	[sflag:s16] =	ssyncset.done $0x0  }
0x88: {  	[sflag:s16] =	ssyncadd.s32 $0xFFFFFFC0  }
0x89: {  	_ =	swait.ge [sflag:s16], $0x40  }
0x8a: {  	[sflag:s16] =	ssyncset.done $0x0  }
0x8b: {  	[sflag:s16] =	ssyncadd.s32 $0xFFFFFFC0  }
0x8c: {  	_ =	swait.ge [sflag:s16], $0x40  }
0x8d: {  	[sflag:s16] =	ssyncset.done $0x0  }
0x8e: {  	[sflag:s16] =	ssyncadd.s32 $0xFFFFFFC0  }
0x8f: {  	_ =	swait.ge [sflag:s16], $0x40  }
0x90: {  	[sflag:s16] =	ssyncset.done $0x0  }
0x91: {  	[sflag:s16] =	ssyncadd.s32 $0xFFFFFFC0  }
0x92: {  	_ =	swait.ge [sflag:s16], $0x40  }
0x93: {  	[sflag:s16] =	ssyncset.done $0x0  }
0x94: {  	[sflag:s16] =	ssyncadd.s32 $0xFFFFFFC0  }
0x95: {  	_ =	swait.ge [sflag:s16], $0x40  }
0x96: {  	[sflag:s16] =	ssyncset.done $0x0  }
0x97: {  	[sflag:s16] =	ssyncadd.s32 $0xFFFFFFC0  }
0x98: {  	_ =	swait.ge [sflag:s16], $0x40  }
0x99: {  	[sflag:s16] =	ssyncset.done $0x0  }
0x9a: {  	[sflag:s16] =	ssyncadd.s32 $0xFFFFFFC0  }
0x9b: {  	[tilespmem:s17], [sflag:$0x1] =	stream.indirect.gather [hbm4b:s12+s14], $0x20, s15, s14, $0xb8;
	[tilespmem:$0x1EE00] =	vst v63  }
0x9c: {  	s17 =	simm.s32 $0xE00  }
0x9d: {  	[tilespmem:s17], [sflag:$0x1] =	stream.indirect.gather [hbm4b:s12+s14], $0x20, s14, s14, $0xb8;
	[tilespmem:$0x1EE00] =	vst v63  }
0x9e: {  	s22 =	simm.s32 $0x1600  }
0x9f: {  	[tilespmem:s22], [sflag:$0x1] =	stream.indirect.gather [hbm4b:s12+s14], $0x20, s4, s14, $0xb8;
	[tilespmem:$0x1EE00] =	vst v63  }
0xa0: {  	s1 =	simm.s32 $0xFFFFFFFE;
	s31 =	simm.s32 $0x1E00;
	s16 =	simm.s32 $0x0  }
0xa1: {  	[tilespmem:s31], [sflag:$0x1] =	stream.indirect.gather [hbm4b:s12+s14], $0x20, s6, s14, $0xb8;
	[tilespmem:$0x1EE00] =	vst v63  }
.LBB2_4:
0xa2: {  	p3 =	sgt.u32 s1, $0xC2  }
0xa3: {  	s6 =	simm.s32 @!p3 $0x5  }
0xa4: {  	_ =	swait.ge @!p3 [sflag:s6], $0x800  }
0xa5: {  	[sflag:s6] =	ssyncset.done @!p3 $0x0  }
0xa6: {  	[sflag:s6] =	ssyncadd.s32 @!p3 $0xFFFFF800  }
0xa7: {  	_ =	swait.ge @!p3 [sflag:s6], $0x800  }
0xa8: {  	[sflag:s6] =	ssyncset.done @!p3 $0x0  }
0xa9: {  	[sflag:s6] =	ssyncadd.s32 @!p3 $0xFFFFF800  }
0xaa: {  	_ =	swait.ge @!p3 [sflag:s6], $0x800  }
0xab: {  	[sflag:s6] =	ssyncset.done @!p3 $0x0  }
0xac: {  	[sflag:s6] =	ssyncadd.s32 @!p3 $0xFFFFF800  }
0xad: {  	p2 =	seq.s32 s15, $0x1860;
	_ =	swait.ge @!p3 [sflag:s6], $0x800  }
0xae: {  	s10 =	sadd.s32 @!p2 s15, s23;
	s31 =	simm.s32 @!p2 $0x0;
	[sflag:s6] =	ssyncset.done @!p3 $0x0  }
0xaf: {  	s7 =	sadd.s32 @!p2 $0x20, s10;
	[sflag:s6] =	ssyncadd.s32 @!p3 $0xFFFFF800;
	s6 =	simm.s32 @!p2 $0x100  }
0xb0: {  	[tilespmem:s6], [sflag:$0x8] =	stream.linear.gather @!p2 [hbm4b:s7+s31], $0x40, $0x38;
	[tilespmem:$0x1EE00] =	vst v63  }
0xb1: {  	s8 =	sadd.s32 @!p2 $0x28, s10;
	s7 =	simm.s32 @!p2 $0x140  }
0xb2: {  	[tilespmem:s7], [sflag:$0x8] =	stream.linear.gather @!p2 [hbm4b:s8+s31], $0x40, $0x38;
	[tilespmem:$0x1EE00] =	vst v63  }
0xb3: {  	s9 =	sadd.s32 @!p2 $0x30, s10;
	s8 =	simm.s32 @!p2 $0x180  }
0xb4: {  	[tilespmem:s8], [sflag:$0x8] =	stream.linear.gather @!p2 [hbm4b:s9+s31], $0x40, $0x38;
	[tilespmem:$0x1EE00] =	vst v63  }
0xb5: {  	s4 =	sadd.s32 @!p2 $0x38, s10;
	s9 =	simm.s32 @!p2 $0x1C0  }
0xb6: {  	[tilespmem:s9], [sflag:$0x8] =	stream.linear.gather @!p2 [hbm4b:s4+s31], $0x40, $0x38;
	[tilespmem:$0x1EE00] =	vst v63  }
0xb7: {  	s22 =	simm.s32 @!p2 $0x400;
	s4 =	sadd.s32 @!p2 $0x186C0, s10  }
0xb8: {  	[tilespmem:s22], [sflag:$0x8] =	stream.linear.gather @!p2 [hbm4b:s4+s31], $0x40, $0x38;
	[tilespmem:$0x1EE00] =	vst v63  }
0xb9: {  	s4 =	sadd.s32 @!p2 $0x186C8, s10;
	s22 =	simm.s32 @!p2 $0x440  }
0xba: {  	[tilespmem:s22], [sflag:$0x8] =	stream.linear.gather @!p2 [hbm4b:s4+s31], $0x40, $0x38;
	[tilespmem:$0x1EE00] =	vst v63  }
0xbb: {  	s4 =	sadd.s32 @!p2 $0x186D0, s10;
	s22 =	simm.s32 @!p2 $0x480  }
0xbc: {  	[tilespmem:s22], [sflag:$0x8] =	stream.linear.gather @!p2 [hbm4b:s4+s31], $0x40, $0x38;
	[tilespmem:$0x1EE00] =	vst v63  }
0xbd: {  	s4 =	sadd.s32 @!p2 $0x186D8, s10;
	s10 =	simm.s32 @!p2 $0x4C0  }
0xbe: {  	[tilespmem:s10], [sflag:$0x8] =	stream.linear.gather @!p2 [hbm4b:s4+s31], $0x40, $0x38;
	[tilespmem:$0x1EE00] =	vst v63  }
0xbf: {  	s4 =	simm.s32 @!p2 $0x1  }
0xc0: {  	_ =	swait.ge @!p2 [sflag:s4], $0x800  }
0xc1: {  	[sflag:s4] =	ssyncset.done @!p2 $0x0  }
0xc2: {  	[sflag:s4] =	ssyncadd.s32 @!p2 $0xFFFFF800  }
0xc3: {  	_ =	swait.ge @!p2 [sflag:s4], $0x800  }
0xc4: {  	[sflag:s4] =	ssyncset.done @!p2 $0x0  }
0xc5: {  	[sflag:s4] =	ssyncadd.s32 @!p2 $0xFFFFF800  }
0xc6: {  	_ =	swait.ge @!p2 [sflag:s4], $0x800  }
0xc7: {  	[sflag:s4] =	ssyncset.done @!p2 $0x0  }
0xc8: {  	[sflag:s4] =	ssyncadd.s32 @!p2 $0xFFFFF800  }
0xc9: {  	_ =	swait.ge @!p2 [sflag:s4], $0x800  }
0xca: {  	s22 =	simm.s32 @!p2 $0x600;
	[sflag:s4] =	ssyncset.done @!p2 $0x0  }
0xcb: {  	s10 =	simm.s32 @!p2 $0x300;
	[sflag:s4] =	ssyncadd.s32 @!p2 $0xFFFFF800;
	s4 =	simm.s32 @!p2 $0x40  }
0xcc: {  	[spmem:s2] =	stream.indirect.scatter.add.f32 @!p2 [tilespmem:s22], [sflag:$0x4], $0x20, s10, s4, $0xb8;
	[tilespmem:$0x1EE00] =	vst v63  }
0xcd: {  	s10 =	simm.s32 @!p2 $0x340;
	s22 =	simm.s32 @!p2 $0xE00  }
0xce: {  	[spmem:s2] =	stream.indirect.scatter.add.f32 @!p2 [tilespmem:s22], [sflag:$0x4], $0x20, s10, s4, $0xb8;
	[tilespmem:$0x1EE00] =	vst v63  }
0xcf: {  	s10 =	simm.s32 @!p2 $0x380;
	s22 =	simm.s32 @!p2 $0x1600  }
0xd0: {  	[spmem:s2] =	stream.indirect.scatter.add.f32 @!p2 [tilespmem:s22], [sflag:$0x4], $0x20, s10, s4, $0xb8;
	[tilespmem:$0x1EE00] =	vst v63  }
0xd1: {  	s10 =	simm.s32 @!p2 $0x3C0;
	s22 =	simm.s32 @!p2 $0x1E00  }
0xd2: {  	[spmem:s2] =	stream.indirect.scatter.add.f32 @!p2 [tilespmem:s22], [sflag:$0x4], $0x20, s10, s4, $0xb8;
	[tilespmem:$0x1EE00] =	vst v63  }
0xd3: {  	s10 =	simm.s32 @!p2 $0x8  }
0xd4: {  	_ =	swait.ge @!p2 [sflag:s10], $0x40  }
0xd5: {  	[sflag:s10] =	ssyncset.done @!p2 $0x0  }
0xd6: {  	[sflag:s10] =	ssyncadd.s32 @!p2 $0xFFFFFFC0  }
0xd7: {  	_ =	swait.ge @!p2 [sflag:s10], $0x40  }
0xd8: {  	[sflag:s10] =	ssyncset.done @!p2 $0x0  }
0xd9: {  	[sflag:s10] =	ssyncadd.s32 @!p2 $0xFFFFFFC0  }
0xda: {  	_ =	swait.ge @!p2 [sflag:s10], $0x40  }
0xdb: {  	[sflag:s10] =	ssyncset.done @!p2 $0x0  }
0xdc: {  	[sflag:s10] =	ssyncadd.s32 @!p2 $0xFFFFFFC0  }
0xdd: {  	_ =	swait.ge @!p2 [sflag:s10], $0x40  }
0xde: {  	[sflag:s10] =	ssyncset.done @!p2 $0x0  }
0xdf: {  	[sflag:s10] =	ssyncadd.s32 @!p2 $0xFFFFFFC0  }
0xe0: {  	_ =	swait.ge @!p2 [sflag:s10], $0x40  }
0xe1: {  	[sflag:s10] =	ssyncset.done @!p2 $0x0  }
0xe2: {  	[sflag:s10] =	ssyncadd.s32 @!p2 $0xFFFFFFC0  }
0xe3: {  	_ =	swait.ge @!p2 [sflag:s10], $0x40  }
0xe4: {  	[sflag:s10] =	ssyncset.done @!p2 $0x0  }
0xe5: {  	[sflag:s10] =	ssyncadd.s32 @!p2 $0xFFFFFFC0  }
0xe6: {  	_ =	swait.ge @!p2 [sflag:s10], $0x40  }
0xe7: {  	[sflag:s10] =	ssyncset.done @!p2 $0x0  }
0xe8: {  	[sflag:s10] =	ssyncadd.s32 @!p2 $0xFFFFFFC0  }
0xe9: {  	_ =	swait.ge @!p2 [sflag:s10], $0x40  }
0xea: {  	[sflag:s10] =	ssyncset.done @!p2 $0x0  }
0xeb: {  	[sflag:s10] =	ssyncadd.s32 @!p2 $0xFFFFFFC0;
	s10 =	simm.s32 @!p2 $0x2600  }
0xec: {  	[tilespmem:s10], [sflag:$0x2] =	stream.indirect.gather @!p2 [hbm4b:s12+s4], $0x20, s6, s4, $0xb8;
	[tilespmem:$0x1EE00] =	vst v63  }
0xed: {  	s6 =	simm.s32 @!p2 $0x2E00  }
0xee: {  	[tilespmem:s6], [sflag:$0x2] =	stream.indirect.gather @!p2 [hbm4b:s12+s4], $0x20, s7, s4, $0xb8;
	[tilespmem:$0x1EE00] =	vst v63  }
0xef: {  	s6 =	simm.s32 @!p2 $0x3600  }
0xf0: {  	[tilespmem:s6], [sflag:$0x2] =	stream.indirect.gather @!p2 [hbm4b:s12+s4], $0x20, s8, s4, $0xb8;
	[tilespmem:$0x1EE00] =	vst v63  }
0xf1: {  	s6 =	simm.s32 @!p2 $0x3E00  }
0xf2: {  	[tilespmem:s6], [sflag:$0x2] =	stream.indirect.gather @!p2 [hbm4b:s12+s4], $0x20, s9, s4, $0xb8;
	[tilespmem:$0x1EE00] =	vst v63  }
0xf3: {  	s4 =	sadd.s32 @!p2 $0x1, s1  }
0xf4: {  	p3 =	sgt.u32 @!p2 s4, $0xC2  }
0xf5: {  	p2 =	por p2, !p3  }
0xf6: {  	s4 =	simm.s32 @p2 $0x6  }
0xf7: {  	_ =	swait.ge @p2 [sflag:s4], $0x800  }
0xf8: {  	[sflag:s4] =	ssyncset.done @p2 $0x0  }
0xf9: {  	[sflag:s4] =	ssyncadd.s32 @p2 $0xFFFFF800  }
0xfa: {  	_ =	swait.ge @p2 [sflag:s4], $0x800  }
0xfb: {  	[sflag:s4] =	ssyncset.done @p2 $0x0  }
0xfc: {  	p3 =	seq.s32 @p2 s15, $0x1860;
	[sflag:s4] =	ssyncadd.s32 @p2 $0xFFFFF800  }
0xfd: {  	p3 =	por !p2, !p3;
	_ =	swait.ge @p2 [sflag:s4], $0x800  }
.Ltmp1:
0xfe: {  	[sflag:s4] =	ssyncset.done @p2 $0x0;
	(pc) =	sbr.rel @!p3 .LBB2_6-.Ltmp1, $4  }
0xff: {  	[sflag:s4] =	ssyncadd.s32 @p2 $0xFFFFF800  }
0x100: {  	_ =	swait.ge @p2 [sflag:s4], $0x800  }
0x101: {  	[sflag:s4] =	ssyncset.done @p2 $0x0  }
0x102: {  	[sflag:s4] =	ssyncadd.s32 @p2 $0xFFFFF800  }
0x103: {  	s4 =	sadd.s32 s15, s23  }
0x104: {  	s7 =	simm.s32 $0x200;
	s6 =	sadd.s32 $0x40, s4  }
0x105: {  	[tilespmem:s7], [sflag:$0x9] =	stream.linear.gather [hbm4b:s6+s3], $0x40, $0x38;
	[tilespmem:$0x1EE00] =	vst v63  }
0x106: {  	s8 =	simm.s32 $0x240;
	s17 =	sadd.s32 $0x48, s4  }
0x107: {  	[tilespmem:s8], [sflag:$0x9] =	stream.linear.gather [hbm4b:s17+s3], $0x40, $0x38;
	[tilespmem:$0x1EE00] =	vst v63  }
0x108: {  	s9 =	simm.s32 $0x280;
	s22 =	sadd.s32 $0x50, s4  }
0x109: {  	[tilespmem:s9], [sflag:$0x9] =	stream.linear.gather [hbm4b:s22+s3], $0x40, $0x38;
	[tilespmem:$0x1EE00] =	vst v63  }
0x10a: {  	s10 =	simm.s32 $0x2C0;
	s31 =	sadd.s32 $0x58, s4  }
0x10b: {  	[tilespmem:s10], [sflag:$0x9] =	stream.linear.gather [hbm4b:s31+s3], $0x40, $0x38;
	[tilespmem:$0x1EE00] =	vst v63  }
0x10c: {  	s5 =	sadd.s32 $0x186E0, s4;
	s31 =	simm.s32 $0x500  }
0x10d: {  	[tilespmem:s31], [sflag:$0x9] =	stream.linear.gather [hbm4b:s5+s3], $0x40, $0x38;
	[tilespmem:$0x1EE00] =	vst v63  }
0x10e: {  	s13 =	sadd.s32 $0x186E8, s4;
	s17 =	simm.s32 $0x540  }
0x10f: {  	[tilespmem:s17], [sflag:$0x9] =	stream.linear.gather [hbm4b:s13+s3], $0x40, $0x38;
	[tilespmem:$0x1EE00] =	vst v63  }
0x110: {  	s22 =	sadd.s32 $0x186F0, s4  }
0x111: {  	[tilespmem:s25], [sflag:$0x9] =	stream.linear.gather [hbm4b:s22+s3], $0x40, $0x38;
	[tilespmem:$0x1EE00] =	vst v63  }
0x112: {  	s4 =	sadd.s32 $0x186F8, s4;
	s13 =	simm.s32 $0x5C0  }
0x113: {  	[tilespmem:s13], [sflag:$0x9] =	stream.linear.gather [hbm4b:s4+s3], $0x40, $0x38;
	[tilespmem:$0x1EE00] =	vst v63  }
0x114: {  	_ =	swait.ge [sflag:s0], $0x800  }
0x115: {  	[sflag:s0] =	ssyncset.done $0x0  }
0x116: {  	[sflag:s0] =	ssyncadd.s32 $0xFFFFF800  }
0x117: {  	_ =	swait.ge [sflag:s0], $0x800  }
0x118: {  	[sflag:s0] =	ssyncset.done $0x0  }
0x119: {  	[sflag:s0] =	ssyncadd.s32 $0xFFFFF800  }
0x11a: {  	_ =	swait.ge [sflag:s0], $0x800  }
0x11b: {  	[sflag:s0] =	ssyncset.done $0x0  }
0x11c: {  	[sflag:s0] =	ssyncadd.s32 $0xFFFFF800  }
0x11d: {  	_ =	swait.ge [sflag:s0], $0x800  }
0x11e: {  	[sflag:s0] =	ssyncset.done $0x0  }
0x11f: {  	s5 =	simm.s32 $0x400;
	[sflag:s0] =	ssyncadd.s32 $0xFFFFF800  }
0x120: {  	[spmem:s2] =	stream.indirect.scatter.add.f32 [tilespmem:s11], [sflag:$0x5], $0x20, s5, s14, $0xb8;
	[tilespmem:$0x1EE00] =	vst v63  }
0x121: {  	s6 =	simm.s32 $0x440;
	s11 =	simm.s32 $0x2E00  }
0x122: {  	[spmem:s2] =	stream.indirect.scatter.add.f32 [tilespmem:s11], [sflag:$0x5], $0x20, s6, s14, $0xb8;
	[tilespmem:$0x1EE00] =	vst v63  }
0x123: {  	s22 =	simm.s32 $0x480;
	s5 =	simm.s32 $0x3600  }
0x124: {  	[spmem:s2] =	stream.indirect.scatter.add.f32 [tilespmem:s5], [sflag:$0x5], $0x20, s22, s14, $0xb8;
	[tilespmem:$0x1EE00] =	vst v63  }
0x125: {  	s11 =	simm.s32 $0x4C0;
	s22 =	simm.s32 $0x3E00  }
0x126: {  	[spmem:s2] =	stream.indirect.scatter.add.f32 [tilespmem:s22], [sflag:$0x5], $0x20, s11, s14, $0xb8;
	[tilespmem:$0x1EE00] =	vst v63  }
0x127: {  	_ =	swait.ge [sflag:s26], $0x40  }
0x128: {  	[sflag:s26] =	ssyncset.done $0x0  }
0x129: {  	[sflag:s26] =	ssyncadd.s32 $0xFFFFFFC0  }
0x12a: {  	_ =	swait.ge [sflag:s26], $0x40  }
0x12b: {  	[sflag:s26] =	ssyncset.done $0x0  }
0x12c: {  	[sflag:s26] =	ssyncadd.s32 $0xFFFFFFC0  }
0x12d: {  	_ =	swait.ge [sflag:s26], $0x40  }
0x12e: {  	[sflag:s26] =	ssyncset.done $0x0  }
0x12f: {  	[sflag:s26] =	ssyncadd.s32 $0xFFFFFFC0  }
0x130: {  	_ =	swait.ge [sflag:s26], $0x40  }
0x131: {  	[sflag:s26] =	ssyncset.done $0x0  }
0x132: {  	[sflag:s26] =	ssyncadd.s32 $0xFFFFFFC0  }
0x133: {  	_ =	swait.ge [sflag:s26], $0x40  }
0x134: {  	[sflag:s26] =	ssyncset.done $0x0  }
0x135: {  	[sflag:s26] =	ssyncadd.s32 $0xFFFFFFC0  }
0x136: {  	_ =	swait.ge [sflag:s26], $0x40  }
0x137: {  	[sflag:s26] =	ssyncset.done $0x0  }
0x138: {  	[sflag:s26] =	ssyncadd.s32 $0xFFFFFFC0  }
0x139: {  	_ =	swait.ge [sflag:s26], $0x40  }
0x13a: {  	[sflag:s26] =	ssyncset.done $0x0  }
0x13b: {  	[sflag:s26] =	ssyncadd.s32 $0xFFFFFFC0  }
0x13c: {  	_ =	swait.ge [sflag:s26], $0x40  }
0x13d: {  	[sflag:s26] =	ssyncset.done $0x0  }
0x13e: {  	[sflag:s26] =	ssyncadd.s32 $0xFFFFFFC0  }
0x13f: {  	[tilespmem:s30], [sflag:$0x3] =	stream.indirect.gather [hbm4b:s12+s14], $0x20, s7, s14, $0xb8;
	[tilespmem:$0x1EE00] =	vst v63  }
0x140: {  	s11 =	simm.s32 $0x4E00  }
0x141: {  	[tilespmem:s11], [sflag:$0x3] =	stream.indirect.gather [hbm4b:s12+s14], $0x20, s8, s14, $0xb8;
	[tilespmem:$0x1EE00] =	vst v63  }
0x142: {  	s5 =	simm.s32 $0x5600  }
0x143: {  	[tilespmem:s5], [sflag:$0x3] =	stream.indirect.gather [hbm4b:s12+s14], $0x20, s9, s14, $0xb8;
	[tilespmem:$0x1EE00] =	vst v63  }
0x144: {  	_ = 	snop  }
0x145: {  	[tilespmem:s18], [sflag:$0x3] =	stream.indirect.gather [hbm4b:s12+s14], $0x20, s10, s14, $0xb8;
	[tilespmem:$0x1EE00] =	vst v63  }
0x146: {  	_ =	swait.ge [sflag:s29], $0x800  }
0x147: {  	[sflag:s29] =	ssyncset.done $0x0  }
0x148: {  	[sflag:s29] =	ssyncadd.s32 $0xFFFFF800  }
0x149: {  	_ =	swait.ge [sflag:s29], $0x800  }
0x14a: {  	[sflag:s29] =	ssyncset.done $0x0  }
0x14b: {  	[sflag:s29] =	ssyncadd.s32 $0xFFFFF800  }
0x14c: {  	_ =	swait.ge [sflag:s29], $0x800  }
0x14d: {  	[sflag:s29] =	ssyncset.done $0x0  }
0x14e: {  	[sflag:s29] =	ssyncadd.s32 $0xFFFFF800  }
0x14f: {  	p2 =	sgt.u32 s16, $0x3F;
	_ =	swait.ge [sflag:s29], $0x800  }
0x150: {  	s4 =	sadd.s32 @!p2 s15, s23;
	[sflag:s29] =	ssyncset.done $0x0  }
0x151: {  	s6 =	sadd.s32 @!p2 $0x60, s4;
	s7 =	simm.s32 @!p2 $0x0;
	[sflag:s29] =	ssyncadd.s32 $0xFFFFF800  }
0x152: {  	[tilespmem:s7], [sflag:$0x7] =	stream.linear.gather @!p2 [hbm4b:s6+s7], $0x40, $0x38;
	[tilespmem:$0x1EE00] =	vst v63  }
0x153: {  	s8 =	sadd.s32 @!p2 $0x68, s4;
	s6 =	simm.s32 @!p2 $0x40  }
0x154: {  	[tilespmem:s6], [sflag:$0x7] =	stream.linear.gather @!p2 [hbm4b:s8+s7], $0x40, $0x38;
	[tilespmem:$0x1EE00] =	vst v63  }
0x155: {  	s9 =	sadd.s32 @!p2 $0x70, s4;
	s8 =	simm.s32 @!p2 $0x80  }
0x156: {  	[tilespmem:s8], [sflag:$0x7] =	stream.linear.gather @!p2 [hbm4b:s9+s7], $0x40, $0x38;
	[tilespmem:$0x1EE00] =	vst v63  }
0x157: {  	s10 =	simm.s32 @!p2 $0xC0;
	s9 =	sadd.s32 @!p2 $0x78, s4  }
0x158: {  	[tilespmem:s10], [sflag:$0x7] =	stream.linear.gather @!p2 [hbm4b:s9+s7], $0x40, $0x38;
	[tilespmem:$0x1EE00] =	vst v63  }
0x159: {  	s22 =	simm.s32 @!p2 $0x300;
	s9 =	sadd.s32 @!p2 $0x18700, s4  }
0x15a: {  	[tilespmem:s22], [sflag:$0x7] =	stream.linear.gather @!p2 [hbm4b:s9+s7], $0x40, $0x38;
	[tilespmem:$0x1EE00] =	vst v63  }
0x15b: {  	s9 =	sadd.s32 @!p2 $0x18708, s4;
	s22 =	simm.s32 @!p2 $0x340  }
0x15c: {  	[tilespmem:s22], [sflag:$0x7] =	stream.linear.gather @!p2 [hbm4b:s9+s7], $0x40, $0x38;
	[tilespmem:$0x1EE00] =	vst v63  }
0x15d: {  	s9 =	sadd.s32 @!p2 $0x18710, s4;
	s22 =	simm.s32 @!p2 $0x380  }
0x15e: {  	[tilespmem:s22], [sflag:$0x7] =	stream.linear.gather @!p2 [hbm4b:s9+s7], $0x40, $0x38;
	[tilespmem:$0x1EE00] =	vst v63  }
0x15f: {  	s4 =	sadd.s32 @!p2 $0x18718, s4;
	s9 =	simm.s32 @!p2 $0x3C0  }
0x160: {  	[tilespmem:s9], [sflag:$0x7] =	stream.linear.gather @!p2 [hbm4b:s4+s7], $0x40, $0x38;
	[tilespmem:$0x1EE00] =	vst v63  }
0x161: {  	_ =	swait.ge [sflag:s24], $0x800  }
0x162: {  	[sflag:s24] =	ssyncset.done $0x0  }
0x163: {  	[sflag:s24] =	ssyncadd.s32 $0xFFFFF800  }
0x164: {  	_ =	swait.ge [sflag:s24], $0x800  }
0x165: {  	[sflag:s24] =	ssyncset.done $0x0  }
0x166: {  	[sflag:s24] =	ssyncadd.s32 $0xFFFFF800  }
0x167: {  	_ =	swait.ge [sflag:s24], $0x800  }
0x168: {  	[sflag:s24] =	ssyncset.done $0x0  }
0x169: {  	[sflag:s24] =	ssyncadd.s32 $0xFFFFF800  }
0x16a: {  	_ =	swait.ge [sflag:s24], $0x800  }
0x16b: {  	[sflag:s24] =	ssyncset.done $0x0  }
0x16c: {  	[sflag:s24] =	ssyncadd.s32 $0xFFFFF800  }
0x16d: {  	[spmem:s2] =	stream.indirect.scatter.add.f32 [tilespmem:s30], [sflag:$0x6], $0x20, s31, s14, $0xb8;
	[tilespmem:$0x1EE00] =	vst v63  }
0x16e: {  	_ = 	snop  }
0x16f: {  	[spmem:s2] =	stream.indirect.scatter.add.f32 [tilespmem:s11], [sflag:$0x6], $0x20, s17, s14, $0xb8;
	[tilespmem:$0x1EE00] =	vst v63  }
0x170: {  	_ = 	snop  }
0x171: {  	[spmem:s2] =	stream.indirect.scatter.add.f32 [tilespmem:s5], [sflag:$0x6], $0x20, s25, s14, $0xb8;
	[tilespmem:$0x1EE00] =	vst v63  }
0x172: {  	s4 =	simm.s32 @!p2 $0x7  }
0x173: {  	[spmem:s2] =	stream.indirect.scatter.add.f32 [tilespmem:s18], [sflag:$0x6], $0x20, s13, s14, $0xb8;
	[tilespmem:$0x1EE00] =	vst v63  }
0x174: {  	_ =	swait.ge @!p2 [sflag:s4], $0x40  }
0x175: {  	[sflag:s4] =	ssyncset.done @!p2 $0x0  }
0x176: {  	[sflag:s4] =	ssyncadd.s32 @!p2 $0xFFFFFFC0  }
0x177: {  	_ =	swait.ge @!p2 [sflag:s4], $0x40  }
0x178: {  	[sflag:s4] =	ssyncset.done @!p2 $0x0  }
0x179: {  	[sflag:s4] =	ssyncadd.s32 @!p2 $0xFFFFFFC0  }
0x17a: {  	_ =	swait.ge @!p2 [sflag:s4], $0x40  }
0x17b: {  	[sflag:s4] =	ssyncset.done @!p2 $0x0  }
0x17c: {  	[sflag:s4] =	ssyncadd.s32 @!p2 $0xFFFFFFC0  }
0x17d: {  	_ =	swait.ge @!p2 [sflag:s4], $0x40  }
0x17e: {  	[sflag:s4] =	ssyncset.done @!p2 $0x0  }
0x17f: {  	[sflag:s4] =	ssyncadd.s32 @!p2 $0xFFFFFFC0  }
0x180: {  	_ =	swait.ge @!p2 [sflag:s4], $0x40  }
0x181: {  	[sflag:s4] =	ssyncset.done @!p2 $0x0  }
0x182: {  	[sflag:s4] =	ssyncadd.s32 @!p2 $0xFFFFFFC0  }
0x183: {  	_ =	swait.ge @!p2 [sflag:s4], $0x40  }
0x184: {  	[sflag:s4] =	ssyncset.done @!p2 $0x0  }
0x185: {  	[sflag:s4] =	ssyncadd.s32 @!p2 $0xFFFFFFC0  }
0x186: {  	_ =	swait.ge @!p2 [sflag:s4], $0x40  }
0x187: {  	[sflag:s4] =	ssyncset.done @!p2 $0x0  }
0x188: {  	[sflag:s4] =	ssyncadd.s32 @!p2 $0xFFFFFFC0  }
0x189: {  	_ =	swait.ge @!p2 [sflag:s4], $0x40  }
0x18a: {  	[sflag:s4] =	ssyncset.done @!p2 $0x0  }
0x18b: {  	[sflag:s4] =	ssyncadd.s32 @!p2 $0xFFFFFFC0;
	s4 =	simm.s32 @!p2 $0x600  }
0x18c: {  	[tilespmem:s4], [sflag:$0x1] =	stream.indirect.gather @!p2 [hbm4b:s12+s6], $0x20, s7, s6, $0xb8;
	[tilespmem:$0x1EE00] =	vst v63  }
0x18d: {  	s4 =	simm.s32 @!p2 $0xE00  }
0x18e: {  	[tilespmem:s4], [sflag:$0x1] =	stream.indirect.gather @!p2 [hbm4b:s12+s6], $0x20, s6, s6, $0xb8;
	[tilespmem:$0x1EE00] =	vst v63  }
0x18f: {  	s4 =	simm.s32 @!p2 $0x1600  }
0x190: {  	[tilespmem:s4], [sflag:$0x1] =	stream.indirect.gather @!p2 [hbm4b:s12+s6], $0x20, s8, s6, $0xb8;
	[tilespmem:$0x1EE00] =	vst v63  }
0x191: {  	s15 =	sadd.s32 $0x60, s15;
	s4 =	simm.s32 @!p2 $0x1E00  }
0x192: {  	[tilespmem:s4], [sflag:$0x1] =	stream.indirect.gather @!p2 [hbm4b:s12+s6], $0x20, s10, s6, $0xb8;
	[tilespmem:$0x1EE00] =	vst v63  }
0x193: {  	p2 =	sne.s32 s15, $0x18C0  }
.Ltmp2:
0x194: {  	_ = 	snop;
	(pc) =	sbr.rel @p2 .LBB2_4-.Ltmp2, $2  }
0x195: {  	_ =	sdelay $0x2  }
0x196: {  	s16 =	sadd.s32 $0x1, s16;
	s1 =	sadd.s32 $0x3, s1;
	s11 =	simm.s32 $0x2600  }
.LBB2_6:
0x197: {  	s1 =	rddreg [dreg:$0xb];
	s4 =	simm.s32 $0xA  }
0x198: {  	[tilespmem:s3], [sflag:$0xA] =	stream.linear.gather [hbm4b:s1+s3], $0x40, $0x38;
	[tilespmem:$0x1EE00] =	vst v63  }
0x199: {  	_ =	swait.ge [sflag:s4], $0x40  }
0x19a: {  	[sflag:s4] =	ssyncset.done $0x0  }
0x19b: {  	s10 =	simm.s32 $0x300;
	s31 =	rddreg [dreg:$0xc];
	[sflag:s4] =	ssyncadd.s32 $0xFFFFFFC0  }
0x19c: {  	[tilespmem:s10], [sflag:$0xA] =	stream.linear.gather [hbm4b:s31+s3], $0x40, $0x38;
	[tilespmem:$0x1EE00] =	vst v63  }
0x19d: {  	_ =	swait.ge [sflag:s4], $0x40  }
0x19e: {  	[sflag:s4] =	ssyncset.done $0x0  }
0x19f: {  	s17 =	simm.s32 $0x600;
	[sflag:s4] =	ssyncadd.s32 $0xFFFFFFC0  }
0x1a0: {  	[tilespmem:s17], [sflag:$0x1] =	stream.indirect.gather [hbm4b:s12+s14], $0x20, s3, s14, $0xb8;
	[tilespmem:$0x1EE00] =	vst v63  }
0x1a1: {  	_ =	swait.ge [sflag:s28], $0x800  }
0x1a2: {  	[sflag:s28] =	ssyncset.done $0x0  }
0x1a3: {  	[sflag:s28] =	ssyncadd.s32 $0xFFFFF800  }
0x1a4: {  	[spmem:s2] =	stream.indirect.scatter.add.f32 [tilespmem:s17], [sflag:$0x4], $0x20, s10, s14, $0xb8;
	[tilespmem:$0x1EE00] =	vst v63  }
0x1a5: {  	_ =	swait.ge [sflag:s29], $0x800  }
0x1a6: {  	[sflag:s29] =	ssyncset.done $0x0  }
0x1a7: {  	s1 =	simm.s32 @!p0 $0x0;
	s4 =	rddreg [dreg:$0xd];
	[sflag:s29] =	ssyncadd.s32 $0xFFFFF800  }
0x1a8: {  	[tilespmem:s1], [sflag:$0xA] =	stream.linear.gather @!p0 [hbm4b:s4+s1], $0x40, $0x38;
	[tilespmem:$0x1EE00] =	vst v63  }
0x1a9: {  	s4 =	simm.s32 @!p0 $0xA  }
0x1aa: {  	_ =	swait.ge @!p0 [sflag:s4], $0x40  }
0x1ab: {  	[sflag:s4] =	ssyncset.done @!p0 $0x0  }
0x1ac: {  	s6 =	simm.s32 @!p0 $0x300;
	s7 =	rddreg [dreg:$0xe];
	[sflag:s4] =	ssyncadd.s32 @!p0 $0xFFFFFFC0  }
0x1ad: {  	[tilespmem:s6], [sflag:$0xA] =	stream.linear.gather @!p0 [hbm4b:s7+s1], $0x40, $0x38;
	[tilespmem:$0x1EE00] =	vst v63  }
0x1ae: {  	_ =	swait.ge @!p0 [sflag:s4], $0x40  }
0x1af: {  	[sflag:s4] =	ssyncset.done @!p0 $0x0  }
0x1b0: {  	s7 =	simm.s32 @!p0 $0x600;
	[sflag:s4] =	ssyncadd.s32 @!p0 $0xFFFFFFC0;
	s4 =	simm.s32 @!p0 $0x40  }
0x1b1: {  	[tilespmem:s7], [sflag:$0x1] =	stream.indirect.gather @!p0 [hbm4b:s12+s4], $0x20, s1, s4, $0xb8;
	[tilespmem:$0x1EE00] =	vst v63  }
0x1b2: {  	s1 =	simm.s32 @!p0 $0x1  }
0x1b3: {  	_ =	swait.ge @!p0 [sflag:s1], $0x800  }
0x1b4: {  	[sflag:s1] =	ssyncset.done @!p0 $0x0  }
0x1b5: {  	[sflag:s1] =	ssyncadd.s32 @!p0 $0xFFFFF800;
	s1 =	simm.s32 @!p0 $0x4  }
0x1b6: {  	[spmem:s2] =	stream.indirect.scatter.add.f32 @!p0 [tilespmem:s7], [sflag:$0x4], $0x20, s6, s4, $0xb8;
	[tilespmem:$0x1EE00] =	vst v63  }
0x1b7: {  	_ =	swait.ge @!p0 [sflag:s1], $0x800  }
0x1b8: {  	[sflag:s1] =	ssyncset.done @!p0 $0x0  }
0x1b9: {  	[sflag:s1] =	ssyncadd.s32 @!p0 $0xFFFFF800  }
0x1ba: {  	[bflag:$0x0] =	sbarrier.arrive $0xFFFF  }
0x1bb: {  	s16 =	rddreg [dreg:$0xf]  }
0x1bc: {  	s5 =	rddreg [dreg:$0x1f]  }
0x1bd: {  	s22 =	simm.s32 $0x20;
	s1 =	simm.s32 $0x0;
	s13 =	sld [smem:$0x7FD]  }
0x1be: {  	[tilespmem:s17], [sflag:$0x1] =	stream.linear.gather [spmem:s16], $0x1C00, $0x38;
	[tilespmem:$0x1EE00] =	vst v63  }
.LBB2_7:
0x1bf: {  	s6 =	smul.u32 $0x1C0, s1;
	_ =	swait.ge [sflag:s28], $0x1C00  }
0x1c0: {  	p2 =	seq.s32 s1, $0x0;
	[sflag:s28] =	ssyncset.done $0x0  }
0x1c1: {  	s4 =	simm.s32 @!p2 $0x5;
	[sflag:s28] =	ssyncadd.s32 $0xFFFFE400;
	s15 =	sadd.s32 s6, s13  }
0x1c2: {  	_ =	swait.ge @!p2 [sflag:s4], $0x1C00;
	s7 =	sshll.u32 s15, $0x5  }
0x1c3: {  	[sflag:s4] =	ssyncset.done @!p2 $0x0;
	s7 =	sand.u32 $0x3FFFFFE0, s7  }
0x1c4: {  	[sflag:s4] =	ssyncadd.s32 @!p2 $0xFFFFE400;
	s31 =	sadd.s32 s7, s2;
	s7 =	simm.s32 $0x0  }
0x1c5: {  	[tilespmem:s11], [sflag:$0x2] =	stream.linear.gather [spmem:s31], $0x1C00, $0x38;
	[tilespmem:$0x1EE00] =	vst v63  }
0x1c6: {  	s9 =	simm.s32 $0x80;
	s8 =	sadd.s32 s5, s6;
	v1 =	vld [tilespmem:s7+$0x600]  }
.LBB2_8:
0x1c7: {  	p2 =	sne.s32 s9, $0x6F80;
	v2 =	vld [tilespmem:s7+$0x610];
	_ =	sdelay $0x3  }
.Ltmp3:
0x1c8: {  	v3 =	vmul.f32 $9.999999770e-03, v1;
	(pc) =	sbr.rel @p2 .LBB2_8-.Ltmp3, $4  }
0x1c9: {  	v4 =	vmul.f32 $9.999999770e-03, v2  }
0x1ca: {  	v1 =	vmax.f32 v1, v3  }
0x1cb: {  	s4 =	sshra.s32 s9, $0x2;
	[tilespmem:s7+$0x600] =	vst v1;
	v2 =	vmax.f32 v2, v4  }
0x1cc: {  	s9 =	sadd.s32 $0x80, s9;
	v1 =	vld [tilespmem:s4+$0x600];
	[tilespmem:s7+$0x610] =	vst v2;
	s7 =	smov.u32 s4  }
0x1cd: {  	v2 =	vld [tilespmem:s7+$0x610];
	_ =	sdelay $0x3  }
0x1ce: {  	v3 =	vmul.f32 $9.999999770e-03, v1  }
0x1cf: {  	v4 =	vmul.f32 $9.999999770e-03, v2  }
0x1d0: {  	v1 =	vmax.f32 v1, v3  }
0x1d1: {  	s4 =	sshll.u32 s8, $0x3;
	[tilespmem:s7+$0x600] =	vst v1;
	v1 =	vmax.f32 v2, v4  }
0x1d2: {  	s4 =	sadd.s32 s4, s19;
	[tilespmem:s7+$0x610] =	vst v1  }
0x1d3: {  	[hbm4b:s4+s22] =	stream.strided.scatter [tilespmem:s17], [sflag:$0x4], $0x1C00, s14, s22, $0x38;
	[tilespmem:$0x1EE00] =	vst v63  }
0x1d4: {  	_ =	swait.ge [sflag:s0], $0x1C00  }
0x1d5: {  	p2 =	seq.s32 s1, $0x6;
	[sflag:s0] =	ssyncset.done $0x0  }
0x1d6: {  	s4 =	sadd.s32 @!p2 s6, s20;
	[sflag:s0] =	ssyncadd.s32 $0xFFFFE400  }
0x1d7: {  	s4 =	sshll.u32 @!p2 s4, $0x5;
	_ =	swait.ge [sflag:s29], $0x1C00  }
0x1d8: {  	s4 =	sand.u32 @!p2 $0x3FFFFFE0, s4;
	[sflag:s29] =	ssyncset.done $0x0  }
0x1d9: {  	s6 =	simm.s32 @!p2 $0x600;
	s4 =	sadd.s32 @!p2 s4, s2;
	[sflag:s29] =	ssyncadd.s32 $0xFFFFE400  }
0x1da: {  	[tilespmem:s6], [sflag:$0x1] =	stream.linear.gather @!p2 [spmem:s4], $0x1C00, $0x38;
	[tilespmem:$0x1EE00] =	vst v63  }
0x1db: {  	s6 =	simm.s32 $0x0  }
0x1dc: {  	s7 =	simm.s32 $0x80;
	v1 =	vld [tilespmem:s6+$0x2600]  }
.LBB2_10:
0x1dd: {  	p2 =	sne.s32 s7, $0x6F80;
	v2 =	vld [tilespmem:s6+$0x2610];
	_ =	sdelay $0x3  }
.Ltmp4:
0x1de: {  	v3 =	vmul.f32 $9.999999770e-03, v1;
	(pc) =	sbr.rel @p2 .LBB2_10-.Ltmp4, $4  }
0x1df: {  	v4 =	vmul.f32 $9.999999770e-03, v2  }
0x1e0: {  	v1 =	vmax.f32 v1, v3  }
0x1e1: {  	s4 =	sshra.s32 s7, $0x2;
	[tilespmem:s6+$0x2600] =	vst v1;
	v2 =	vmax.f32 v2, v4  }
0x1e2: {  	s7 =	sadd.s32 $0x80, s7;
	v1 =	vld [tilespmem:s4+$0x2600];
	[tilespmem:s6+$0x2610] =	vst v2;
	s6 =	smov.u32 s4  }
0x1e3: {  	v2 =	vld [tilespmem:s6+$0x2610];
	_ =	sdelay $0x3  }
0x1e4: {  	v3 =	vmul.f32 $9.999999770e-03, v1  }
0x1e5: {  	p2 =	sgt.u32 s15, $0xC270;
	v4 =	vmul.f32 $9.999999770e-03, v2  }
0x1e6: {  	p3 =	sne.s32 @p2 s15, $0xC320;
	v1 =	vmax.f32 v1, v3  }
0x1e7: {  	p3 =	por p3, !p2;
	[tilespmem:s6+$0x2600] =	vst v1;
	v1 =	vmax.f32 v2, v4  }
0x1e8: {  	s4 =	simm.s32 @!p3 $0x20;
	s7 =	simm.s32 @!p3 $0x2600;
	[tilespmem:s6+$0x2610] =	vst v1;
	s6 =	simm.s32 @!p3 $0x40  }
0x1e9: {  	[hbm4b:s21+s4] =	stream.strided.scatter @!p3 [tilespmem:s7], [sflag:$0x5], $0x600, s6, s4, $0x38;
	[tilespmem:$0x1EE00] =	vst v63  }
0x1ea: {  	s1 =	sadd.s32 $0x1, s1;
	s8 =	simm.s32 @!p2 $0x2600;
	s4 =	sshll.u32 @!p2 s15, $0x3  }
0x1eb: {  	s6 =	simm.s32 @!p2 $0x20;
	s7 =	simm.s32 @!p2 $0x40;
	s4 =	sadd.s32 @!p2 s4, s19  }
0x1ec: {  	[hbm4b:s4+s6] =	stream.strided.scatter @!p2 [tilespmem:s8], [sflag:$0x5], $0x1C00, s7, s6, $0x38;
	[tilespmem:$0x1EE00] =	vst v63  }
0x1ed: {  	p2 =	sne.s32 s1, $0x7  }
.Ltmp5:
0x1ee: {  	_ = 	snop;
	(pc) =	sbr.rel @p2 .LBB2_7-.Ltmp5, $1  }
0x1ef: {  	_ =	sdelay $0x3  }
0x1f0: {  	s1 =	simm.s32 @p1 $0x5  }
0x1f1: {  	_ =	swait.ge @p1 [sflag:s1], $0x600  }
0x1f2: {  	[sflag:s1] =	ssyncset.done @p1 $0x0  }
0x1f3: {  	[sflag:s1] =	ssyncadd.s32 @p1 $0xFFFFFA00;
	s1 =	simm.s32 @!p1 $0x5  }
0x1f4: {  	_ =	swait.ge @!p1 [sflag:s1], $0x1C00  }
0x1f5: {  	s6 =	sld [smem:$0x7FC];
	_ =	sdelay $0x2  }
0x1f6: {  	s4 =	rddreg [dreg:$0x10];
	s6 =	sadd.s32 $0x1, s6  }
0x1f7: {  	p2 =	sne.s32 s6, s4  }
.Ltmp6:
0x1f8: {  	_ = 	snop;
	(pc) =	sbr.rel @p2 .LBB2_1-.Ltmp6, $3  }
0x1f9: {  	_ =	sdelay $0x1  }
0x1fa: {  	[sflag:s1] =	ssyncset.done @!p1 $0x0  }
0x1fb: {  	[sflag:s1] =	ssyncadd.s32 @!p1 $0xFFFFE400  }
0x1fc: {  	_ =	sfence.sel $0x180000  }
0x1fd: {  	[bflag:$0x0] =	sbarrier.arrive $0xFFFF  }
0x1fe: {  	_ =	strace $0x90000047  }
0x1ff: {  	s0 =	stileid.u32;
	[bflag:$0x2] =	sbarrier.arrive $0xFFFF  }
0x200: {  	p0 =	sne.s32 s0, $0x0;
	s0 =	rddreg [dreg:$0x3]  }
0x201: {  	s0 =	sadd.s32 @!p0 $0x100000, s0  }
0x202: {  	[sflag:s0] =	ssyncadd.tile.s32 @!p0 $0x1;
	_ =	shalt  }
.Lfunc_end2:
_tile_overlayer_lowered:
.L_overlay_start_2:
0x203: {  	(tag) =	ssettag $0x2  }
0x204: {  	s0 =	rddreg [dreg:$0x0];
	s2 =	stileid.u32  }
0x205: {  	s1 =	rddreg [dreg:$0x1];
	p0 =	sne.s32 s2, $0x0  }
0x206: {  	s3 =	rddreg [dreg:$0x2];
	[bflag:$0x3] =	sbarrier.arrive $0xFFFF;
	s2 =	simm.s32 @!p0 $0x1C0A  }
0x207: {  	[timem:s3], [sflag:s2] =	dma.local @!p0 [hbm:s0], s1  }
0x208: {  	s0 =	simm.s32 @!p0 $0xA  }
0x209: {  	_ =	swait.ge @!p0 [sflag:s0], s1  }
0x20a: {  	s1 =	ssub.s32 @!p0 $0x0, s1;
	[sflag:s0] =	ssyncset.done @!p0 $0x0  }
0x20b: {  	[sflag:s0] =	ssyncadd.s32 @!p0 s1  }
0x20c: {  	[bflag:$0x3] =	sbarrier.arrive $0xFFFF  }
0x20d: {  	_ =	shalt  }

</sc_bundles>
